<compile_context>
chip_gen: v7x
topology: tpu7x:2x2x1
jax: 0.10.2.dev20260603
libtpu: 0.0.44.dev20260713+nightly
codegen_flags: <defaults>
</compile_context>

<pallas_src>
import jax
import jax.numpy as jnp
from jax import lax
from jax.experimental import pallas as pl
from jax.experimental.pallas import tpu as pltpu
from jax.experimental.pallas import tpu_sc as plsc

N = 10000
E = 320000
D = 128
DH = 64
NIDX = 2048
ALPHA = 0.1
MU = 0.5
NITER = 10

NC = 2
NS = 16
RT = 640
NPAD = NS * RT
CE = 128
CHUNKS = 160
EPT = CHUNKS * CE
EPAD = NS * EPT
RB = 128
NB = RT // RB
NBUF = 3

S = 1.0 / (1.0 + ALPHA * MU - ALPHA)
COEF = 1.0 - 2.0 * ALPHA + MU * ALPHA
C0 = (1.0 - MU) * S
C1 = COEF * S
MUS = MU * S


def _rsqrt16(d):
    zi = jnp.int32(0x5F3759DF) - (lax.bitcast_convert_type(d, jnp.int32) >> 1)
    z = lax.bitcast_convert_type(zi, jnp.float32)
    z = z * (1.5 - 0.5 * d * z * z)
    z = z * (1.5 - 0.5 * d * z * z)
    z = z * (1.5 - 0.5 * d * z * z)
    return z


def _body(x0_hbm, pk_hbm, idx_hbm, out_hbm,
          pr_hbm, lp_hbm, acc_sp, y_sp, deg_sp,
          pk_v, dinv_v, gbuf, gbuf1, gbuf2,
          dix0, dix1, dix2, six0, six1, six2,
          onesv, zrow, idxv,
          gsem, gsem1, gsem2, ssem, ssem1, ssem2):
    bufs = (gbuf, gbuf1, gbuf2)
    dixs = (dix0, dix1, dix2)
    sixs = (six0, six1, six2)
    gsems = (gsem, gsem1, gsem2)
    ssems = (ssem, ssem1, ssem2)
    xblock = gbuf
    ablock = gbuf1
    yblock = gbuf2
    zblock = gbuf
    c = lax.axis_index("c")
    sid = lax.axis_index("s")
    r0 = sid * RT
    cb = c * NPAD

    zv = jnp.zeros((16,), jnp.float32)
    ov = jnp.ones((16,), jnp.float32)

    def zfill(i, _):
        r = i // 4
        cc = (i - r * 4) * 16
        zblock[r, pl.ds(cc, 16)] = zv
        return 0

    def fill_zblock():
        lax.fori_loop(0, RB * 4, zfill, 0)

    def ofill(i, _):
        onesv[pl.ds(i * 16, 16)] = ov
        zrow[pl.ds(i * 16, 16)] = zv
        return 0

    def unpack_chunk(k, di, si):
        for i in range(CE // 16):
            sl = pl.ds(i * 16, 16)
            v = pk_v[k, sl]
            si[sl] = v & 0xFFFF
            di[sl] = v >> 16

    fill_zblock()
    lax.fori_loop(0, CE // 16, ofill, 0)

    def zacc(m, _):
        pltpu.sync_copy(zblock, acc_sp.at[pl.ds(r0 + m * RB, RB)])
        pltpu.sync_copy(zrow, deg_sp.at[pl.ds(r0 + m * RB, RB)])
        return 0
    lax.fori_loop(0, NB, zacc, 0)

    pltpu.sync_copy(pk_hbm.at[sid], pk_v)
    plsc.subcore_barrier()

    def _dfire(k, b):
        unpack_chunk(k, dixs[b], sixs[b])
        pltpu.async_copy(onesv, deg_sp.at[sixs[b]], ssems[b], add=True)

    def _dwait(b):
        pltpu.make_async_copy(onesv, deg_sp.at[sixs[b]], ssems[b]).wait()

    for b in range(NBUF):
        _dfire(b, b)

    def dhist(j, _):
        for b in range(NBUF):
            _dwait(b)
            _dfire(NBUF * j + b, b)
        return 0
    lax.fori_loop(1, CHUNKS // NBUF, dhist, 0)
    _dwait(0)
    _dfire(CHUNKS - 1, 0)
    for b in range(NBUF):
        _dwait((b + 1) % NBUF)

    plsc.subcore_barrier()

    pltpu.sync_copy(deg_sp.at[pl.ds(r0, RT)], dinv_v)

    def newton(k, _):
        d = dinv_v[pl.ds(k * 16, 16)] + 1.0
        dinv_v[pl.ds(k * 16, 16)] = _rsqrt16(d)
        return 0
    lax.fori_loop(0, RT // 16, newton, 0)

    def scale_blk(m, _):
        lb = m * RB
        pltpu.sync_copy(x0_hbm.at[pl.ds(cb + r0 + lb, RB)], xblock)

        def rbody(rr, _):
            dspl = plsc.load_gather(dinv_v, [jnp.full((16,), lb + rr, jnp.int32)])
            for cc in range(4):
                sl = pl.ds(cc * 16, 16)
                yblock[rr, sl] = dspl * xblock[rr, sl]
            return 0
        lax.fori_loop(0, RB, rbody, 0)
        pltpu.sync_copy(yblock, y_sp.at[pl.ds(r0 + lb, RB)])
        return 0
    lax.fori_loop(0, NB, scale_blk, 0)

    plsc.subcore_barrier()

    def _gfire(k, b):
        unpack_chunk(k, dixs[b], sixs[b])
        pltpu.async_copy(y_sp.at[dixs[b]], bufs[b], gsems[b])

    def _gwait(b):
        pltpu.make_async_copy(y_sp.at[dixs[b]], bufs[b], gsems[b]).wait()

    def _sfire(b):
        pltpu.async_copy(bufs[b], acc_sp.at[sixs[b]], ssems[b], add=True)

    def _swait(b):
        pltpu.make_async_copy(bufs[b], acc_sp.at[sixs[b]], ssems[b]).wait()

    def edge_phase():
        _gfire(0, 0)
        _gfire(1, 1)
        _gwait(0)
        _sfire(0)
        _gfire(2, 2)
        _gwait(1)
        _sfire(1)
        _swait(0)
        _gfire(3, 0)

        def ebody(j, _):
            for b in range(NBUF):
                k = NBUF * j + 2 + b
                bb = (2 + b) % NBUF
                _gwait(bb)
                _sfire(bb)
                _swait((bb + 2) % NBUF)
                _gfire(k + 2, (bb + 2) % NBUF)
            return 0
        lax.fori_loop(0, (CHUNKS - 4) // NBUF, ebody, 0)
        for k in range(CHUNKS - 2, CHUNKS):
            bb = k % NBUF
            _gwait(bb)
            _sfire(bb)
            _swait((bb + 2) % NBUF)
        _swait((CHUNKS - 1) % NBUF)

    def combine(mode):
        def cblk(m, _):
            lb = m * RB
            sp_sl = pl.ds(r0 + lb, RB)
            hb_off = cb + r0 + lb
            pltpu.sync_copy(acc_sp.at[sp_sl], ablock)
            pltpu.sync_copy(y_sp.at[sp_sl], yblock)
            if mode == 0:
                pltpu.sync_copy(x0_hbm.at[pl.ds(hb_off, RB)], xblock)
            else:
                pltpu.sync_copy(lp_hbm.at[pl.ds(hb_off, RB)], xblock)

            def rbody(rr, _):
                lrow = lb + rr
                dspl = plsc.load_gather(
                    dinv_v, [jnp.full((16,), lrow, jnp.int32)])
                for cc in range(4):
                    sl = pl.ds(cc * 16, 16)
                    a = ablock[rr, sl] + yblock[rr, sl]
                    if mode == 0:
                        p = C0 * dspl * a + MUS * xblock[rr, sl]
                        ablock[rr, sl] = ALPHA * p
                    else:
                        p = C1 * dspl * a + xblock[rr, sl]
                    if mode == 2:
                        yblock[rr, sl] = p
                    else:
                        yblock[rr, sl] = dspl * p
                return 0
            lax.fori_loop(0, RB, rbody, 0)
            if mode == 0:
                pltpu.sync_copy(ablock, lp_hbm.at[pl.ds(hb_off, RB)])
            if mode == 2:
                pltpu.sync_copy(yblock, pr_hbm.at[pl.ds(hb_off, RB)])
            else:
                pltpu.sync_copy(yblock, y_sp.at[sp_sl])
            fill_zblock()
            pltpu.sync_copy(zblock, acc_sp.at[sp_sl])
            return 0
        lax.fori_loop(0, NB, cblk, 0)

    def full_iter(t, _):
        edge_phase()
        plsc.subcore_barrier()

        @pl.when(t == 0)
        def _():
            combine(0)

        @pl.when(jnp.logical_and(t > 0, t < NITER))
        def _():
            combine(1)

        @pl.when(t == NITER)
        def _():
            combine(2)
        plsc.subcore_barrier()
        return 0
    lax.fori_loop(0, NITER + 1, full_iter, 0)

    pltpu.sync_copy(idx_hbm.at[sid], idxv)
    cvec = jnp.full((16,), cb, jnp.int32)

    def ioffs(k, _):
        idxv[pl.ds(k * 16, 16)] = idxv[pl.ds(k * 16, 16)] + cvec
        return 0
    lax.fori_loop(0, CE // 16, ioffs, 0)
    pltpu.async_copy(pr_hbm.at[idxv], gbuf, gsem).wait()
    pltpu.sync_copy(gbuf, out_hbm.at[pl.ds(c * NIDX + sid * CE, CE)])


@jax.jit
def _lf_power(x0, packed, idxs):
    mesh = plsc.VectorSubcoreMesh(
        core_axis_name="c", subcore_axis_name="s",
        num_cores=NC, num_subcores=NS)
    f = pl.kernel(
        _body,
        out_type=jax.ShapeDtypeStruct((NC * NIDX, DH), jnp.float32),
        mesh=mesh,
        scratch_types=[
            pltpu.HBM((NC * NPAD, DH), jnp.float32),
            pltpu.HBM((NC * NPAD, DH), jnp.float32),
            pltpu.VMEM_SHARED((NPAD, DH), jnp.float32),
            pltpu.VMEM_SHARED((NPAD, DH), jnp.float32),
            pltpu.VMEM_SHARED((NPAD,), jnp.float32),
            pltpu.VMEM((CHUNKS, CE), jnp.int32),
            pltpu.VMEM((RT,), jnp.float32),
            pltpu.VMEM((CE, DH), jnp.float32),
            pltpu.VMEM((CE, DH), jnp.float32),
            pltpu.VMEM((CE, DH), jnp.float32),
            pltpu.VMEM((CE,), jnp.int32),
            pltpu.VMEM((CE,), jnp.int32),
            pltpu.VMEM((CE,), jnp.int32),
            pltpu.VMEM((CE,), jnp.int32),
            pltpu.VMEM((CE,), jnp.int32),
            pltpu.VMEM((CE,), jnp.int32),
            pltpu.VMEM((CE,), jnp.float32),
            pltpu.VMEM((CE,), jnp.float32),
            pltpu.VMEM((CE,), jnp.int32),
        ] + [pltpu.SemaphoreType.DMA] * 6,
        compiler_params=pltpu.CompilerParams(
            needs_layout_passes=False, use_tc_tiling_on_sc=False),
    )
    return f(x0, packed, idxs)


def kernel(local_preds, idx, edge_index):
    xh = jnp.stack([local_preds[:, :DH], local_preds[:, DH:]])
    x0 = (jnp.zeros((NC, NPAD, DH), jnp.float32)
          .at[:, :N, :].set(xh).reshape(NC * NPAD, DH))
    src = edge_index[0].astype(jnp.int32)
    dst = edge_index[1].astype(jnp.int32)
    pad = EPAD - E
    srcp = jnp.concatenate([src, jnp.full((pad,), N, jnp.int32)])
    dstp = jnp.concatenate([dst, jnp.zeros((pad,), jnp.int32)])
    packed = (srcp | (dstp << 16)).reshape(NS, CHUNKS, CE)
    idxs = idx.astype(jnp.int32).reshape(NS, CE)
    out = _lf_power(x0, packed, idxs)
    return jnp.concatenate([out[:NIDX], out[NIDX:]], axis=1)

# --- scband reference (transcript-rebuilt; emitter-appended) ---
"""Pipeline reference for scband-lfpower-iteration-59021440582080 (READ-ONLY COPY).

The authoritative reference and input builder live on the scoring server;
editing this copy changes nothing except your own understanding.
"""

import jax, jax.numpy as jnp
import numpy as np

N_NODES = 10000
N_EDGES = 320000
D_FEAT = 128
N_IDX = 2048
ALPHA = 0.1
MU = 0.5
NITER = 10


def setup_inputs(seed: int = 0) -> dict:
    key = jax.random.key(seed)
    k1, k2, k3 = jax.random.split(key, 3)
    local_preds = jax.random.normal(k1, (N_NODES, D_FEAT), dtype=jnp.float32)
    edge_index = jax.random.randint(k2, (2, N_EDGES), 0, N_NODES)
    idx = jax.random.randint(k3, (N_IDX,), 0, N_NODES)
    return {"local_preds": local_preds, "idx": idx, "edge_index": edge_index}


def _spmm(w, rows, cols, x, n):
    # sparse matrix (COO: rows, cols, w) @ dense x via gather + segment_sum
    return jax.ops.segment_sum(w[:, None] * x[cols], rows, num_segments=n)


def reference(local_preds, idx, edge_index):
    n = local_preds.shape[0]
    src = edge_index[0]
    dst = edge_index[1]
    # calc_A_hat: A = adj + I; D_vec = row sums of A; A_hat = D^{-1/2} A D^{-1/2}
    deg = jnp.ones((n,), dtype=jnp.float32).at[src].add(1.0)
    dinv = 1.0 / jnp.sqrt(deg)
    s = 1.0 / (1.0 + ALPHA * MU - ALPHA)
    loops = jnp.arange(n)
    rows = jnp.concatenate([src, loops])
    cols = jnp.concatenate([dst, loops])
    # buffer A_hat scaled by s = 1/(1 + alpha*mu - alpha)
    w = s * dinv[rows] * dinv[cols]
    preds = MU * s * local_preds + (1.0 - MU) * _spmm(w, rows, cols, local_preds, n)
    lp = ALPHA * preds
    coef = 1.0 - 2.0 * ALPHA + MU * ALPHA
    for _ in range(NITER):
        preds = coef * _spmm(w, rows, cols, preds, n) + lp
    return preds[idx]

if __name__ == "__main__":
    import jax
    _d = setup_inputs()
    print(jax.jit(kernel)(*tuple(_d.values())))

</pallas_src>

<mosaic_0001>
#map = affine_map<(d0, d1) -> (0, 0)>
#map1 = affine_map<(d0, d1) -> (0, 0, 0)>
module attributes {stable_mosaic.version = 14 : i64} {
  func.func @_body(%arg0: i32, %arg1: i32, %arg2: memref<20480x64xf32, #tpu.memory_space<hbm>>, %arg3: memref<16x160x128xi32, #tpu.memory_space<hbm>>, %arg4: memref<16x128xi32, #tpu.memory_space<hbm>>, %arg5: memref<4096x64xf32, #tpu.memory_space<hbm>>, %arg6: memref<20480x64xf32, #tpu.memory_space<hbm>>, %arg7: memref<20480x64xf32, #tpu.memory_space<hbm>>, %arg8: memref<10240x64xf32, #tpu.memory_space<vmem_shared>>, %arg9: memref<10240x64xf32, #tpu.memory_space<vmem_shared>>, %arg10: memref<10240xf32, #tpu.memory_space<vmem_shared>>, %arg11: memref<160x128xi32, #tpu.memory_space<vmem>>, %arg12: memref<640xf32, #tpu.memory_space<vmem>>, %arg13: memref<128x64xf32, #tpu.memory_space<vmem>>, %arg14: memref<128x64xf32, #tpu.memory_space<vmem>>, %arg15: memref<128x64xf32, #tpu.memory_space<vmem>>, %arg16: memref<128xi32, #tpu.memory_space<vmem>>, %arg17: memref<128xi32, #tpu.memory_space<vmem>>, %arg18: memref<128xi32, #tpu.memory_space<vmem>>, %arg19: memref<128xi32, #tpu.memory_space<vmem>>, %arg20: memref<128xi32, #tpu.memory_space<vmem>>, %arg21: memref<128xi32, #tpu.memory_space<vmem>>, %arg22: memref<128xf32, #tpu.memory_space<vmem>>, %arg23: memref<128xf32, #tpu.memory_space<vmem>>, %arg24: memref<128xi32, #tpu.memory_space<vmem>>, %arg25: memref<!tpu.dma_semaphore, #tpu.memory_space<semaphore_mem>>, %arg26: memref<!tpu.dma_semaphore, #tpu.memory_space<semaphore_mem>>, %arg27: memref<!tpu.dma_semaphore, #tpu.memory_space<semaphore_mem>>, %arg28: memref<!tpu.dma_semaphore, #tpu.memory_space<semaphore_mem>>, %arg29: memref<!tpu.dma_semaphore, #tpu.memory_space<semaphore_mem>>, %arg30: memref<!tpu.dma_semaphore, #tpu.memory_space<semaphore_mem>>) attributes {dimension_semantics = [#tpu.dimension_semantics<core_parallel>, #tpu.dimension_semantics<subcore_parallel>], iteration_bounds = array<i64: 2, 16>, scalar_prefetch = 0 : i64, scratch_operands = 25 : i64, tpu.core_type = #tpu.core_type<sc_vector_subcore>, window_params = [{transform_indices = #map}, {transform_indices = #map1}, {transform_indices = #map}, {transform_indices = #map}]} {
    %mul3A = arith.constant 640 : i32
    %mul3A_0 = arith.muli %arg1, %mul3A : i32
    %mul3A_1 = arith.constant 10240 : i32
    %mul3A_2 = arith.muli %arg0, %mul3A_1 : i32
    %broadcast_in_dim3A = arith.constant 0.000000e+00 : f32
    %broadcast_in_dim3A_3 = vector.broadcast %broadcast_in_dim3A : f32 to vector<16xf32>
    %broadcast_in_dim3A_4 = arith.constant 1.000000e+00 : f32
    %broadcast_in_dim3A_5 = vector.broadcast %broadcast_in_dim3A_4 : f32 to vector<16xf32>
    %scan3A = arith.constant 0 : i32
    %scan3A_6 = arith.constant 0 : i32
    %scan3A_7 = arith.constant 512 : i32
    %scan3A_8 = arith.addi %scan3A_6, %scan3A_7 : i32
    %scan3A_9 = arith.constant 1 : i32
    %scan3A_10 = scf.for %scan3A_532 = %scan3A_6 to %scan3A_8 step %scan3A_9 iter_args(%scan3A_533 = %scan3A) -> (i32)  : i32 {
      %jit3A = arith.constant 4 : i32
      %div3A = arith.divsi %scan3A_532, %jit3A : i32
      %sign3A = arith.constant 0 : i32
      %sign3A_534 = arith.cmpi sgt, %scan3A_532, %sign3A : i32
      %sign3A_535 = arith.extui %sign3A_534 : i1 to i32
      %sign3A_536 = arith.constant 0 : i32
      %sign3A_537 = arith.cmpi slt, %scan3A_532, %sign3A_536 : i32
      %sign3A_538 = arith.extui %sign3A_537 : i1 to i32
      %sign3A_539 = arith.subi %sign3A_535, %sign3A_538 : i32
      %sign3A_540 = arith.constant 0 : i32
      %sign3A_541 = arith.cmpi sgt, %jit3A, %sign3A_540 : i32
      %sign3A_542 = arith.extui %sign3A_541 : i1 to i32
      %sign3A_543 = arith.constant 0 : i32
      %sign3A_544 = arith.cmpi slt, %jit3A, %sign3A_543 : i32
      %sign3A_545 = arith.extui %sign3A_544 : i1 to i32
      %sign3A_546 = arith.subi %sign3A_542, %sign3A_545 : i32
      %ne3A = arith.cmpi ne, %sign3A_539, %sign3A_546 : i32
      %rem3A = arith.remsi %scan3A_532, %jit3A : i32
      %ne3A_547 = arith.constant 0 : i32
      %ne3A_548 = arith.cmpi ne, %rem3A, %ne3A_547 : i32
      %and3A_549 = arith.andi %ne3A, %ne3A_548 : i1
      %sub3A = arith.constant 1 : i32
      %sub3A_550 = arith.subi %div3A, %sub3A : i32
      %select_n3A = arith.select %and3A_549, %sub3A_550, %div3A : i32
      %mul3A_551 = arith.constant 4 : i32
      %mul3A_552 = arith.muli %select_n3A, %mul3A_551 : i32
      %sub3A_553 = arith.subi %scan3A_532, %mul3A_552 : i32
      %mul3A_554 = arith.constant 16 : i32
      %mul3A_555 = arith.muli %sub3A_553, %mul3A_554 : i32
      %swap3A_556 = arith.index_cast %select_n3A : i32 to index
      %swap3A_557 = arith.index_cast %mul3A_555 : i32 to index
      %swap3A_558 = tpu.vector_load %arg13[%swap3A_556, %swap3A_557] {strides = array<i32>} : memref<128x64xf32, #tpu.memory_space<vmem>>, vector<16xf32>,
      tpu.vector_store %arg13[%swap3A_556, %swap3A_557], %broadcast_in_dim3A_3 {strides = array<i32>} : memref<128x64xf32, #tpu.memory_space<vmem>>, vector<16xf32>,
      %scan3A_559 = arith.constant 0 : i32
      scf.yield %scan3A_559 : i32
    }
    %scan3A_11 = arith.constant 512 : i32
    %scan3A_12 = arith.constant 0 : i32
    %scan3A_13 = arith.constant 0 : i32
    %scan3A_14 = arith.constant 8 : i32
    %scan3A_15 = arith.addi %scan3A_13, %scan3A_14 : i32
    %scan3A_16 = arith.constant 1 : i32
    %scan3A_17 = scf.for %scan3A_532 = %scan3A_13 to %scan3A_15 step %scan3A_16 iter_args(%scan3A_533 = %scan3A_12) -> (i32)  : i32 {
      %mul3A_534 = arith.constant 16 : i32
      %mul3A_535 = arith.muli %scan3A_532, %mul3A_534 : i32
      %swap3A_536 = arith.index_cast %mul3A_535 : i32 to index
      %swap3A_537 = tpu.vector_load %arg22[%swap3A_536] {strides = array<i32>} : memref<128xf32, #tpu.memory_space<vmem>>, vector<16xf32>,
      tpu.vector_store %arg22[%swap3A_536], %broadcast_in_dim3A_5 {strides = array<i32>} : memref<128xf32, #tpu.memory_space<vmem>>, vector<16xf32>,
      %mul3A_538 = arith.constant 16 : i32
      %mul3A_539 = arith.muli %scan3A_532, %mul3A_538 : i32
      %swap3A_540 = arith.index_cast %mul3A_539 : i32 to index
      %swap3A_541 = tpu.vector_load %arg23[%swap3A_540] {strides = array<i32>} : memref<128xf32, #tpu.memory_space<vmem>>, vector<16xf32>,
      tpu.vector_store %arg23[%swap3A_540], %broadcast_in_dim3A_3 {strides = array<i32>} : memref<128xf32, #tpu.memory_space<vmem>>, vector<16xf32>,
      %scan3A_542 = arith.constant 0 : i32
      scf.yield %scan3A_542 : i32
    }
    %scan3A_18 = arith.constant 8 : i32
    %scan3A_19 = arith.constant 0 : i32
    %scan3A_20 = arith.constant 0 : i32
    %scan3A_21 = arith.constant 5 : i32
    %scan3A_22 = arith.addi %scan3A_20, %scan3A_21 : i32
    %scan3A_23 = arith.constant 1 : i32
    %scan3A_24 = scf.for %scan3A_532 = %scan3A_20 to %scan3A_22 step %scan3A_23 iter_args(%scan3A_533 = %scan3A_19) -> (i32)  : i32 {
      %mul3A_534 = arith.constant 128 : i32
      %mul3A_535 = arith.muli %scan3A_532, %mul3A_534 : i32
      %add3A_536 = arith.addi %mul3A_0, %mul3A_535 : i32
      "tpu.region"() ({
        %run_scoped3A = tpu.sem_alloc : memref<!tpu.dma_semaphore, #tpu.memory_space<semaphore_mem>>
        %dma_start3A_541 = arith.constant 0 : i32
        %dma_start3A_542 = tpu.memref_slice %arg8[%add3A_536, %dma_start3A_541] : memref<10240x64xf32, #tpu.memory_space<vmem_shared>> -> memref<128x64xf32, #tpu.memory_space<vmem_shared>>
        %dma_start3A_543 = arith.constant 0 : i32
        %dma_start3A_544 = tpu.memref_slice %arg8[%add3A_536, %dma_start3A_543] : memref<10240x64xf32, #tpu.memory_space<vmem_shared>> -> memref<128x64xf32, #tpu.memory_space<vmem_shared>>
        tpu.enqueue_dma source(%arg13 : memref<128x64xf32, #tpu.memory_space<vmem>>) target(%dma_start3A_544 : memref<128x64xf32, #tpu.memory_space<vmem_shared>>) target_semaphore(%run_scoped3A : memref<!tpu.dma_semaphore, #tpu.memory_space<semaphore_mem>>)
        %dma_wait3A_545 = arith.constant 0 : i32
        %dma_wait3A_546 = tpu.memref_slice %arg8[%add3A_536, %dma_wait3A_545] : memref<10240x64xf32, #tpu.memory_space<vmem_shared>> -> memref<128x64xf32, #tpu.memory_space<vmem_shared>>
        %dma_wait3A_547 = arith.constant 0 : i32
        %dma_wait3A_548 = tpu.memref_slice %arg8[%add3A_536, %dma_wait3A_547] : memref<10240x64xf32, #tpu.memory_space<vmem_shared>> -> memref<128x64xf32, #tpu.memory_space<vmem_shared>>
        tpu.wait_dma2 semaphore(%run_scoped3A : memref<!tpu.dma_semaphore, #tpu.memory_space<semaphore_mem>>) src(%arg13 : memref<128x64xf32, #tpu.memory_space<vmem>>) dst(%dma_wait3A_548 : memref<128x64xf32, #tpu.memory_space<vmem_shared>>)
        tpu.yield
      }) : () -> ()
      %mul3A_537 = arith.constant 128 : i32
      %mul3A_538 = arith.muli %scan3A_532, %mul3A_537 : i32
      %add3A_539 = arith.addi %mul3A_0, %mul3A_538 : i32
      "tpu.region"() ({
        %run_scoped3A = tpu.sem_alloc : memref<!tpu.dma_semaphore, #tpu.memory_space<semaphore_mem>>
        %dma_start3A_541 = tpu.memref_slice %arg10[%add3A_539] : memref<10240xf32, #tpu.memory_space<vmem_shared>> -> memref<128xf32, #tpu.memory_space<vmem_shared>>
        %dma_start3A_542 = tpu.memref_slice %arg10[%add3A_539] : memref<10240xf32, #tpu.memory_space<vmem_shared>> -> memref<128xf32, #tpu.memory_space<vmem_shared>>
        tpu.enqueue_dma source(%arg23 : memref<128xf32, #tpu.memory_space<vmem>>) target(%dma_start3A_542 : memref<128xf32, #tpu.memory_space<vmem_shared>>) target_semaphore(%run_scoped3A : memref<!tpu.dma_semaphore, #tpu.memory_space<semaphore_mem>>)
        %dma_wait3A_543 = tpu.memref_slice %arg10[%add3A_539] : memref<10240xf32, #tpu.memory_space<vmem_shared>> -> memref<128xf32, #tpu.memory_space<vmem_shared>>
        %dma_wait3A_544 = tpu.memref_slice %arg10[%add3A_539] : memref<10240xf32, #tpu.memory_space<vmem_shared>> -> memref<128xf32, #tpu.memory_space<vmem_shared>>
        tpu.wait_dma2 semaphore(%run_scoped3A : memref<!tpu.dma_semaphore, #tpu.memory_space<semaphore_mem>>) src(%arg23 : memref<128xf32, #tpu.memory_space<vmem>>) dst(%dma_wait3A_544 : memref<128xf32, #tpu.memory_space<vmem_shared>>)
        tpu.yield
      }) : () -> ()
      %scan3A_540 = arith.constant 0 : i32
      scf.yield %scan3A_540 : i32
    }
    %scan3A_25 = arith.constant 5 : i32
    "tpu.region"() ({
      %run_scoped3A = tpu.sem_alloc : memref<!tpu.dma_semaphore, #tpu.memory_space<semaphore_mem>>
      %dma_start3A_532 = arith.constant 0 : i32
      %dma_start3A_533 = arith.constant 0 : i32
      %dma_start3A_534 = tpu.memref_slice %arg3[%arg1, %dma_start3A_532, %dma_start3A_533] : memref<16x160x128xi32, #tpu.memory_space<hbm>> -> memref<1x160x128xi32, #tpu.memory_space<hbm>>
      %dma_start3A_535 = tpu.memref_squeeze %dma_start3A_534 : memref<1x160x128xi32, #tpu.memory_space<hbm>> -> memref<160x128xi32, #tpu.memory_space<hbm>>
      %dma_start3A_536 = arith.constant 0 : i32
      %dma_start3A_537 = arith.constant 0 : i32
      %dma_start3A_538 = tpu.memref_slice %arg3[%arg1, %dma_start3A_536, %dma_start3A_537] : memref<16x160x128xi32, #tpu.memory_space<hbm>> -> memref<1x160x128xi32, #tpu.memory_space<hbm>>
      %dma_start3A_539 = tpu.memref_squeeze %dma_start3A_538 : memref<1x160x128xi32, #tpu.memory_space<hbm>> -> memref<160x128xi32, #tpu.memory_space<hbm>>
      tpu.enqueue_dma source(%dma_start3A_539 : memref<160x128xi32, #tpu.memory_space<hbm>>) target(%arg11 : memref<160x128xi32, #tpu.memory_space<vmem>>) target_semaphore(%run_scoped3A : memref<!tpu.dma_semaphore, #tpu.memory_space<semaphore_mem>>)
      %dma_wait3A_540 = arith.constant 0 : i32
      %dma_wait3A_541 = arith.constant 0 : i32
      %dma_wait3A_542 = tpu.memref_slice %arg3[%arg1, %dma_wait3A_540, %dma_wait3A_541] : memref<16x160x128xi32, #tpu.memory_space<hbm>> -> memref<1x160x128xi32, #tpu.memory_space<hbm>>
      %dma_wait3A_543 = tpu.memref_squeeze %dma_wait3A_542 : memref<1x160x128xi32, #tpu.memory_space<hbm>> -> memref<160x128xi32, #tpu.memory_space<hbm>>
      %dma_wait3A_544 = arith.constant 0 : i32
      %dma_wait3A_545 = arith.constant 0 : i32
      %dma_wait3A_546 = tpu.memref_slice %arg3[%arg1, %dma_wait3A_544, %dma_wait3A_545] : memref<16x160x128xi32, #tpu.memory_space<hbm>> -> memref<1x160x128xi32, #tpu.memory_space<hbm>>
      %dma_wait3A_547 = tpu.memref_squeeze %dma_wait3A_546 : memref<1x160x128xi32, #tpu.memory_space<hbm>> -> memref<160x128xi32, #tpu.memory_space<hbm>>
      tpu.wait_dma2 semaphore(%run_scoped3A : memref<!tpu.dma_semaphore, #tpu.memory_space<semaphore_mem>>) src(%dma_wait3A_547 : memref<160x128xi32, #tpu.memory_space<hbm>>) dst(%arg11 : memref<160x128xi32, #tpu.memory_space<vmem>>)
      tpu.yield
    }) : () -> ()
    %barrier3A = arith.constant 0 : index
    tpu.barrier barrier_id(%barrier3A)
    %get3A = arith.constant 0 : i32
    %get3A_26 = arith.index_cast %get3A : i32 to index
    %get3A_27 = arith.constant 0 : index
    %get3A_28 = tpu.vector_load %arg11[%get3A_26, %get3A_27] {strides = array<i32>} : memref<160x128xi32, #tpu.memory_space<vmem>>, vector<16xi32>,
    %and3A = arith.constant 65535 : i32
    %and3A_29 = vector.broadcast %and3A : i32 to vector<16xi32>
    %and3A_30 = arith.andi %get3A_28, %and3A_29 : vector<16xi32>
    %swap3A = arith.constant 0 : index
    %swap3A_31 = tpu.vector_load %arg19[%swap3A] {strides = array<i32>} : memref<128xi32, #tpu.memory_space<vmem>>, vector<16xi32>,
    tpu.vector_store %arg19[%swap3A], %and3A_30 {strides = array<i32>} : memref<128xi32, #tpu.memory_space<vmem>>, vector<16xi32>,
    %shift_right_arithmetic3A = arith.constant 16 : i32
    %shift_right_arithmetic3A_32 = vector.broadcast %shift_right_arithmetic3A : i32 to vector<16xi32>
    %shift_right_arithmetic3A_33 = arith.shrsi %get3A_28, %shift_right_arithmetic3A_32 : vector<16xi32>
    %swap3A_34 = arith.constant 0 : index
    %swap3A_35 = tpu.vector_load %arg16[%swap3A_34] {strides = array<i32>} : memref<128xi32, #tpu.memory_space<vmem>>, vector<16xi32>,
    tpu.vector_store %arg16[%swap3A_34], %shift_right_arithmetic3A_33 {strides = array<i32>} : memref<128xi32, #tpu.memory_space<vmem>>, vector<16xi32>,
    %get3A_36 = arith.constant 0 : i32
    %get3A_37 = arith.index_cast %get3A_36 : i32 to index
    %get3A_38 = arith.constant 16 : index
    %get3A_39 = tpu.vector_load %arg11[%get3A_37, %get3A_38] {strides = array<i32>} : memref<160x128xi32, #tpu.memory_space<vmem>>, vector<16xi32>,
    %and3A_40 = arith.constant 65535 : i32
    %and3A_41 = vector.broadcast %and3A_40 : i32 to vector<16xi32>
    %and3A_42 = arith.andi %get3A_39, %and3A_41 : vector<16xi32>
    %swap3A_43 = arith.constant 16 : index
    %swap3A_44 = tpu.vector_load %arg19[%swap3A_43] {strides = array<i32>} : memref<128xi32, #tpu.memory_space<vmem>>, vector<16xi32>,
    tpu.vector_store %arg19[%swap3A_43], %and3A_42 {strides = array<i32>} : memref<128xi32, #tpu.memory_space<vmem>>, vector<16xi32>,
    %shift_right_arithmetic3A_45 = arith.constant 16 : i32
    %shift_right_arithmetic3A_46 = vector.broadcast %shift_right_arithmetic3A_45 : i32 to vector<16xi32>
    %shift_right_arithmetic3A_47 = arith.shrsi %get3A_39, %shift_right_arithmetic3A_46 : vector<16xi32>
    %swap3A_48 = arith.constant 16 : index
    %swap3A_49 = tpu.vector_load %arg16[%swap3A_48] {strides = array<i32>} : memref<128xi32, #tpu.memory_space<vmem>>, vector<16xi32>,
    tpu.vector_store %arg16[%swap3A_48], %shift_right_arithmetic3A_47 {strides = array<i32>} : memref<128xi32, #tpu.memory_space<vmem>>, vector<16xi32>,
    %get3A_50 = arith.constant 0 : i32
    %get3A_51 = arith.index_cast %get3A_50 : i32 to index
    %get3A_52 = arith.constant 32 : index
    %get3A_53 = tpu.vector_load %arg11[%get3A_51, %get3A_52] {strides = array<i32>} : memref<160x128xi32, #tpu.memory_space<vmem>>, vector<16xi32>,
    %and3A_54 = arith.constant 65535 : i32
    %and3A_55 = vector.broadcast %and3A_54 : i32 to vector<16xi32>
    %and3A_56 = arith.andi %get3A_53, %and3A_55 : vector<16xi32>
    %swap3A_57 = arith.constant 32 : index
    %swap3A_58 = tpu.vector_load %arg19[%swap3A_57] {strides = array<i32>} : memref<128xi32, #tpu.memory_space<vmem>>, vector<16xi32>,
    tpu.vector_store %arg19[%swap3A_57], %and3A_56 {strides = array<i32>} : memref<128xi32, #tpu.memory_space<vmem>>, vector<16xi32>,
    %shift_right_arithmetic3A_59 = arith.constant 16 : i32
    %shift_right_arithmetic3A_60 = vector.broadcast %shift_right_arithmetic3A_59 : i32 to vector<16xi32>
    %shift_right_arithmetic3A_61 = arith.shrsi %get3A_53, %shift_right_arithmetic3A_60 : vector<16xi32>
    %swap3A_62 = arith.constant 32 : index
    %swap3A_63 = tpu.vector_load %arg16[%swap3A_62] {strides = array<i32>} : memref<128xi32, #tpu.memory_space<vmem>>, vector<16xi32>,
    tpu.vector_store %arg16[%swap3A_62], %shift_right_arithmetic3A_61 {strides = array<i32>} : memref<128xi32, #tpu.memory_space<vmem>>, vector<16xi32>,
    %get3A_64 = arith.constant 0 : i32
    %get3A_65 = arith.index_cast %get3A_64 : i32 to index
    %get3A_66 = arith.constant 48 : index
    %get3A_67 = tpu.vector_load %arg11[%get3A_65, %get3A_66] {strides = array<i32>} : memref<160x128xi32, #tpu.memory_space<vmem>>, vector<16xi32>,
    %and3A_68 = arith.constant 65535 : i32
    %and3A_69 = vector.broadcast %and3A_68 : i32 to vector<16xi32>
    %and3A_70 = arith.andi %get3A_67, %and3A_69 : vector<16xi32>
    %swap3A_71 = arith.constant 48 : index
    %swap3A_72 = tpu.vector_load %arg19[%swap3A_71] {strides = array<i32>} : memref<128xi32, #tpu.memory_space<vmem>>, vector<16xi32>,
    tpu.vector_store %arg19[%swap3A_71], %and3A_70 {strides = array<i32>} : memref<128xi32, #tpu.memory_space<vmem>>, vector<16xi32>,
    %shift_right_arithmetic3A_73 = arith.constant 16 : i32
    %shift_right_arithmetic3A_74 = vector.broadcast %shift_right_arithmetic3A_73 : i32 to vector<16xi32>
    %shift_right_arithmetic3A_75 = arith.shrsi %get3A_67, %shift_right_arithmetic3A_74 : vector<16xi32>
    %swap3A_76 = arith.constant 48 : index
    %swap3A_77 = tpu.vector_load %arg16[%swap3A_76] {strides = array<i32>} : memref<128xi32, #tpu.memory_space<vmem>>, vector<16xi32>,
    tpu.vector_store %arg16[%swap3A_76], %shift_right_arithmetic3A_75 {strides = array<i32>} : memref<128xi32, #tpu.memory_space<vmem>>, vector<16xi32>,
    %get3A_78 = arith.constant 0 : i32
    %get3A_79 = arith.index_cast %get3A_78 : i32 to index
    %get3A_80 = arith.constant 64 : index
    %get3A_81 = tpu.vector_load %arg11[%get3A_79, %get3A_80] {strides = array<i32>} : memref<160x128xi32, #tpu.memory_space<vmem>>, vector<16xi32>,
    %and3A_82 = arith.constant 65535 : i32
    %and3A_83 = vector.broadcast %and3A_82 : i32 to vector<16xi32>
    %and3A_84 = arith.andi %get3A_81, %and3A_83 : vector<16xi32>
    %swap3A_85 = arith.constant 64 : index
    %swap3A_86 = tpu.vector_load %arg19[%swap3A_85] {strides = array<i32>} : memref<128xi32, #tpu.memory_space<vmem>>, vector<16xi32>,
    tpu.vector_store %arg19[%swap3A_85], %and3A_84 {strides = array<i32>} : memref<128xi32, #tpu.memory_space<vmem>>, vector<16xi32>,
    %shift_right_arithmetic3A_87 = arith.constant 16 : i32
    %shift_right_arithmetic3A_88 = vector.broadcast %shift_right_arithmetic3A_87 : i32 to vector<16xi32>
    %shift_right_arithmetic3A_89 = arith.shrsi %get3A_81, %shift_right_arithmetic3A_88 : vector<16xi32>
    %swap3A_90 = arith.constant 64 : index
    %swap3A_91 = tpu.vector_load %arg16[%swap3A_90] {strides = array<i32>} : memref<128xi32, #tpu.memory_space<vmem>>, vector<16xi32>,
    tpu.vector_store %arg16[%swap3A_90], %shift_right_arithmetic3A_89 {strides = array<i32>} : memref<128xi32, #tpu.memory_space<vmem>>, vector<16xi32>,
    %get3A_92 = arith.constant 0 : i32
    %get3A_93 = arith.index_cast %get3A_92 : i32 to index
    %get3A_94 = arith.constant 80 : index
    %get3A_95 = tpu.vector_load %arg11[%get3A_93, %get3A_94] {strides = array<i32>} : memref<160x128xi32, #tpu.memory_space<vmem>>, vector<16xi32>,
    %and3A_96 = arith.constant 65535 : i32
    %and3A_97 = vector.broadcast %and3A_96 : i32 to vector<16xi32>
    %and3A_98 = arith.andi %get3A_95, %and3A_97 : vector<16xi32>
    %swap3A_99 = arith.constant 80 : index
    %swap3A_100 = tpu.vector_load %arg19[%swap3A_99] {strides = array<i32>} : memref<128xi32, #tpu.memory_space<vmem>>, vector<16xi32>,
    tpu.vector_store %arg19[%swap3A_99], %and3A_98 {strides = array<i32>} : memref<128xi32, #tpu.memory_space<vmem>>, vector<16xi32>,
    %shift_right_arithmetic3A_101 = arith.constant 16 : i32
    %shift_right_arithmetic3A_102 = vector.broadcast %shift_right_arithmetic3A_101 : i32 to vector<16xi32>
    %shift_right_arithmetic3A_103 = arith.shrsi %get3A_95, %shift_right_arithmetic3A_102 : vector<16xi32>
    %swap3A_104 = arith.constant 80 : index
    %swap3A_105 = tpu.vector_load %arg16[%swap3A_104] {strides = array<i32>} : memref<128xi32, #tpu.memory_space<vmem>>, vector<16xi32>,
    tpu.vector_store %arg16[%swap3A_104], %shift_right_arithmetic3A_103 {strides = array<i32>} : memref<128xi32, #tpu.memory_space<vmem>>, vector<16xi32>,
    %get3A_106 = arith.constant 0 : i32
    %get3A_107 = arith.index_cast %get3A_106 : i32 to index
    %get3A_108 = arith.constant 96 : index
    %get3A_109 = tpu.vector_load %arg11[%get3A_107, %get3A_108] {strides = array<i32>} : memref<160x128xi32, #tpu.memory_space<vmem>>, vector<16xi32>,
    %and3A_110 = arith.constant 65535 : i32
    %and3A_111 = vector.broadcast %and3A_110 : i32 to vector<16xi32>
    %and3A_112 = arith.andi %get3A_109, %and3A_111 : vector<16xi32>
    %swap3A_113 = arith.constant 96 : index
    %swap3A_114 = tpu.vector_load %arg19[%swap3A_113] {strides = array<i32>} : memref<128xi32, #tpu.memory_space<vmem>>, vector<16xi32>,
    tpu.vector_store %arg19[%swap3A_113], %and3A_112 {strides = array<i32>} : memref<128xi32, #tpu.memory_space<vmem>>, vector<16xi32>,
    %shift_right_arithmetic3A_115 = arith.constant 16 : i32
    %shift_right_arithmetic3A_116 = vector.broadcast %shift_right_arithmetic3A_115 : i32 to vector<16xi32>
    %shift_right_arithmetic3A_117 = arith.shrsi %get3A_109, %shift_right_arithmetic3A_116 : vector<16xi32>
    %swap3A_118 = arith.constant 96 : index
    %swap3A_119 = tpu.vector_load %arg16[%swap3A_118] {strides = array<i32>} : memref<128xi32, #tpu.memory_space<vmem>>, vector<16xi32>,
    tpu.vector_store %arg16[%swap3A_118], %shift_right_arithmetic3A_117 {strides = array<i32>} : memref<128xi32, #tpu.memory_space<vmem>>, vector<16xi32>,
    %get3A_120 = arith.constant 0 : i32
    %get3A_121 = arith.index_cast %get3A_120 : i32 to index
    %get3A_122 = arith.constant 112 : index
    %get3A_123 = tpu.vector_load %arg11[%get3A_121, %get3A_122] {strides = array<i32>} : memref<160x128xi32, #tpu.memory_space<vmem>>, vector<16xi32>,
    %and3A_124 = arith.constant 65535 : i32
    %and3A_125 = vector.broadcast %and3A_124 : i32 to vector<16xi32>
    %and3A_126 = arith.andi %get3A_123, %and3A_125 : vector<16xi32>
    %swap3A_127 = arith.constant 112 : index
    %swap3A_128 = tpu.vector_load %arg19[%swap3A_127] {strides = array<i32>} : memref<128xi32, #tpu.memory_space<vmem>>, vector<16xi32>,
    tpu.vector_store %arg19[%swap3A_127], %and3A_126 {strides = array<i32>} : memref<128xi32, #tpu.memory_space<vmem>>, vector<16xi32>,
    %shift_right_arithmetic3A_129 = arith.constant 16 : i32
    %shift_right_arithmetic3A_130 = vector.broadcast %shift_right_arithmetic3A_129 : i32 to vector<16xi32>
    %shift_right_arithmetic3A_131 = arith.shrsi %get3A_123, %shift_right_arithmetic3A_130 : vector<16xi32>
    %swap3A_132 = arith.constant 112 : index
    %swap3A_133 = tpu.vector_load %arg16[%swap3A_132] {strides = array<i32>} : memref<128xi32, #tpu.memory_space<vmem>>, vector<16xi32>,
    tpu.vector_store %arg16[%swap3A_132], %shift_right_arithmetic3A_131 {strides = array<i32>} : memref<128xi32, #tpu.memory_space<vmem>>, vector<16xi32>,
    %dma_start3A = arith.constant 0 : i32
    %dma_start3A_134 = tpu.memref_slice %arg10[%dma_start3A] : memref<10240xf32, #tpu.memory_space<vmem_shared>> -> memref<10240xf32, #tpu.memory_space<vmem_shared>>
    tpu.enqueue_indirect_dma source(%arg22 : memref<128xf32, #tpu.memory_space<vmem>>) target(%dma_start3A_134 : memref<10240xf32, #tpu.memory_space<vmem_shared>>) offsets(%arg19 : memref<128xi32, #tpu.memory_space<vmem>>) semaphore(%arg28 : memref<!tpu.dma_semaphore, #tpu.memory_space<semaphore_mem>>) {add = true}
    %get3A_135 = arith.constant 1 : i32
    %get3A_136 = arith.index_cast %get3A_135 : i32 to index
    %get3A_137 = arith.constant 0 : index
    %get3A_138 = tpu.vector_load %arg11[%get3A_136, %get3A_137] {strides = array<i32>} : memref<160x128xi32, #tpu.memory_space<vmem>>, vector<16xi32>,
    %and3A_139 = arith.constant 65535 : i32
    %and3A_140 = vector.broadcast %and3A_139 : i32 to vector<16xi32>
    %and3A_141 = arith.andi %get3A_138, %and3A_140 : vector<16xi32>
    %swap3A_142 = arith.constant 0 : index
    %swap3A_143 = tpu.vector_load %arg20[%swap3A_142] {strides = array<i32>} : memref<128xi32, #tpu.memory_space<vmem>>, vector<16xi32>,
    tpu.vector_store %arg20[%swap3A_142], %and3A_141 {strides = array<i32>} : memref<128xi32, #tpu.memory_space<vmem>>, vector<16xi32>,
    %shift_right_arithmetic3A_144 = arith.constant 16 : i32
    %shift_right_arithmetic3A_145 = vector.broadcast %shift_right_arithmetic3A_144 : i32 to vector<16xi32>
    %shift_right_arithmetic3A_146 = arith.shrsi %get3A_138, %shift_right_arithmetic3A_145 : vector<16xi32>
    %swap3A_147 = arith.constant 0 : index
    %swap3A_148 = tpu.vector_load %arg17[%swap3A_147] {strides = array<i32>} : memref<128xi32, #tpu.memory_space<vmem>>, vector<16xi32>,
    tpu.vector_store %arg17[%swap3A_147], %shift_right_arithmetic3A_146 {strides = array<i32>} : memref<128xi32, #tpu.memory_space<vmem>>, vector<16xi32>,
    %get3A_149 = arith.constant 1 : i32
    %get3A_150 = arith.index_cast %get3A_149 : i32 to index
    %get3A_151 = arith.constant 16 : index
    %get3A_152 = tpu.vector_load %arg11[%get3A_150, %get3A_151] {strides = array<i32>} : memref<160x128xi32, #tpu.memory_space<vmem>>, vector<16xi32>,
    %and3A_153 = arith.constant 65535 : i32
    %and3A_154 = vector.broadcast %and3A_153 : i32 to vector<16xi32>
    %and3A_155 = arith.andi %get3A_152, %and3A_154 : vector<16xi32>
    %swap3A_156 = arith.constant 16 : index
    %swap3A_157 = tpu.vector_load %arg20[%swap3A_156] {strides = array<i32>} : memref<128xi32, #tpu.memory_space<vmem>>, vector<16xi32>,
    tpu.vector_store %arg20[%swap3A_156], %and3A_155 {strides = array<i32>} : memref<128xi32, #tpu.memory_space<vmem>>, vector<16xi32>,
    %shift_right_arithmetic3A_158 = arith.constant 16 : i32
    %shift_right_arithmetic3A_159 = vector.broadcast %shift_right_arithmetic3A_158 : i32 to vector<16xi32>
    %shift_right_arithmetic3A_160 = arith.shrsi %get3A_152, %shift_right_arithmetic3A_159 : vector<16xi32>
    %swap3A_161 = arith.constant 16 : index
    %swap3A_162 = tpu.vector_load %arg17[%swap3A_161] {strides = array<i32>} : memref<128xi32, #tpu.memory_space<vmem>>, vector<16xi32>,
    tpu.vector_store %arg17[%swap3A_161], %shift_right_arithmetic3A_160 {strides = array<i32>} : memref<128xi32, #tpu.memory_space<vmem>>, vector<16xi32>,
    %get3A_163 = arith.constant 1 : i32
    %get3A_164 = arith.index_cast %get3A_163 : i32 to index
    %get3A_165 = arith.constant 32 : index
    %get3A_166 = tpu.vector_load %arg11[%get3A_164, %get3A_165] {strides = array<i32>} : memref<160x128xi32, #tpu.memory_space<vmem>>, vector<16xi32>,
    %and3A_167 = arith.constant 65535 : i32
    %and3A_168 = vector.broadcast %and3A_167 : i32 to vector<16xi32>
    %and3A_169 = arith.andi %get3A_166, %and3A_168 : vector<16xi32>
    %swap3A_170 = arith.constant 32 : index
    %swap3A_171 = tpu.vector_load %arg20[%swap3A_170] {strides = array<i32>} : memref<128xi32, #tpu.memory_space<vmem>>, vector<16xi32>,
    tpu.vector_store %arg20[%swap3A_170], %and3A_169 {strides = array<i32>} : memref<128xi32, #tpu.memory_space<vmem>>, vector<16xi32>,
    %shift_right_arithmetic3A_172 = arith.constant 16 : i32
    %shift_right_arithmetic3A_173 = vector.broadcast %shift_right_arithmetic3A_172 : i32 to vector<16xi32>
    %shift_right_arithmetic3A_174 = arith.shrsi %get3A_166, %shift_right_arithmetic3A_173 : vector<16xi32>
    %swap3A_175 = arith.constant 32 : index
    %swap3A_176 = tpu.vector_load %arg17[%swap3A_175] {strides = array<i32>} : memref<128xi32, #tpu.memory_space<vmem>>, vector<16xi32>,
    tpu.vector_store %arg17[%swap3A_175], %shift_right_arithmetic3A_174 {strides = array<i32>} : memref<128xi32, #tpu.memory_space<vmem>>, vector<16xi32>,
    %get3A_177 = arith.constant 1 : i32
    %get3A_178 = arith.index_cast %get3A_177 : i32 to index
    %get3A_179 = arith.constant 48 : index
    %get3A_180 = tpu.vector_load %arg11[%get3A_178, %get3A_179] {strides = array<i32>} : memref<160x128xi32, #tpu.memory_space<vmem>>, vector<16xi32>,
    %and3A_181 = arith.constant 65535 : i32
    %and3A_182 = vector.broadcast %and3A_181 : i32 to vector<16xi32>
    %and3A_183 = arith.andi %get3A_180, %and3A_182 : vector<16xi32>
    %swap3A_184 = arith.constant 48 : index
    %swap3A_185 = tpu.vector_load %arg20[%swap3A_184] {strides = array<i32>} : memref<128xi32, #tpu.memory_space<vmem>>, vector<16xi32>,
    tpu.vector_store %arg20[%swap3A_184], %and3A_183 {strides = array<i32>} : memref<128xi32, #tpu.memory_space<vmem>>, vector<16xi32>,
    %shift_right_arithmetic3A_186 = arith.constant 16 : i32
    %shift_right_arithmetic3A_187 = vector.broadcast %shift_right_arithmetic3A_186 : i32 to vector<16xi32>
    %shift_right_arithmetic3A_188 = arith.shrsi %get3A_180, %shift_right_arithmetic3A_187 : vector<16xi32>
    %swap3A_189 = arith.constant 48 : index
    %swap3A_190 = tpu.vector_load %arg17[%swap3A_189] {strides = array<i32>} : memref<128xi32, #tpu.memory_space<vmem>>, vector<16xi32>,
    tpu.vector_store %arg17[%swap3A_189], %shift_right_arithmetic3A_188 {strides = array<i32>} : memref<128xi32, #tpu.memory_space<vmem>>, vector<16xi32>,
    %get3A_191 = arith.constant 1 : i32
    %get3A_192 = arith.index_cast %get3A_191 : i32 to index
    %get3A_193 = arith.constant 64 : index
    %get3A_194 = tpu.vector_load %arg11[%get3A_192, %get3A_193] {strides = array<i32>} : memref<160x128xi32, #tpu.memory_space<vmem>>, vector<16xi32>,
    %and3A_195 = arith.constant 65535 : i32
    %and3A_196 = vector.broadcast %and3A_195 : i32 to vector<16xi32>
    %and3A_197 = arith.andi %get3A_194, %and3A_196 : vector<16xi32>
    %swap3A_198 = arith.constant 64 : index
    %swap3A_199 = tpu.vector_load %arg20[%swap3A_198] {strides = array<i32>} : memref<128xi32, #tpu.memory_space<vmem>>, vector<16xi32>,
    tpu.vector_store %arg20[%swap3A_198], %and3A_197 {strides = array<i32>} : memref<128xi32, #tpu.memory_space<vmem>>, vector<16xi32>,
    %shift_right_arithmetic3A_200 = arith.constant 16 : i32
    %shift_right_arithmetic3A_201 = vector.broadcast %shift_right_arithmetic3A_200 : i32 to vector<16xi32>
    %shift_right_arithmetic3A_202 = arith.shrsi %get3A_194, %shift_right_arithmetic3A_201 : vector<16xi32>
    %swap3A_203 = arith.constant 64 : index
    %swap3A_204 = tpu.vector_load %arg17[%swap3A_203] {strides = array<i32>} : memref<128xi32, #tpu.memory_space<vmem>>, vector<16xi32>,
    tpu.vector_store %arg17[%swap3A_203], %shift_right_arithmetic3A_202 {strides = array<i32>} : memref<128xi32, #tpu.memory_space<vmem>>, vector<16xi32>,
    %get3A_205 = arith.constant 1 : i32
    %get3A_206 = arith.index_cast %get3A_205 : i32 to index
    %get3A_207 = arith.constant 80 : index
    %get3A_208 = tpu.vector_load %arg11[%get3A_206, %get3A_207] {strides = array<i32>} : memref<160x128xi32, #tpu.memory_space<vmem>>, vector<16xi32>,
    %and3A_209 = arith.constant 65535 : i32
    %and3A_210 = vector.broadcast %and3A_209 : i32 to vector<16xi32>
    %and3A_211 = arith.andi %get3A_208, %and3A_210 : vector<16xi32>
    %swap3A_212 = arith.constant 80 : index
    %swap3A_213 = tpu.vector_load %arg20[%swap3A_212] {strides = array<i32>} : memref<128xi32, #tpu.memory_space<vmem>>, vector<16xi32>,
    tpu.vector_store %arg20[%swap3A_212], %and3A_211 {strides = array<i32>} : memref<128xi32, #tpu.memory_space<vmem>>, vector<16xi32>,
    %shift_right_arithmetic3A_214 = arith.constant 16 : i32
    %shift_right_arithmetic3A_215 = vector.broadcast %shift_right_arithmetic3A_214 : i32 to vector<16xi32>
    %shift_right_arithmetic3A_216 = arith.shrsi %get3A_208, %shift_right_arithmetic3A_215 : vector<16xi32>
    %swap3A_217 = arith.constant 80 : index
    %swap3A_218 = tpu.vector_load %arg17[%swap3A_217] {strides = array<i32>} : memref<128xi32, #tpu.memory_space<vmem>>, vector<16xi32>,
    tpu.vector_store %arg17[%swap3A_217], %shift_right_arithmetic3A_216 {strides = array<i32>} : memref<128xi32, #tpu.memory_space<vmem>>, vector<16xi32>,
    %get3A_219 = arith.constant 1 : i32
    %get3A_220 = arith.index_cast %get3A_219 : i32 to index
    %get3A_221 = arith.constant 96 : index
    %get3A_222 = tpu.vector_load %arg11[%get3A_220, %get3A_221] {strides = array<i32>} : memref<160x128xi32, #tpu.memory_space<vmem>>, vector<16xi32>,
    %and3A_223 = arith.constant 65535 : i32
    %and3A_224 = vector.broadcast %and3A_223 : i32 to vector<16xi32>
    %and3A_225 = arith.andi %get3A_222, %and3A_224 : vector<16xi32>
    %swap3A_226 = arith.constant 96 : index
    %swap3A_227 = tpu.vector_load %arg20[%swap3A_226] {strides = array<i32>} : memref<128xi32, #tpu.memory_space<vmem>>, vector<16xi32>,
    tpu.vector_store %arg20[%swap3A_226], %and3A_225 {strides = array<i32>} : memref<128xi32, #tpu.memory_space<vmem>>, vector<16xi32>,
    %shift_right_arithmetic3A_228 = arith.constant 16 : i32
    %shift_right_arithmetic3A_229 = vector.broadcast %shift_right_arithmetic3A_228 : i32 to vector<16xi32>
    %shift_right_arithmetic3A_230 = arith.shrsi %get3A_222, %shift_right_arithmetic3A_229 : vector<16xi32>
    %swap3A_231 = arith.constant 96 : index
    %swap3A_232 = tpu.vector_load %arg17[%swap3A_231] {strides = array<i32>} : memref<128xi32, #tpu.memory_space<vmem>>, vector<16xi32>,
    tpu.vector_store %arg17[%swap3A_231], %shift_right_arithmetic3A_230 {strides = array<i32>} : memref<128xi32, #tpu.memory_space<vmem>>, vector<16xi32>,
    %get3A_233 = arith.constant 1 : i32
    %get3A_234 = arith.index_cast %get3A_233 : i32 to index
    %get3A_235 = arith.constant 112 : index
    %get3A_236 = tpu.vector_load %arg11[%get3A_234, %get3A_235] {strides = array<i32>} : memref<160x128xi32, #tpu.memory_space<vmem>>, vector<16xi32>,
    %and3A_237 = arith.constant 65535 : i32
    %and3A_238 = vector.broadcast %and3A_237 : i32 to vector<16xi32>
    %and3A_239 = arith.andi %get3A_236, %and3A_238 : vector<16xi32>
    %swap3A_240 = arith.constant 112 : index
    %swap3A_241 = tpu.vector_load %arg20[%swap3A_240] {strides = array<i32>} : memref<128xi32, #tpu.memory_space<vmem>>, vector<16xi32>,
    tpu.vector_store %arg20[%swap3A_240], %and3A_239 {strides = array<i32>} : memref<128xi32, #tpu.memory_space<vmem>>, vector<16xi32>,
    %shift_right_arithmetic3A_242 = arith.constant 16 : i32
    %shift_right_arithmetic3A_243 = vector.broadcast %shift_right_arithmetic3A_242 : i32 to vector<16xi32>
    %shift_right_arithmetic3A_244 = arith.shrsi %get3A_236, %shift_right_arithmetic3A_243 : vector<16xi32>
    %swap3A_245 = arith.constant 112 : index
    %swap3A_246 = tpu.vector_load %arg17[%swap3A_245] {strides = array<i32>} : memref<128xi32, #tpu.memory_space<vmem>>, vector<16xi32>,
    tpu.vector_store %arg17[%swap3A_245], %shift_right_arithmetic3A_244 {strides = array<i32>} : memref<128xi32, #tpu.memory_space<vmem>>, vector<16xi32>,
    %dma_start3A_247 = arith.constant 0 : i32
    %dma_start3A_248 = tpu.memref_slice %arg10[%dma_start3A_247] : memref<10240xf32, #tpu.memory_space<vmem_shared>> -> memref<10240xf32, #tpu.memory_space<vmem_shared>>
    tpu.enqueue_indirect_dma source(%arg22 : memref<128xf32, #tpu.memory_space<vmem>>) target(%dma_start3A_248 : memref<10240xf32, #tpu.memory_space<vmem_shared>>) offsets(%arg20 : memref<128xi32, #tpu.memory_space<vmem>>) semaphore(%arg29 : memref<!tpu.dma_semaphore, #tpu.memory_space<semaphore_mem>>) {add = true}
    %get3A_249 = arith.constant 2 : i32
    %get3A_250 = arith.index_cast %get3A_249 : i32 to index
    %get3A_251 = arith.constant 0 : index
    %get3A_252 = tpu.vector_load %arg11[%get3A_250, %get3A_251] {strides = array<i32>} : memref<160x128xi32, #tpu.memory_space<vmem>>, vector<16xi32>,
    %and3A_253 = arith.constant 65535 : i32
    %and3A_254 = vector.broadcast %and3A_253 : i32 to vector<16xi32>
    %and3A_255 = arith.andi %get3A_252, %and3A_254 : vector<16xi32>
    %swap3A_256 = arith.constant 0 : index
    %swap3A_257 = tpu.vector_load %arg21[%swap3A_256] {strides = array<i32>} : memref<128xi32, #tpu.memory_space<vmem>>, vector<16xi32>,
    tpu.vector_store %arg21[%swap3A_256], %and3A_255 {strides = array<i32>} : memref<128xi32, #tpu.memory_space<vmem>>, vector<16xi32>,
    %shift_right_arithmetic3A_258 = arith.constant 16 : i32
    %shift_right_arithmetic3A_259 = vector.broadcast %shift_right_arithmetic3A_258 : i32 to vector<16xi32>
    %shift_right_arithmetic3A_260 = arith.shrsi %get3A_252, %shift_right_arithmetic3A_259 : vector<16xi32>
    %swap3A_261 = arith.constant 0 : index
    %swap3A_262 = tpu.vector_load %arg18[%swap3A_261] {strides = array<i32>} : memref<128xi32, #tpu.memory_space<vmem>>, vector<16xi32>,
    tpu.vector_store %arg18[%swap3A_261], %shift_right_arithmetic3A_260 {strides = array<i32>} : memref<128xi32, #tpu.memory_space<vmem>>, vector<16xi32>,
    %get3A_263 = arith.constant 2 : i32
    %get3A_264 = arith.index_cast %get3A_263 : i32 to index
    %get3A_265 = arith.constant 16 : index
    %get3A_266 = tpu.vector_load %arg11[%get3A_264, %get3A_265] {strides = array<i32>} : memref<160x128xi32, #tpu.memory_space<vmem>>, vector<16xi32>,
    %and3A_267 = arith.constant 65535 : i32
    %and3A_268 = vector.broadcast %and3A_267 : i32 to vector<16xi32>
    %and3A_269 = arith.andi %get3A_266, %and3A_268 : vector<16xi32>
    %swap3A_270 = arith.constant 16 : index
    %swap3A_271 = tpu.vector_load %arg21[%swap3A_270] {strides = array<i32>} : memref<128xi32, #tpu.memory_space<vmem>>, vector<16xi32>,
    tpu.vector_store %arg21[%swap3A_270], %and3A_269 {strides = array<i32>} : memref<128xi32, #tpu.memory_space<vmem>>, vector<16xi32>,
    %shift_right_arithmetic3A_272 = arith.constant 16 : i32
    %shift_right_arithmetic3A_273 = vector.broadcast %shift_right_arithmetic3A_272 : i32 to vector<16xi32>
    %shift_right_arithmetic3A_274 = arith.shrsi %get3A_266, %shift_right_arithmetic3A_273 : vector<16xi32>
    %swap3A_275 = arith.constant 16 : index
    %swap3A_276 = tpu.vector_load %arg18[%swap3A_275] {strides = array<i32>} : memref<128xi32, #tpu.memory_space<vmem>>, vector<16xi32>,
    tpu.vector_store %arg18[%swap3A_275], %shift_right_arithmetic3A_274 {strides = array<i32>} : memref<128xi32, #tpu.memory_space<vmem>>, vector<16xi32>,
    %get3A_277 = arith.constant 2 : i32
    %get3A_278 = arith.index_cast %get3A_277 : i32 to index
    %get3A_279 = arith.constant 32 : index
    %get3A_280 = tpu.vector_load %arg11[%get3A_278, %get3A_279] {strides = array<i32>} : memref<160x128xi32, #tpu.memory_space<vmem>>, vector<16xi32>,
    %and3A_281 = arith.constant 65535 : i32
    %and3A_282 = vector.broadcast %and3A_281 : i32 to vector<16xi32>
    %and3A_283 = arith.andi %get3A_280, %and3A_282 : vector<16xi32>
    %swap3A_284 = arith.constant 32 : index
    %swap3A_285 = tpu.vector_load %arg21[%swap3A_284] {strides = array<i32>} : memref<128xi32, #tpu.memory_space<vmem>>, vector<16xi32>,
    tpu.vector_store %arg21[%swap3A_284], %and3A_283 {strides = array<i32>} : memref<128xi32, #tpu.memory_space<vmem>>, vector<16xi32>,
    %shift_right_arithmetic3A_286 = arith.constant 16 : i32
    %shift_right_arithmetic3A_287 = vector.broadcast %shift_right_arithmetic3A_286 : i32 to vector<16xi32>
    %shift_right_arithmetic3A_288 = arith.shrsi %get3A_280, %shift_right_arithmetic3A_287 : vector<16xi32>
    %swap3A_289 = arith.constant 32 : index
    %swap3A_290 = tpu.vector_load %arg18[%swap3A_289] {strides = array<i32>} : memref<128xi32, #tpu.memory_space<vmem>>, vector<16xi32>,
    tpu.vector_store %arg18[%swap3A_289], %shift_right_arithmetic3A_288 {strides = array<i32>} : memref<128xi32, #tpu.memory_space<vmem>>, vector<16xi32>,
    %get3A_291 = arith.constant 2 : i32
    %get3A_292 = arith.index_cast %get3A_291 : i32 to index
    %get3A_293 = arith.constant 48 : index
    %get3A_294 = tpu.vector_load %arg11[%get3A_292, %get3A_293] {strides = array<i32>} : memref<160x128xi32, #tpu.memory_space<vmem>>, vector<16xi32>,
    %and3A_295 = arith.constant 65535 : i32
    %and3A_296 = vector.broadcast %and3A_295 : i32 to vector<16xi32>
    %and3A_297 = arith.andi %get3A_294, %and3A_296 : vector<16xi32>
    %swap3A_298 = arith.constant 48 : index
    %swap3A_299 = tpu.vector_load %arg21[%swap3A_298] {strides = array<i32>} : memref<128xi32, #tpu.memory_space<vmem>>, vector<16xi32>,
    tpu.vector_store %arg21[%swap3A_298], %and3A_297 {strides = array<i32>} : memref<128xi32, #tpu.memory_space<vmem>>, vector<16xi32>,
    %shift_right_arithmetic3A_300 = arith.constant 16 : i32
    %shift_right_arithmetic3A_301 = vector.broadcast %shift_right_arithmetic3A_300 : i32 to vector<16xi32>
    %shift_right_arithmetic3A_302 = arith.shrsi %get3A_294, %shift_right_arithmetic3A_301 : vector<16xi32>
    %swap3A_303 = arith.constant 48 : index
    %swap3A_304 = tpu.vector_load %arg18[%swap3A_303] {strides = array<i32>} : memref<128xi32, #tpu.memory_space<vmem>>, vector<16xi32>,
    tpu.vector_store %arg18[%swap3A_303], %shift_right_arithmetic3A_302 {strides = array<i32>} : memref<128xi32, #tpu.memory_space<vmem>>, vector<16xi32>,
    %get3A_305 = arith.constant 2 : i32
    %get3A_306 = arith.index_cast %get3A_305 : i32 to index
    %get3A_307 = arith.constant 64 : index
    %get3A_308 = tpu.vector_load %arg11[%get3A_306, %get3A_307] {strides = array<i32>} : memref<160x128xi32, #tpu.memory_space<vmem>>, vector<16xi32>,
    %and3A_309 = arith.constant 65535 : i32
    %and3A_310 = vector.broadcast %and3A_309 : i32 to vector<16xi32>
    %and3A_311 = arith.andi %get3A_308, %and3A_310 : vector<16xi32>
    %swap3A_312 = arith.constant 64 : index
    %swap3A_313 = tpu.vector_load %arg21[%swap3A_312] {strides = array<i32>} : memref<128xi32, #tpu.memory_space<vmem>>, vector<16xi32>,
    tpu.vector_store %arg21[%swap3A_312], %and3A_311 {strides = array<i32>} : memref<128xi32, #tpu.memory_space<vmem>>, vector<16xi32>,
    %shift_right_arithmetic3A_314 = arith.constant 16 : i32
    %shift_right_arithmetic3A_315 = vector.broadcast %shift_right_arithmetic3A_314 : i32 to vector<16xi32>
    %shift_right_arithmetic3A_316 = arith.shrsi %get3A_308, %shift_right_arithmetic3A_315 : vector<16xi32>
    %swap3A_317 = arith.constant 64 : index
    %swap3A_318 = tpu.vector_load %arg18[%swap3A_317] {strides = array<i32>} : memref<128xi32, #tpu.memory_space<vmem>>, vector<16xi32>,
    tpu.vector_store %arg18[%swap3A_317], %shift_right_arithmetic3A_316 {strides = array<i32>} : memref<128xi32, #tpu.memory_space<vmem>>, vector<16xi32>,
    %get3A_319 = arith.constant 2 : i32
    %get3A_320 = arith.index_cast %get3A_319 : i32 to index
    %get3A_321 = arith.constant 80 : index
    %get3A_322 = tpu.vector_load %arg11[%get3A_320, %get3A_321] {strides = array<i32>} : memref<160x128xi32, #tpu.memory_space<vmem>>, vector<16xi32>,
    %and3A_323 = arith.constant 65535 : i32
    %and3A_324 = vector.broadcast %and3A_323 : i32 to vector<16xi32>
    %and3A_325 = arith.andi %get3A_322, %and3A_324 : vector<16xi32>
    %swap3A_326 = arith.constant 80 : index
    %swap3A_327 = tpu.vector_load %arg21[%swap3A_326] {strides = array<i32>} : memref<128xi32, #tpu.memory_space<vmem>>, vector<16xi32>,
    tpu.vector_store %arg21[%swap3A_326], %and3A_325 {strides = array<i32>} : memref<128xi32, #tpu.memory_space<vmem>>, vector<16xi32>,
    %shift_right_arithmetic3A_328 = arith.constant 16 : i32
    %shift_right_arithmetic3A_329 = vector.broadcast %shift_right_arithmetic3A_328 : i32 to vector<16xi32>
    %shift_right_arithmetic3A_330 = arith.shrsi %get3A_322, %shift_right_arithmetic3A_329 : vector<16xi32>
    %swap3A_331 = arith.constant 80 : index
    %swap3A_332 = tpu.vector_load %arg18[%swap3A_331] {strides = array<i32>} : memref<128xi32, #tpu.memory_space<vmem>>, vector<16xi32>,
    tpu.vector_store %arg18[%swap3A_331], %shift_right_arithmetic3A_330 {strides = array<i32>} : memref<128xi32, #tpu.memory_space<vmem>>, vector<16xi32>,
    %get3A_333 = arith.constant 2 : i32
    %get3A_334 = arith.index_cast %get3A_333 : i32 to index
    %get3A_335 = arith.constant 96 : index
    %get3A_336 = tpu.vector_load %arg11[%get3A_334, %get3A_335] {strides = array<i32>} : memref<160x128xi32, #tpu.memory_space<vmem>>, vector<16xi32>,
    %and3A_337 = arith.constant 65535 : i32
    %and3A_338 = vector.broadcast %and3A_337 : i32 to vector<16xi32>
    %and3A_339 = arith.andi %get3A_336, %and3A_338 : vector<16xi32>
    %swap3A_340 = arith.constant 96 : index
    %swap3A_341 = tpu.vector_load %arg21[%swap3A_340] {strides = array<i32>} : memref<128xi32, #tpu.memory_space<vmem>>, vector<16xi32>,
    tpu.vector_store %arg21[%swap3A_340], %and3A_339 {strides = array<i32>} : memref<128xi32, #tpu.memory_space<vmem>>, vector<16xi32>,
    %shift_right_arithmetic3A_342 = arith.constant 16 : i32
    %shift_right_arithmetic3A_343 = vector.broadcast %shift_right_arithmetic3A_342 : i32 to vector<16xi32>
    %shift_right_arithmetic3A_344 = arith.shrsi %get3A_336, %shift_right_arithmetic3A_343 : vector<16xi32>
    %swap3A_345 = arith.constant 96 : index
    %swap3A_346 = tpu.vector_load %arg18[%swap3A_345] {strides = array<i32>} : memref<128xi32, #tpu.memory_space<vmem>>, vector<16xi32>,
    tpu.vector_store %arg18[%swap3A_345], %shift_right_arithmetic3A_344 {strides = array<i32>} : memref<128xi32, #tpu.memory_space<vmem>>, vector<16xi32>,
    %get3A_347 = arith.constant 2 : i32
    %get3A_348 = arith.index_cast %get3A_347 : i32 to index
    %get3A_349 = arith.constant 112 : index
    %get3A_350 = tpu.vector_load %arg11[%get3A_348, %get3A_349] {strides = array<i32>} : memref<160x128xi32, #tpu.memory_space<vmem>>, vector<16xi32>,
    %and3A_351 = arith.constant 65535 : i32
    %and3A_352 = vector.broadcast %and3A_351 : i32 to vector<16xi32>
    %and3A_353 = arith.andi %get3A_350, %and3A_352 : vector<16xi32>
    %swap3A_354 = arith.constant 112 : index
    %swap3A_355 = tpu.vector_load %arg21[%swap3A_354] {strides = array<i32>} : memref<128xi32, #tpu.memory_space<vmem>>, vector<16xi32>,
    tpu.vector_store %arg21[%swap3A_354], %and3A_353 {strides = array<i32>} : memref<128xi32, #tpu.memory_space<vmem>>, vector<16xi32>,
    %shift_right_arithmetic3A_356 = arith.constant 16 : i32
    %shift_right_arithmetic3A_357 = vector.broadcast %shift_right_arithmetic3A_356 : i32 to vector<16xi32>
    %shift_right_arithmetic3A_358 = arith.shrsi %get3A_350, %shift_right_arithmetic3A_357 : vector<16xi32>
    %swap3A_359 = arith.constant 112 : index
    %swap3A_360 = tpu.vector_load %arg18[%swap3A_359] {strides = array<i32>} : memref<128xi32, #tpu.memory_space<vmem>>, vector<16xi32>,
    tpu.vector_store %arg18[%swap3A_359], %shift_right_arithmetic3A_358 {strides = array<i32>} : memref<128xi32, #tpu.memory_space<vmem>>, vector<16xi32>,
    %dma_start3A_361 = arith.constant 0 : i32
    %dma_start3A_362 = tpu.memref_slice %arg10[%dma_start3A_361] : memref<10240xf32, #tpu.memory_space<vmem_shared>> -> memref<10240xf32, #tpu.memory_space<vmem_shared>>
    tpu.enqueue_indirect_dma source(%arg22 : memref<128xf32, #tpu.memory_space<vmem>>) target(%dma_start3A_362 : memref<10240xf32, #tpu.memory_space<vmem_shared>>) offsets(%arg21 : memref<128xi32, #tpu.memory_space<vmem>>) semaphore(%arg30 : memref<!tpu.dma_semaphore, #tpu.memory_space<semaphore_mem>>) {add = true}
    %scan3A_363 = arith.constant 0 : i32
    %scan3A_364 = arith.constant 1 : i32
    %scan3A_365 = arith.constant 52 : i32
    %scan3A_366 = arith.addi %scan3A_364, %scan3A_365 : i32
    %scan3A_367 = arith.constant 1 : i32
    %scan3A_368 = scf.for %scan3A_532 = %scan3A_364 to %scan3A_366 step %scan3A_367 iter_args(%scan3A_533 = %scan3A_363) -> (i32)  : i32 {
      %dma_wait3A_534 = arith.constant 0 : i32
      %dma_wait3A_535 = tpu.memref_slice %arg10[%dma_wait3A_534] : memref<10240xf32, #tpu.memory_space<vmem_shared>> -> memref<10240xf32, #tpu.memory_space<vmem_shared>>
      tpu.wait_indirect_dma semaphore(%arg28 : memref<!tpu.dma_semaphore, #tpu.memory_space<semaphore_mem>>) src(%arg22 : memref<128xf32, #tpu.memory_space<vmem>>) dst(%dma_wait3A_535 : memref<10240xf32, #tpu.memory_space<vmem_shared>>)
      %mul3A_536 = arith.constant 3 : i32
      %mul3A_537 = arith.muli %mul3A_536, %scan3A_532 : i32
      %add3A_538 = arith.constant 0 : i32
      %add3A_539 = arith.addi %mul3A_537, %add3A_538 : i32
      %get3A_540 = arith.index_cast %add3A_539 : i32 to index
      %get3A_541 = arith.constant 0 : index
      %get3A_542 = tpu.vector_load %arg11[%get3A_540, %get3A_541] {strides = array<i32>} : memref<160x128xi32, #tpu.memory_space<vmem>>, vector<16xi32>,
      %and3A_543 = arith.constant 65535 : i32
      %and3A_544 = vector.broadcast %and3A_543 : i32 to vector<16xi32>
      %and3A_545 = arith.andi %get3A_542, %and3A_544 : vector<16xi32>
      %swap3A_546 = arith.constant 0 : index
      %swap3A_547 = tpu.vector_load %arg19[%swap3A_546] {strides = array<i32>} : memref<128xi32, #tpu.memory_space<vmem>>, vector<16xi32>,
      tpu.vector_store %arg19[%swap3A_546], %and3A_545 {strides = array<i32>} : memref<128xi32, #tpu.memory_space<vmem>>, vector<16xi32>,
      %shift_right_arithmetic3A_548 = arith.constant 16 : i32
      %shift_right_arithmetic3A_549 = vector.broadcast %shift_right_arithmetic3A_548 : i32 to vector<16xi32>
      %shift_right_arithmetic3A_550 = arith.shrsi %get3A_542, %shift_right_arithmetic3A_549 : vector<16xi32>
      %swap3A_551 = arith.constant 0 : index
      %swap3A_552 = tpu.vector_load %arg16[%swap3A_551] {strides = array<i32>} : memref<128xi32, #tpu.memory_space<vmem>>, vector<16xi32>,
      tpu.vector_store %arg16[%swap3A_551], %shift_right_arithmetic3A_550 {strides = array<i32>} : memref<128xi32, #tpu.memory_space<vmem>>, vector<16xi32>,
      %get3A_553 = arith.index_cast %add3A_539 : i32 to index
      %get3A_554 = arith.constant 16 : index
      %get3A_555 = tpu.vector_load %arg11[%get3A_553, %get3A_554] {strides = array<i32>} : memref<160x128xi32, #tpu.memory_space<vmem>>, vector<16xi32>,
      %and3A_556 = arith.constant 65535 : i32
      %and3A_557 = vector.broadcast %and3A_556 : i32 to vector<16xi32>
      %and3A_558 = arith.andi %get3A_555, %and3A_557 : vector<16xi32>
      %swap3A_559 = arith.constant 16 : index
      %swap3A_560 = tpu.vector_load %arg19[%swap3A_559] {strides = array<i32>} : memref<128xi32, #tpu.memory_space<vmem>>, vector<16xi32>,
      tpu.vector_store %arg19[%swap3A_559], %and3A_558 {strides = array<i32>} : memref<128xi32, #tpu.memory_space<vmem>>, vector<16xi32>,
      %shift_right_arithmetic3A_561 = arith.constant 16 : i32
      %shift_right_arithmetic3A_562 = vector.broadcast %shift_right_arithmetic3A_561 : i32 to vector<16xi32>
      %shift_right_arithmetic3A_563 = arith.shrsi %get3A_555, %shift_right_arithmetic3A_562 : vector<16xi32>
      %swap3A_564 = arith.constant 16 : index
      %swap3A_565 = tpu.vector_load %arg16[%swap3A_564] {strides = array<i32>} : memref<128xi32, #tpu.memory_space<vmem>>, vector<16xi32>,
      tpu.vector_store %arg16[%swap3A_564], %shift_right_arithmetic3A_563 {strides = array<i32>} : memref<128xi32, #tpu.memory_space<vmem>>, vector<16xi32>,
      %get3A_566 = arith.index_cast %add3A_539 : i32 to index
      %get3A_567 = arith.constant 32 : index
      %get3A_568 = tpu.vector_load %arg11[%get3A_566, %get3A_567] {strides = array<i32>} : memref<160x128xi32, #tpu.memory_space<vmem>>, vector<16xi32>,
      %and3A_569 = arith.constant 65535 : i32
      %and3A_570 = vector.broadcast %and3A_569 : i32 to vector<16xi32>
      %and3A_571 = arith.andi %get3A_568, %and3A_570 : vector<16xi32>
      %swap3A_572 = arith.constant 32 : index
      %swap3A_573 = tpu.vector_load %arg19[%swap3A_572] {strides = array<i32>} : memref<128xi32, #tpu.memory_space<vmem>>, vector<16xi32>,
      tpu.vector_store %arg19[%swap3A_572], %and3A_571 {strides = array<i32>} : memref<128xi32, #tpu.memory_space<vmem>>, vector<16xi32>,
      %shift_right_arithmetic3A_574 = arith.constant 16 : i32
      %shift_right_arithmetic3A_575 = vector.broadcast %shift_right_arithmetic3A_574 : i32 to vector<16xi32>
      %shift_right_arithmetic3A_576 = arith.shrsi %get3A_568, %shift_right_arithmetic3A_575 : vector<16xi32>
      %swap3A_577 = arith.constant 32 : index
      %swap3A_578 = tpu.vector_load %arg16[%swap3A_577] {strides = array<i32>} : memref<128xi32, #tpu.memory_space<vmem>>, vector<16xi32>,
      tpu.vector_store %arg16[%swap3A_577], %shift_right_arithmetic3A_576 {strides = array<i32>} : memref<128xi32, #tpu.memory_space<vmem>>, vector<16xi32>,
      %get3A_579 = arith.index_cast %add3A_539 : i32 to index
      %get3A_580 = arith.constant 48 : index
      %get3A_581 = tpu.vector_load %arg11[%get3A_579, %get3A_580] {strides = array<i32>} : memref<160x128xi32, #tpu.memory_space<vmem>>, vector<16xi32>,
      %and3A_582 = arith.constant 65535 : i32
      %and3A_583 = vector.broadcast %and3A_582 : i32 to vector<16xi32>
      %and3A_584 = arith.andi %get3A_581, %and3A_583 : vector<16xi32>
      %swap3A_585 = arith.constant 48 : index
      %swap3A_586 = tpu.vector_load %arg19[%swap3A_585] {strides = array<i32>} : memref<128xi32, #tpu.memory_space<vmem>>, vector<16xi32>,
      tpu.vector_store %arg19[%swap3A_585], %and3A_584 {strides = array<i32>} : memref<128xi32, #tpu.memory_space<vmem>>, vector<16xi32>,
      %shift_right_arithmetic3A_587 = arith.constant 16 : i32
      %shift_right_arithmetic3A_588 = vector.broadcast %shift_right_arithmetic3A_587 : i32 to vector<16xi32>
      %shift_right_arithmetic3A_589 = arith.shrsi %get3A_581, %shift_right_arithmetic3A_588 : vector<16xi32>
      %swap3A_590 = arith.constant 48 : index
      %swap3A_591 = tpu.vector_load %arg16[%swap3A_590] {strides = array<i32>} : memref<128xi32, #tpu.memory_space<vmem>>, vector<16xi32>,
      tpu.vector_store %arg16[%swap3A_590], %shift_right_arithmetic3A_589 {strides = array<i32>} : memref<128xi32, #tpu.memory_space<vmem>>, vector<16xi32>,
      %get3A_592 = arith.index_cast %add3A_539 : i32 to index
      %get3A_593 = arith.constant 64 : index
      %get3A_594 = tpu.vector_load %arg11[%get3A_592, %get3A_593] {strides = array<i32>} : memref<160x128xi32, #tpu.memory_space<vmem>>, vector<16xi32>,
      %and3A_595 = arith.constant 65535 : i32
      %and3A_596 = vector.broadcast %and3A_595 : i32 to vector<16xi32>
      %and3A_597 = arith.andi %get3A_594, %and3A_596 : vector<16xi32>
      %swap3A_598 = arith.constant 64 : index
      %swap3A_599 = tpu.vector_load %arg19[%swap3A_598] {strides = array<i32>} : memref<128xi32, #tpu.memory_space<vmem>>, vector<16xi32>,
      tpu.vector_store %arg19[%swap3A_598], %and3A_597 {strides = array<i32>} : memref<128xi32, #tpu.memory_space<vmem>>, vector<16xi32>,
      %shift_right_arithmetic3A_600 = arith.constant 16 : i32
      %shift_right_arithmetic3A_601 = vector.broadcast %shift_right_arithmetic3A_600 : i32 to vector<16xi32>
      %shift_right_arithmetic3A_602 = arith.shrsi %get3A_594, %shift_right_arithmetic3A_601 : vector<16xi32>
      %swap3A_603 = arith.constant 64 : index
      %swap3A_604 = tpu.vector_load %arg16[%swap3A_603] {strides = array<i32>} : memref<128xi32, #tpu.memory_space<vmem>>, vector<16xi32>,
      tpu.vector_store %arg16[%swap3A_603], %shift_right_arithmetic3A_602 {strides = array<i32>} : memref<128xi32, #tpu.memory_space<vmem>>, vector<16xi32>,
      %get3A_605 = arith.index_cast %add3A_539 : i32 to index
      %get3A_606 = arith.constant 80 : index
      %get3A_607 = tpu.vector_load %arg11[%get3A_605, %get3A_606] {strides = array<i32>} : memref<160x128xi32, #tpu.memory_space<vmem>>, vector<16xi32>,
      %and3A_608 = arith.constant 65535 : i32
      %and3A_609 = vector.broadcast %and3A_608 : i32 to vector<16xi32>
      %and3A_610 = arith.andi %get3A_607, %and3A_609 : vector<16xi32>
      %swap3A_611 = arith.constant 80 : index
      %swap3A_612 = tpu.vector_load %arg19[%swap3A_611] {strides = array<i32>} : memref<128xi32, #tpu.memory_space<vmem>>, vector<16xi32>,
      tpu.vector_store %arg19[%swap3A_611], %and3A_610 {strides = array<i32>} : memref<128xi32, #tpu.memory_space<vmem>>, vector<16xi32>,
      %shift_right_arithmetic3A_613 = arith.constant 16 : i32
      %shift_right_arithmetic3A_614 = vector.broadcast %shift_right_arithmetic3A_613 : i32 to vector<16xi32>
      %shift_right_arithmetic3A_615 = arith.shrsi %get3A_607, %shift_right_arithmetic3A_614 : vector<16xi32>
      %swap3A_616 = arith.constant 80 : index
      %swap3A_617 = tpu.vector_load %arg16[%swap3A_616] {strides = array<i32>} : memref<128xi32, #tpu.memory_space<vmem>>, vector<16xi32>,
      tpu.vector_store %arg16[%swap3A_616], %shift_right_arithmetic3A_615 {strides = array<i32>} : memref<128xi32, #tpu.memory_space<vmem>>, vector<16xi32>,
      %get3A_618 = arith.index_cast %add3A_539 : i32 to index
      %get3A_619 = arith.constant 96 : index
      %get3A_620 = tpu.vector_load %arg11[%get3A_618, %get3A_619] {strides = array<i32>} : memref<160x128xi32, #tpu.memory_space<vmem>>, vector<16xi32>,
      %and3A_621 = arith.constant 65535 : i32
      %and3A_622 = vector.broadcast %and3A_621 : i32 to vector<16xi32>
      %and3A_623 = arith.andi %get3A_620, %and3A_622 : vector<16xi32>
      %swap3A_624 = arith.constant 96 : index
      %swap3A_625 = tpu.vector_load %arg19[%swap3A_624] {strides = array<i32>} : memref<128xi32, #tpu.memory_space<vmem>>, vector<16xi32>,
      tpu.vector_store %arg19[%swap3A_624], %and3A_623 {strides = array<i32>} : memref<128xi32, #tpu.memory_space<vmem>>, vector<16xi32>,
      %shift_right_arithmetic3A_626 = arith.constant 16 : i32
      %shift_right_arithmetic3A_627 = vector.broadcast %shift_right_arithmetic3A_626 : i32 to vector<16xi32>
      %shift_right_arithmetic3A_628 = arith.shrsi %get3A_620, %shift_right_arithmetic3A_627 : vector<16xi32>
      %swap3A_629 = arith.constant 96 : index
      %swap3A_630 = tpu.vector_load %arg16[%swap3A_629] {strides = array<i32>} : memref<128xi32, #tpu.memory_space<vmem>>, vector<16xi32>,
      tpu.vector_store %arg16[%swap3A_629], %shift_right_arithmetic3A_628 {strides = array<i32>} : memref<128xi32, #tpu.memory_space<vmem>>, vector<16xi32>,
      %get3A_631 = arith.index_cast %add3A_539 : i32 to index
      %get3A_632 = arith.constant 112 : index
      %get3A_633 = tpu.vector_load %arg11[%get3A_631, %get3A_632] {strides = array<i32>} : memref<160x128xi32, #tpu.memory_space<vmem>>, vector<16xi32>,
      %and3A_634 = arith.constant 65535 : i32
      %and3A_635 = vector.broadcast %and3A_634 : i32 to vector<16xi32>
      %and3A_636 = arith.andi %get3A_633, %and3A_635 : vector<16xi32>
      %swap3A_637 = arith.constant 112 : index
      %swap3A_638 = tpu.vector_load %arg19[%swap3A_637] {strides = array<i32>} : memref<128xi32, #tpu.memory_space<vmem>>, vector<16xi32>,
      tpu.vector_store %arg19[%swap3A_637], %and3A_636 {strides = array<i32>} : memref<128xi32, #tpu.memory_space<vmem>>, vector<16xi32>,
      %shift_right_arithmetic3A_639 = arith.constant 16 : i32
      %shift_right_arithmetic3A_640 = vector.broadcast %shift_right_arithmetic3A_639 : i32 to vector<16xi32>
      %shift_right_arithmetic3A_641 = arith.shrsi %get3A_633, %shift_right_arithmetic3A_640 : vector<16xi32>
      %swap3A_642 = arith.constant 112 : index
      %swap3A_643 = tpu.vector_load %arg16[%swap3A_642] {strides = array<i32>} : memref<128xi32, #tpu.memory_space<vmem>>, vector<16xi32>,
      tpu.vector_store %arg16[%swap3A_642], %shift_right_arithmetic3A_641 {strides = array<i32>} : memref<128xi32, #tpu.memory_space<vmem>>, vector<16xi32>,
      %dma_start3A_644 = arith.constant 0 : i32
      %dma_start3A_645 = tpu.memref_slice %arg10[%dma_start3A_644] : memref<10240xf32, #tpu.memory_space<vmem_shared>> -> memref<10240xf32, #tpu.memory_space<vmem_shared>>
      tpu.enqueue_indirect_dma source(%arg22 : memref<128xf32, #tpu.memory_space<vmem>>) target(%dma_start3A_645 : memref<10240xf32, #tpu.memory_space<vmem_shared>>) offsets(%arg19 : memref<128xi32, #tpu.memory_space<vmem>>) semaphore(%arg28 : memref<!tpu.dma_semaphore, #tpu.memory_space<semaphore_mem>>) {add = true}
      %dma_wait3A_646 = arith.constant 0 : i32
      %dma_wait3A_647 = tpu.memref_slice %arg10[%dma_wait3A_646] : memref<10240xf32, #tpu.memory_space<vmem_shared>> -> memref<10240xf32, #tpu.memory_space<vmem_shared>>
      tpu.wait_indirect_dma semaphore(%arg29 : memref<!tpu.dma_semaphore, #tpu.memory_space<semaphore_mem>>) src(%arg22 : memref<128xf32, #tpu.memory_space<vmem>>) dst(%dma_wait3A_647 : memref<10240xf32, #tpu.memory_space<vmem_shared>>)
      %mul3A_648 = arith.constant 3 : i32
      %mul3A_649 = arith.muli %mul3A_648, %scan3A_532 : i32
      %add3A_650 = arith.constant 1 : i32
      %add3A_651 = arith.addi %mul3A_649, %add3A_650 : i32
      %get3A_652 = arith.index_cast %add3A_651 : i32 to index
      %get3A_653 = arith.constant 0 : index
      %get3A_654 = tpu.vector_load %arg11[%get3A_652, %get3A_653] {strides = array<i32>} : memref<160x128xi32, #tpu.memory_space<vmem>>, vector<16xi32>,
      %and3A_655 = arith.constant 65535 : i32
      %and3A_656 = vector.broadcast %and3A_655 : i32 to vector<16xi32>
      %and3A_657 = arith.andi %get3A_654, %and3A_656 : vector<16xi32>
      %swap3A_658 = arith.constant 0 : index
      %swap3A_659 = tpu.vector_load %arg20[%swap3A_658] {strides = array<i32>} : memref<128xi32, #tpu.memory_space<vmem>>, vector<16xi32>,
      tpu.vector_store %arg20[%swap3A_658], %and3A_657 {strides = array<i32>} : memref<128xi32, #tpu.memory_space<vmem>>, vector<16xi32>,
      %shift_right_arithmetic3A_660 = arith.constant 16 : i32
      %shift_right_arithmetic3A_661 = vector.broadcast %shift_right_arithmetic3A_660 : i32 to vector<16xi32>
      %shift_right_arithmetic3A_662 = arith.shrsi %get3A_654, %shift_right_arithmetic3A_661 : vector<16xi32>
      %swap3A_663 = arith.constant 0 : index
      %swap3A_664 = tpu.vector_load %arg17[%swap3A_663] {strides = array<i32>} : memref<128xi32, #tpu.memory_space<vmem>>, vector<16xi32>,
      tpu.vector_store %arg17[%swap3A_663], %shift_right_arithmetic3A_662 {strides = array<i32>} : memref<128xi32, #tpu.memory_space<vmem>>, vector<16xi32>,
      %get3A_665 = arith.index_cast %add3A_651 : i32 to index
      %get3A_666 = arith.constant 16 : index
      %get3A_667 = tpu.vector_load %arg11[%get3A_665, %get3A_666] {strides = array<i32>} : memref<160x128xi32, #tpu.memory_space<vmem>>, vector<16xi32>,
      %and3A_668 = arith.constant 65535 : i32
      %and3A_669 = vector.broadcast %and3A_668 : i32 to vector<16xi32>
      %and3A_670 = arith.andi %get3A_667, %and3A_669 : vector<16xi32>
      %swap3A_671 = arith.constant 16 : index
      %swap3A_672 = tpu.vector_load %arg20[%swap3A_671] {strides = array<i32>} : memref<128xi32, #tpu.memory_space<vmem>>, vector<16xi32>,
      tpu.vector_store %arg20[%swap3A_671], %and3A_670 {strides = array<i32>} : memref<128xi32, #tpu.memory_space<vmem>>, vector<16xi32>,
      %shift_right_arithmetic3A_673 = arith.constant 16 : i32
      %shift_right_arithmetic3A_674 = vector.broadcast %shift_right_arithmetic3A_673 : i32 to vector<16xi32>
      %shift_right_arithmetic3A_675 = arith.shrsi %get3A_667, %shift_right_arithmetic3A_674 : vector<16xi32>
      %swap3A_676 = arith.constant 16 : index
      %swap3A_677 = tpu.vector_load %arg17[%swap3A_676] {strides = array<i32>} : memref<128xi32, #tpu.memory_space<vmem>>, vector<16xi32>,
      tpu.vector_store %arg17[%swap3A_676], %shift_right_arithmetic3A_675 {strides = array<i32>} : memref<128xi32, #tpu.memory_space<vmem>>, vector<16xi32>,
      %get3A_678 = arith.index_cast %add3A_651 : i32 to index
      %get3A_679 = arith.constant 32 : index
      %get3A_680 = tpu.vector_load %arg11[%get3A_678, %get3A_679] {strides = array<i32>} : memref<160x128xi32, #tpu.memory_space<vmem>>, vector<16xi32>,
      %and3A_681 = arith.constant 65535 : i32
      %and3A_682 = vector.broadcast %and3A_681 : i32 to vector<16xi32>
      %and3A_683 = arith.andi %get3A_680, %and3A_682 : vector<16xi32>
      %swap3A_684 = arith.constant 32 : index
      %swap3A_685 = tpu.vector_load %arg20[%swap3A_684] {strides = array<i32>} : memref<128xi32, #tpu.memory_space<vmem>>, vector<16xi32>,
      tpu.vector_store %arg20[%swap3A_684], %and3A_683 {strides = array<i32>} : memref<128xi32, #tpu.memory_space<vmem>>, vector<16xi32>,
      %shift_right_arithmetic3A_686 = arith.constant 16 : i32
      %shift_right_arithmetic3A_687 = vector.broadcast %shift_right_arithmetic3A_686 : i32 to vector<16xi32>
      %shift_right_arithmetic3A_688 = arith.shrsi %get3A_680, %shift_right_arithmetic3A_687 : vector<16xi32>
      %swap3A_689 = arith.constant 32 : index
      %swap3A_690 = tpu.vector_load %arg17[%swap3A_689] {strides = array<i32>} : memref<128xi32, #tpu.memory_space<vmem>>, vector<16xi32>,
      tpu.vector_store %arg17[%swap3A_689], %shift_right_arithmetic3A_688 {strides = array<i32>} : memref<128xi32, #tpu.memory_space<vmem>>, vector<16xi32>,
      %get3A_691 = arith.index_cast %add3A_651 : i32 to index
      %get3A_692 = arith.constant 48 : index
      %get3A_693 = tpu.vector_load %arg11[%get3A_691, %get3A_692] {strides = array<i32>} : memref<160x128xi32, #tpu.memory_space<vmem>>, vector<16xi32>,
      %and3A_694 = arith.constant 65535 : i32
      %and3A_695 = vector.broadcast %and3A_694 : i32 to vector<16xi32>
      %and3A_696 = arith.andi %get3A_693, %and3A_695 : vector<16xi32>
      %swap3A_697 = arith.constant 48 : index
      %swap3A_698 = tpu.vector_load %arg20[%swap3A_697] {strides = array<i32>} : memref<128xi32, #tpu.memory_space<vmem>>, vector<16xi32>,
      tpu.vector_store %arg20[%swap3A_697], %and3A_696 {strides = array<i32>} : memref<128xi32, #tpu.memory_space<vmem>>, vector<16xi32>,
      %shift_right_arithmetic3A_699 = arith.constant 16 : i32
      %shift_right_arithmetic3A_700 = vector.broadcast %shift_right_arithmetic3A_699 : i32 to vector<16xi32>
      %shift_right_arithmetic3A_701 = arith.shrsi %get3A_693, %shift_right_arithmetic3A_700 : vector<16xi32>
      %swap3A_702 = arith.constant 48 : index
      %swap3A_703 = tpu.vector_load %arg17[%swap3A_702] {strides = array<i32>} : memref<128xi32, #tpu.memory_space<vmem>>, vector<16xi32>,
      tpu.vector_store %arg17[%swap3A_702], %shift_right_arithmetic3A_701 {strides = array<i32>} : memref<128xi32, #tpu.memory_space<vmem>>, vector<16xi32>,
      %get3A_704 = arith.index_cast %add3A_651 : i32 to index
      %get3A_705 = arith.constant 64 : index
      %get3A_706 = tpu.vector_load %arg11[%get3A_704, %get3A_705] {strides = array<i32>} : memref<160x128xi32, #tpu.memory_space<vmem>>, vector<16xi32>,
      %and3A_707 = arith.constant 65535 : i32
      %and3A_708 = vector.broadcast %and3A_707 : i32 to vector<16xi32>
      %and3A_709 = arith.andi %get3A_706, %and3A_708 : vector<16xi32>
      %swap3A_710 = arith.constant 64 : index
      %swap3A_711 = tpu.vector_load %arg20[%swap3A_710] {strides = array<i32>} : memref<128xi32, #tpu.memory_space<vmem>>, vector<16xi32>,
      tpu.vector_store %arg20[%swap3A_710], %and3A_709 {strides = array<i32>} : memref<128xi32, #tpu.memory_space<vmem>>, vector<16xi32>,
      %shift_right_arithmetic3A_712 = arith.constant 16 : i32
      %shift_right_arithmetic3A_713 = vector.broadcast %shift_right_arithmetic3A_712 : i32 to vector<16xi32>
      %shift_right_arithmetic3A_714 = arith.shrsi %get3A_706, %shift_right_arithmetic3A_713 : vector<16xi32>
      %swap3A_715 = arith.constant 64 : index
      %swap3A_716 = tpu.vector_load %arg17[%swap3A_715] {strides = array<i32>} : memref<128xi32, #tpu.memory_space<vmem>>, vector<16xi32>,
      tpu.vector_store %arg17[%swap3A_715], %shift_right_arithmetic3A_714 {strides = array<i32>} : memref<128xi32, #tpu.memory_space<vmem>>, vector<16xi32>,
      %get3A_717 = arith.index_cast %add3A_651 : i32 to index
      %get3A_718 = arith.constant 80 : index
      %get3A_719 = tpu.vector_load %arg11[%get3A_717, %get3A_718] {strides = array<i32>} : memref<160x128xi32, #tpu.memory_space<vmem>>, vector<16xi32>,
      %and3A_720 = arith.constant 65535 : i32
      %and3A_721 = vector.broadcast %and3A_720 : i32 to vector<16xi32>
      %and3A_722 = arith.andi %get3A_719, %and3A_721 : vector<16xi32>
      %swap3A_723 = arith.constant 80 : index
      %swap3A_724 = tpu.vector_load %arg20[%swap3A_723] {strides = array<i32>} : memref<128xi32, #tpu.memory_space<vmem>>, vector<16xi32>,
      tpu.vector_store %arg20[%swap3A_723], %and3A_722 {strides = array<i32>} : memref<128xi32, #tpu.memory_space<vmem>>, vector<16xi32>,
      %shift_right_arithmetic3A_725 = arith.constant 16 : i32
      %shift_right_arithmetic3A_726 = vector.broadcast %shift_right_arithmetic3A_725 : i32 to vector<16xi32>
      %shift_right_arithmetic3A_727 = arith.shrsi %get3A_719, %shift_right_arithmetic3A_726 : vector<16xi32>
      %swap3A_728 = arith.constant 80 : index
      %swap3A_729 = tpu.vector_load %arg17[%swap3A_728] {strides = array<i32>} : memref<128xi32, #tpu.memory_space<vmem>>, vector<16xi32>,
      tpu.vector_store %arg17[%swap3A_728], %shift_right_arithmetic3A_727 {strides = array<i32>} : memref<128xi32, #tpu.memory_space<vmem>>, vector<16xi32>,
      %get3A_730 = arith.index_cast %add3A_651 : i32 to index
      %get3A_731 = arith.constant 96 : index
      %get3A_732 = tpu.vector_load %arg11[%get3A_730, %get3A_731] {strides = array<i32>} : memref<160x128xi32, #tpu.memory_space<vmem>>, vector<16xi32>,
      %and3A_733 = arith.constant 65535 : i32
      %and3A_734 = vector.broadcast %and3A_733 : i32 to vector<16xi32>
      %and3A_735 = arith.andi %get3A_732, %and3A_734 : vector<16xi32>
      %swap3A_736 = arith.constant 96 : index
      %swap3A_737 = tpu.vector_load %arg20[%swap3A_736] {strides = array<i32>} : memref<128xi32, #tpu.memory_space<vmem>>, vector<16xi32>,
      tpu.vector_store %arg20[%swap3A_736], %and3A_735 {strides = array<i32>} : memref<128xi32, #tpu.memory_space<vmem>>, vector<16xi32>,
      %shift_right_arithmetic3A_738 = arith.constant 16 : i32
      %shift_right_arithmetic3A_739 = vector.broadcast %shift_right_arithmetic3A_738 : i32 to vector<16xi32>
      %shift_right_arithmetic3A_740 = arith.shrsi %get3A_732, %shift_right_arithmetic3A_739 : vector<16xi32>
      %swap3A_741 = arith.constant 96 : index
      %swap3A_742 = tpu.vector_load %arg17[%swap3A_741] {strides = array<i32>} : memref<128xi32, #tpu.memory_space<vmem>>, vector<16xi32>,
      tpu.vector_store %arg17[%swap3A_741], %shift_right_arithmetic3A_740 {strides = array<i32>} : memref<128xi32, #tpu.memory_space<vmem>>, vector<16xi32>,
      %get3A_743 = arith.index_cast %add3A_651 : i32 to index
      %get3A_744 = arith.constant 112 : index
      %get3A_745 = tpu.vector_load %arg11[%get3A_743, %get3A_744] {strides = array<i32>} : memref<160x128xi32, #tpu.memory_space<vmem>>, vector<16xi32>,
      %and3A_746 = arith.constant 65535 : i32
      %and3A_747 = vector.broadcast %and3A_746 : i32 to vector<16xi32>
      %and3A_748 = arith.andi %get3A_745, %and3A_747 : vector<16xi32>
      %swap3A_749 = arith.constant 112 : index
      %swap3A_750 = tpu.vector_load %arg20[%swap3A_749] {strides = array<i32>} : memref<128xi32, #tpu.memory_space<vmem>>, vector<16xi32>,
      tpu.vector_store %arg20[%swap3A_749], %and3A_748 {strides = array<i32>} : memref<128xi32, #tpu.memory_space<vmem>>, vector<16xi32>,
      %shift_right_arithmetic3A_751 = arith.constant 16 : i32
      %shift_right_arithmetic3A_752 = vector.broadcast %shift_right_arithmetic3A_751 : i32 to vector<16xi32>
      %shift_right_arithmetic3A_753 = arith.shrsi %get3A_745, %shift_right_arithmetic3A_752 : vector<16xi32>
      %swap3A_754 = arith.constant 112 : index
      %swap3A_755 = tpu.vector_load %arg17[%swap3A_754] {strides = array<i32>} : memref<128xi32, #tpu.memory_space<vmem>>, vector<16xi32>,
      tpu.vector_store %arg17[%swap3A_754], %shift_right_arithmetic3A_753 {strides = array<i32>} : memref<128xi32, #tpu.memory_space<vmem>>, vector<16xi32>,
      %dma_start3A_756 = arith.constant 0 : i32
      %dma_start3A_757 = tpu.memref_slice %arg10[%dma_start3A_756] : memref<10240xf32, #tpu.memory_space<vmem_shared>> -> memref<10240xf32, #tpu.memory_space<vmem_shared>>
      tpu.enqueue_indirect_dma source(%arg22 : memref<128xf32, #tpu.memory_space<vmem>>) target(%dma_start3A_757 : memref<10240xf32, #tpu.memory_space<vmem_shared>>) offsets(%arg20 : memref<128xi32, #tpu.memory_space<vmem>>) semaphore(%arg29 : memref<!tpu.dma_semaphore, #tpu.memory_space<semaphore_mem>>) {add = true}
      %dma_wait3A_758 = arith.constant 0 : i32
      %dma_wait3A_759 = tpu.memref_slice %arg10[%dma_wait3A_758] : memref<10240xf32, #tpu.memory_space<vmem_shared>> -> memref<10240xf32, #tpu.memory_space<vmem_shared>>
      tpu.wait_indirect_dma semaphore(%arg30 : memref<!tpu.dma_semaphore, #tpu.memory_space<semaphore_mem>>) src(%arg22 : memref<128xf32, #tpu.memory_space<vmem>>) dst(%dma_wait3A_759 : memref<10240xf32, #tpu.memory_space<vmem_shared>>)
      %mul3A_760 = arith.constant 3 : i32
      %mul3A_761 = arith.muli %mul3A_760, %scan3A_532 : i32
      %add3A_762 = arith.constant 2 : i32
      %add3A_763 = arith.addi %mul3A_761, %add3A_762 : i32
      %get3A_764 = arith.index_cast %add3A_763 : i32 to index
      %get3A_765 = arith.constant 0 : index
      %get3A_766 = tpu.vector_load %arg11[%get3A_764, %get3A_765] {strides = array<i32>} : memref<160x128xi32, #tpu.memory_space<vmem>>, vector<16xi32>,
      %and3A_767 = arith.constant 65535 : i32
      %and3A_768 = vector.broadcast %and3A_767 : i32 to vector<16xi32>
      %and3A_769 = arith.andi %get3A_766, %and3A_768 : vector<16xi32>
      %swap3A_770 = arith.constant 0 : index
      %swap3A_771 = tpu.vector_load %arg21[%swap3A_770] {strides = array<i32>} : memref<128xi32, #tpu.memory_space<vmem>>, vector<16xi32>,
      tpu.vector_store %arg21[%swap3A_770], %and3A_769 {strides = array<i32>} : memref<128xi32, #tpu.memory_space<vmem>>, vector<16xi32>,
      %shift_right_arithmetic3A_772 = arith.constant 16 : i32
      %shift_right_arithmetic3A_773 = vector.broadcast %shift_right_arithmetic3A_772 : i32 to vector<16xi32>
      %shift_right_arithmetic3A_774 = arith.shrsi %get3A_766, %shift_right_arithmetic3A_773 : vector<16xi32>
      %swap3A_775 = arith.constant 0 : index
      %swap3A_776 = tpu.vector_load %arg18[%swap3A_775] {strides = array<i32>} : memref<128xi32, #tpu.memory_space<vmem>>, vector<16xi32>,
      tpu.vector_store %arg18[%swap3A_775], %shift_right_arithmetic3A_774 {strides = array<i32>} : memref<128xi32, #tpu.memory_space<vmem>>, vector<16xi32>,
      %get3A_777 = arith.index_cast %add3A_763 : i32 to index
      %get3A_778 = arith.constant 16 : index
      %get3A_779 = tpu.vector_load %arg11[%get3A_777, %get3A_778] {strides = array<i32>} : memref<160x128xi32, #tpu.memory_space<vmem>>, vector<16xi32>,
      %and3A_780 = arith.constant 65535 : i32
      %and3A_781 = vector.broadcast %and3A_780 : i32 to vector<16xi32>
      %and3A_782 = arith.andi %get3A_779, %and3A_781 : vector<16xi32>
      %swap3A_783 = arith.constant 16 : index
      %swap3A_784 = tpu.vector_load %arg21[%swap3A_783] {strides = array<i32>} : memref<128xi32, #tpu.memory_space<vmem>>, vector<16xi32>,
      tpu.vector_store %arg21[%swap3A_783], %and3A_782 {strides = array<i32>} : memref<128xi32, #tpu.memory_space<vmem>>, vector<16xi32>,
      %shift_right_arithmetic3A_785 = arith.constant 16 : i32
      %shift_right_arithmetic3A_786 = vector.broadcast %shift_right_arithmetic3A_785 : i32 to vector<16xi32>
      %shift_right_arithmetic3A_787 = arith.shrsi %get3A_779, %shift_right_arithmetic3A_786 : vector<16xi32>
      %swap3A_788 = arith.constant 16 : index
      %swap3A_789 = tpu.vector_load %arg18[%swap3A_788] {strides = array<i32>} : memref<128xi32, #tpu.memory_space<vmem>>, vector<16xi32>,
      tpu.vector_store %arg18[%swap3A_788], %shift_right_arithmetic3A_787 {strides = array<i32>} : memref<128xi32, #tpu.memory_space<vmem>>, vector<16xi32>,
      %get3A_790 = arith.index_cast %add3A_763 : i32 to index
      %get3A_791 = arith.constant 32 : index
      %get3A_792 = tpu.vector_load %arg11[%get3A_790, %get3A_791] {strides = array<i32>} : memref<160x128xi32, #tpu.memory_space<vmem>>, vector<16xi32>,
      %and3A_793 = arith.constant 65535 : i32
      %and3A_794 = vector.broadcast %and3A_793 : i32 to vector<16xi32>
      %and3A_795 = arith.andi %get3A_792, %and3A_794 : vector<16xi32>
      %swap3A_796 = arith.constant 32 : index
      %swap3A_797 = tpu.vector_load %arg21[%swap3A_796] {strides = array<i32>} : memref<128xi32, #tpu.memory_space<vmem>>, vector<16xi32>,
      tpu.vector_store %arg21[%swap3A_796], %and3A_795 {strides = array<i32>} : memref<128xi32, #tpu.memory_space<vmem>>, vector<16xi32>,
      %shift_right_arithmetic3A_798 = arith.constant 16 : i32
      %shift_right_arithmetic3A_799 = vector.broadcast %shift_right_arithmetic3A_798 : i32 to vector<16xi32>
      %shift_right_arithmetic3A_800 = arith.shrsi %get3A_792, %shift_right_arithmetic3A_799 : vector<16xi32>
      %swap3A_801 = arith.constant 32 : index
      %swap3A_802 = tpu.vector_load %arg18[%swap3A_801] {strides = array<i32>} : memref<128xi32, #tpu.memory_space<vmem>>, vector<16xi32>,
      tpu.vector_store %arg18[%swap3A_801], %shift_right_arithmetic3A_800 {strides = array<i32>} : memref<128xi32, #tpu.memory_space<vmem>>, vector<16xi32>,
      %get3A_803 = arith.index_cast %add3A_763 : i32 to index
      %get3A_804 = arith.constant 48 : index
      %get3A_805 = tpu.vector_load %arg11[%get3A_803, %get3A_804] {strides = array<i32>} : memref<160x128xi32, #tpu.memory_space<vmem>>, vector<16xi32>,
      %and3A_806 = arith.constant 65535 : i32
      %and3A_807 = vector.broadcast %and3A_806 : i32 to vector<16xi32>
      %and3A_808 = arith.andi %get3A_805, %and3A_807 : vector<16xi32>
      %swap3A_809 = arith.constant 48 : index
      %swap3A_810 = tpu.vector_load %arg21[%swap3A_809] {strides = array<i32>} : memref<128xi32, #tpu.memory_space<vmem>>, vector<16xi32>,
      tpu.vector_store %arg21[%swap3A_809], %and3A_808 {strides = array<i32>} : memref<128xi32, #tpu.memory_space<vmem>>, vector<16xi32>,
      %shift_right_arithmetic3A_811 = arith.constant 16 : i32
      %shift_right_arithmetic3A_812 = vector.broadcast %shift_right_arithmetic3A_811 : i32 to vector<16xi32>
      %shift_right_arithmetic3A_813 = arith.shrsi %get3A_805, %shift_right_arithmetic3A_812 : vector<16xi32>
      %swap3A_814 = arith.constant 48 : index
      %swap3A_815 = tpu.vector_load %arg18[%swap3A_814] {strides = array<i32>} : memref<128xi32, #tpu.memory_space<vmem>>, vector<16xi32>,
      tpu.vector_store %arg18[%swap3A_814], %shift_right_arithmetic3A_813 {strides = array<i32>} : memref<128xi32, #tpu.memory_space<vmem>>, vector<16xi32>,
      %get3A_816 = arith.index_cast %add3A_763 : i32 to index
      %get3A_817 = arith.constant 64 : index
      %get3A_818 = tpu.vector_load %arg11[%get3A_816, %get3A_817] {strides = array<i32>} : memref<160x128xi32, #tpu.memory_space<vmem>>, vector<16xi32>,
      %and3A_819 = arith.constant 65535 : i32
      %and3A_820 = vector.broadcast %and3A_819 : i32 to vector<16xi32>
      %and3A_821 = arith.andi %get3A_818, %and3A_820 : vector<16xi32>
      %swap3A_822 = arith.constant 64 : index
      %swap3A_823 = tpu.vector_load %arg21[%swap3A_822] {strides = array<i32>} : memref<128xi32, #tpu.memory_space<vmem>>, vector<16xi32>,
      tpu.vector_store %arg21[%swap3A_822], %and3A_821 {strides = array<i32>} : memref<128xi32, #tpu.memory_space<vmem>>, vector<16xi32>,
      %shift_right_arithmetic3A_824 = arith.constant 16 : i32
      %shift_right_arithmetic3A_825 = vector.broadcast %shift_right_arithmetic3A_824 : i32 to vector<16xi32>
      %shift_right_arithmetic3A_826 = arith.shrsi %get3A_818, %shift_right_arithmetic3A_825 : vector<16xi32>
      %swap3A_827 = arith.constant 64 : index
      %swap3A_828 = tpu.vector_load %arg18[%swap3A_827] {strides = array<i32>} : memref<128xi32, #tpu.memory_space<vmem>>, vector<16xi32>,
      tpu.vector_store %arg18[%swap3A_827], %shift_right_arithmetic3A_826 {strides = array<i32>} : memref<128xi32, #tpu.memory_space<vmem>>, vector<16xi32>,
      %get3A_829 = arith.index_cast %add3A_763 : i32 to index
      %get3A_830 = arith.constant 80 : index
      %get3A_831 = tpu.vector_load %arg11[%get3A_829, %get3A_830] {strides = array<i32>} : memref<160x128xi32, #tpu.memory_space<vmem>>, vector<16xi32>,
      %and3A_832 = arith.constant 65535 : i32
      %and3A_833 = vector.broadcast %and3A_832 : i32 to vector<16xi32>
      %and3A_834 = arith.andi %get3A_831, %and3A_833 : vector<16xi32>
      %swap3A_835 = arith.constant 80 : index
      %swap3A_836 = tpu.vector_load %arg21[%swap3A_835] {strides = array<i32>} : memref<128xi32, #tpu.memory_space<vmem>>, vector<16xi32>,
      tpu.vector_store %arg21[%swap3A_835], %and3A_834 {strides = array<i32>} : memref<128xi32, #tpu.memory_space<vmem>>, vector<16xi32>,
      %shift_right_arithmetic3A_837 = arith.constant 16 : i32
      %shift_right_arithmetic3A_838 = vector.broadcast %shift_right_arithmetic3A_837 : i32 to vector<16xi32>
      %shift_right_arithmetic3A_839 = arith.shrsi %get3A_831, %shift_right_arithmetic3A_838 : vector<16xi32>
      %swap3A_840 = arith.constant 80 : index
      %swap3A_841 = tpu.vector_load %arg18[%swap3A_840] {strides = array<i32>} : memref<128xi32, #tpu.memory_space<vmem>>, vector<16xi32>,
      tpu.vector_store %arg18[%swap3A_840], %shift_right_arithmetic3A_839 {strides = array<i32>} : memref<128xi32, #tpu.memory_space<vmem>>, vector<16xi32>,
      %get3A_842 = arith.index_cast %add3A_763 : i32 to index
      %get3A_843 = arith.constant 96 : index
      %get3A_844 = tpu.vector_load %arg11[%get3A_842, %get3A_843] {strides = array<i32>} : memref<160x128xi32, #tpu.memory_space<vmem>>, vector<16xi32>,
      %and3A_845 = arith.constant 65535 : i32
      %and3A_846 = vector.broadcast %and3A_845 : i32 to vector<16xi32>
      %and3A_847 = arith.andi %get3A_844, %and3A_846 : vector<16xi32>
      %swap3A_848 = arith.constant 96 : index
      %swap3A_849 = tpu.vector_load %arg21[%swap3A_848] {strides = array<i32>} : memref<128xi32, #tpu.memory_space<vmem>>, vector<16xi32>,
      tpu.vector_store %arg21[%swap3A_848], %and3A_847 {strides = array<i32>} : memref<128xi32, #tpu.memory_space<vmem>>, vector<16xi32>,
      %shift_right_arithmetic3A_850 = arith.constant 16 : i32
      %shift_right_arithmetic3A_851 = vector.broadcast %shift_right_arithmetic3A_850 : i32 to vector<16xi32>
      %shift_right_arithmetic3A_852 = arith.shrsi %get3A_844, %shift_right_arithmetic3A_851 : vector<16xi32>
      %swap3A_853 = arith.constant 96 : index
      %swap3A_854 = tpu.vector_load %arg18[%swap3A_853] {strides = array<i32>} : memref<128xi32, #tpu.memory_space<vmem>>, vector<16xi32>,
      tpu.vector_store %arg18[%swap3A_853], %shift_right_arithmetic3A_852 {strides = array<i32>} : memref<128xi32, #tpu.memory_space<vmem>>, vector<16xi32>,
      %get3A_855 = arith.index_cast %add3A_763 : i32 to index
      %get3A_856 = arith.constant 112 : index
      %get3A_857 = tpu.vector_load %arg11[%get3A_855, %get3A_856] {strides = array<i32>} : memref<160x128xi32, #tpu.memory_space<vmem>>, vector<16xi32>,
      %and3A_858 = arith.constant 65535 : i32
      %and3A_859 = vector.broadcast %and3A_858 : i32 to vector<16xi32>
      %and3A_860 = arith.andi %get3A_857, %and3A_859 : vector<16xi32>
      %swap3A_861 = arith.constant 112 : index
      %swap3A_862 = tpu.vector_load %arg21[%swap3A_861] {strides = array<i32>} : memref<128xi32, #tpu.memory_space<vmem>>, vector<16xi32>,
      tpu.vector_store %arg21[%swap3A_861], %and3A_860 {strides = array<i32>} : memref<128xi32, #tpu.memory_space<vmem>>, vector<16xi32>,
      %shift_right_arithmetic3A_863 = arith.constant 16 : i32
      %shift_right_arithmetic3A_864 = vector.broadcast %shift_right_arithmetic3A_863 : i32 to vector<16xi32>
      %shift_right_arithmetic3A_865 = arith.shrsi %get3A_857, %shift_right_arithmetic3A_864 : vector<16xi32>
      %swap3A_866 = arith.constant 112 : index
      %swap3A_867 = tpu.vector_load %arg18[%swap3A_866] {strides = array<i32>} : memref<128xi32, #tpu.memory_space<vmem>>, vector<16xi32>,
      tpu.vector_store %arg18[%swap3A_866], %shift_right_arithmetic3A_865 {strides = array<i32>} : memref<128xi32, #tpu.memory_space<vmem>>, vector<16xi32>,
      %dma_start3A_868 = arith.constant 0 : i32
      %dma_start3A_869 = tpu.memref_slice %arg10[%dma_start3A_868] : memref<10240xf32, #tpu.memory_space<vmem_shared>> -> memref<10240xf32, #tpu.memory_space<vmem_shared>>
      tpu.enqueue_indirect_dma source(%arg22 : memref<128xf32, #tpu.memory_space<vmem>>) target(%dma_start3A_869 : memref<10240xf32, #tpu.memory_space<vmem_shared>>) offsets(%arg21 : memref<128xi32, #tpu.memory_space<vmem>>) semaphore(%arg30 : memref<!tpu.dma_semaphore, #tpu.memory_space<semaphore_mem>>) {add = true}
      %scan3A_870 = arith.constant 0 : i32
      scf.yield %scan3A_870 : i32
    }
    %scan3A_369 = arith.constant 52 : i32
    %dma_wait3A = arith.constant 0 : i32
    %dma_wait3A_370 = tpu.memref_slice %arg10[%dma_wait3A] : memref<10240xf32, #tpu.memory_space<vmem_shared>> -> memref<10240xf32, #tpu.memory_space<vmem_shared>>
    tpu.wait_indirect_dma semaphore(%arg28 : memref<!tpu.dma_semaphore, #tpu.memory_space<semaphore_mem>>) src(%arg22 : memref<128xf32, #tpu.memory_space<vmem>>) dst(%dma_wait3A_370 : memref<10240xf32, #tpu.memory_space<vmem_shared>>)
    %get3A_371 = arith.constant 159 : i32
    %get3A_372 = arith.index_cast %get3A_371 : i32 to index
    %get3A_373 = arith.constant 0 : index
    %get3A_374 = tpu.vector_load %arg11[%get3A_372, %get3A_373] {strides = array<i32>} : memref<160x128xi32, #tpu.memory_space<vmem>>, vector<16xi32>,
    %and3A_375 = arith.constant 65535 : i32
    %and3A_376 = vector.broadcast %and3A_375 : i32 to vector<16xi32>
    %and3A_377 = arith.andi %get3A_374, %and3A_376 : vector<16xi32>
    %swap3A_378 = arith.constant 0 : index
    %swap3A_379 = tpu.vector_load %arg19[%swap3A_378] {strides = array<i32>} : memref<128xi32, #tpu.memory_space<vmem>>, vector<16xi32>,
    tpu.vector_store %arg19[%swap3A_378], %and3A_377 {strides = array<i32>} : memref<128xi32, #tpu.memory_space<vmem>>, vector<16xi32>,
    %shift_right_arithmetic3A_380 = arith.constant 16 : i32
    %shift_right_arithmetic3A_381 = vector.broadcast %shift_right_arithmetic3A_380 : i32 to vector<16xi32>
    %shift_right_arithmetic3A_382 = arith.shrsi %get3A_374, %shift_right_arithmetic3A_381 : vector<16xi32>
    %swap3A_383 = arith.constant 0 : index
    %swap3A_384 = tpu.vector_load %arg16[%swap3A_383] {strides = array<i32>} : memref<128xi32, #tpu.memory_space<vmem>>, vector<16xi32>,
    tpu.vector_store %arg16[%swap3A_383], %shift_right_arithmetic3A_382 {strides = array<i32>} : memref<128xi32, #tpu.memory_space<vmem>>, vector<16xi32>,
    %get3A_385 = arith.constant 159 : i32
    %get3A_386 = arith.index_cast %get3A_385 : i32 to index
    %get3A_387 = arith.constant 16 : index
    %get3A_388 = tpu.vector_load %arg11[%get3A_386, %get3A_387] {strides = array<i32>} : memref<160x128xi32, #tpu.memory_space<vmem>>, vector<16xi32>,
    %and3A_389 = arith.constant 65535 : i32
    %and3A_390 = vector.broadcast %and3A_389 : i32 to vector<16xi32>
    %and3A_391 = arith.andi %get3A_388, %and3A_390 : vector<16xi32>
    %swap3A_392 = arith.constant 16 : index
    %swap3A_393 = tpu.vector_load %arg19[%swap3A_392] {strides = array<i32>} : memref<128xi32, #tpu.memory_space<vmem>>, vector<16xi32>,
    tpu.vector_store %arg19[%swap3A_392], %and3A_391 {strides = array<i32>} : memref<128xi32, #tpu.memory_space<vmem>>, vector<16xi32>,
    %shift_right_arithmetic3A_394 = arith.constant 16 : i32
    %shift_right_arithmetic3A_395 = vector.broadcast %shift_right_arithmetic3A_394 : i32 to vector<16xi32>
    %shift_right_arithmetic3A_396 = arith.shrsi %get3A_388, %shift_right_arithmetic3A_395 : vector<16xi32>
    %swap3A_397 = arith.constant 16 : index
    %swap3A_398 = tpu.vector_load %arg16[%swap3A_397] {strides = array<i32>} : memref<128xi32, #tpu.memory_space<vmem>>, vector<16xi32>,
    tpu.vector_store %arg16[%swap3A_397], %shift_right_arithmetic3A_396 {strides = array<i32>} : memref<128xi32, #tpu.memory_space<vmem>>, vector<16xi32>,
    %get3A_399 = arith.constant 159 : i32
    %get3A_400 = arith.index_cast %get3A_399 : i32 to index
    %get3A_401 = arith.constant 32 : index
    %get3A_402 = tpu.vector_load %arg11[%get3A_400, %get3A_401] {strides = array<i32>} : memref<160x128xi32, #tpu.memory_space<vmem>>, vector<16xi32>,
    %and3A_403 = arith.constant 65535 : i32
    %and3A_404 = vector.broadcast %and3A_403 : i32 to vector<16xi32>
    %and3A_405 = arith.andi %get3A_402, %and3A_404 : vector<16xi32>
    %swap3A_406 = arith.constant 32 : index
    %swap3A_407 = tpu.vector_load %arg19[%swap3A_406] {strides = array<i32>} : memref<128xi32, #tpu.memory_space<vmem>>, vector<16xi32>,
    tpu.vector_store %arg19[%swap3A_406], %and3A_405 {strides = array<i32>} : memref<128xi32, #tpu.memory_space<vmem>>, vector<16xi32>,
    %shift_right_arithmetic3A_408 = arith.constant 16 : i32
    %shift_right_arithmetic3A_409 = vector.broadcast %shift_right_arithmetic3A_408 : i32 to vector<16xi32>
    %shift_right_arithmetic3A_410 = arith.shrsi %get3A_402, %shift_right_arithmetic3A_409 : vector<16xi32>
    %swap3A_411 = arith.constant 32 : index
    %swap3A_412 = tpu.vector_load %arg16[%swap3A_411] {strides = array<i32>} : memref<128xi32, #tpu.memory_space<vmem>>, vector<16xi32>,
    tpu.vector_store %arg16[%swap3A_411], %shift_right_arithmetic3A_410 {strides = array<i32>} : memref<128xi32, #tpu.memory_space<vmem>>, vector<16xi32>,
    %get3A_413 = arith.constant 159 : i32
    %get3A_414 = arith.index_cast %get3A_413 : i32 to index
    %get3A_415 = arith.constant 48 : index
    %get3A_416 = tpu.vector_load %arg11[%get3A_414, %get3A_415] {strides = array<i32>} : memref<160x128xi32, #tpu.memory_space<vmem>>, vector<16xi32>,
    %and3A_417 = arith.constant 65535 : i32
    %and3A_418 = vector.broadcast %and3A_417 : i32 to vector<16xi32>
    %and3A_419 = arith.andi %get3A_416, %and3A_418 : vector<16xi32>
    %swap3A_420 = arith.constant 48 : index
    %swap3A_421 = tpu.vector_load %arg19[%swap3A_420] {strides = array<i32>} : memref<128xi32, #tpu.memory_space<vmem>>, vector<16xi32>,
    tpu.vector_store %arg19[%swap3A_420], %and3A_419 {strides = array<i32>} : memref<128xi32, #tpu.memory_space<vmem>>, vector<16xi32>,
    %shift_right_arithmetic3A_422 = arith.constant 16 : i32
    %shift_right_arithmetic3A_423 = vector.broadcast %shift_right_arithmetic3A_422 : i32 to vector<16xi32>
    %shift_right_arithmetic3A_424 = arith.shrsi %get3A_416, %shift_right_arithmetic3A_423 : vector<16xi32>
    %swap3A_425 = arith.constant 48 : index
    %swap3A_426 = tpu.vector_load %arg16[%swap3A_425] {strides = array<i32>} : memref<128xi32, #tpu.memory_space<vmem>>, vector<16xi32>,
    tpu.vector_store %arg16[%swap3A_425], %shift_right_arithmetic3A_424 {strides = array<i32>} : memref<128xi32, #tpu.memory_space<vmem>>, vector<16xi32>,
    %get3A_427 = arith.constant 159 : i32
    %get3A_428 = arith.index_cast %get3A_427 : i32 to index
    %get3A_429 = arith.constant 64 : index
    %get3A_430 = tpu.vector_load %arg11[%get3A_428, %get3A_429] {strides = array<i32>} : memref<160x128xi32, #tpu.memory_space<vmem>>, vector<16xi32>,
    %and3A_431 = arith.constant 65535 : i32
    %and3A_432 = vector.broadcast %and3A_431 : i32 to vector<16xi32>
    %and3A_433 = arith.andi %get3A_430, %and3A_432 : vector<16xi32>
    %swap3A_434 = arith.constant 64 : index
    %swap3A_435 = tpu.vector_load %arg19[%swap3A_434] {strides = array<i32>} : memref<128xi32, #tpu.memory_space<vmem>>, vector<16xi32>,
    tpu.vector_store %arg19[%swap3A_434], %and3A_433 {strides = array<i32>} : memref<128xi32, #tpu.memory_space<vmem>>, vector<16xi32>,
    %shift_right_arithmetic3A_436 = arith.constant 16 : i32
    %shift_right_arithmetic3A_437 = vector.broadcast %shift_right_arithmetic3A_436 : i32 to vector<16xi32>
    %shift_right_arithmetic3A_438 = arith.shrsi %get3A_430, %shift_right_arithmetic3A_437 : vector<16xi32>
    %swap3A_439 = arith.constant 64 : index
    %swap3A_440 = tpu.vector_load %arg16[%swap3A_439] {strides = array<i32>} : memref<128xi32, #tpu.memory_space<vmem>>, vector<16xi32>,
    tpu.vector_store %arg16[%swap3A_439], %shift_right_arithmetic3A_438 {strides = array<i32>} : memref<128xi32, #tpu.memory_space<vmem>>, vector<16xi32>,
    %get3A_441 = arith.constant 159 : i32
    %get3A_442 = arith.index_cast %get3A_441 : i32 to index
    %get3A_443 = arith.constant 80 : index
    %get3A_444 = tpu.vector_load %arg11[%get3A_442, %get3A_443] {strides = array<i32>} : memref<160x128xi32, #tpu.memory_space<vmem>>, vector<16xi32>,
    %and3A_445 = arith.constant 65535 : i32
    %and3A_446 = vector.broadcast %and3A_445 : i32 to vector<16xi32>
    %and3A_447 = arith.andi %get3A_444, %and3A_446 : vector<16xi32>
    %swap3A_448 = arith.constant 80 : index
    %swap3A_449 = tpu.vector_load %arg19[%swap3A_448] {strides = array<i32>} : memref<128xi32, #tpu.memory_space<vmem>>, vector<16xi32>,
    tpu.vector_store %arg19[%swap3A_448], %and3A_447 {strides = array<i32>} : memref<128xi32, #tpu.memory_space<vmem>>, vector<16xi32>,
    %shift_right_arithmetic3A_450 = arith.constant 16 : i32
    %shift_right_arithmetic3A_451 = vector.broadcast %shift_right_arithmetic3A_450 : i32 to vector<16xi32>
    %shift_right_arithmetic3A_452 = arith.shrsi %get3A_444, %shift_right_arithmetic3A_451 : vector<16xi32>
    %swap3A_453 = arith.constant 80 : index
    %swap3A_454 = tpu.vector_load %arg16[%swap3A_453] {strides = array<i32>} : memref<128xi32, #tpu.memory_space<vmem>>, vector<16xi32>,
    tpu.vector_store %arg16[%swap3A_453], %shift_right_arithmetic3A_452 {strides = array<i32>} : memref<128xi32, #tpu.memory_space<vmem>>, vector<16xi32>,
    %get3A_455 = arith.constant 159 : i32
    %get3A_456 = arith.index_cast %get3A_455 : i32 to index
    %get3A_457 = arith.constant 96 : index
    %get3A_458 = tpu.vector_load %arg11[%get3A_456, %get3A_457] {strides = array<i32>} : memref<160x128xi32, #tpu.memory_space<vmem>>, vector<16xi32>,
    %and3A_459 = arith.constant 65535 : i32
    %and3A_460 = vector.broadcast %and3A_459 : i32 to vector<16xi32>
    %and3A_461 = arith.andi %get3A_458, %and3A_460 : vector<16xi32>
    %swap3A_462 = arith.constant 96 : index
    %swap3A_463 = tpu.vector_load %arg19[%swap3A_462] {strides = array<i32>} : memref<128xi32, #tpu.memory_space<vmem>>, vector<16xi32>,
    tpu.vector_store %arg19[%swap3A_462], %and3A_461 {strides = array<i32>} : memref<128xi32, #tpu.memory_space<vmem>>, vector<16xi32>,
    %shift_right_arithmetic3A_464 = arith.constant 16 : i32
    %shift_right_arithmetic3A_465 = vector.broadcast %shift_right_arithmetic3A_464 : i32 to vector<16xi32>
    %shift_right_arithmetic3A_466 = arith.shrsi %get3A_458, %shift_right_arithmetic3A_465 : vector<16xi32>
    %swap3A_467 = arith.constant 96 : index
    %swap3A_468 = tpu.vector_load %arg16[%swap3A_467] {strides = array<i32>} : memref<128xi32, #tpu.memory_space<vmem>>, vector<16xi32>,
    tpu.vector_store %arg16[%swap3A_467], %shift_right_arithmetic3A_466 {strides = array<i32>} : memref<128xi32, #tpu.memory_space<vmem>>, vector<16xi32>,
    %get3A_469 = arith.constant 159 : i32
    %get3A_470 = arith.index_cast %get3A_469 : i32 to index
    %get3A_471 = arith.constant 112 : index
    %get3A_472 = tpu.vector_load %arg11[%get3A_470, %get3A_471] {strides = array<i32>} : memref<160x128xi32, #tpu.memory_space<vmem>>, vector<16xi32>,
    %and3A_473 = arith.constant 65535 : i32
    %and3A_474 = vector.broadcast %and3A_473 : i32 to vector<16xi32>
    %and3A_475 = arith.andi %get3A_472, %and3A_474 : vector<16xi32>
    %swap3A_476 = arith.constant 112 : index
    %swap3A_477 = tpu.vector_load %arg19[%swap3A_476] {strides = array<i32>} : memref<128xi32, #tpu.memory_space<vmem>>, vector<16xi32>,
    tpu.vector_store %arg19[%swap3A_476], %and3A_475 {strides = array<i32>} : memref<128xi32, #tpu.memory_space<vmem>>, vector<16xi32>,
    %shift_right_arithmetic3A_478 = arith.constant 16 : i32
    %shift_right_arithmetic3A_479 = vector.broadcast %shift_right_arithmetic3A_478 : i32 to vector<16xi32>
    %shift_right_arithmetic3A_480 = arith.shrsi %get3A_472, %shift_right_arithmetic3A_479 : vector<16xi32>
    %swap3A_481 = arith.constant 112 : index
    %swap3A_482 = tpu.vector_load %arg16[%swap3A_481] {strides = array<i32>} : memref<128xi32, #tpu.memory_space<vmem>>, vector<16xi32>,
    tpu.vector_store %arg16[%swap3A_481], %shift_right_arithmetic3A_480 {strides = array<i32>} : memref<128xi32, #tpu.memory_space<vmem>>, vector<16xi32>,
    %dma_start3A_483 = arith.constant 0 : i32
    %dma_start3A_484 = tpu.memref_slice %arg10[%dma_start3A_483] : memref<10240xf32, #tpu.memory_space<vmem_shared>> -> memref<10240xf32, #tpu.memory_space<vmem_shared>>
    tpu.enqueue_indirect_dma source(%arg22 : memref<128xf32, #tpu.memory_space<vmem>>) target(%dma_start3A_484 : memref<10240xf32, #tpu.memory_space<vmem_shared>>) offsets(%arg19 : memref<128xi32, #tpu.memory_space<vmem>>) semaphore(%arg28 : memref<!tpu.dma_semaphore, #tpu.memory_space<semaphore_mem>>) {add = true}
    %dma_wait3A_485 = arith.constant 0 : i32
    %dma_wait3A_486 = tpu.memref_slice %arg10[%dma_wait3A_485] : memref<10240xf32, #tpu.memory_space<vmem_shared>> -> memref<10240xf32, #tpu.memory_space<vmem_shared>>
    tpu.wait_indirect_dma semaphore(%arg29 : memref<!tpu.dma_semaphore, #tpu.memory_space<semaphore_mem>>) src(%arg22 : memref<128xf32, #tpu.memory_space<vmem>>) dst(%dma_wait3A_486 : memref<10240xf32, #tpu.memory_space<vmem_shared>>)
    %dma_wait3A_487 = arith.constant 0 : i32
    %dma_wait3A_488 = tpu.memref_slice %arg10[%dma_wait3A_487] : memref<10240xf32, #tpu.memory_space<vmem_shared>> -> memref<10240xf32, #tpu.memory_space<vmem_shared>>
    tpu.wait_indirect_dma semaphore(%arg30 : memref<!tpu.dma_semaphore, #tpu.memory_space<semaphore_mem>>) src(%arg22 : memref<128xf32, #tpu.memory_space<vmem>>) dst(%dma_wait3A_488 : memref<10240xf32, #tpu.memory_space<vmem_shared>>)
    %dma_wait3A_489 = arith.constant 0 : i32
    %dma_wait3A_490 = tpu.memref_slice %arg10[%dma_wait3A_489] : memref<10240xf32, #tpu.memory_space<vmem_shared>> -> memref<10240xf32, #tpu.memory_space<vmem_shared>>
    tpu.wait_indirect_dma semaphore(%arg28 : memref<!tpu.dma_semaphore, #tpu.memory_space<semaphore_mem>>) src(%arg22 : memref<128xf32, #tpu.memory_space<vmem>>) dst(%dma_wait3A_490 : memref<10240xf32, #tpu.memory_space<vmem_shared>>)
    %barrier3A_491 = arith.constant 0 : index
    tpu.barrier barrier_id(%barrier3A_491)
    "tpu.region"() ({
      %run_scoped3A = tpu.sem_alloc : memref<!tpu.dma_semaphore, #tpu.memory_space<semaphore_mem>>
      %dma_start3A_532 = tpu.memref_slice %arg10[%mul3A_0] : memref<10240xf32, #tpu.memory_space<vmem_shared>> -> memref<640xf32, #tpu.memory_space<vmem_shared>>
      %dma_start3A_533 = tpu.memref_slice %arg10[%mul3A_0] : memref<10240xf32, #tpu.memory_space<vmem_shared>> -> memref<640xf32, #tpu.memory_space<vmem_shared>>
      tpu.enqueue_dma source(%dma_start3A_533 : memref<640xf32, #tpu.memory_space<vmem_shared>>) target(%arg12 : memref<640xf32, #tpu.memory_space<vmem>>) target_semaphore(%run_scoped3A : memref<!tpu.dma_semaphore, #tpu.memory_space<semaphore_mem>>)
      %dma_wait3A_534 = tpu.memref_slice %arg10[%mul3A_0] : memref<10240xf32, #tpu.memory_space<vmem_shared>> -> memref<640xf32, #tpu.memory_space<vmem_shared>>
      %dma_wait3A_535 = tpu.memref_slice %arg10[%mul3A_0] : memref<10240xf32, #tpu.memory_space<vmem_shared>> -> memref<640xf32, #tpu.memory_space<vmem_shared>>
      tpu.wait_dma2 semaphore(%run_scoped3A : memref<!tpu.dma_semaphore, #tpu.memory_space<semaphore_mem>>) src(%dma_wait3A_535 : memref<640xf32, #tpu.memory_space<vmem_shared>>) dst(%arg12 : memref<640xf32, #tpu.memory_space<vmem>>)
      tpu.yield
    }) : () -> ()
    %scan3A_492 = arith.constant 0 : i32
    %scan3A_493 = arith.constant 0 : i32
    %scan3A_494 = arith.constant 40 : i32
    %scan3A_495 = arith.addi %scan3A_493, %scan3A_494 : i32
    %scan3A_496 = arith.constant 1 : i32
    %scan3A_497 = scf.for %scan3A_532 = %scan3A_493 to %scan3A_495 step %scan3A_496 iter_args(%scan3A_533 = %scan3A_492) -> (i32)  : i32 {
      %mul3A_534 = arith.constant 16 : i32
      %mul3A_535 = arith.muli %scan3A_532, %mul3A_534 : i32
      %get3A_536 = arith.index_cast %mul3A_535 : i32 to index
      %get3A_537 = tpu.vector_load %arg12[%get3A_536] {strides = array<i32>} : memref<640xf32, #tpu.memory_space<vmem>>, vector<16xf32>,
      %add3A_538 = arith.constant 1.000000e+00 : f32
      %add3A_539 = vector.broadcast %add3A_538 : f32 to vector<16xf32>
      %add3A_540 = arith.addf %get3A_537, %add3A_539 : vector<16xf32>
      %bitcast_convert_type3A = tpu.bitcast %add3A_540 : vector<16xf32> -> vector<16xi32>
      %shift_right_arithmetic3A_541 = arith.constant 1 : i32
      %shift_right_arithmetic3A_542 = vector.broadcast %shift_right_arithmetic3A_541 : i32 to vector<16xi32>
      %shift_right_arithmetic3A_543 = arith.shrsi %bitcast_convert_type3A, %shift_right_arithmetic3A_542 : vector<16xi32>
      %sub3A = arith.constant 1597463007 : i32
      %sub3A_544 = vector.broadcast %sub3A : i32 to vector<16xi32>
      %sub3A_545 = arith.subi %sub3A_544, %shift_right_arithmetic3A_543 : vector<16xi32>
      %bitcast_convert_type3A_546 = tpu.bitcast %sub3A_545 : vector<16xi32> -> vector<16xf32>
      %mul3A_547 = arith.constant 5.000000e-01 : f32
      %mul3A_548 = vector.broadcast %mul3A_547 : f32 to vector<16xf32>
      %mul3A_549 = arith.mulf %mul3A_548, %add3A_540 : vector<16xf32>
      %mul3A_550 = arith.mulf %mul3A_549, %bitcast_convert_type3A_546 : vector<16xf32>
      %mul3A_551 = arith.mulf %mul3A_550, %bitcast_convert_type3A_546 : vector<16xf32>
      %sub3A_552 = arith.constant 1.500000e+00 : f32
      %sub3A_553 = vector.broadcast %sub3A_552 : f32 to vector<16xf32>
      %sub3A_554 = arith.subf %sub3A_553, %mul3A_551 : vector<16xf32>
      %mul3A_555 = arith.mulf %bitcast_convert_type3A_546, %sub3A_554 : vector<16xf32>
      %mul3A_556 = arith.constant 5.000000e-01 : f32
      %mul3A_557 = vector.broadcast %mul3A_556 : f32 to vector<16xf32>
      %mul3A_558 = arith.mulf %mul3A_557, %add3A_540 : vector<16xf32>
      %mul3A_559 = arith.mulf %mul3A_558, %mul3A_555 : vector<16xf32>
      %mul3A_560 = arith.mulf %mul3A_559, %mul3A_555 : vector<16xf32>
      %sub3A_561 = arith.constant 1.500000e+00 : f32
      %sub3A_562 = vector.broadcast %sub3A_561 : f32 to vector<16xf32>
      %sub3A_563 = arith.subf %sub3A_562, %mul3A_560 : vector<16xf32>
      %mul3A_564 = arith.mulf %mul3A_555, %sub3A_563 : vector<16xf32>
      %mul3A_565 = arith.constant 5.000000e-01 : f32
      %mul3A_566 = vector.broadcast %mul3A_565 : f32 to vector<16xf32>
      %mul3A_567 = arith.mulf %mul3A_566, %add3A_540 : vector<16xf32>
      %mul3A_568 = arith.mulf %mul3A_567, %mul3A_564 : vector<16xf32>
      %mul3A_569 = arith.mulf %mul3A_568, %mul3A_564 : vector<16xf32>
      %sub3A_570 = arith.constant 1.500000e+00 : f32
      %sub3A_571 = vector.broadcast %sub3A_570 : f32 to vector<16xf32>
      %sub3A_572 = arith.subf %sub3A_571, %mul3A_569 : vector<16xf32>
      %mul3A_573 = arith.mulf %mul3A_564, %sub3A_572 : vector<16xf32>
      %mul3A_574 = arith.constant 16 : i32
      %mul3A_575 = arith.muli %scan3A_532, %mul3A_574 : i32
      %swap3A_576 = arith.index_cast %mul3A_575 : i32 to index
      %swap3A_577 = tpu.vector_load %arg12[%swap3A_576] {strides = array<i32>} : memref<640xf32, #tpu.memory_space<vmem>>, vector<16xf32>,
      tpu.vector_store %arg12[%swap3A_576], %mul3A_573 {strides = array<i32>} : memref<640xf32, #tpu.memory_space<vmem>>, vector<16xf32>,
      %scan3A_578 = arith.constant 0 : i32
      scf.yield %scan3A_578 : i32
    }
    %scan3A_498 = arith.constant 40 : i32
    %scan3A_499 = arith.constant 0 : i32
    %scan3A_500 = arith.constant 0 : i32
    %scan3A_501 = arith.constant 5 : i32
    %scan3A_502 = arith.addi %scan3A_500, %scan3A_501 : i32
    %scan3A_503 = arith.constant 1 : i32
    %scan3A_504 = scf.for %scan3A_532 = %scan3A_500 to %scan3A_502 step %scan3A_503 iter_args(%scan3A_533 = %scan3A_499) -> (i32)  : i32 {
      %mul3A_534 = arith.constant 128 : i32
      %mul3A_535 = arith.muli %scan3A_532, %mul3A_534 : i32
      %add3A_536 = arith.addi %mul3A_2, %mul3A_0 : i32
      %add3A_537 = arith.addi %add3A_536, %mul3A_535 : i32
      "tpu.region"() ({
        %run_scoped3A = tpu.sem_alloc : memref<!tpu.dma_semaphore, #tpu.memory_space<semaphore_mem>>
        %dma_start3A_547 = arith.constant 0 : i32
        %dma_start3A_548 = tpu.memref_slice %arg2[%add3A_537, %dma_start3A_547] : memref<20480x64xf32, #tpu.memory_space<hbm>> -> memref<128x64xf32, #tpu.memory_space<hbm>>
        %dma_start3A_549 = arith.constant 0 : i32
        %dma_start3A_550 = tpu.memref_slice %arg2[%add3A_537, %dma_start3A_549] : memref<20480x64xf32, #tpu.memory_space<hbm>> -> memref<128x64xf32, #tpu.memory_space<hbm>>
        tpu.enqueue_dma source(%dma_start3A_550 : memref<128x64xf32, #tpu.memory_space<hbm>>) target(%arg13 : memref<128x64xf32, #tpu.memory_space<vmem>>) target_semaphore(%run_scoped3A : memref<!tpu.dma_semaphore, #tpu.memory_space<semaphore_mem>>)
        %dma_wait3A_551 = arith.constant 0 : i32
        %dma_wait3A_552 = tpu.memref_slice %arg2[%add3A_537, %dma_wait3A_551] : memref<20480x64xf32, #tpu.memory_space<hbm>> -> memref<128x64xf32, #tpu.memory_space<hbm>>
        %dma_wait3A_553 = arith.constant 0 : i32
        %dma_wait3A_554 = tpu.memref_slice %arg2[%add3A_537, %dma_wait3A_553] : memref<20480x64xf32, #tpu.memory_space<hbm>> -> memref<128x64xf32, #tpu.memory_space<hbm>>
        tpu.wait_dma2 semaphore(%run_scoped3A : memref<!tpu.dma_semaphore, #tpu.memory_space<semaphore_mem>>) src(%dma_wait3A_554 : memref<128x64xf32, #tpu.memory_space<hbm>>) dst(%arg13 : memref<128x64xf32, #tpu.memory_space<vmem>>)
        tpu.yield
      }) : () -> ()
      %scan3A_538 = arith.constant 0 : i32
      %scan3A_539 = arith.constant 0 : i32
      %scan3A_540 = arith.constant 128 : i32
      %scan3A_541 = arith.addi %scan3A_539, %scan3A_540 : i32
      %scan3A_542 = arith.constant 1 : i32
      %scan3A_543 = scf.for %scan3A_547 = %scan3A_539 to %scan3A_541 step %scan3A_542 iter_args(%scan3A_548 = %scan3A_538) -> (i32)  : i32 {
        %add3A_549 = arith.addi %mul3A_535, %scan3A_547 : i32
        %broadcast_in_dim3A_550 = vector.broadcast %add3A_549 : i32 to vector<16xi32>
        %gather3A = tpu.vector_load_idx %arg12[%broadcast_in_dim3A_550] : memref<640xf32, #tpu.memory_space<vmem>>[vector<16xi32>], vector<16xf32>,
        %get3A_551 = arith.index_cast %scan3A_547 : i32 to index
        %get3A_552 = arith.constant 0 : index
        %get3A_553 = tpu.vector_load %arg13[%get3A_551, %get3A_552] {strides = array<i32>} : memref<128x64xf32, #tpu.memory_space<vmem>>, vector<16xf32>,
        %mul3A_554 = arith.mulf %gather3A, %get3A_553 : vector<16xf32>
        %swap3A_555 = arith.index_cast %scan3A_547 : i32 to index
        %swap3A_556 = arith.constant 0 : index
        %swap3A_557 = tpu.vector_load %arg15[%swap3A_555, %swap3A_556] {strides = array<i32>} : memref<128x64xf32, #tpu.memory_space<vmem>>, vector<16xf32>,
        tpu.vector_store %arg15[%swap3A_555, %swap3A_556], %mul3A_554 {strides = array<i32>} : memref<128x64xf32, #tpu.memory_space<vmem>>, vector<16xf32>,
        %get3A_558 = arith.index_cast %scan3A_547 : i32 to index
        %get3A_559 = arith.constant 16 : index
        %get3A_560 = tpu.vector_load %arg13[%get3A_558, %get3A_559] {strides = array<i32>} : memref<128x64xf32, #tpu.memory_space<vmem>>, vector<16xf32>,
        %mul3A_561 = arith.mulf %gather3A, %get3A_560 : vector<16xf32>
        %swap3A_562 = arith.index_cast %scan3A_547 : i32 to index
        %swap3A_563 = arith.constant 16 : index
        %swap3A_564 = tpu.vector_load %arg15[%swap3A_562, %swap3A_563] {strides = array<i32>} : memref<128x64xf32, #tpu.memory_space<vmem>>, vector<16xf32>,
        tpu.vector_store %arg15[%swap3A_562, %swap3A_563], %mul3A_561 {strides = array<i32>} : memref<128x64xf32, #tpu.memory_space<vmem>>, vector<16xf32>,
        %get3A_565 = arith.index_cast %scan3A_547 : i32 to index
        %get3A_566 = arith.constant 32 : index
        %get3A_567 = tpu.vector_load %arg13[%get3A_565, %get3A_566] {strides = array<i32>} : memref<128x64xf32, #tpu.memory_space<vmem>>, vector<16xf32>,
        %mul3A_568 = arith.mulf %gather3A, %get3A_567 : vector<16xf32>
        %swap3A_569 = arith.index_cast %scan3A_547 : i32 to index
        %swap3A_570 = arith.constant 32 : index
        %swap3A_571 = tpu.vector_load %arg15[%swap3A_569, %swap3A_570] {strides = array<i32>} : memref<128x64xf32, #tpu.memory_space<vmem>>, vector<16xf32>,
        tpu.vector_store %arg15[%swap3A_569, %swap3A_570], %mul3A_568 {strides = array<i32>} : memref<128x64xf32, #tpu.memory_space<vmem>>, vector<16xf32>,
        %get3A_572 = arith.index_cast %scan3A_547 : i32 to index
        %get3A_573 = arith.constant 48 : index
        %get3A_574 = tpu.vector_load %arg13[%get3A_572, %get3A_573] {strides = array<i32>} : memref<128x64xf32, #tpu.memory_space<vmem>>, vector<16xf32>,
        %mul3A_575 = arith.mulf %gather3A, %get3A_574 : vector<16xf32>
        %swap3A_576 = arith.index_cast %scan3A_547 : i32 to index
        %swap3A_577 = arith.constant 48 : index
        %swap3A_578 = tpu.vector_load %arg15[%swap3A_576, %swap3A_577] {strides = array<i32>} : memref<128x64xf32, #tpu.memory_space<vmem>>, vector<16xf32>,
        tpu.vector_store %arg15[%swap3A_576, %swap3A_577], %mul3A_575 {strides = array<i32>} : memref<128x64xf32, #tpu.memory_space<vmem>>, vector<16xf32>,
        %scan3A_579 = arith.constant 0 : i32
        scf.yield %scan3A_579 : i32
      }
      %scan3A_544 = arith.constant 128 : i32
      %add3A_545 = arith.addi %mul3A_0, %mul3A_535 : i32
      "tpu.region"() ({
        %run_scoped3A = tpu.sem_alloc : memref<!tpu.dma_semaphore, #tpu.memory_space<semaphore_mem>>
        %dma_start3A_547 = arith.constant 0 : i32
        %dma_start3A_548 = tpu.memref_slice %arg9[%add3A_545, %dma_start3A_547] : memref<10240x64xf32, #tpu.memory_space<vmem_shared>> -> memref<128x64xf32, #tpu.memory_space<vmem_shared>>
        %dma_start3A_549 = arith.constant 0 : i32
        %dma_start3A_550 = tpu.memref_slice %arg9[%add3A_545, %dma_start3A_549] : memref<10240x64xf32, #tpu.memory_space<vmem_shared>> -> memref<128x64xf32, #tpu.memory_space<vmem_shared>>
        tpu.enqueue_dma source(%arg15 : memref<128x64xf32, #tpu.memory_space<vmem>>) target(%dma_start3A_550 : memref<128x64xf32, #tpu.memory_space<vmem_shared>>) target_semaphore(%run_scoped3A : memref<!tpu.dma_semaphore, #tpu.memory_space<semaphore_mem>>)
        %dma_wait3A_551 = arith.constant 0 : i32
        %dma_wait3A_552 = tpu.memref_slice %arg9[%add3A_545, %dma_wait3A_551] : memref<10240x64xf32, #tpu.memory_space<vmem_shared>> -> memref<128x64xf32, #tpu.memory_space<vmem_shared>>
        %dma_wait3A_553 = arith.constant 0 : i32
        %dma_wait3A_554 = tpu.memref_slice %arg9[%add3A_545, %dma_wait3A_553] : memref<10240x64xf32, #tpu.memory_space<vmem_shared>> -> memref<128x64xf32, #tpu.memory_space<vmem_shared>>
        tpu.wait_dma2 semaphore(%run_scoped3A : memref<!tpu.dma_semaphore, #tpu.memory_space<semaphore_mem>>) src(%arg15 : memref<128x64xf32, #tpu.memory_space<vmem>>) dst(%dma_wait3A_554 : memref<128x64xf32, #tpu.memory_space<vmem_shared>>)
        tpu.yield
      }) : () -> ()
      %scan3A_546 = arith.constant 0 : i32
      scf.yield %scan3A_546 : i32
    }
    %scan3A_505 = arith.constant 5 : i32
    %barrier3A_506 = arith.constant 0 : index
    tpu.barrier barrier_id(%barrier3A_506)
    %scan3A_507 = arith.constant 0 : i32
    %scan3A_508 = arith.constant 0 : i32
    %scan3A_509 = arith.constant 11 : i32
    %scan3A_510 = arith.addi %scan3A_508, %scan3A_509 : i32
    %scan3A_511 = arith.constant 1 : i32
    %scan3A_512 = scf.for %scan3A_532 = %scan3A_508 to %scan3A_510 step %scan3A_511 iter_args(%scan3A_533 = %scan3A_507) -> (i32)  : i32 {
      %get3A_534 = arith.constant 0 : i32
      %get3A_535 = arith.index_cast %get3A_534 : i32 to index
      %get3A_536 = arith.constant 0 : index
      %get3A_537 = tpu.vector_load %arg11[%get3A_535, %get3A_536] {strides = array<i32>} : memref<160x128xi32, #tpu.memory_space<vmem>>, vector<16xi32>,
      %and3A_538 = arith.constant 65535 : i32
      %and3A_539 = vector.broadcast %and3A_538 : i32 to vector<16xi32>
      %and3A_540 = arith.andi %get3A_537, %and3A_539 : vector<16xi32>
      %swap3A_541 = arith.constant 0 : index
      %swap3A_542 = tpu.vector_load %arg19[%swap3A_541] {strides = array<i32>} : memref<128xi32, #tpu.memory_space<vmem>>, vector<16xi32>,
      tpu.vector_store %arg19[%swap3A_541], %and3A_540 {strides = array<i32>} : memref<128xi32, #tpu.memory_space<vmem>>, vector<16xi32>,
      %shift_right_arithmetic3A_543 = arith.constant 16 : i32
      %shift_right_arithmetic3A_544 = vector.broadcast %shift_right_arithmetic3A_543 : i32 to vector<16xi32>
      %shift_right_arithmetic3A_545 = arith.shrsi %get3A_537, %shift_right_arithmetic3A_544 : vector<16xi32>
      %swap3A_546 = arith.constant 0 : index
      %swap3A_547 = tpu.vector_load %arg16[%swap3A_546] {strides = array<i32>} : memref<128xi32, #tpu.memory_space<vmem>>, vector<16xi32>,
      tpu.vector_store %arg16[%swap3A_546], %shift_right_arithmetic3A_545 {strides = array<i32>} : memref<128xi32, #tpu.memory_space<vmem>>, vector<16xi32>,
      %get3A_548 = arith.constant 0 : i32
      %get3A_549 = arith.index_cast %get3A_548 : i32 to index
      %get3A_550 = arith.constant 16 : index
      %get3A_551 = tpu.vector_load %arg11[%get3A_549, %get3A_550] {strides = array<i32>} : memref<160x128xi32, #tpu.memory_space<vmem>>, vector<16xi32>,
      %and3A_552 = arith.constant 65535 : i32
      %and3A_553 = vector.broadcast %and3A_552 : i32 to vector<16xi32>
      %and3A_554 = arith.andi %get3A_551, %and3A_553 : vector<16xi32>
      %swap3A_555 = arith.constant 16 : index
      %swap3A_556 = tpu.vector_load %arg19[%swap3A_555] {strides = array<i32>} : memref<128xi32, #tpu.memory_space<vmem>>, vector<16xi32>,
      tpu.vector_store %arg19[%swap3A_555], %and3A_554 {strides = array<i32>} : memref<128xi32, #tpu.memory_space<vmem>>, vector<16xi32>,
      %shift_right_arithmetic3A_557 = arith.constant 16 : i32
      %shift_right_arithmetic3A_558 = vector.broadcast %shift_right_arithmetic3A_557 : i32 to vector<16xi32>
      %shift_right_arithmetic3A_559 = arith.shrsi %get3A_551, %shift_right_arithmetic3A_558 : vector<16xi32>
      %swap3A_560 = arith.constant 16 : index
      %swap3A_561 = tpu.vector_load %arg16[%swap3A_560] {strides = array<i32>} : memref<128xi32, #tpu.memory_space<vmem>>, vector<16xi32>,
      tpu.vector_store %arg16[%swap3A_560], %shift_right_arithmetic3A_559 {strides = array<i32>} : memref<128xi32, #tpu.memory_space<vmem>>, vector<16xi32>,
      %get3A_562 = arith.constant 0 : i32
      %get3A_563 = arith.index_cast %get3A_562 : i32 to index
      %get3A_564 = arith.constant 32 : index
      %get3A_565 = tpu.vector_load %arg11[%get3A_563, %get3A_564] {strides = array<i32>} : memref<160x128xi32, #tpu.memory_space<vmem>>, vector<16xi32>,
      %and3A_566 = arith.constant 65535 : i32
      %and3A_567 = vector.broadcast %and3A_566 : i32 to vector<16xi32>
      %and3A_568 = arith.andi %get3A_565, %and3A_567 : vector<16xi32>
      %swap3A_569 = arith.constant 32 : index
      %swap3A_570 = tpu.vector_load %arg19[%swap3A_569] {strides = array<i32>} : memref<128xi32, #tpu.memory_space<vmem>>, vector<16xi32>,
      tpu.vector_store %arg19[%swap3A_569], %and3A_568 {strides = array<i32>} : memref<128xi32, #tpu.memory_space<vmem>>, vector<16xi32>,
      %shift_right_arithmetic3A_571 = arith.constant 16 : i32
      %shift_right_arithmetic3A_572 = vector.broadcast %shift_right_arithmetic3A_571 : i32 to vector<16xi32>
      %shift_right_arithmetic3A_573 = arith.shrsi %get3A_565, %shift_right_arithmetic3A_572 : vector<16xi32>
      %swap3A_574 = arith.constant 32 : index
      %swap3A_575 = tpu.vector_load %arg16[%swap3A_574] {strides = array<i32>} : memref<128xi32, #tpu.memory_space<vmem>>, vector<16xi32>,
      tpu.vector_store %arg16[%swap3A_574], %shift_right_arithmetic3A_573 {strides = array<i32>} : memref<128xi32, #tpu.memory_space<vmem>>, vector<16xi32>,
      %get3A_576 = arith.constant 0 : i32
      %get3A_577 = arith.index_cast %get3A_576 : i32 to index
      %get3A_578 = arith.constant 48 : index
      %get3A_579 = tpu.vector_load %arg11[%get3A_577, %get3A_578] {strides = array<i32>} : memref<160x128xi32, #tpu.memory_space<vmem>>, vector<16xi32>,
      %and3A_580 = arith.constant 65535 : i32
      %and3A_581 = vector.broadcast %and3A_580 : i32 to vector<16xi32>
      %and3A_582 = arith.andi %get3A_579, %and3A_581 : vector<16xi32>
      %swap3A_583 = arith.constant 48 : index
      %swap3A_584 = tpu.vector_load %arg19[%swap3A_583] {strides = array<i32>} : memref<128xi32, #tpu.memory_space<vmem>>, vector<16xi32>,
      tpu.vector_store %arg19[%swap3A_583], %and3A_582 {strides = array<i32>} : memref<128xi32, #tpu.memory_space<vmem>>, vector<16xi32>,
      %shift_right_arithmetic3A_585 = arith.constant 16 : i32
      %shift_right_arithmetic3A_586 = vector.broadcast %shift_right_arithmetic3A_585 : i32 to vector<16xi32>
      %shift_right_arithmetic3A_587 = arith.shrsi %get3A_579, %shift_right_arithmetic3A_586 : vector<16xi32>
      %swap3A_588 = arith.constant 48 : index
      %swap3A_589 = tpu.vector_load %arg16[%swap3A_588] {strides = array<i32>} : memref<128xi32, #tpu.memory_space<vmem>>, vector<16xi32>,
      tpu.vector_store %arg16[%swap3A_588], %shift_right_arithmetic3A_587 {strides = array<i32>} : memref<128xi32, #tpu.memory_space<vmem>>, vector<16xi32>,
      %get3A_590 = arith.constant 0 : i32
      %get3A_591 = arith.index_cast %get3A_590 : i32 to index
      %get3A_592 = arith.constant 64 : index
      %get3A_593 = tpu.vector_load %arg11[%get3A_591, %get3A_592] {strides = array<i32>} : memref<160x128xi32, #tpu.memory_space<vmem>>, vector<16xi32>,
      %and3A_594 = arith.constant 65535 : i32
      %and3A_595 = vector.broadcast %and3A_594 : i32 to vector<16xi32>
      %and3A_596 = arith.andi %get3A_593, %and3A_595 : vector<16xi32>
      %swap3A_597 = arith.constant 64 : index
      %swap3A_598 = tpu.vector_load %arg19[%swap3A_597] {strides = array<i32>} : memref<128xi32, #tpu.memory_space<vmem>>, vector<16xi32>,
      tpu.vector_store %arg19[%swap3A_597], %and3A_596 {strides = array<i32>} : memref<128xi32, #tpu.memory_space<vmem>>, vector<16xi32>,
      %shift_right_arithmetic3A_599 = arith.constant 16 : i32
      %shift_right_arithmetic3A_600 = vector.broadcast %shift_right_arithmetic3A_599 : i32 to vector<16xi32>
      %shift_right_arithmetic3A_601 = arith.shrsi %get3A_593, %shift_right_arithmetic3A_600 : vector<16xi32>
      %swap3A_602 = arith.constant 64 : index
      %swap3A_603 = tpu.vector_load %arg16[%swap3A_602] {strides = array<i32>} : memref<128xi32, #tpu.memory_space<vmem>>, vector<16xi32>,
      tpu.vector_store %arg16[%swap3A_602], %shift_right_arithmetic3A_601 {strides = array<i32>} : memref<128xi32, #tpu.memory_space<vmem>>, vector<16xi32>,
      %get3A_604 = arith.constant 0 : i32
      %get3A_605 = arith.index_cast %get3A_604 : i32 to index
      %get3A_606 = arith.constant 80 : index
      %get3A_607 = tpu.vector_load %arg11[%get3A_605, %get3A_606] {strides = array<i32>} : memref<160x128xi32, #tpu.memory_space<vmem>>, vector<16xi32>,
      %and3A_608 = arith.constant 65535 : i32
      %and3A_609 = vector.broadcast %and3A_608 : i32 to vector<16xi32>
      %and3A_610 = arith.andi %get3A_607, %and3A_609 : vector<16xi32>
      %swap3A_611 = arith.constant 80 : index
      %swap3A_612 = tpu.vector_load %arg19[%swap3A_611] {strides = array<i32>} : memref<128xi32, #tpu.memory_space<vmem>>, vector<16xi32>,
      tpu.vector_store %arg19[%swap3A_611], %and3A_610 {strides = array<i32>} : memref<128xi32, #tpu.memory_space<vmem>>, vector<16xi32>,
      %shift_right_arithmetic3A_613 = arith.constant 16 : i32
      %shift_right_arithmetic3A_614 = vector.broadcast %shift_right_arithmetic3A_613 : i32 to vector<16xi32>
      %shift_right_arithmetic3A_615 = arith.shrsi %get3A_607, %shift_right_arithmetic3A_614 : vector<16xi32>
      %swap3A_616 = arith.constant 80 : index
      %swap3A_617 = tpu.vector_load %arg16[%swap3A_616] {strides = array<i32>} : memref<128xi32, #tpu.memory_space<vmem>>, vector<16xi32>,
      tpu.vector_store %arg16[%swap3A_616], %shift_right_arithmetic3A_615 {strides = array<i32>} : memref<128xi32, #tpu.memory_space<vmem>>, vector<16xi32>,
      %get3A_618 = arith.constant 0 : i32
      %get3A_619 = arith.index_cast %get3A_618 : i32 to index
      %get3A_620 = arith.constant 96 : index
      %get3A_621 = tpu.vector_load %arg11[%get3A_619, %get3A_620] {strides = array<i32>} : memref<160x128xi32, #tpu.memory_space<vmem>>, vector<16xi32>,
      %and3A_622 = arith.constant 65535 : i32
      %and3A_623 = vector.broadcast %and3A_622 : i32 to vector<16xi32>
      %and3A_624 = arith.andi %get3A_621, %and3A_623 : vector<16xi32>
      %swap3A_625 = arith.constant 96 : index
      %swap3A_626 = tpu.vector_load %arg19[%swap3A_625] {strides = array<i32>} : memref<128xi32, #tpu.memory_space<vmem>>, vector<16xi32>,
      tpu.vector_store %arg19[%swap3A_625], %and3A_624 {strides = array<i32>} : memref<128xi32, #tpu.memory_space<vmem>>, vector<16xi32>,
      %shift_right_arithmetic3A_627 = arith.constant 16 : i32
      %shift_right_arithmetic3A_628 = vector.broadcast %shift_right_arithmetic3A_627 : i32 to vector<16xi32>
      %shift_right_arithmetic3A_629 = arith.shrsi %get3A_621, %shift_right_arithmetic3A_628 : vector<16xi32>
      %swap3A_630 = arith.constant 96 : index
      %swap3A_631 = tpu.vector_load %arg16[%swap3A_630] {strides = array<i32>} : memref<128xi32, #tpu.memory_space<vmem>>, vector<16xi32>,
      tpu.vector_store %arg16[%swap3A_630], %shift_right_arithmetic3A_629 {strides = array<i32>} : memref<128xi32, #tpu.memory_space<vmem>>, vector<16xi32>,
      %get3A_632 = arith.constant 0 : i32
      %get3A_633 = arith.index_cast %get3A_632 : i32 to index
      %get3A_634 = arith.constant 112 : index
      %get3A_635 = tpu.vector_load %arg11[%get3A_633, %get3A_634] {strides = array<i32>} : memref<160x128xi32, #tpu.memory_space<vmem>>, vector<16xi32>,
      %and3A_636 = arith.constant 65535 : i32
      %and3A_637 = vector.broadcast %and3A_636 : i32 to vector<16xi32>
      %and3A_638 = arith.andi %get3A_635, %and3A_637 : vector<16xi32>
      %swap3A_639 = arith.constant 112 : index
      %swap3A_640 = tpu.vector_load %arg19[%swap3A_639] {strides = array<i32>} : memref<128xi32, #tpu.memory_space<vmem>>, vector<16xi32>,
      tpu.vector_store %arg19[%swap3A_639], %and3A_638 {strides = array<i32>} : memref<128xi32, #tpu.memory_space<vmem>>, vector<16xi32>,
      %shift_right_arithmetic3A_641 = arith.constant 16 : i32
      %shift_right_arithmetic3A_642 = vector.broadcast %shift_right_arithmetic3A_641 : i32 to vector<16xi32>
      %shift_right_arithmetic3A_643 = arith.shrsi %get3A_635, %shift_right_arithmetic3A_642 : vector<16xi32>
      %swap3A_644 = arith.constant 112 : index
      %swap3A_645 = tpu.vector_load %arg16[%swap3A_644] {strides = array<i32>} : memref<128xi32, #tpu.memory_space<vmem>>, vector<16xi32>,
      tpu.vector_store %arg16[%swap3A_644], %shift_right_arithmetic3A_643 {strides = array<i32>} : memref<128xi32, #tpu.memory_space<vmem>>, vector<16xi32>,
      %dma_start3A_646 = arith.constant 0 : i32
      %dma_start3A_647 = arith.constant 0 : i32
      %dma_start3A_648 = tpu.memref_slice %arg9[%dma_start3A_646, %dma_start3A_647] : memref<10240x64xf32, #tpu.memory_space<vmem_shared>> -> memref<10240x64xf32, #tpu.memory_space<vmem_shared>>
      tpu.enqueue_indirect_dma source(%dma_start3A_648 : memref<10240x64xf32, #tpu.memory_space<vmem_shared>>) target(%arg13 : memref<128x64xf32, #tpu.memory_space<vmem>>) offsets(%arg16 : memref<128xi32, #tpu.memory_space<vmem>>) semaphore(%arg25 : memref<!tpu.dma_semaphore, #tpu.memory_space<semaphore_mem>>)
      %get3A_649 = arith.constant 1 : i32
      %get3A_650 = arith.index_cast %get3A_649 : i32 to index
      %get3A_651 = arith.constant 0 : index
      %get3A_652 = tpu.vector_load %arg11[%get3A_650, %get3A_651] {strides = array<i32>} : memref<160x128xi32, #tpu.memory_space<vmem>>, vector<16xi32>,
      %and3A_653 = arith.constant 65535 : i32
      %and3A_654 = vector.broadcast %and3A_653 : i32 to vector<16xi32>
      %and3A_655 = arith.andi %get3A_652, %and3A_654 : vector<16xi32>
      %swap3A_656 = arith.constant 0 : index
      %swap3A_657 = tpu.vector_load %arg20[%swap3A_656] {strides = array<i32>} : memref<128xi32, #tpu.memory_space<vmem>>, vector<16xi32>,
      tpu.vector_store %arg20[%swap3A_656], %and3A_655 {strides = array<i32>} : memref<128xi32, #tpu.memory_space<vmem>>, vector<16xi32>,
      %shift_right_arithmetic3A_658 = arith.constant 16 : i32
      %shift_right_arithmetic3A_659 = vector.broadcast %shift_right_arithmetic3A_658 : i32 to vector<16xi32>
      %shift_right_arithmetic3A_660 = arith.shrsi %get3A_652, %shift_right_arithmetic3A_659 : vector<16xi32>
      %swap3A_661 = arith.constant 0 : index
      %swap3A_662 = tpu.vector_load %arg17[%swap3A_661] {strides = array<i32>} : memref<128xi32, #tpu.memory_space<vmem>>, vector<16xi32>,
      tpu.vector_store %arg17[%swap3A_661], %shift_right_arithmetic3A_660 {strides = array<i32>} : memref<128xi32, #tpu.memory_space<vmem>>, vector<16xi32>,
      %get3A_663 = arith.constant 1 : i32
      %get3A_664 = arith.index_cast %get3A_663 : i32 to index
      %get3A_665 = arith.constant 16 : index
      %get3A_666 = tpu.vector_load %arg11[%get3A_664, %get3A_665] {strides = array<i32>} : memref<160x128xi32, #tpu.memory_space<vmem>>, vector<16xi32>,
      %and3A_667 = arith.constant 65535 : i32
      %and3A_668 = vector.broadcast %and3A_667 : i32 to vector<16xi32>
      %and3A_669 = arith.andi %get3A_666, %and3A_668 : vector<16xi32>
      %swap3A_670 = arith.constant 16 : index
      %swap3A_671 = tpu.vector_load %arg20[%swap3A_670] {strides = array<i32>} : memref<128xi32, #tpu.memory_space<vmem>>, vector<16xi32>,
      tpu.vector_store %arg20[%swap3A_670], %and3A_669 {strides = array<i32>} : memref<128xi32, #tpu.memory_space<vmem>>, vector<16xi32>,
      %shift_right_arithmetic3A_672 = arith.constant 16 : i32
      %shift_right_arithmetic3A_673 = vector.broadcast %shift_right_arithmetic3A_672 : i32 to vector<16xi32>
      %shift_right_arithmetic3A_674 = arith.shrsi %get3A_666, %shift_right_arithmetic3A_673 : vector<16xi32>
      %swap3A_675 = arith.constant 16 : index
      %swap3A_676 = tpu.vector_load %arg17[%swap3A_675] {strides = array<i32>} : memref<128xi32, #tpu.memory_space<vmem>>, vector<16xi32>,
      tpu.vector_store %arg17[%swap3A_675], %shift_right_arithmetic3A_674 {strides = array<i32>} : memref<128xi32, #tpu.memory_space<vmem>>, vector<16xi32>,
      %get3A_677 = arith.constant 1 : i32
      %get3A_678 = arith.index_cast %get3A_677 : i32 to index
      %get3A_679 = arith.constant 32 : index
      %get3A_680 = tpu.vector_load %arg11[%get3A_678, %get3A_679] {strides = array<i32>} : memref<160x128xi32, #tpu.memory_space<vmem>>, vector<16xi32>,
      %and3A_681 = arith.constant 65535 : i32
      %and3A_682 = vector.broadcast %and3A_681 : i32 to vector<16xi32>
      %and3A_683 = arith.andi %get3A_680, %and3A_682 : vector<16xi32>
      %swap3A_684 = arith.constant 32 : index
      %swap3A_685 = tpu.vector_load %arg20[%swap3A_684] {strides = array<i32>} : memref<128xi32, #tpu.memory_space<vmem>>, vector<16xi32>,
      tpu.vector_store %arg20[%swap3A_684], %and3A_683 {strides = array<i32>} : memref<128xi32, #tpu.memory_space<vmem>>, vector<16xi32>,
      %shift_right_arithmetic3A_686 = arith.constant 16 : i32
      %shift_right_arithmetic3A_687 = vector.broadcast %shift_right_arithmetic3A_686 : i32 to vector<16xi32>
      %shift_right_arithmetic3A_688 = arith.shrsi %get3A_680, %shift_right_arithmetic3A_687 : vector<16xi32>
      %swap3A_689 = arith.constant 32 : index
      %swap3A_690 = tpu.vector_load %arg17[%swap3A_689] {strides = array<i32>} : memref<128xi32, #tpu.memory_space<vmem>>, vector<16xi32>,
      tpu.vector_store %arg17[%swap3A_689], %shift_right_arithmetic3A_688 {strides = array<i32>} : memref<128xi32, #tpu.memory_space<vmem>>, vector<16xi32>,
      %get3A_691 = arith.constant 1 : i32
      %get3A_692 = arith.index_cast %get3A_691 : i32 to index
      %get3A_693 = arith.constant 48 : index
      %get3A_694 = tpu.vector_load %arg11[%get3A_692, %get3A_693] {strides = array<i32>} : memref<160x128xi32, #tpu.memory_space<vmem>>, vector<16xi32>,
      %and3A_695 = arith.constant 65535 : i32
      %and3A_696 = vector.broadcast %and3A_695 : i32 to vector<16xi32>
      %and3A_697 = arith.andi %get3A_694, %and3A_696 : vector<16xi32>
      %swap3A_698 = arith.constant 48 : index
      %swap3A_699 = tpu.vector_load %arg20[%swap3A_698] {strides = array<i32>} : memref<128xi32, #tpu.memory_space<vmem>>, vector<16xi32>,
      tpu.vector_store %arg20[%swap3A_698], %and3A_697 {strides = array<i32>} : memref<128xi32, #tpu.memory_space<vmem>>, vector<16xi32>,
      %shift_right_arithmetic3A_700 = arith.constant 16 : i32
      %shift_right_arithmetic3A_701 = vector.broadcast %shift_right_arithmetic3A_700 : i32 to vector<16xi32>
      %shift_right_arithmetic3A_702 = arith.shrsi %get3A_694, %shift_right_arithmetic3A_701 : vector<16xi32>
      %swap3A_703 = arith.constant 48 : index
      %swap3A_704 = tpu.vector_load %arg17[%swap3A_703] {strides = array<i32>} : memref<128xi32, #tpu.memory_space<vmem>>, vector<16xi32>,
      tpu.vector_store %arg17[%swap3A_703], %shift_right_arithmetic3A_702 {strides = array<i32>} : memref<128xi32, #tpu.memory_space<vmem>>, vector<16xi32>,
      %get3A_705 = arith.constant 1 : i32
      %get3A_706 = arith.index_cast %get3A_705 : i32 to index
      %get3A_707 = arith.constant 64 : index
      %get3A_708 = tpu.vector_load %arg11[%get3A_706, %get3A_707] {strides = array<i32>} : memref<160x128xi32, #tpu.memory_space<vmem>>, vector<16xi32>,
      %and3A_709 = arith.constant 65535 : i32
      %and3A_710 = vector.broadcast %and3A_709 : i32 to vector<16xi32>
      %and3A_711 = arith.andi %get3A_708, %and3A_710 : vector<16xi32>
      %swap3A_712 = arith.constant 64 : index
      %swap3A_713 = tpu.vector_load %arg20[%swap3A_712] {strides = array<i32>} : memref<128xi32, #tpu.memory_space<vmem>>, vector<16xi32>,
      tpu.vector_store %arg20[%swap3A_712], %and3A_711 {strides = array<i32>} : memref<128xi32, #tpu.memory_space<vmem>>, vector<16xi32>,
      %shift_right_arithmetic3A_714 = arith.constant 16 : i32
      %shift_right_arithmetic3A_715 = vector.broadcast %shift_right_arithmetic3A_714 : i32 to vector<16xi32>
      %shift_right_arithmetic3A_716 = arith.shrsi %get3A_708, %shift_right_arithmetic3A_715 : vector<16xi32>
      %swap3A_717 = arith.constant 64 : index
      %swap3A_718 = tpu.vector_load %arg17[%swap3A_717] {strides = array<i32>} : memref<128xi32, #tpu.memory_space<vmem>>, vector<16xi32>,
      tpu.vector_store %arg17[%swap3A_717], %shift_right_arithmetic3A_716 {strides = array<i32>} : memref<128xi32, #tpu.memory_space<vmem>>, vector<16xi32>,
      %get3A_719 = arith.constant 1 : i32
      %get3A_720 = arith.index_cast %get3A_719 : i32 to index
      %get3A_721 = arith.constant 80 : index
      %get3A_722 = tpu.vector_load %arg11[%get3A_720, %get3A_721] {strides = array<i32>} : memref<160x128xi32, #tpu.memory_space<vmem>>, vector<16xi32>,
      %and3A_723 = arith.constant 65535 : i32
      %and3A_724 = vector.broadcast %and3A_723 : i32 to vector<16xi32>
      %and3A_725 = arith.andi %get3A_722, %and3A_724 : vector<16xi32>
      %swap3A_726 = arith.constant 80 : index
      %swap3A_727 = tpu.vector_load %arg20[%swap3A_726] {strides = array<i32>} : memref<128xi32, #tpu.memory_space<vmem>>, vector<16xi32>,
      tpu.vector_store %arg20[%swap3A_726], %and3A_725 {strides = array<i32>} : memref<128xi32, #tpu.memory_space<vmem>>, vector<16xi32>,
      %shift_right_arithmetic3A_728 = arith.constant 16 : i32
      %shift_right_arithmetic3A_729 = vector.broadcast %shift_right_arithmetic3A_728 : i32 to vector<16xi32>
      %shift_right_arithmetic3A_730 = arith.shrsi %get3A_722, %shift_right_arithmetic3A_729 : vector<16xi32>
      %swap3A_731 = arith.constant 80 : index
      %swap3A_732 = tpu.vector_load %arg17[%swap3A_731] {strides = array<i32>} : memref<128xi32, #tpu.memory_space<vmem>>, vector<16xi32>,
      tpu.vector_store %arg17[%swap3A_731], %shift_right_arithmetic3A_730 {strides = array<i32>} : memref<128xi32, #tpu.memory_space<vmem>>, vector<16xi32>,
      %get3A_733 = arith.constant 1 : i32
      %get3A_734 = arith.index_cast %get3A_733 : i32 to index
      %get3A_735 = arith.constant 96 : index
      %get3A_736 = tpu.vector_load %arg11[%get3A_734, %get3A_735] {strides = array<i32>} : memref<160x128xi32, #tpu.memory_space<vmem>>, vector<16xi32>,
      %and3A_737 = arith.constant 65535 : i32
      %and3A_738 = vector.broadcast %and3A_737 : i32 to vector<16xi32>
      %and3A_739 = arith.andi %get3A_736, %and3A_738 : vector<16xi32>
      %swap3A_740 = arith.constant 96 : index
      %swap3A_741 = tpu.vector_load %arg20[%swap3A_740] {strides = array<i32>} : memref<128xi32, #tpu.memory_space<vmem>>, vector<16xi32>,
      tpu.vector_store %arg20[%swap3A_740], %and3A_739 {strides = array<i32>} : memref<128xi32, #tpu.memory_space<vmem>>, vector<16xi32>,
      %shift_right_arithmetic3A_742 = arith.constant 16 : i32
      %shift_right_arithmetic3A_743 = vector.broadcast %shift_right_arithmetic3A_742 : i32 to vector<16xi32>
      %shift_right_arithmetic3A_744 = arith.shrsi %get3A_736, %shift_right_arithmetic3A_743 : vector<16xi32>
      %swap3A_745 = arith.constant 96 : index
      %swap3A_746 = tpu.vector_load %arg17[%swap3A_745] {strides = array<i32>} : memref<128xi32, #tpu.memory_space<vmem>>, vector<16xi32>,
      tpu.vector_store %arg17[%swap3A_745], %shift_right_arithmetic3A_744 {strides = array<i32>} : memref<128xi32, #tpu.memory_space<vmem>>, vector<16xi32>,
      %get3A_747 = arith.constant 1 : i32
      %get3A_748 = arith.index_cast %get3A_747 : i32 to index
      %get3A_749 = arith.constant 112 : index
      %get3A_750 = tpu.vector_load %arg11[%get3A_748, %get3A_749] {strides = array<i32>} : memref<160x128xi32, #tpu.memory_space<vmem>>, vector<16xi32>,
      %and3A_751 = arith.constant 65535 : i32
      %and3A_752 = vector.broadcast %and3A_751 : i32 to vector<16xi32>
      %and3A_753 = arith.andi %get3A_750, %and3A_752 : vector<16xi32>
      %swap3A_754 = arith.constant 112 : index
      %swap3A_755 = tpu.vector_load %arg20[%swap3A_754] {strides = array<i32>} : memref<128xi32, #tpu.memory_space<vmem>>, vector<16xi32>,
      tpu.vector_store %arg20[%swap3A_754], %and3A_753 {strides = array<i32>} : memref<128xi32, #tpu.memory_space<vmem>>, vector<16xi32>,
      %shift_right_arithmetic3A_756 = arith.constant 16 : i32
      %shift_right_arithmetic3A_757 = vector.broadcast %shift_right_arithmetic3A_756 : i32 to vector<16xi32>
      %shift_right_arithmetic3A_758 = arith.shrsi %get3A_750, %shift_right_arithmetic3A_757 : vector<16xi32>
      %swap3A_759 = arith.constant 112 : index
      %swap3A_760 = tpu.vector_load %arg17[%swap3A_759] {strides = array<i32>} : memref<128xi32, #tpu.memory_space<vmem>>, vector<16xi32>,
      tpu.vector_store %arg17[%swap3A_759], %shift_right_arithmetic3A_758 {strides = array<i32>} : memref<128xi32, #tpu.memory_space<vmem>>, vector<16xi32>,
      %dma_start3A_761 = arith.constant 0 : i32
      %dma_start3A_762 = arith.constant 0 : i32
      %dma_start3A_763 = tpu.memref_slice %arg9[%dma_start3A_761, %dma_start3A_762] : memref<10240x64xf32, #tpu.memory_space<vmem_shared>> -> memref<10240x64xf32, #tpu.memory_space<vmem_shared>>
      tpu.enqueue_indirect_dma source(%dma_start3A_763 : memref<10240x64xf32, #tpu.memory_space<vmem_shared>>) target(%arg14 : memref<128x64xf32, #tpu.memory_space<vmem>>) offsets(%arg17 : memref<128xi32, #tpu.memory_space<vmem>>) semaphore(%arg26 : memref<!tpu.dma_semaphore, #tpu.memory_space<semaphore_mem>>)
      %dma_wait3A_764 = arith.constant 0 : i32
      %dma_wait3A_765 = arith.constant 0 : i32
      %dma_wait3A_766 = tpu.memref_slice %arg9[%dma_wait3A_764, %dma_wait3A_765] : memref<10240x64xf32, #tpu.memory_space<vmem_shared>> -> memref<10240x64xf32, #tpu.memory_space<vmem_shared>>
      tpu.wait_indirect_dma semaphore(%arg25 : memref<!tpu.dma_semaphore, #tpu.memory_space<semaphore_mem>>) src(%dma_wait3A_766 : memref<10240x64xf32, #tpu.memory_space<vmem_shared>>) dst(%arg13 : memref<128x64xf32, #tpu.memory_space<vmem>>)
      %dma_start3A_767 = arith.constant 0 : i32
      %dma_start3A_768 = arith.constant 0 : i32
      %dma_start3A_769 = tpu.memref_slice %arg8[%dma_start3A_767, %dma_start3A_768] : memref<10240x64xf32, #tpu.memory_space<vmem_shared>> -> memref<10240x64xf32, #tpu.memory_space<vmem_shared>>
      tpu.enqueue_indirect_dma source(%arg13 : memref<128x64xf32, #tpu.memory_space<vmem>>) target(%dma_start3A_769 : memref<10240x64xf32, #tpu.memory_space<vmem_shared>>) offsets(%arg19 : memref<128xi32, #tpu.memory_space<vmem>>) semaphore(%arg28 : memref<!tpu.dma_semaphore, #tpu.memory_space<semaphore_mem>>) {add = true}
      %get3A_770 = arith.constant 2 : i32
      %get3A_771 = arith.index_cast %get3A_770 : i32 to index
      %get3A_772 = arith.constant 0 : index
      %get3A_773 = tpu.vector_load %arg11[%get3A_771, %get3A_772] {strides = array<i32>} : memref<160x128xi32, #tpu.memory_space<vmem>>, vector<16xi32>,
      %and3A_774 = arith.constant 65535 : i32
      %and3A_775 = vector.broadcast %and3A_774 : i32 to vector<16xi32>
      %and3A_776 = arith.andi %get3A_773, %and3A_775 : vector<16xi32>
      %swap3A_777 = arith.constant 0 : index
      %swap3A_778 = tpu.vector_load %arg21[%swap3A_777] {strides = array<i32>} : memref<128xi32, #tpu.memory_space<vmem>>, vector<16xi32>,
      tpu.vector_store %arg21[%swap3A_777], %and3A_776 {strides = array<i32>} : memref<128xi32, #tpu.memory_space<vmem>>, vector<16xi32>,
      %shift_right_arithmetic3A_779 = arith.constant 16 : i32
      %shift_right_arithmetic3A_780 = vector.broadcast %shift_right_arithmetic3A_779 : i32 to vector<16xi32>
      %shift_right_arithmetic3A_781 = arith.shrsi %get3A_773, %shift_right_arithmetic3A_780 : vector<16xi32>
      %swap3A_782 = arith.constant 0 : index
      %swap3A_783 = tpu.vector_load %arg18[%swap3A_782] {strides = array<i32>} : memref<128xi32, #tpu.memory_space<vmem>>, vector<16xi32>,
      tpu.vector_store %arg18[%swap3A_782], %shift_right_arithmetic3A_781 {strides = array<i32>} : memref<128xi32, #tpu.memory_space<vmem>>, vector<16xi32>,
      %get3A_784 = arith.constant 2 : i32
      %get3A_785 = arith.index_cast %get3A_784 : i32 to index
      %get3A_786 = arith.constant 16 : index
      %get3A_787 = tpu.vector_load %arg11[%get3A_785, %get3A_786] {strides = array<i32>} : memref<160x128xi32, #tpu.memory_space<vmem>>, vector<16xi32>,
      %and3A_788 = arith.constant 65535 : i32
      %and3A_789 = vector.broadcast %and3A_788 : i32 to vector<16xi32>
      %and3A_790 = arith.andi %get3A_787, %and3A_789 : vector<16xi32>
      %swap3A_791 = arith.constant 16 : index
      %swap3A_792 = tpu.vector_load %arg21[%swap3A_791] {strides = array<i32>} : memref<128xi32, #tpu.memory_space<vmem>>, vector<16xi32>,
      tpu.vector_store %arg21[%swap3A_791], %and3A_790 {strides = array<i32>} : memref<128xi32, #tpu.memory_space<vmem>>, vector<16xi32>,
      %shift_right_arithmetic3A_793 = arith.constant 16 : i32
      %shift_right_arithmetic3A_794 = vector.broadcast %shift_right_arithmetic3A_793 : i32 to vector<16xi32>
      %shift_right_arithmetic3A_795 = arith.shrsi %get3A_787, %shift_right_arithmetic3A_794 : vector<16xi32>
      %swap3A_796 = arith.constant 16 : index
      %swap3A_797 = tpu.vector_load %arg18[%swap3A_796] {strides = array<i32>} : memref<128xi32, #tpu.memory_space<vmem>>, vector<16xi32>,
      tpu.vector_store %arg18[%swap3A_796], %shift_right_arithmetic3A_795 {strides = array<i32>} : memref<128xi32, #tpu.memory_space<vmem>>, vector<16xi32>,
      %get3A_798 = arith.constant 2 : i32
      %get3A_799 = arith.index_cast %get3A_798 : i32 to index
      %get3A_800 = arith.constant 32 : index
      %get3A_801 = tpu.vector_load %arg11[%get3A_799, %get3A_800] {strides = array<i32>} : memref<160x128xi32, #tpu.memory_space<vmem>>, vector<16xi32>,
      %and3A_802 = arith.constant 65535 : i32
      %and3A_803 = vector.broadcast %and3A_802 : i32 to vector<16xi32>
      %and3A_804 = arith.andi %get3A_801, %and3A_803 : vector<16xi32>
      %swap3A_805 = arith.constant 32 : index
      %swap3A_806 = tpu.vector_load %arg21[%swap3A_805] {strides = array<i32>} : memref<128xi32, #tpu.memory_space<vmem>>, vector<16xi32>,
      tpu.vector_store %arg21[%swap3A_805], %and3A_804 {strides = array<i32>} : memref<128xi32, #tpu.memory_space<vmem>>, vector<16xi32>,
      %shift_right_arithmetic3A_807 = arith.constant 16 : i32
      %shift_right_arithmetic3A_808 = vector.broadcast %shift_right_arithmetic3A_807 : i32 to vector<16xi32>
      %shift_right_arithmetic3A_809 = arith.shrsi %get3A_801, %shift_right_arithmetic3A_808 : vector<16xi32>
      %swap3A_810 = arith.constant 32 : index
      %swap3A_811 = tpu.vector_load %arg18[%swap3A_810] {strides = array<i32>} : memref<128xi32, #tpu.memory_space<vmem>>, vector<16xi32>,
      tpu.vector_store %arg18[%swap3A_810], %shift_right_arithmetic3A_809 {strides = array<i32>} : memref<128xi32, #tpu.memory_space<vmem>>, vector<16xi32>,
      %get3A_812 = arith.constant 2 : i32
      %get3A_813 = arith.index_cast %get3A_812 : i32 to index
      %get3A_814 = arith.constant 48 : index
      %get3A_815 = tpu.vector_load %arg11[%get3A_813, %get3A_814] {strides = array<i32>} : memref<160x128xi32, #tpu.memory_space<vmem>>, vector<16xi32>,
      %and3A_816 = arith.constant 65535 : i32
      %and3A_817 = vector.broadcast %and3A_816 : i32 to vector<16xi32>
      %and3A_818 = arith.andi %get3A_815, %and3A_817 : vector<16xi32>
      %swap3A_819 = arith.constant 48 : index
      %swap3A_820 = tpu.vector_load %arg21[%swap3A_819] {strides = array<i32>} : memref<128xi32, #tpu.memory_space<vmem>>, vector<16xi32>,
      tpu.vector_store %arg21[%swap3A_819], %and3A_818 {strides = array<i32>} : memref<128xi32, #tpu.memory_space<vmem>>, vector<16xi32>,
      %shift_right_arithmetic3A_821 = arith.constant 16 : i32
      %shift_right_arithmetic3A_822 = vector.broadcast %shift_right_arithmetic3A_821 : i32 to vector<16xi32>
      %shift_right_arithmetic3A_823 = arith.shrsi %get3A_815, %shift_right_arithmetic3A_822 : vector<16xi32>
      %swap3A_824 = arith.constant 48 : index
      %swap3A_825 = tpu.vector_load %arg18[%swap3A_824] {strides = array<i32>} : memref<128xi32, #tpu.memory_space<vmem>>, vector<16xi32>,
      tpu.vector_store %arg18[%swap3A_824], %shift_right_arithmetic3A_823 {strides = array<i32>} : memref<128xi32, #tpu.memory_space<vmem>>, vector<16xi32>,
      %get3A_826 = arith.constant 2 : i32
      %get3A_827 = arith.index_cast %get3A_826 : i32 to index
      %get3A_828 = arith.constant 64 : index
      %get3A_829 = tpu.vector_load %arg11[%get3A_827, %get3A_828] {strides = array<i32>} : memref<160x128xi32, #tpu.memory_space<vmem>>, vector<16xi32>,
      %and3A_830 = arith.constant 65535 : i32
      %and3A_831 = vector.broadcast %and3A_830 : i32 to vector<16xi32>
      %and3A_832 = arith.andi %get3A_829, %and3A_831 : vector<16xi32>
      %swap3A_833 = arith.constant 64 : index
      %swap3A_834 = tpu.vector_load %arg21[%swap3A_833] {strides = array<i32>} : memref<128xi32, #tpu.memory_space<vmem>>, vector<16xi32>,
      tpu.vector_store %arg21[%swap3A_833], %and3A_832 {strides = array<i32>} : memref<128xi32, #tpu.memory_space<vmem>>, vector<16xi32>,
      %shift_right_arithmetic3A_835 = arith.constant 16 : i32
      %shift_right_arithmetic3A_836 = vector.broadcast %shift_right_arithmetic3A_835 : i32 to vector<16xi32>
      %shift_right_arithmetic3A_837 = arith.shrsi %get3A_829, %shift_right_arithmetic3A_836 : vector<16xi32>
      %swap3A_838 = arith.constant 64 : index
      %swap3A_839 = tpu.vector_load %arg18[%swap3A_838] {strides = array<i32>} : memref<128xi32, #tpu.memory_space<vmem>>, vector<16xi32>,
      tpu.vector_store %arg18[%swap3A_838], %shift_right_arithmetic3A_837 {strides = array<i32>} : memref<128xi32, #tpu.memory_space<vmem>>, vector<16xi32>,
      %get3A_840 = arith.constant 2 : i32
      %get3A_841 = arith.index_cast %get3A_840 : i32 to index
      %get3A_842 = arith.constant 80 : index
      %get3A_843 = tpu.vector_load %arg11[%get3A_841, %get3A_842] {strides = array<i32>} : memref<160x128xi32, #tpu.memory_space<vmem>>, vector<16xi32>,
      %and3A_844 = arith.constant 65535 : i32
      %and3A_845 = vector.broadcast %and3A_844 : i32 to vector<16xi32>
      %and3A_846 = arith.andi %get3A_843, %and3A_845 : vector<16xi32>
      %swap3A_847 = arith.constant 80 : index
      %swap3A_848 = tpu.vector_load %arg21[%swap3A_847] {strides = array<i32>} : memref<128xi32, #tpu.memory_space<vmem>>, vector<16xi32>,
      tpu.vector_store %arg21[%swap3A_847], %and3A_846 {strides = array<i32>} : memref<128xi32, #tpu.memory_space<vmem>>, vector<16xi32>,
      %shift_right_arithmetic3A_849 = arith.constant 16 : i32
      %shift_right_arithmetic3A_850 = vector.broadcast %shift_right_arithmetic3A_849 : i32 to vector<16xi32>
      %shift_right_arithmetic3A_851 = arith.shrsi %get3A_843, %shift_right_arithmetic3A_850 : vector<16xi32>
      %swap3A_852 = arith.constant 80 : index
      %swap3A_853 = tpu.vector_load %arg18[%swap3A_852] {strides = array<i32>} : memref<128xi32, #tpu.memory_space<vmem>>, vector<16xi32>,
      tpu.vector_store %arg18[%swap3A_852], %shift_right_arithmetic3A_851 {strides = array<i32>} : memref<128xi32, #tpu.memory_space<vmem>>, vector<16xi32>,
      %get3A_854 = arith.constant 2 : i32
      %get3A_855 = arith.index_cast %get3A_854 : i32 to index
      %get3A_856 = arith.constant 96 : index
      %get3A_857 = tpu.vector_load %arg11[%get3A_855, %get3A_856] {strides = array<i32>} : memref<160x128xi32, #tpu.memory_space<vmem>>, vector<16xi32>,
      %and3A_858 = arith.constant 65535 : i32
      %and3A_859 = vector.broadcast %and3A_858 : i32 to vector<16xi32>
      %and3A_860 = arith.andi %get3A_857, %and3A_859 : vector<16xi32>
      %swap3A_861 = arith.constant 96 : index
      %swap3A_862 = tpu.vector_load %arg21[%swap3A_861] {strides = array<i32>} : memref<128xi32, #tpu.memory_space<vmem>>, vector<16xi32>,
      tpu.vector_store %arg21[%swap3A_861], %and3A_860 {strides = array<i32>} : memref<128xi32, #tpu.memory_space<vmem>>, vector<16xi32>,
      %shift_right_arithmetic3A_863 = arith.constant 16 : i32
      %shift_right_arithmetic3A_864 = vector.broadcast %shift_right_arithmetic3A_863 : i32 to vector<16xi32>
      %shift_right_arithmetic3A_865 = arith.shrsi %get3A_857, %shift_right_arithmetic3A_864 : vector<16xi32>
      %swap3A_866 = arith.constant 96 : index
      %swap3A_867 = tpu.vector_load %arg18[%swap3A_866] {strides = array<i32>} : memref<128xi32, #tpu.memory_space<vmem>>, vector<16xi32>,
      tpu.vector_store %arg18[%swap3A_866], %shift_right_arithmetic3A_865 {strides = array<i32>} : memref<128xi32, #tpu.memory_space<vmem>>, vector<16xi32>,
      %get3A_868 = arith.constant 2 : i32
      %get3A_869 = arith.index_cast %get3A_868 : i32 to index
      %get3A_870 = arith.constant 112 : index
      %get3A_871 = tpu.vector_load %arg11[%get3A_869, %get3A_870] {strides = array<i32>} : memref<160x128xi32, #tpu.memory_space<vmem>>, vector<16xi32>,
      %and3A_872 = arith.constant 65535 : i32
      %and3A_873 = vector.broadcast %and3A_872 : i32 to vector<16xi32>
      %and3A_874 = arith.andi %get3A_871, %and3A_873 : vector<16xi32>
      %swap3A_875 = arith.constant 112 : index
      %swap3A_876 = tpu.vector_load %arg21[%swap3A_875] {strides = array<i32>} : memref<128xi32, #tpu.memory_space<vmem>>, vector<16xi32>,
      tpu.vector_store %arg21[%swap3A_875], %and3A_874 {strides = array<i32>} : memref<128xi32, #tpu.memory_space<vmem>>, vector<16xi32>,
      %shift_right_arithmetic3A_877 = arith.constant 16 : i32
      %shift_right_arithmetic3A_878 = vector.broadcast %shift_right_arithmetic3A_877 : i32 to vector<16xi32>
      %shift_right_arithmetic3A_879 = arith.shrsi %get3A_871, %shift_right_arithmetic3A_878 : vector<16xi32>
      %swap3A_880 = arith.constant 112 : index
      %swap3A_881 = tpu.vector_load %arg18[%swap3A_880] {strides = array<i32>} : memref<128xi32, #tpu.memory_space<vmem>>, vector<16xi32>,
      tpu.vector_store %arg18[%swap3A_880], %shift_right_arithmetic3A_879 {strides = array<i32>} : memref<128xi32, #tpu.memory_space<vmem>>, vector<16xi32>,
      %dma_start3A_882 = arith.constant 0 : i32
      %dma_start3A_883 = arith.constant 0 : i32
      %dma_start3A_884 = tpu.memref_slice %arg9[%dma_start3A_882, %dma_start3A_883] : memref<10240x64xf32, #tpu.memory_space<vmem_shared>> -> memref<10240x64xf32, #tpu.memory_space<vmem_shared>>
      tpu.enqueue_indirect_dma source(%dma_start3A_884 : memref<10240x64xf32, #tpu.memory_space<vmem_shared>>) target(%arg15 : memref<128x64xf32, #tpu.memory_space<vmem>>) offsets(%arg18 : memref<128xi32, #tpu.memory_space<vmem>>) semaphore(%arg27 : memref<!tpu.dma_semaphore, #tpu.memory_space<semaphore_mem>>)
      %dma_wait3A_885 = arith.constant 0 : i32
      %dma_wait3A_886 = arith.constant 0 : i32
      %dma_wait3A_887 = tpu.memref_slice %arg9[%dma_wait3A_885, %dma_wait3A_886] : memref<10240x64xf32, #tpu.memory_space<vmem_shared>> -> memref<10240x64xf32, #tpu.memory_space<vmem_shared>>
      tpu.wait_indirect_dma semaphore(%arg26 : memref<!tpu.dma_semaphore, #tpu.memory_space<semaphore_mem>>) src(%dma_wait3A_887 : memref<10240x64xf32, #tpu.memory_space<vmem_shared>>) dst(%arg14 : memref<128x64xf32, #tpu.memory_space<vmem>>)
      %dma_start3A_888 = arith.constant 0 : i32
      %dma_start3A_889 = arith.constant 0 : i32
      %dma_start3A_890 = tpu.memref_slice %arg8[%dma_start3A_888, %dma_start3A_889] : memref<10240x64xf32, #tpu.memory_space<vmem_shared>> -> memref<10240x64xf32, #tpu.memory_space<vmem_shared>>
      tpu.enqueue_indirect_dma source(%arg14 : memref<128x64xf32, #tpu.memory_space<vmem>>) target(%dma_start3A_890 : memref<10240x64xf32, #tpu.memory_space<vmem_shared>>) offsets(%arg20 : memref<128xi32, #tpu.memory_space<vmem>>) semaphore(%arg29 : memref<!tpu.dma_semaphore, #tpu.memory_space<semaphore_mem>>) {add = true}
      %dma_wait3A_891 = arith.constant 0 : i32
      %dma_wait3A_892 = arith.constant 0 : i32
      %dma_wait3A_893 = tpu.memref_slice %arg8[%dma_wait3A_891, %dma_wait3A_892] : memref<10240x64xf32, #tpu.memory_space<vmem_shared>> -> memref<10240x64xf32, #tpu.memory_space<vmem_shared>>
      tpu.wait_indirect_dma semaphore(%arg28 : memref<!tpu.dma_semaphore, #tpu.memory_space<semaphore_mem>>) src(%arg13 : memref<128x64xf32, #tpu.memory_space<vmem>>) dst(%dma_wait3A_893 : memref<10240x64xf32, #tpu.memory_space<vmem_shared>>)
      %get3A_894 = arith.constant 3 : i32
      %get3A_895 = arith.index_cast %get3A_894 : i32 to index
      %get3A_896 = arith.constant 0 : index
      %get3A_897 = tpu.vector_load %arg11[%get3A_895, %get3A_896] {strides = array<i32>} : memref<160x128xi32, #tpu.memory_space<vmem>>, vector<16xi32>,
      %and3A_898 = arith.constant 65535 : i32
      %and3A_899 = vector.broadcast %and3A_898 : i32 to vector<16xi32>
      %and3A_900 = arith.andi %get3A_897, %and3A_899 : vector<16xi32>
      %swap3A_901 = arith.constant 0 : index
      %swap3A_902 = tpu.vector_load %arg19[%swap3A_901] {strides = array<i32>} : memref<128xi32, #tpu.memory_space<vmem>>, vector<16xi32>,
      tpu.vector_store %arg19[%swap3A_901], %and3A_900 {strides = array<i32>} : memref<128xi32, #tpu.memory_space<vmem>>, vector<16xi32>,
      %shift_right_arithmetic3A_903 = arith.constant 16 : i32
      %shift_right_arithmetic3A_904 = vector.broadcast %shift_right_arithmetic3A_903 : i32 to vector<16xi32>
      %shift_right_arithmetic3A_905 = arith.shrsi %get3A_897, %shift_right_arithmetic3A_904 : vector<16xi32>
      %swap3A_906 = arith.constant 0 : index
      %swap3A_907 = tpu.vector_load %arg16[%swap3A_906] {strides = array<i32>} : memref<128xi32, #tpu.memory_space<vmem>>, vector<16xi32>,
      tpu.vector_store %arg16[%swap3A_906], %shift_right_arithmetic3A_905 {strides = array<i32>} : memref<128xi32, #tpu.memory_space<vmem>>, vector<16xi32>,
      %get3A_908 = arith.constant 3 : i32
      %get3A_909 = arith.index_cast %get3A_908 : i32 to index
      %get3A_910 = arith.constant 16 : index
      %get3A_911 = tpu.vector_load %arg11[%get3A_909, %get3A_910] {strides = array<i32>} : memref<160x128xi32, #tpu.memory_space<vmem>>, vector<16xi32>,
      %and3A_912 = arith.constant 65535 : i32
      %and3A_913 = vector.broadcast %and3A_912 : i32 to vector<16xi32>
      %and3A_914 = arith.andi %get3A_911, %and3A_913 : vector<16xi32>
      %swap3A_915 = arith.constant 16 : index
      %swap3A_916 = tpu.vector_load %arg19[%swap3A_915] {strides = array<i32>} : memref<128xi32, #tpu.memory_space<vmem>>, vector<16xi32>,
      tpu.vector_store %arg19[%swap3A_915], %and3A_914 {strides = array<i32>} : memref<128xi32, #tpu.memory_space<vmem>>, vector<16xi32>,
      %shift_right_arithmetic3A_917 = arith.constant 16 : i32
      %shift_right_arithmetic3A_918 = vector.broadcast %shift_right_arithmetic3A_917 : i32 to vector<16xi32>
      %shift_right_arithmetic3A_919 = arith.shrsi %get3A_911, %shift_right_arithmetic3A_918 : vector<16xi32>
      %swap3A_920 = arith.constant 16 : index
      %swap3A_921 = tpu.vector_load %arg16[%swap3A_920] {strides = array<i32>} : memref<128xi32, #tpu.memory_space<vmem>>, vector<16xi32>,
      tpu.vector_store %arg16[%swap3A_920], %shift_right_arithmetic3A_919 {strides = array<i32>} : memref<128xi32, #tpu.memory_space<vmem>>, vector<16xi32>,
      %get3A_922 = arith.constant 3 : i32
      %get3A_923 = arith.index_cast %get3A_922 : i32 to index
      %get3A_924 = arith.constant 32 : index
      %get3A_925 = tpu.vector_load %arg11[%get3A_923, %get3A_924] {strides = array<i32>} : memref<160x128xi32, #tpu.memory_space<vmem>>, vector<16xi32>,
      %and3A_926 = arith.constant 65535 : i32
      %and3A_927 = vector.broadcast %and3A_926 : i32 to vector<16xi32>
      %and3A_928 = arith.andi %get3A_925, %and3A_927 : vector<16xi32>
      %swap3A_929 = arith.constant 32 : index
      %swap3A_930 = tpu.vector_load %arg19[%swap3A_929] {strides = array<i32>} : memref<128xi32, #tpu.memory_space<vmem>>, vector<16xi32>,
      tpu.vector_store %arg19[%swap3A_929], %and3A_928 {strides = array<i32>} : memref<128xi32, #tpu.memory_space<vmem>>, vector<16xi32>,
      %shift_right_arithmetic3A_931 = arith.constant 16 : i32
      %shift_right_arithmetic3A_932 = vector.broadcast %shift_right_arithmetic3A_931 : i32 to vector<16xi32>
      %shift_right_arithmetic3A_933 = arith.shrsi %get3A_925, %shift_right_arithmetic3A_932 : vector<16xi32>
      %swap3A_934 = arith.constant 32 : index
      %swap3A_935 = tpu.vector_load %arg16[%swap3A_934] {strides = array<i32>} : memref<128xi32, #tpu.memory_space<vmem>>, vector<16xi32>,
      tpu.vector_store %arg16[%swap3A_934], %shift_right_arithmetic3A_933 {strides = array<i32>} : memref<128xi32, #tpu.memory_space<vmem>>, vector<16xi32>,
      %get3A_936 = arith.constant 3 : i32
      %get3A_937 = arith.index_cast %get3A_936 : i32 to index
      %get3A_938 = arith.constant 48 : index
      %get3A_939 = tpu.vector_load %arg11[%get3A_937, %get3A_938] {strides = array<i32>} : memref<160x128xi32, #tpu.memory_space<vmem>>, vector<16xi32>,
      %and3A_940 = arith.constant 65535 : i32
      %and3A_941 = vector.broadcast %and3A_940 : i32 to vector<16xi32>
      %and3A_942 = arith.andi %get3A_939, %and3A_941 : vector<16xi32>
      %swap3A_943 = arith.constant 48 : index
      %swap3A_944 = tpu.vector_load %arg19[%swap3A_943] {strides = array<i32>} : memref<128xi32, #tpu.memory_space<vmem>>, vector<16xi32>,
      tpu.vector_store %arg19[%swap3A_943], %and3A_942 {strides = array<i32>} : memref<128xi32, #tpu.memory_space<vmem>>, vector<16xi32>,
      %shift_right_arithmetic3A_945 = arith.constant 16 : i32
      %shift_right_arithmetic3A_946 = vector.broadcast %shift_right_arithmetic3A_945 : i32 to vector<16xi32>
      %shift_right_arithmetic3A_947 = arith.shrsi %get3A_939, %shift_right_arithmetic3A_946 : vector<16xi32>
      %swap3A_948 = arith.constant 48 : index
      %swap3A_949 = tpu.vector_load %arg16[%swap3A_948] {strides = array<i32>} : memref<128xi32, #tpu.memory_space<vmem>>, vector<16xi32>,
      tpu.vector_store %arg16[%swap3A_948], %shift_right_arithmetic3A_947 {strides = array<i32>} : memref<128xi32, #tpu.memory_space<vmem>>, vector<16xi32>,
      %get3A_950 = arith.constant 3 : i32
      %get3A_951 = arith.index_cast %get3A_950 : i32 to index
      %get3A_952 = arith.constant 64 : index
      %get3A_953 = tpu.vector_load %arg11[%get3A_951, %get3A_952] {strides = array<i32>} : memref<160x128xi32, #tpu.memory_space<vmem>>, vector<16xi32>,
      %and3A_954 = arith.constant 65535 : i32
      %and3A_955 = vector.broadcast %and3A_954 : i32 to vector<16xi32>
      %and3A_956 = arith.andi %get3A_953, %and3A_955 : vector<16xi32>
      %swap3A_957 = arith.constant 64 : index
      %swap3A_958 = tpu.vector_load %arg19[%swap3A_957] {strides = array<i32>} : memref<128xi32, #tpu.memory_space<vmem>>, vector<16xi32>,
      tpu.vector_store %arg19[%swap3A_957], %and3A_956 {strides = array<i32>} : memref<128xi32, #tpu.memory_space<vmem>>, vector<16xi32>,
      %shift_right_arithmetic3A_959 = arith.constant 16 : i32
      %shift_right_arithmetic3A_960 = vector.broadcast %shift_right_arithmetic3A_959 : i32 to vector<16xi32>
      %shift_right_arithmetic3A_961 = arith.shrsi %get3A_953, %shift_right_arithmetic3A_960 : vector<16xi32>
      %swap3A_962 = arith.constant 64 : index
      %swap3A_963 = tpu.vector_load %arg16[%swap3A_962] {strides = array<i32>} : memref<128xi32, #tpu.memory_space<vmem>>, vector<16xi32>,
      tpu.vector_store %arg16[%swap3A_962], %shift_right_arithmetic3A_961 {strides = array<i32>} : memref<128xi32, #tpu.memory_space<vmem>>, vector<16xi32>,
      %get3A_964 = arith.constant 3 : i32
      %get3A_965 = arith.index_cast %get3A_964 : i32 to index
      %get3A_966 = arith.constant 80 : index
      %get3A_967 = tpu.vector_load %arg11[%get3A_965, %get3A_966] {strides = array<i32>} : memref<160x128xi32, #tpu.memory_space<vmem>>, vector<16xi32>,
      %and3A_968 = arith.constant 65535 : i32
      %and3A_969 = vector.broadcast %and3A_968 : i32 to vector<16xi32>
      %and3A_970 = arith.andi %get3A_967, %and3A_969 : vector<16xi32>
      %swap3A_971 = arith.constant 80 : index
      %swap3A_972 = tpu.vector_load %arg19[%swap3A_971] {strides = array<i32>} : memref<128xi32, #tpu.memory_space<vmem>>, vector<16xi32>,
      tpu.vector_store %arg19[%swap3A_971], %and3A_970 {strides = array<i32>} : memref<128xi32, #tpu.memory_space<vmem>>, vector<16xi32>,
      %shift_right_arithmetic3A_973 = arith.constant 16 : i32
      %shift_right_arithmetic3A_974 = vector.broadcast %shift_right_arithmetic3A_973 : i32 to vector<16xi32>
      %shift_right_arithmetic3A_975 = arith.shrsi %get3A_967, %shift_right_arithmetic3A_974 : vector<16xi32>
      %swap3A_976 = arith.constant 80 : index
      %swap3A_977 = tpu.vector_load %arg16[%swap3A_976] {strides = array<i32>} : memref<128xi32, #tpu.memory_space<vmem>>, vector<16xi32>,
      tpu.vector_store %arg16[%swap3A_976], %shift_right_arithmetic3A_975 {strides = array<i32>} : memref<128xi32, #tpu.memory_space<vmem>>, vector<16xi32>,
      %get3A_978 = arith.constant 3 : i32
      %get3A_979 = arith.index_cast %get3A_978 : i32 to index
      %get3A_980 = arith.constant 96 : index
      %get3A_981 = tpu.vector_load %arg11[%get3A_979, %get3A_980] {strides = array<i32>} : memref<160x128xi32, #tpu.memory_space<vmem>>, vector<16xi32>,
      %and3A_982 = arith.constant 65535 : i32
      %and3A_983 = vector.broadcast %and3A_982 : i32 to vector<16xi32>
      %and3A_984 = arith.andi %get3A_981, %and3A_983 : vector<16xi32>
      %swap3A_985 = arith.constant 96 : index
      %swap3A_986 = tpu.vector_load %arg19[%swap3A_985] {strides = array<i32>} : memref<128xi32, #tpu.memory_space<vmem>>, vector<16xi32>,
      tpu.vector_store %arg19[%swap3A_985], %and3A_984 {strides = array<i32>} : memref<128xi32, #tpu.memory_space<vmem>>, vector<16xi32>,
      %shift_right_arithmetic3A_987 = arith.constant 16 : i32
      %shift_right_arithmetic3A_988 = vector.broadcast %shift_right_arithmetic3A_987 : i32 to vector<16xi32>
      %shift_right_arithmetic3A_989 = arith.shrsi %get3A_981, %shift_right_arithmetic3A_988 : vector<16xi32>
      %swap3A_990 = arith.constant 96 : index
      %swap3A_991 = tpu.vector_load %arg16[%swap3A_990] {strides = array<i32>} : memref<128xi32, #tpu.memory_space<vmem>>, vector<16xi32>,
      tpu.vector_store %arg16[%swap3A_990], %shift_right_arithmetic3A_989 {strides = array<i32>} : memref<128xi32, #tpu.memory_space<vmem>>, vector<16xi32>,
      %get3A_992 = arith.constant 3 : i32
      %get3A_993 = arith.index_cast %get3A_992 : i32 to index
      %get3A_994 = arith.constant 112 : index
      %get3A_995 = tpu.vector_load %arg11[%get3A_993, %get3A_994] {strides = array<i32>} : memref<160x128xi32, #tpu.memory_space<vmem>>, vector<16xi32>,
      %and3A_996 = arith.constant 65535 : i32
      %and3A_997 = vector.broadcast %and3A_996 : i32 to vector<16xi32>
      %and3A_998 = arith.andi %get3A_995, %and3A_997 : vector<16xi32>
      %swap3A_999 = arith.constant 112 : index
      %swap3A_1000 = tpu.vector_load %arg19[%swap3A_999] {strides = array<i32>} : memref<128xi32, #tpu.memory_space<vmem>>, vector<16xi32>,
      tpu.vector_store %arg19[%swap3A_999], %and3A_998 {strides = array<i32>} : memref<128xi32, #tpu.memory_space<vmem>>, vector<16xi32>,
      %shift_right_arithmetic3A_1001 = arith.constant 16 : i32
      %shift_right_arithmetic3A_1002 = vector.broadcast %shift_right_arithmetic3A_1001 : i32 to vector<16xi32>
      %shift_right_arithmetic3A_1003 = arith.shrsi %get3A_995, %shift_right_arithmetic3A_1002 : vector<16xi32>
      %swap3A_1004 = arith.constant 112 : index
      %swap3A_1005 = tpu.vector_load %arg16[%swap3A_1004] {strides = array<i32>} : memref<128xi32, #tpu.memory_space<vmem>>, vector<16xi32>,
      tpu.vector_store %arg16[%swap3A_1004], %shift_right_arithmetic3A_1003 {strides = array<i32>} : memref<128xi32, #tpu.memory_space<vmem>>, vector<16xi32>,
      %dma_start3A_1006 = arith.constant 0 : i32
      %dma_start3A_1007 = arith.constant 0 : i32
      %dma_start3A_1008 = tpu.memref_slice %arg9[%dma_start3A_1006, %dma_start3A_1007] : memref<10240x64xf32, #tpu.memory_space<vmem_shared>> -> memref<10240x64xf32, #tpu.memory_space<vmem_shared>>
      tpu.enqueue_indirect_dma source(%dma_start3A_1008 : memref<10240x64xf32, #tpu.memory_space<vmem_shared>>) target(%arg13 : memref<128x64xf32, #tpu.memory_space<vmem>>) offsets(%arg16 : memref<128xi32, #tpu.memory_space<vmem>>) semaphore(%arg25 : memref<!tpu.dma_semaphore, #tpu.memory_space<semaphore_mem>>)
      %scan3A_1009 = arith.constant 0 : i32
      %scan3A_1010 = arith.constant 0 : i32
      %scan3A_1011 = arith.constant 52 : i32
      %scan3A_1012 = arith.addi %scan3A_1010, %scan3A_1011 : i32
      %scan3A_1013 = arith.constant 1 : i32
      %scan3A_1014 = scf.for %scan3A_1053 = %scan3A_1010 to %scan3A_1012 step %scan3A_1013 iter_args(%scan3A_1054 = %scan3A_1009) -> (i32)  : i32 {
        %mul3A_1055 = arith.constant 3 : i32
        %mul3A_1056 = arith.muli %mul3A_1055, %scan3A_1053 : i32
        %add3A_1057 = arith.constant 2 : i32
        %add3A_1058 = arith.addi %mul3A_1056, %add3A_1057 : i32
        %add3A_1059 = arith.constant 0 : i32
        %add3A_1060 = arith.addi %add3A_1058, %add3A_1059 : i32
        %dma_wait3A_1061 = arith.constant 0 : i32
        %dma_wait3A_1062 = arith.constant 0 : i32
        %dma_wait3A_1063 = tpu.memref_slice %arg9[%dma_wait3A_1061, %dma_wait3A_1062] : memref<10240x64xf32, #tpu.memory_space<vmem_shared>> -> memref<10240x64xf32, #tpu.memory_space<vmem_shared>>
        tpu.wait_indirect_dma semaphore(%arg27 : memref<!tpu.dma_semaphore, #tpu.memory_space<semaphore_mem>>) src(%dma_wait3A_1063 : memref<10240x64xf32, #tpu.memory_space<vmem_shared>>) dst(%arg15 : memref<128x64xf32, #tpu.memory_space<vmem>>)
        %dma_start3A_1064 = arith.constant 0 : i32
        %dma_start3A_1065 = arith.constant 0 : i32
        %dma_start3A_1066 = tpu.memref_slice %arg8[%dma_start3A_1064, %dma_start3A_1065] : memref<10240x64xf32, #tpu.memory_space<vmem_shared>> -> memref<10240x64xf32, #tpu.memory_space<vmem_shared>>
        tpu.enqueue_indirect_dma source(%arg15 : memref<128x64xf32, #tpu.memory_space<vmem>>) target(%dma_start3A_1066 : memref<10240x64xf32, #tpu.memory_space<vmem_shared>>) offsets(%arg21 : memref<128xi32, #tpu.memory_space<vmem>>) semaphore(%arg30 : memref<!tpu.dma_semaphore, #tpu.memory_space<semaphore_mem>>) {add = true}
        %dma_wait3A_1067 = arith.constant 0 : i32
        %dma_wait3A_1068 = arith.constant 0 : i32
        %dma_wait3A_1069 = tpu.memref_slice %arg8[%dma_wait3A_1067, %dma_wait3A_1068] : memref<10240x64xf32, #tpu.memory_space<vmem_shared>> -> memref<10240x64xf32, #tpu.memory_space<vmem_shared>>
        tpu.wait_indirect_dma semaphore(%arg29 : memref<!tpu.dma_semaphore, #tpu.memory_space<semaphore_mem>>) src(%arg14 : memref<128x64xf32, #tpu.memory_space<vmem>>) dst(%dma_wait3A_1069 : memref<10240x64xf32, #tpu.memory_space<vmem_shared>>)
        %add3A_1070 = arith.constant 2 : i32
        %add3A_1071 = arith.addi %add3A_1060, %add3A_1070 : i32
        %get3A_1072 = arith.index_cast %add3A_1071 : i32 to index
        %get3A_1073 = arith.constant 0 : index
        %get3A_1074 = tpu.vector_load %arg11[%get3A_1072, %get3A_1073] {strides = array<i32>} : memref<160x128xi32, #tpu.memory_space<vmem>>, vector<16xi32>,
        %and3A_1075 = arith.constant 65535 : i32
        %and3A_1076 = vector.broadcast %and3A_1075 : i32 to vector<16xi32>
        %and3A_1077 = arith.andi %get3A_1074, %and3A_1076 : vector<16xi32>
        %swap3A_1078 = arith.constant 0 : index
        %swap3A_1079 = tpu.vector_load %arg20[%swap3A_1078] {strides = array<i32>} : memref<128xi32, #tpu.memory_space<vmem>>, vector<16xi32>,
        tpu.vector_store %arg20[%swap3A_1078], %and3A_1077 {strides = array<i32>} : memref<128xi32, #tpu.memory_space<vmem>>, vector<16xi32>,
        %shift_right_arithmetic3A_1080 = arith.constant 16 : i32
        %shift_right_arithmetic3A_1081 = vector.broadcast %shift_right_arithmetic3A_1080 : i32 to vector<16xi32>
        %shift_right_arithmetic3A_1082 = arith.shrsi %get3A_1074, %shift_right_arithmetic3A_1081 : vector<16xi32>
        %swap3A_1083 = arith.constant 0 : index
        %swap3A_1084 = tpu.vector_load %arg17[%swap3A_1083] {strides = array<i32>} : memref<128xi32, #tpu.memory_space<vmem>>, vector<16xi32>,
        tpu.vector_store %arg17[%swap3A_1083], %shift_right_arithmetic3A_1082 {strides = array<i32>} : memref<128xi32, #tpu.memory_space<vmem>>, vector<16xi32>,
        %get3A_1085 = arith.index_cast %add3A_1071 : i32 to index
        %get3A_1086 = arith.constant 16 : index
        %get3A_1087 = tpu.vector_load %arg11[%get3A_1085, %get3A_1086] {strides = array<i32>} : memref<160x128xi32, #tpu.memory_space<vmem>>, vector<16xi32>,
        %and3A_1088 = arith.constant 65535 : i32
        %and3A_1089 = vector.broadcast %and3A_1088 : i32 to vector<16xi32>
        %and3A_1090 = arith.andi %get3A_1087, %and3A_1089 : vector<16xi32>
        %swap3A_1091 = arith.constant 16 : index
        %swap3A_1092 = tpu.vector_load %arg20[%swap3A_1091] {strides = array<i32>} : memref<128xi32, #tpu.memory_space<vmem>>, vector<16xi32>,
        tpu.vector_store %arg20[%swap3A_1091], %and3A_1090 {strides = array<i32>} : memref<128xi32, #tpu.memory_space<vmem>>, vector<16xi32>,
        %shift_right_arithmetic3A_1093 = arith.constant 16 : i32
        %shift_right_arithmetic3A_1094 = vector.broadcast %shift_right_arithmetic3A_1093 : i32 to vector<16xi32>
        %shift_right_arithmetic3A_1095 = arith.shrsi %get3A_1087, %shift_right_arithmetic3A_1094 : vector<16xi32>
        %swap3A_1096 = arith.constant 16 : index
        %swap3A_1097 = tpu.vector_load %arg17[%swap3A_1096] {strides = array<i32>} : memref<128xi32, #tpu.memory_space<vmem>>, vector<16xi32>,
        tpu.vector_store %arg17[%swap3A_1096], %shift_right_arithmetic3A_1095 {strides = array<i32>} : memref<128xi32, #tpu.memory_space<vmem>>, vector<16xi32>,
        %get3A_1098 = arith.index_cast %add3A_1071 : i32 to index
        %get3A_1099 = arith.constant 32 : index
        %get3A_1100 = tpu.vector_load %arg11[%get3A_1098, %get3A_1099] {strides = array<i32>} : memref<160x128xi32, #tpu.memory_space<vmem>>, vector<16xi32>,
        %and3A_1101 = arith.constant 65535 : i32
        %and3A_1102 = vector.broadcast %and3A_1101 : i32 to vector<16xi32>
        %and3A_1103 = arith.andi %get3A_1100, %and3A_1102 : vector<16xi32>
        %swap3A_1104 = arith.constant 32 : index
        %swap3A_1105 = tpu.vector_load %arg20[%swap3A_1104] {strides = array<i32>} : memref<128xi32, #tpu.memory_space<vmem>>, vector<16xi32>,
        tpu.vector_store %arg20[%swap3A_1104], %and3A_1103 {strides = array<i32>} : memref<128xi32, #tpu.memory_space<vmem>>, vector<16xi32>,
        %shift_right_arithmetic3A_1106 = arith.constant 16 : i32
        %shift_right_arithmetic3A_1107 = vector.broadcast %shift_right_arithmetic3A_1106 : i32 to vector<16xi32>
        %shift_right_arithmetic3A_1108 = arith.shrsi %get3A_1100, %shift_right_arithmetic3A_1107 : vector<16xi32>
        %swap3A_1109 = arith.constant 32 : index
        %swap3A_1110 = tpu.vector_load %arg17[%swap3A_1109] {strides = array<i32>} : memref<128xi32, #tpu.memory_space<vmem>>, vector<16xi32>,
        tpu.vector_store %arg17[%swap3A_1109], %shift_right_arithmetic3A_1108 {strides = array<i32>} : memref<128xi32, #tpu.memory_space<vmem>>, vector<16xi32>,
        %get3A_1111 = arith.index_cast %add3A_1071 : i32 to index
        %get3A_1112 = arith.constant 48 : index
        %get3A_1113 = tpu.vector_load %arg11[%get3A_1111, %get3A_1112] {strides = array<i32>} : memref<160x128xi32, #tpu.memory_space<vmem>>, vector<16xi32>,
        %and3A_1114 = arith.constant 65535 : i32
        %and3A_1115 = vector.broadcast %and3A_1114 : i32 to vector<16xi32>
        %and3A_1116 = arith.andi %get3A_1113, %and3A_1115 : vector<16xi32>
        %swap3A_1117 = arith.constant 48 : index
        %swap3A_1118 = tpu.vector_load %arg20[%swap3A_1117] {strides = array<i32>} : memref<128xi32, #tpu.memory_space<vmem>>, vector<16xi32>,
        tpu.vector_store %arg20[%swap3A_1117], %and3A_1116 {strides = array<i32>} : memref<128xi32, #tpu.memory_space<vmem>>, vector<16xi32>,
        %shift_right_arithmetic3A_1119 = arith.constant 16 : i32
        %shift_right_arithmetic3A_1120 = vector.broadcast %shift_right_arithmetic3A_1119 : i32 to vector<16xi32>
        %shift_right_arithmetic3A_1121 = arith.shrsi %get3A_1113, %shift_right_arithmetic3A_1120 : vector<16xi32>
        %swap3A_1122 = arith.constant 48 : index
        %swap3A_1123 = tpu.vector_load %arg17[%swap3A_1122] {strides = array<i32>} : memref<128xi32, #tpu.memory_space<vmem>>, vector<16xi32>,
        tpu.vector_store %arg17[%swap3A_1122], %shift_right_arithmetic3A_1121 {strides = array<i32>} : memref<128xi32, #tpu.memory_space<vmem>>, vector<16xi32>,
        %get3A_1124 = arith.index_cast %add3A_1071 : i32 to index
        %get3A_1125 = arith.constant 64 : index
        %get3A_1126 = tpu.vector_load %arg11[%get3A_1124, %get3A_1125] {strides = array<i32>} : memref<160x128xi32, #tpu.memory_space<vmem>>, vector<16xi32>,
        %and3A_1127 = arith.constant 65535 : i32
        %and3A_1128 = vector.broadcast %and3A_1127 : i32 to vector<16xi32>
        %and3A_1129 = arith.andi %get3A_1126, %and3A_1128 : vector<16xi32>
        %swap3A_1130 = arith.constant 64 : index
        %swap3A_1131 = tpu.vector_load %arg20[%swap3A_1130] {strides = array<i32>} : memref<128xi32, #tpu.memory_space<vmem>>, vector<16xi32>,
        tpu.vector_store %arg20[%swap3A_1130], %and3A_1129 {strides = array<i32>} : memref<128xi32, #tpu.memory_space<vmem>>, vector<16xi32>,
        %shift_right_arithmetic3A_1132 = arith.constant 16 : i32
        %shift_right_arithmetic3A_1133 = vector.broadcast %shift_right_arithmetic3A_1132 : i32 to vector<16xi32>
        %shift_right_arithmetic3A_1134 = arith.shrsi %get3A_1126, %shift_right_arithmetic3A_1133 : vector<16xi32>
        %swap3A_1135 = arith.constant 64 : index
        %swap3A_1136 = tpu.vector_load %arg17[%swap3A_1135] {strides = array<i32>} : memref<128xi32, #tpu.memory_space<vmem>>, vector<16xi32>,
        tpu.vector_store %arg17[%swap3A_1135], %shift_right_arithmetic3A_1134 {strides = array<i32>} : memref<128xi32, #tpu.memory_space<vmem>>, vector<16xi32>,
        %get3A_1137 = arith.index_cast %add3A_1071 : i32 to index
        %get3A_1138 = arith.constant 80 : index
        %get3A_1139 = tpu.vector_load %arg11[%get3A_1137, %get3A_1138] {strides = array<i32>} : memref<160x128xi32, #tpu.memory_space<vmem>>, vector<16xi32>,
        %and3A_1140 = arith.constant 65535 : i32
        %and3A_1141 = vector.broadcast %and3A_1140 : i32 to vector<16xi32>
        %and3A_1142 = arith.andi %get3A_1139, %and3A_1141 : vector<16xi32>
        %swap3A_1143 = arith.constant 80 : index
        %swap3A_1144 = tpu.vector_load %arg20[%swap3A_1143] {strides = array<i32>} : memref<128xi32, #tpu.memory_space<vmem>>, vector<16xi32>,
        tpu.vector_store %arg20[%swap3A_1143], %and3A_1142 {strides = array<i32>} : memref<128xi32, #tpu.memory_space<vmem>>, vector<16xi32>,
        %shift_right_arithmetic3A_1145 = arith.constant 16 : i32
        %shift_right_arithmetic3A_1146 = vector.broadcast %shift_right_arithmetic3A_1145 : i32 to vector<16xi32>
        %shift_right_arithmetic3A_1147 = arith.shrsi %get3A_1139, %shift_right_arithmetic3A_1146 : vector<16xi32>
        %swap3A_1148 = arith.constant 80 : index
        %swap3A_1149 = tpu.vector_load %arg17[%swap3A_1148] {strides = array<i32>} : memref<128xi32, #tpu.memory_space<vmem>>, vector<16xi32>,
        tpu.vector_store %arg17[%swap3A_1148], %shift_right_arithmetic3A_1147 {strides = array<i32>} : memref<128xi32, #tpu.memory_space<vmem>>, vector<16xi32>,
        %get3A_1150 = arith.index_cast %add3A_1071 : i32 to index
        %get3A_1151 = arith.constant 96 : index
        %get3A_1152 = tpu.vector_load %arg11[%get3A_1150, %get3A_1151] {strides = array<i32>} : memref<160x128xi32, #tpu.memory_space<vmem>>, vector<16xi32>,
        %and3A_1153 = arith.constant 65535 : i32
        %and3A_1154 = vector.broadcast %and3A_1153 : i32 to vector<16xi32>
        %and3A_1155 = arith.andi %get3A_1152, %and3A_1154 : vector<16xi32>
        %swap3A_1156 = arith.constant 96 : index
        %swap3A_1157 = tpu.vector_load %arg20[%swap3A_1156] {strides = array<i32>} : memref<128xi32, #tpu.memory_space<vmem>>, vector<16xi32>,
        tpu.vector_store %arg20[%swap3A_1156], %and3A_1155 {strides = array<i32>} : memref<128xi32, #tpu.memory_space<vmem>>, vector<16xi32>,
        %shift_right_arithmetic3A_1158 = arith.constant 16 : i32
        %shift_right_arithmetic3A_1159 = vector.broadcast %shift_right_arithmetic3A_1158 : i32 to vector<16xi32>
        %shift_right_arithmetic3A_1160 = arith.shrsi %get3A_1152, %shift_right_arithmetic3A_1159 : vector<16xi32>
        %swap3A_1161 = arith.constant 96 : index
        %swap3A_1162 = tpu.vector_load %arg17[%swap3A_1161] {strides = array<i32>} : memref<128xi32, #tpu.memory_space<vmem>>, vector<16xi32>,
        tpu.vector_store %arg17[%swap3A_1161], %shift_right_arithmetic3A_1160 {strides = array<i32>} : memref<128xi32, #tpu.memory_space<vmem>>, vector<16xi32>,
        %get3A_1163 = arith.index_cast %add3A_1071 : i32 to index
        %get3A_1164 = arith.constant 112 : index
        %get3A_1165 = tpu.vector_load %arg11[%get3A_1163, %get3A_1164] {strides = array<i32>} : memref<160x128xi32, #tpu.memory_space<vmem>>, vector<16xi32>,
        %and3A_1166 = arith.constant 65535 : i32
        %and3A_1167 = vector.broadcast %and3A_1166 : i32 to vector<16xi32>
        %and3A_1168 = arith.andi %get3A_1165, %and3A_1167 : vector<16xi32>
        %swap3A_1169 = arith.constant 112 : index
        %swap3A_1170 = tpu.vector_load %arg20[%swap3A_1169] {strides = array<i32>} : memref<128xi32, #tpu.memory_space<vmem>>, vector<16xi32>,
        tpu.vector_store %arg20[%swap3A_1169], %and3A_1168 {strides = array<i32>} : memref<128xi32, #tpu.memory_space<vmem>>, vector<16xi32>,
        %shift_right_arithmetic3A_1171 = arith.constant 16 : i32
        %shift_right_arithmetic3A_1172 = vector.broadcast %shift_right_arithmetic3A_1171 : i32 to vector<16xi32>
        %shift_right_arithmetic3A_1173 = arith.shrsi %get3A_1165, %shift_right_arithmetic3A_1172 : vector<16xi32>
        %swap3A_1174 = arith.constant 112 : index
        %swap3A_1175 = tpu.vector_load %arg17[%swap3A_1174] {strides = array<i32>} : memref<128xi32, #tpu.memory_space<vmem>>, vector<16xi32>,
        tpu.vector_store %arg17[%swap3A_1174], %shift_right_arithmetic3A_1173 {strides = array<i32>} : memref<128xi32, #tpu.memory_space<vmem>>, vector<16xi32>,
        %dma_start3A_1176 = arith.constant 0 : i32
        %dma_start3A_1177 = arith.constant 0 : i32
        %dma_start3A_1178 = tpu.memref_slice %arg9[%dma_start3A_1176, %dma_start3A_1177] : memref<10240x64xf32, #tpu.memory_space<vmem_shared>> -> memref<10240x64xf32, #tpu.memory_space<vmem_shared>>
        tpu.enqueue_indirect_dma source(%dma_start3A_1178 : memref<10240x64xf32, #tpu.memory_space<vmem_shared>>) target(%arg14 : memref<128x64xf32, #tpu.memory_space<vmem>>) offsets(%arg17 : memref<128xi32, #tpu.memory_space<vmem>>) semaphore(%arg26 : memref<!tpu.dma_semaphore, #tpu.memory_space<semaphore_mem>>)
        %mul3A_1179 = arith.constant 3 : i32
        %mul3A_1180 = arith.muli %mul3A_1179, %scan3A_1053 : i32
        %add3A_1181 = arith.constant 2 : i32
        %add3A_1182 = arith.addi %mul3A_1180, %add3A_1181 : i32
        %add3A_1183 = arith.constant 1 : i32
        %add3A_1184 = arith.addi %add3A_1182, %add3A_1183 : i32
        %dma_wait3A_1185 = arith.constant 0 : i32
        %dma_wait3A_1186 = arith.constant 0 : i32
        %dma_wait3A_1187 = tpu.memref_slice %arg9[%dma_wait3A_1185, %dma_wait3A_1186] : memref<10240x64xf32, #tpu.memory_space<vmem_shared>> -> memref<10240x64xf32, #tpu.memory_space<vmem_shared>>
        tpu.wait_indirect_dma semaphore(%arg25 : memref<!tpu.dma_semaphore, #tpu.memory_space<semaphore_mem>>) src(%dma_wait3A_1187 : memref<10240x64xf32, #tpu.memory_space<vmem_shared>>) dst(%arg13 : memref<128x64xf32, #tpu.memory_space<vmem>>)
        %dma_start3A_1188 = arith.constant 0 : i32
        %dma_start3A_1189 = arith.constant 0 : i32
        %dma_start3A_1190 = tpu.memref_slice %arg8[%dma_start3A_1188, %dma_start3A_1189] : memref<10240x64xf32, #tpu.memory_space<vmem_shared>> -> memref<10240x64xf32, #tpu.memory_space<vmem_shared>>
        tpu.enqueue_indirect_dma source(%arg13 : memref<128x64xf32, #tpu.memory_space<vmem>>) target(%dma_start3A_1190 : memref<10240x64xf32, #tpu.memory_space<vmem_shared>>) offsets(%arg19 : memref<128xi32, #tpu.memory_space<vmem>>) semaphore(%arg28 : memref<!tpu.dma_semaphore, #tpu.memory_space<semaphore_mem>>) {add = true}
        %dma_wait3A_1191 = arith.constant 0 : i32
        %dma_wait3A_1192 = arith.constant 0 : i32
        %dma_wait3A_1193 = tpu.memref_slice %arg8[%dma_wait3A_1191, %dma_wait3A_1192] : memref<10240x64xf32, #tpu.memory_space<vmem_shared>> -> memref<10240x64xf32, #tpu.memory_space<vmem_shared>>
        tpu.wait_indirect_dma semaphore(%arg30 : memref<!tpu.dma_semaphore, #tpu.memory_space<semaphore_mem>>) src(%arg15 : memref<128x64xf32, #tpu.memory_space<vmem>>) dst(%dma_wait3A_1193 : memref<10240x64xf32, #tpu.memory_space<vmem_shared>>)
        %add3A_1194 = arith.constant 2 : i32
        %add3A_1195 = arith.addi %add3A_1184, %add3A_1194 : i32
        %get3A_1196 = arith.index_cast %add3A_1195 : i32 to index
        %get3A_1197 = arith.constant 0 : index
        %get3A_1198 = tpu.vector_load %arg11[%get3A_1196, %get3A_1197] {strides = array<i32>} : memref<160x128xi32, #tpu.memory_space<vmem>>, vector<16xi32>,
        %and3A_1199 = arith.constant 65535 : i32
        %and3A_1200 = vector.broadcast %and3A_1199 : i32 to vector<16xi32>
        %and3A_1201 = arith.andi %get3A_1198, %and3A_1200 : vector<16xi32>
        %swap3A_1202 = arith.constant 0 : index
        %swap3A_1203 = tpu.vector_load %arg21[%swap3A_1202] {strides = array<i32>} : memref<128xi32, #tpu.memory_space<vmem>>, vector<16xi32>,
        tpu.vector_store %arg21[%swap3A_1202], %and3A_1201 {strides = array<i32>} : memref<128xi32, #tpu.memory_space<vmem>>, vector<16xi32>,
        %shift_right_arithmetic3A_1204 = arith.constant 16 : i32
        %shift_right_arithmetic3A_1205 = vector.broadcast %shift_right_arithmetic3A_1204 : i32 to vector<16xi32>
        %shift_right_arithmetic3A_1206 = arith.shrsi %get3A_1198, %shift_right_arithmetic3A_1205 : vector<16xi32>
        %swap3A_1207 = arith.constant 0 : index
        %swap3A_1208 = tpu.vector_load %arg18[%swap3A_1207] {strides = array<i32>} : memref<128xi32, #tpu.memory_space<vmem>>, vector<16xi32>,
        tpu.vector_store %arg18[%swap3A_1207], %shift_right_arithmetic3A_1206 {strides = array<i32>} : memref<128xi32, #tpu.memory_space<vmem>>, vector<16xi32>,
        %get3A_1209 = arith.index_cast %add3A_1195 : i32 to index
        %get3A_1210 = arith.constant 16 : index
        %get3A_1211 = tpu.vector_load %arg11[%get3A_1209, %get3A_1210] {strides = array<i32>} : memref<160x128xi32, #tpu.memory_space<vmem>>, vector<16xi32>,
        %and3A_1212 = arith.constant 65535 : i32
        %and3A_1213 = vector.broadcast %and3A_1212 : i32 to vector<16xi32>
        %and3A_1214 = arith.andi %get3A_1211, %and3A_1213 : vector<16xi32>
        %swap3A_1215 = arith.constant 16 : index
        %swap3A_1216 = tpu.vector_load %arg21[%swap3A_1215] {strides = array<i32>} : memref<128xi32, #tpu.memory_space<vmem>>, vector<16xi32>,
        tpu.vector_store %arg21[%swap3A_1215], %and3A_1214 {strides = array<i32>} : memref<128xi32, #tpu.memory_space<vmem>>, vector<16xi32>,
        %shift_right_arithmetic3A_1217 = arith.constant 16 : i32
        %shift_right_arithmetic3A_1218 = vector.broadcast %shift_right_arithmetic3A_1217 : i32 to vector<16xi32>
        %shift_right_arithmetic3A_1219 = arith.shrsi %get3A_1211, %shift_right_arithmetic3A_1218 : vector<16xi32>
        %swap3A_1220 = arith.constant 16 : index
        %swap3A_1221 = tpu.vector_load %arg18[%swap3A_1220] {strides = array<i32>} : memref<128xi32, #tpu.memory_space<vmem>>, vector<16xi32>,
        tpu.vector_store %arg18[%swap3A_1220], %shift_right_arithmetic3A_1219 {strides = array<i32>} : memref<128xi32, #tpu.memory_space<vmem>>, vector<16xi32>,
        %get3A_1222 = arith.index_cast %add3A_1195 : i32 to index
        %get3A_1223 = arith.constant 32 : index
        %get3A_1224 = tpu.vector_load %arg11[%get3A_1222, %get3A_1223] {strides = array<i32>} : memref<160x128xi32, #tpu.memory_space<vmem>>, vector<16xi32>,
        %and3A_1225 = arith.constant 65535 : i32
        %and3A_1226 = vector.broadcast %and3A_1225 : i32 to vector<16xi32>
        %and3A_1227 = arith.andi %get3A_1224, %and3A_1226 : vector<16xi32>
        %swap3A_1228 = arith.constant 32 : index
        %swap3A_1229 = tpu.vector_load %arg21[%swap3A_1228] {strides = array<i32>} : memref<128xi32, #tpu.memory_space<vmem>>, vector<16xi32>,
        tpu.vector_store %arg21[%swap3A_1228], %and3A_1227 {strides = array<i32>} : memref<128xi32, #tpu.memory_space<vmem>>, vector<16xi32>,
        %shift_right_arithmetic3A_1230 = arith.constant 16 : i32
        %shift_right_arithmetic3A_1231 = vector.broadcast %shift_right_arithmetic3A_1230 : i32 to vector<16xi32>
        %shift_right_arithmetic3A_1232 = arith.shrsi %get3A_1224, %shift_right_arithmetic3A_1231 : vector<16xi32>
        %swap3A_1233 = arith.constant 32 : index
        %swap3A_1234 = tpu.vector_load %arg18[%swap3A_1233] {strides = array<i32>} : memref<128xi32, #tpu.memory_space<vmem>>, vector<16xi32>,
        tpu.vector_store %arg18[%swap3A_1233], %shift_right_arithmetic3A_1232 {strides = array<i32>} : memref<128xi32, #tpu.memory_space<vmem>>, vector<16xi32>,
        %get3A_1235 = arith.index_cast %add3A_1195 : i32 to index
        %get3A_1236 = arith.constant 48 : index
        %get3A_1237 = tpu.vector_load %arg11[%get3A_1235, %get3A_1236] {strides = array<i32>} : memref<160x128xi32, #tpu.memory_space<vmem>>, vector<16xi32>,
        %and3A_1238 = arith.constant 65535 : i32
        %and3A_1239 = vector.broadcast %and3A_1238 : i32 to vector<16xi32>
        %and3A_1240 = arith.andi %get3A_1237, %and3A_1239 : vector<16xi32>
        %swap3A_1241 = arith.constant 48 : index
        %swap3A_1242 = tpu.vector_load %arg21[%swap3A_1241] {strides = array<i32>} : memref<128xi32, #tpu.memory_space<vmem>>, vector<16xi32>,
        tpu.vector_store %arg21[%swap3A_1241], %and3A_1240 {strides = array<i32>} : memref<128xi32, #tpu.memory_space<vmem>>, vector<16xi32>,
        %shift_right_arithmetic3A_1243 = arith.constant 16 : i32
        %shift_right_arithmetic3A_1244 = vector.broadcast %shift_right_arithmetic3A_1243 : i32 to vector<16xi32>
        %shift_right_arithmetic3A_1245 = arith.shrsi %get3A_1237, %shift_right_arithmetic3A_1244 : vector<16xi32>
        %swap3A_1246 = arith.constant 48 : index
        %swap3A_1247 = tpu.vector_load %arg18[%swap3A_1246] {strides = array<i32>} : memref<128xi32, #tpu.memory_space<vmem>>, vector<16xi32>,
        tpu.vector_store %arg18[%swap3A_1246], %shift_right_arithmetic3A_1245 {strides = array<i32>} : memref<128xi32, #tpu.memory_space<vmem>>, vector<16xi32>,
        %get3A_1248 = arith.index_cast %add3A_1195 : i32 to index
        %get3A_1249 = arith.constant 64 : index
        %get3A_1250 = tpu.vector_load %arg11[%get3A_1248, %get3A_1249] {strides = array<i32>} : memref<160x128xi32, #tpu.memory_space<vmem>>, vector<16xi32>,
        %and3A_1251 = arith.constant 65535 : i32
        %and3A_1252 = vector.broadcast %and3A_1251 : i32 to vector<16xi32>
        %and3A_1253 = arith.andi %get3A_1250, %and3A_1252 : vector<16xi32>
        %swap3A_1254 = arith.constant 64 : index
        %swap3A_1255 = tpu.vector_load %arg21[%swap3A_1254] {strides = array<i32>} : memref<128xi32, #tpu.memory_space<vmem>>, vector<16xi32>,
        tpu.vector_store %arg21[%swap3A_1254], %and3A_1253 {strides = array<i32>} : memref<128xi32, #tpu.memory_space<vmem>>, vector<16xi32>,
        %shift_right_arithmetic3A_1256 = arith.constant 16 : i32
        %shift_right_arithmetic3A_1257 = vector.broadcast %shift_right_arithmetic3A_1256 : i32 to vector<16xi32>
        %shift_right_arithmetic3A_1258 = arith.shrsi %get3A_1250, %shift_right_arithmetic3A_1257 : vector<16xi32>
        %swap3A_1259 = arith.constant 64 : index
        %swap3A_1260 = tpu.vector_load %arg18[%swap3A_1259] {strides = array<i32>} : memref<128xi32, #tpu.memory_space<vmem>>, vector<16xi32>,
        tpu.vector_store %arg18[%swap3A_1259], %shift_right_arithmetic3A_1258 {strides = array<i32>} : memref<128xi32, #tpu.memory_space<vmem>>, vector<16xi32>,
        %get3A_1261 = arith.index_cast %add3A_1195 : i32 to index
        %get3A_1262 = arith.constant 80 : index
        %get3A_1263 = tpu.vector_load %arg11[%get3A_1261, %get3A_1262] {strides = array<i32>} : memref<160x128xi32, #tpu.memory_space<vmem>>, vector<16xi32>,
        %and3A_1264 = arith.constant 65535 : i32
        %and3A_1265 = vector.broadcast %and3A_1264 : i32 to vector<16xi32>
        %and3A_1266 = arith.andi %get3A_1263, %and3A_1265 : vector<16xi32>
        %swap3A_1267 = arith.constant 80 : index
        %swap3A_1268 = tpu.vector_load %arg21[%swap3A_1267] {strides = array<i32>} : memref<128xi32, #tpu.memory_space<vmem>>, vector<16xi32>,
        tpu.vector_store %arg21[%swap3A_1267], %and3A_1266 {strides = array<i32>} : memref<128xi32, #tpu.memory_space<vmem>>, vector<16xi32>,
        %shift_right_arithmetic3A_1269 = arith.constant 16 : i32
        %shift_right_arithmetic3A_1270 = vector.broadcast %shift_right_arithmetic3A_1269 : i32 to vector<16xi32>
        %shift_right_arithmetic3A_1271 = arith.shrsi %get3A_1263, %shift_right_arithmetic3A_1270 : vector<16xi32>
        %swap3A_1272 = arith.constant 80 : index
        %swap3A_1273 = tpu.vector_load %arg18[%swap3A_1272] {strides = array<i32>} : memref<128xi32, #tpu.memory_space<vmem>>, vector<16xi32>,
        tpu.vector_store %arg18[%swap3A_1272], %shift_right_arithmetic3A_1271 {strides = array<i32>} : memref<128xi32, #tpu.memory_space<vmem>>, vector<16xi32>,
        %get3A_1274 = arith.index_cast %add3A_1195 : i32 to index
        %get3A_1275 = arith.constant 96 : index
        %get3A_1276 = tpu.vector_load %arg11[%get3A_1274, %get3A_1275] {strides = array<i32>} : memref<160x128xi32, #tpu.memory_space<vmem>>, vector<16xi32>,
        %and3A_1277 = arith.constant 65535 : i32
        %and3A_1278 = vector.broadcast %and3A_1277 : i32 to vector<16xi32>
        %and3A_1279 = arith.andi %get3A_1276, %and3A_1278 : vector<16xi32>
        %swap3A_1280 = arith.constant 96 : index
        %swap3A_1281 = tpu.vector_load %arg21[%swap3A_1280] {strides = array<i32>} : memref<128xi32, #tpu.memory_space<vmem>>, vector<16xi32>,
        tpu.vector_store %arg21[%swap3A_1280], %and3A_1279 {strides = array<i32>} : memref<128xi32, #tpu.memory_space<vmem>>, vector<16xi32>,
        %shift_right_arithmetic3A_1282 = arith.constant 16 : i32
        %shift_right_arithmetic3A_1283 = vector.broadcast %shift_right_arithmetic3A_1282 : i32 to vector<16xi32>
        %shift_right_arithmetic3A_1284 = arith.shrsi %get3A_1276, %shift_right_arithmetic3A_1283 : vector<16xi32>
        %swap3A_1285 = arith.constant 96 : index
        %swap3A_1286 = tpu.vector_load %arg18[%swap3A_1285] {strides = array<i32>} : memref<128xi32, #tpu.memory_space<vmem>>, vector<16xi32>,
        tpu.vector_store %arg18[%swap3A_1285], %shift_right_arithmetic3A_1284 {strides = array<i32>} : memref<128xi32, #tpu.memory_space<vmem>>, vector<16xi32>,
        %get3A_1287 = arith.index_cast %add3A_1195 : i32 to index
        %get3A_1288 = arith.constant 112 : index
        %get3A_1289 = tpu.vector_load %arg11[%get3A_1287, %get3A_1288] {strides = array<i32>} : memref<160x128xi32, #tpu.memory_space<vmem>>, vector<16xi32>,
        %and3A_1290 = arith.constant 65535 : i32
        %and3A_1291 = vector.broadcast %and3A_1290 : i32 to vector<16xi32>
        %and3A_1292 = arith.andi %get3A_1289, %and3A_1291 : vector<16xi32>
        %swap3A_1293 = arith.constant 112 : index
        %swap3A_1294 = tpu.vector_load %arg21[%swap3A_1293] {strides = array<i32>} : memref<128xi32, #tpu.memory_space<vmem>>, vector<16xi32>,
        tpu.vector_store %arg21[%swap3A_1293], %and3A_1292 {strides = array<i32>} : memref<128xi32, #tpu.memory_space<vmem>>, vector<16xi32>,
        %shift_right_arithmetic3A_1295 = arith.constant 16 : i32
        %shift_right_arithmetic3A_1296 = vector.broadcast %shift_right_arithmetic3A_1295 : i32 to vector<16xi32>
        %shift_right_arithmetic3A_1297 = arith.shrsi %get3A_1289, %shift_right_arithmetic3A_1296 : vector<16xi32>
        %swap3A_1298 = arith.constant 112 : index
        %swap3A_1299 = tpu.vector_load %arg18[%swap3A_1298] {strides = array<i32>} : memref<128xi32, #tpu.memory_space<vmem>>, vector<16xi32>,
        tpu.vector_store %arg18[%swap3A_1298], %shift_right_arithmetic3A_1297 {strides = array<i32>} : memref<128xi32, #tpu.memory_space<vmem>>, vector<16xi32>,
        %dma_start3A_1300 = arith.constant 0 : i32
        %dma_start3A_1301 = arith.constant 0 : i32
        %dma_start3A_1302 = tpu.memref_slice %arg9[%dma_start3A_1300, %dma_start3A_1301] : memref<10240x64xf32, #tpu.memory_space<vmem_shared>> -> memref<10240x64xf32, #tpu.memory_space<vmem_shared>>
        tpu.enqueue_indirect_dma source(%dma_start3A_1302 : memref<10240x64xf32, #tpu.memory_space<vmem_shared>>) target(%arg15 : memref<128x64xf32, #tpu.memory_space<vmem>>) offsets(%arg18 : memref<128xi32, #tpu.memory_space<vmem>>) semaphore(%arg27 : memref<!tpu.dma_semaphore, #tpu.memory_space<semaphore_mem>>)
        %mul3A_1303 = arith.constant 3 : i32
        %mul3A_1304 = arith.muli %mul3A_1303, %scan3A_1053 : i32
        %add3A_1305 = arith.constant 2 : i32
        %add3A_1306 = arith.addi %mul3A_1304, %add3A_1305 : i32
        %add3A_1307 = arith.constant 2 : i32
        %add3A_1308 = arith.addi %add3A_1306, %add3A_1307 : i32
        %dma_wait3A_1309 = arith.constant 0 : i32
        %dma_wait3A_1310 = arith.constant 0 : i32
        %dma_wait3A_1311 = tpu.memref_slice %arg9[%dma_wait3A_1309, %dma_wait3A_1310] : memref<10240x64xf32, #tpu.memory_space<vmem_shared>> -> memref<10240x64xf32, #tpu.memory_space<vmem_shared>>
        tpu.wait_indirect_dma semaphore(%arg26 : memref<!tpu.dma_semaphore, #tpu.memory_space<semaphore_mem>>) src(%dma_wait3A_1311 : memref<10240x64xf32, #tpu.memory_space<vmem_shared>>) dst(%arg14 : memref<128x64xf32, #tpu.memory_space<vmem>>)
        %dma_start3A_1312 = arith.constant 0 : i32
        %dma_start3A_1313 = arith.constant 0 : i32
        %dma_start3A_1314 = tpu.memref_slice %arg8[%dma_start3A_1312, %dma_start3A_1313] : memref<10240x64xf32, #tpu.memory_space<vmem_shared>> -> memref<10240x64xf32, #tpu.memory_space<vmem_shared>>
        tpu.enqueue_indirect_dma source(%arg14 : memref<128x64xf32, #tpu.memory_space<vmem>>) target(%dma_start3A_1314 : memref<10240x64xf32, #tpu.memory_space<vmem_shared>>) offsets(%arg20 : memref<128xi32, #tpu.memory_space<vmem>>) semaphore(%arg29 : memref<!tpu.dma_semaphore, #tpu.memory_space<semaphore_mem>>) {add = true}
        %dma_wait3A_1315 = arith.constant 0 : i32
        %dma_wait3A_1316 = arith.constant 0 : i32
        %dma_wait3A_1317 = tpu.memref_slice %arg8[%dma_wait3A_1315, %dma_wait3A_1316] : memref<10240x64xf32, #tpu.memory_space<vmem_shared>> -> memref<10240x64xf32, #tpu.memory_space<vmem_shared>>
        tpu.wait_indirect_dma semaphore(%arg28 : memref<!tpu.dma_semaphore, #tpu.memory_space<semaphore_mem>>) src(%arg13 : memref<128x64xf32, #tpu.memory_space<vmem>>) dst(%dma_wait3A_1317 : memref<10240x64xf32, #tpu.memory_space<vmem_shared>>)
        %add3A_1318 = arith.constant 2 : i32
        %add3A_1319 = arith.addi %add3A_1308, %add3A_1318 : i32
        %get3A_1320 = arith.index_cast %add3A_1319 : i32 to index
        %get3A_1321 = arith.constant 0 : index
        %get3A_1322 = tpu.vector_load %arg11[%get3A_1320, %get3A_1321] {strides = array<i32>} : memref<160x128xi32, #tpu.memory_space<vmem>>, vector<16xi32>,
        %and3A_1323 = arith.constant 65535 : i32
        %and3A_1324 = vector.broadcast %and3A_1323 : i32 to vector<16xi32>
        %and3A_1325 = arith.andi %get3A_1322, %and3A_1324 : vector<16xi32>
        %swap3A_1326 = arith.constant 0 : index
        %swap3A_1327 = tpu.vector_load %arg19[%swap3A_1326] {strides = array<i32>} : memref<128xi32, #tpu.memory_space<vmem>>, vector<16xi32>,
        tpu.vector_store %arg19[%swap3A_1326], %and3A_1325 {strides = array<i32>} : memref<128xi32, #tpu.memory_space<vmem>>, vector<16xi32>,
        %shift_right_arithmetic3A_1328 = arith.constant 16 : i32
        %shift_right_arithmetic3A_1329 = vector.broadcast %shift_right_arithmetic3A_1328 : i32 to vector<16xi32>
        %shift_right_arithmetic3A_1330 = arith.shrsi %get3A_1322, %shift_right_arithmetic3A_1329 : vector<16xi32>
        %swap3A_1331 = arith.constant 0 : index
        %swap3A_1332 = tpu.vector_load %arg16[%swap3A_1331] {strides = array<i32>} : memref<128xi32, #tpu.memory_space<vmem>>, vector<16xi32>,
        tpu.vector_store %arg16[%swap3A_1331], %shift_right_arithmetic3A_1330 {strides = array<i32>} : memref<128xi32, #tpu.memory_space<vmem>>, vector<16xi32>,
        %get3A_1333 = arith.index_cast %add3A_1319 : i32 to index
        %get3A_1334 = arith.constant 16 : index
        %get3A_1335 = tpu.vector_load %arg11[%get3A_1333, %get3A_1334] {strides = array<i32>} : memref<160x128xi32, #tpu.memory_space<vmem>>, vector<16xi32>,
        %and3A_1336 = arith.constant 65535 : i32
        %and3A_1337 = vector.broadcast %and3A_1336 : i32 to vector<16xi32>
        %and3A_1338 = arith.andi %get3A_1335, %and3A_1337 : vector<16xi32>
        %swap3A_1339 = arith.constant 16 : index
        %swap3A_1340 = tpu.vector_load %arg19[%swap3A_1339] {strides = array<i32>} : memref<128xi32, #tpu.memory_space<vmem>>, vector<16xi32>,
        tpu.vector_store %arg19[%swap3A_1339], %and3A_1338 {strides = array<i32>} : memref<128xi32, #tpu.memory_space<vmem>>, vector<16xi32>,
        %shift_right_arithmetic3A_1341 = arith.constant 16 : i32
        %shift_right_arithmetic3A_1342 = vector.broadcast %shift_right_arithmetic3A_1341 : i32 to vector<16xi32>
        %shift_right_arithmetic3A_1343 = arith.shrsi %get3A_1335, %shift_right_arithmetic3A_1342 : vector<16xi32>
        %swap3A_1344 = arith.constant 16 : index
        %swap3A_1345 = tpu.vector_load %arg16[%swap3A_1344] {strides = array<i32>} : memref<128xi32, #tpu.memory_space<vmem>>, vector<16xi32>,
        tpu.vector_store %arg16[%swap3A_1344], %shift_right_arithmetic3A_1343 {strides = array<i32>} : memref<128xi32, #tpu.memory_space<vmem>>, vector<16xi32>,
        %get3A_1346 = arith.index_cast %add3A_1319 : i32 to index
        %get3A_1347 = arith.constant 32 : index
        %get3A_1348 = tpu.vector_load %arg11[%get3A_1346, %get3A_1347] {strides = array<i32>} : memref<160x128xi32, #tpu.memory_space<vmem>>, vector<16xi32>,
        %and3A_1349 = arith.constant 65535 : i32
        %and3A_1350 = vector.broadcast %and3A_1349 : i32 to vector<16xi32>
        %and3A_1351 = arith.andi %get3A_1348, %and3A_1350 : vector<16xi32>
        %swap3A_1352 = arith.constant 32 : index
        %swap3A_1353 = tpu.vector_load %arg19[%swap3A_1352] {strides = array<i32>} : memref<128xi32, #tpu.memory_space<vmem>>, vector<16xi32>,
        tpu.vector_store %arg19[%swap3A_1352], %and3A_1351 {strides = array<i32>} : memref<128xi32, #tpu.memory_space<vmem>>, vector<16xi32>,
        %shift_right_arithmetic3A_1354 = arith.constant 16 : i32
        %shift_right_arithmetic3A_1355 = vector.broadcast %shift_right_arithmetic3A_1354 : i32 to vector<16xi32>
        %shift_right_arithmetic3A_1356 = arith.shrsi %get3A_1348, %shift_right_arithmetic3A_1355 : vector<16xi32>
        %swap3A_1357 = arith.constant 32 : index
        %swap3A_1358 = tpu.vector_load %arg16[%swap3A_1357] {strides = array<i32>} : memref<128xi32, #tpu.memory_space<vmem>>, vector<16xi32>,
        tpu.vector_store %arg16[%swap3A_1357], %shift_right_arithmetic3A_1356 {strides = array<i32>} : memref<128xi32, #tpu.memory_space<vmem>>, vector<16xi32>,
        %get3A_1359 = arith.index_cast %add3A_1319 : i32 to index
        %get3A_1360 = arith.constant 48 : index
        %get3A_1361 = tpu.vector_load %arg11[%get3A_1359, %get3A_1360] {strides = array<i32>} : memref<160x128xi32, #tpu.memory_space<vmem>>, vector<16xi32>,
        %and3A_1362 = arith.constant 65535 : i32
        %and3A_1363 = vector.broadcast %and3A_1362 : i32 to vector<16xi32>
        %and3A_1364 = arith.andi %get3A_1361, %and3A_1363 : vector<16xi32>
        %swap3A_1365 = arith.constant 48 : index
        %swap3A_1366 = tpu.vector_load %arg19[%swap3A_1365] {strides = array<i32>} : memref<128xi32, #tpu.memory_space<vmem>>, vector<16xi32>,
        tpu.vector_store %arg19[%swap3A_1365], %and3A_1364 {strides = array<i32>} : memref<128xi32, #tpu.memory_space<vmem>>, vector<16xi32>,
        %shift_right_arithmetic3A_1367 = arith.constant 16 : i32
        %shift_right_arithmetic3A_1368 = vector.broadcast %shift_right_arithmetic3A_1367 : i32 to vector<16xi32>
        %shift_right_arithmetic3A_1369 = arith.shrsi %get3A_1361, %shift_right_arithmetic3A_1368 : vector<16xi32>
        %swap3A_1370 = arith.constant 48 : index
        %swap3A_1371 = tpu.vector_load %arg16[%swap3A_1370] {strides = array<i32>} : memref<128xi32, #tpu.memory_space<vmem>>, vector<16xi32>,
        tpu.vector_store %arg16[%swap3A_1370], %shift_right_arithmetic3A_1369 {strides = array<i32>} : memref<128xi32, #tpu.memory_space<vmem>>, vector<16xi32>,
        %get3A_1372 = arith.index_cast %add3A_1319 : i32 to index
        %get3A_1373 = arith.constant 64 : index
        %get3A_1374 = tpu.vector_load %arg11[%get3A_1372, %get3A_1373] {strides = array<i32>} : memref<160x128xi32, #tpu.memory_space<vmem>>, vector<16xi32>,
        %and3A_1375 = arith.constant 65535 : i32
        %and3A_1376 = vector.broadcast %and3A_1375 : i32 to vector<16xi32>
        %and3A_1377 = arith.andi %get3A_1374, %and3A_1376 : vector<16xi32>
        %swap3A_1378 = arith.constant 64 : index
        %swap3A_1379 = tpu.vector_load %arg19[%swap3A_1378] {strides = array<i32>} : memref<128xi32, #tpu.memory_space<vmem>>, vector<16xi32>,
        tpu.vector_store %arg19[%swap3A_1378], %and3A_1377 {strides = array<i32>} : memref<128xi32, #tpu.memory_space<vmem>>, vector<16xi32>,
        %shift_right_arithmetic3A_1380 = arith.constant 16 : i32
        %shift_right_arithmetic3A_1381 = vector.broadcast %shift_right_arithmetic3A_1380 : i32 to vector<16xi32>
        %shift_right_arithmetic3A_1382 = arith.shrsi %get3A_1374, %shift_right_arithmetic3A_1381 : vector<16xi32>
        %swap3A_1383 = arith.constant 64 : index
        %swap3A_1384 = tpu.vector_load %arg16[%swap3A_1383] {strides = array<i32>} : memref<128xi32, #tpu.memory_space<vmem>>, vector<16xi32>,
        tpu.vector_store %arg16[%swap3A_1383], %shift_right_arithmetic3A_1382 {strides = array<i32>} : memref<128xi32, #tpu.memory_space<vmem>>, vector<16xi32>,
        %get3A_1385 = arith.index_cast %add3A_1319 : i32 to index
        %get3A_1386 = arith.constant 80 : index
        %get3A_1387 = tpu.vector_load %arg11[%get3A_1385, %get3A_1386] {strides = array<i32>} : memref<160x128xi32, #tpu.memory_space<vmem>>, vector<16xi32>,
        %and3A_1388 = arith.constant 65535 : i32
        %and3A_1389 = vector.broadcast %and3A_1388 : i32 to vector<16xi32>
        %and3A_1390 = arith.andi %get3A_1387, %and3A_1389 : vector<16xi32>
        %swap3A_1391 = arith.constant 80 : index
        %swap3A_1392 = tpu.vector_load %arg19[%swap3A_1391] {strides = array<i32>} : memref<128xi32, #tpu.memory_space<vmem>>, vector<16xi32>,
        tpu.vector_store %arg19[%swap3A_1391], %and3A_1390 {strides = array<i32>} : memref<128xi32, #tpu.memory_space<vmem>>, vector<16xi32>,
        %shift_right_arithmetic3A_1393 = arith.constant 16 : i32
        %shift_right_arithmetic3A_1394 = vector.broadcast %shift_right_arithmetic3A_1393 : i32 to vector<16xi32>
        %shift_right_arithmetic3A_1395 = arith.shrsi %get3A_1387, %shift_right_arithmetic3A_1394 : vector<16xi32>
        %swap3A_1396 = arith.constant 80 : index
        %swap3A_1397 = tpu.vector_load %arg16[%swap3A_1396] {strides = array<i32>} : memref<128xi32, #tpu.memory_space<vmem>>, vector<16xi32>,
        tpu.vector_store %arg16[%swap3A_1396], %shift_right_arithmetic3A_1395 {strides = array<i32>} : memref<128xi32, #tpu.memory_space<vmem>>, vector<16xi32>,
        %get3A_1398 = arith.index_cast %add3A_1319 : i32 to index
        %get3A_1399 = arith.constant 96 : index
        %get3A_1400 = tpu.vector_load %arg11[%get3A_1398, %get3A_1399] {strides = array<i32>} : memref<160x128xi32, #tpu.memory_space<vmem>>, vector<16xi32>,
        %and3A_1401 = arith.constant 65535 : i32
        %and3A_1402 = vector.broadcast %and3A_1401 : i32 to vector<16xi32>
        %and3A_1403 = arith.andi %get3A_1400, %and3A_1402 : vector<16xi32>
        %swap3A_1404 = arith.constant 96 : index
        %swap3A_1405 = tpu.vector_load %arg19[%swap3A_1404] {strides = array<i32>} : memref<128xi32, #tpu.memory_space<vmem>>, vector<16xi32>,
        tpu.vector_store %arg19[%swap3A_1404], %and3A_1403 {strides = array<i32>} : memref<128xi32, #tpu.memory_space<vmem>>, vector<16xi32>,
        %shift_right_arithmetic3A_1406 = arith.constant 16 : i32
        %shift_right_arithmetic3A_1407 = vector.broadcast %shift_right_arithmetic3A_1406 : i32 to vector<16xi32>
        %shift_right_arithmetic3A_1408 = arith.shrsi %get3A_1400, %shift_right_arithmetic3A_1407 : vector<16xi32>
        %swap3A_1409 = arith.constant 96 : index
        %swap3A_1410 = tpu.vector_load %arg16[%swap3A_1409] {strides = array<i32>} : memref<128xi32, #tpu.memory_space<vmem>>, vector<16xi32>,
        tpu.vector_store %arg16[%swap3A_1409], %shift_right_arithmetic3A_1408 {strides = array<i32>} : memref<128xi32, #tpu.memory_space<vmem>>, vector<16xi32>,
        %get3A_1411 = arith.index_cast %add3A_1319 : i32 to index
        %get3A_1412 = arith.constant 112 : index
        %get3A_1413 = tpu.vector_load %arg11[%get3A_1411, %get3A_1412] {strides = array<i32>} : memref<160x128xi32, #tpu.memory_space<vmem>>, vector<16xi32>,
        %and3A_1414 = arith.constant 65535 : i32
        %and3A_1415 = vector.broadcast %and3A_1414 : i32 to vector<16xi32>
        %and3A_1416 = arith.andi %get3A_1413, %and3A_1415 : vector<16xi32>
        %swap3A_1417 = arith.constant 112 : index
        %swap3A_1418 = tpu.vector_load %arg19[%swap3A_1417] {strides = array<i32>} : memref<128xi32, #tpu.memory_space<vmem>>, vector<16xi32>,
        tpu.vector_store %arg19[%swap3A_1417], %and3A_1416 {strides = array<i32>} : memref<128xi32, #tpu.memory_space<vmem>>, vector<16xi32>,
        %shift_right_arithmetic3A_1419 = arith.constant 16 : i32
        %shift_right_arithmetic3A_1420 = vector.broadcast %shift_right_arithmetic3A_1419 : i32 to vector<16xi32>
        %shift_right_arithmetic3A_1421 = arith.shrsi %get3A_1413, %shift_right_arithmetic3A_1420 : vector<16xi32>
        %swap3A_1422 = arith.constant 112 : index
        %swap3A_1423 = tpu.vector_load %arg16[%swap3A_1422] {strides = array<i32>} : memref<128xi32, #tpu.memory_space<vmem>>, vector<16xi32>,
        tpu.vector_store %arg16[%swap3A_1422], %shift_right_arithmetic3A_1421 {strides = array<i32>} : memref<128xi32, #tpu.memory_space<vmem>>, vector<16xi32>,
        %dma_start3A_1424 = arith.constant 0 : i32
        %dma_start3A_1425 = arith.constant 0 : i32
        %dma_start3A_1426 = tpu.memref_slice %arg9[%dma_start3A_1424, %dma_start3A_1425] : memref<10240x64xf32, #tpu.memory_space<vmem_shared>> -> memref<10240x64xf32, #tpu.memory_space<vmem_shared>>
        tpu.enqueue_indirect_dma source(%dma_start3A_1426 : memref<10240x64xf32, #tpu.memory_space<vmem_shared>>) target(%arg13 : memref<128x64xf32, #tpu.memory_space<vmem>>) offsets(%arg16 : memref<128xi32, #tpu.memory_space<vmem>>) semaphore(%arg25 : memref<!tpu.dma_semaphore, #tpu.memory_space<semaphore_mem>>)
        %scan3A_1427 = arith.constant 0 : i32
        scf.yield %scan3A_1427 : i32
      }
      %scan3A_1015 = arith.constant 52 : i32
      %dma_wait3A_1016 = arith.constant 0 : i32
      %dma_wait3A_1017 = arith.constant 0 : i32
      %dma_wait3A_1018 = tpu.memref_slice %arg9[%dma_wait3A_1016, %dma_wait3A_1017] : memref<10240x64xf32, #tpu.memory_space<vmem_shared>> -> memref<10240x64xf32, #tpu.memory_space<vmem_shared>>
      tpu.wait_indirect_dma semaphore(%arg27 : memref<!tpu.dma_semaphore, #tpu.memory_space<semaphore_mem>>) src(%dma_wait3A_1018 : memref<10240x64xf32, #tpu.memory_space<vmem_shared>>) dst(%arg15 : memref<128x64xf32, #tpu.memory_space<vmem>>)
      %dma_start3A_1019 = arith.constant 0 : i32
      %dma_start3A_1020 = arith.constant 0 : i32
      %dma_start3A_1021 = tpu.memref_slice %arg8[%dma_start3A_1019, %dma_start3A_1020] : memref<10240x64xf32, #tpu.memory_space<vmem_shared>> -> memref<10240x64xf32, #tpu.memory_space<vmem_shared>>
      tpu.enqueue_indirect_dma source(%arg15 : memref<128x64xf32, #tpu.memory_space<vmem>>) target(%dma_start3A_1021 : memref<10240x64xf32, #tpu.memory_space<vmem_shared>>) offsets(%arg21 : memref<128xi32, #tpu.memory_space<vmem>>) semaphore(%arg30 : memref<!tpu.dma_semaphore, #tpu.memory_space<semaphore_mem>>) {add = true}
      %dma_wait3A_1022 = arith.constant 0 : i32
      %dma_wait3A_1023 = arith.constant 0 : i32
      %dma_wait3A_1024 = tpu.memref_slice %arg8[%dma_wait3A_1022, %dma_wait3A_1023] : memref<10240x64xf32, #tpu.memory_space<vmem_shared>> -> memref<10240x64xf32, #tpu.memory_space<vmem_shared>>
      tpu.wait_indirect_dma semaphore(%arg29 : memref<!tpu.dma_semaphore, #tpu.memory_space<semaphore_mem>>) src(%arg14 : memref<128x64xf32, #tpu.memory_space<vmem>>) dst(%dma_wait3A_1024 : memref<10240x64xf32, #tpu.memory_space<vmem_shared>>)
      %dma_wait3A_1025 = arith.constant 0 : i32
      %dma_wait3A_1026 = arith.constant 0 : i32
      %dma_wait3A_1027 = tpu.memref_slice %arg9[%dma_wait3A_1025, %dma_wait3A_1026] : memref<10240x64xf32, #tpu.memory_space<vmem_shared>> -> memref<10240x64xf32, #tpu.memory_space<vmem_shared>>
      tpu.wait_indirect_dma semaphore(%arg25 : memref<!tpu.dma_semaphore, #tpu.memory_space<semaphore_mem>>) src(%dma_wait3A_1027 : memref<10240x64xf32, #tpu.memory_space<vmem_shared>>) dst(%arg13 : memref<128x64xf32, #tpu.memory_space<vmem>>)
      %dma_start3A_1028 = arith.constant 0 : i32
      %dma_start3A_1029 = arith.constant 0 : i32
      %dma_start3A_1030 = tpu.memref_slice %arg8[%dma_start3A_1028, %dma_start3A_1029] : memref<10240x64xf32, #tpu.memory_space<vmem_shared>> -> memref<10240x64xf32, #tpu.memory_space<vmem_shared>>
      tpu.enqueue_indirect_dma source(%arg13 : memref<128x64xf32, #tpu.memory_space<vmem>>) target(%dma_start3A_1030 : memref<10240x64xf32, #tpu.memory_space<vmem_shared>>) offsets(%arg19 : memref<128xi32, #tpu.memory_space<vmem>>) semaphore(%arg28 : memref<!tpu.dma_semaphore, #tpu.memory_space<semaphore_mem>>) {add = true}
      %dma_wait3A_1031 = arith.constant 0 : i32
      %dma_wait3A_1032 = arith.constant 0 : i32
      %dma_wait3A_1033 = tpu.memref_slice %arg8[%dma_wait3A_1031, %dma_wait3A_1032] : memref<10240x64xf32, #tpu.memory_space<vmem_shared>> -> memref<10240x64xf32, #tpu.memory_space<vmem_shared>>
      tpu.wait_indirect_dma semaphore(%arg30 : memref<!tpu.dma_semaphore, #tpu.memory_space<semaphore_mem>>) src(%arg15 : memref<128x64xf32, #tpu.memory_space<vmem>>) dst(%dma_wait3A_1033 : memref<10240x64xf32, #tpu.memory_space<vmem_shared>>)
      %dma_wait3A_1034 = arith.constant 0 : i32
      %dma_wait3A_1035 = arith.constant 0 : i32
      %dma_wait3A_1036 = tpu.memref_slice %arg8[%dma_wait3A_1034, %dma_wait3A_1035] : memref<10240x64xf32, #tpu.memory_space<vmem_shared>> -> memref<10240x64xf32, #tpu.memory_space<vmem_shared>>
      tpu.wait_indirect_dma semaphore(%arg28 : memref<!tpu.dma_semaphore, #tpu.memory_space<semaphore_mem>>) src(%arg13 : memref<128x64xf32, #tpu.memory_space<vmem>>) dst(%dma_wait3A_1036 : memref<10240x64xf32, #tpu.memory_space<vmem_shared>>)
      %barrier3A_1037 = arith.constant 0 : index
      tpu.barrier barrier_id(%barrier3A_1037)
      %eq3A = arith.constant 0 : i32
      %eq3A_1038 = arith.cmpi eq, %scan3A_532, %eq3A : i32
      %convert_element_type3A = arith.extui %eq3A_1038 : i1 to i32
      %cond3A = arith.constant 0 : i32
      %cond3A_1039 = arith.cmpi ne, %convert_element_type3A, %cond3A : i32
      scf.if %cond3A_1039 {
        %scan3A_1053 = arith.constant 0 : i32
        %scan3A_1054 = arith.constant 0 : i32
        %scan3A_1055 = arith.constant 5 : i32
        %scan3A_1056 = arith.addi %scan3A_1054, %scan3A_1055 : i32
        %scan3A_1057 = arith.constant 1 : i32
        %scan3A_1058 = scf.for %scan3A_1060 = %scan3A_1054 to %scan3A_1056 step %scan3A_1057 iter_args(%scan3A_1061 = %scan3A_1053) -> (i32)  : i32 {
          %mul3A_1062 = arith.constant 128 : i32
          %mul3A_1063 = arith.muli %scan3A_1060, %mul3A_1062 : i32
          %add3A_1064 = arith.addi %mul3A_0, %mul3A_1063 : i32
          %add3A_1065 = arith.addi %mul3A_2, %mul3A_0 : i32
          %add3A_1066 = arith.addi %add3A_1065, %mul3A_1063 : i32
          "tpu.region"() ({
            %run_scoped3A = tpu.sem_alloc : memref<!tpu.dma_semaphore, #tpu.memory_space<semaphore_mem>>
            %dma_start3A_1082 = arith.constant 0 : i32
            %dma_start3A_1083 = tpu.memref_slice %arg8[%add3A_1064, %dma_start3A_1082] : memref<10240x64xf32, #tpu.memory_space<vmem_shared>> -> memref<128x64xf32, #tpu.memory_space<vmem_shared>>
            %dma_start3A_1084 = arith.constant 0 : i32
            %dma_start3A_1085 = tpu.memref_slice %arg8[%add3A_1064, %dma_start3A_1084] : memref<10240x64xf32, #tpu.memory_space<vmem_shared>> -> memref<128x64xf32, #tpu.memory_space<vmem_shared>>
            tpu.enqueue_dma source(%dma_start3A_1085 : memref<128x64xf32, #tpu.memory_space<vmem_shared>>) target(%arg14 : memref<128x64xf32, #tpu.memory_space<vmem>>) target_semaphore(%run_scoped3A : memref<!tpu.dma_semaphore, #tpu.memory_space<semaphore_mem>>)
            %dma_wait3A_1086 = arith.constant 0 : i32
            %dma_wait3A_1087 = tpu.memref_slice %arg8[%add3A_1064, %dma_wait3A_1086] : memref<10240x64xf32, #tpu.memory_space<vmem_shared>> -> memref<128x64xf32, #tpu.memory_space<vmem_shared>>
            %dma_wait3A_1088 = arith.constant 0 : i32
            %dma_wait3A_1089 = tpu.memref_slice %arg8[%add3A_1064, %dma_wait3A_1088] : memref<10240x64xf32, #tpu.memory_space<vmem_shared>> -> memref<128x64xf32, #tpu.memory_space<vmem_shared>>
            tpu.wait_dma2 semaphore(%run_scoped3A : memref<!tpu.dma_semaphore, #tpu.memory_space<semaphore_mem>>) src(%dma_wait3A_1089 : memref<128x64xf32, #tpu.memory_space<vmem_shared>>) dst(%arg14 : memref<128x64xf32, #tpu.memory_space<vmem>>)
            tpu.yield
          }) : () -> ()
          "tpu.region"() ({
            %run_scoped3A = tpu.sem_alloc : memref<!tpu.dma_semaphore, #tpu.memory_space<semaphore_mem>>
            %dma_start3A_1082 = arith.constant 0 : i32
            %dma_start3A_1083 = tpu.memref_slice %arg9[%add3A_1064, %dma_start3A_1082] : memref<10240x64xf32, #tpu.memory_space<vmem_shared>> -> memref<128x64xf32, #tpu.memory_space<vmem_shared>>
            %dma_start3A_1084 = arith.constant 0 : i32
            %dma_start3A_1085 = tpu.memref_slice %arg9[%add3A_1064, %dma_start3A_1084] : memref<10240x64xf32, #tpu.memory_space<vmem_shared>> -> memref<128x64xf32, #tpu.memory_space<vmem_shared>>
            tpu.enqueue_dma source(%dma_start3A_1085 : memref<128x64xf32, #tpu.memory_space<vmem_shared>>) target(%arg15 : memref<128x64xf32, #tpu.memory_space<vmem>>) target_semaphore(%run_scoped3A : memref<!tpu.dma_semaphore, #tpu.memory_space<semaphore_mem>>)
            %dma_wait3A_1086 = arith.constant 0 : i32
            %dma_wait3A_1087 = tpu.memref_slice %arg9[%add3A_1064, %dma_wait3A_1086] : memref<10240x64xf32, #tpu.memory_space<vmem_shared>> -> memref<128x64xf32, #tpu.memory_space<vmem_shared>>
            %dma_wait3A_1088 = arith.constant 0 : i32
            %dma_wait3A_1089 = tpu.memref_slice %arg9[%add3A_1064, %dma_wait3A_1088] : memref<10240x64xf32, #tpu.memory_space<vmem_shared>> -> memref<128x64xf32, #tpu.memory_space<vmem_shared>>
            tpu.wait_dma2 semaphore(%run_scoped3A : memref<!tpu.dma_semaphore, #tpu.memory_space<semaphore_mem>>) src(%dma_wait3A_1089 : memref<128x64xf32, #tpu.memory_space<vmem_shared>>) dst(%arg15 : memref<128x64xf32, #tpu.memory_space<vmem>>)
            tpu.yield
          }) : () -> ()
          "tpu.region"() ({
            %run_scoped3A = tpu.sem_alloc : memref<!tpu.dma_semaphore, #tpu.memory_space<semaphore_mem>>
            %dma_start3A_1082 = arith.constant 0 : i32
            %dma_start3A_1083 = tpu.memref_slice %arg2[%add3A_1066, %dma_start3A_1082] : memref<20480x64xf32, #tpu.memory_space<hbm>> -> memref<128x64xf32, #tpu.memory_space<hbm>>
            %dma_start3A_1084 = arith.constant 0 : i32
            %dma_start3A_1085 = tpu.memref_slice %arg2[%add3A_1066, %dma_start3A_1084] : memref<20480x64xf32, #tpu.memory_space<hbm>> -> memref<128x64xf32, #tpu.memory_space<hbm>>
            tpu.enqueue_dma source(%dma_start3A_1085 : memref<128x64xf32, #tpu.memory_space<hbm>>) target(%arg13 : memref<128x64xf32, #tpu.memory_space<vmem>>) target_semaphore(%run_scoped3A : memref<!tpu.dma_semaphore, #tpu.memory_space<semaphore_mem>>)
            %dma_wait3A_1086 = arith.constant 0 : i32
            %dma_wait3A_1087 = tpu.memref_slice %arg2[%add3A_1066, %dma_wait3A_1086] : memref<20480x64xf32, #tpu.memory_space<hbm>> -> memref<128x64xf32, #tpu.memory_space<hbm>>
            %dma_wait3A_1088 = arith.constant 0 : i32
            %dma_wait3A_1089 = tpu.memref_slice %arg2[%add3A_1066, %dma_wait3A_1088] : memref<20480x64xf32, #tpu.memory_space<hbm>> -> memref<128x64xf32, #tpu.memory_space<hbm>>
            tpu.wait_dma2 semaphore(%run_scoped3A : memref<!tpu.dma_semaphore, #tpu.memory_space<semaphore_mem>>) src(%dma_wait3A_1089 : memref<128x64xf32, #tpu.memory_space<hbm>>) dst(%arg13 : memref<128x64xf32, #tpu.memory_space<vmem>>)
            tpu.yield
          }) : () -> ()
          %scan3A_1067 = arith.constant 0 : i32
          %scan3A_1068 = arith.constant 0 : i32
          %scan3A_1069 = arith.constant 128 : i32
          %scan3A_1070 = arith.addi %scan3A_1068, %scan3A_1069 : i32
          %scan3A_1071 = arith.constant 1 : i32
          %scan3A_1072 = scf.for %scan3A_1082 = %scan3A_1068 to %scan3A_1070 step %scan3A_1071 iter_args(%scan3A_1083 = %scan3A_1067) -> (i32)  : i32 {
            %add3A_1084 = arith.addi %mul3A_1063, %scan3A_1082 : i32
            %broadcast_in_dim3A_1085 = vector.broadcast %add3A_1084 : i32 to vector<16xi32>
            %gather3A = tpu.vector_load_idx %arg12[%broadcast_in_dim3A_1085] : memref<640xf32, #tpu.memory_space<vmem>>[vector<16xi32>], vector<16xf32>,
            %get3A_1086 = arith.index_cast %scan3A_1082 : i32 to index
            %get3A_1087 = arith.constant 0 : index
            %get3A_1088 = tpu.vector_load %arg14[%get3A_1086, %get3A_1087] {strides = array<i32>} : memref<128x64xf32, #tpu.memory_space<vmem>>, vector<16xf32>,
            %get3A_1089 = arith.index_cast %scan3A_1082 : i32 to index
            %get3A_1090 = arith.constant 0 : index
            %get3A_1091 = tpu.vector_load %arg15[%get3A_1089, %get3A_1090] {strides = array<i32>} : memref<128x64xf32, #tpu.memory_space<vmem>>, vector<16xf32>,
            %add3A_1092 = arith.addf %get3A_1088, %get3A_1091 : vector<16xf32>
            %mul3A_1093 = arith.constant 0.526315808 : f32
            %mul3A_1094 = vector.broadcast %mul3A_1093 : f32 to vector<16xf32>
            %mul3A_1095 = arith.mulf %mul3A_1094, %gather3A : vector<16xf32>
            %mul3A_1096 = arith.mulf %mul3A_1095, %add3A_1092 : vector<16xf32>
            %get3A_1097 = arith.index_cast %scan3A_1082 : i32 to index
            %get3A_1098 = arith.constant 0 : index
            %get3A_1099 = tpu.vector_load %arg13[%get3A_1097, %get3A_1098] {strides = array<i32>} : memref<128x64xf32, #tpu.memory_space<vmem>>, vector<16xf32>,
            %mul3A_1100 = arith.constant 0.526315808 : f32
            %mul3A_1101 = vector.broadcast %mul3A_1100 : f32 to vector<16xf32>
            %mul3A_1102 = arith.mulf %mul3A_1101, %get3A_1099 : vector<16xf32>
            %add3A_1103 = arith.addf %mul3A_1096, %mul3A_1102 : vector<16xf32>
            %mul3A_1104 = arith.constant 1.000000e-01 : f32
            %mul3A_1105 = vector.broadcast %mul3A_1104 : f32 to vector<16xf32>
            %mul3A_1106 = arith.mulf %mul3A_1105, %add3A_1103 : vector<16xf32>
            %swap3A_1107 = arith.index_cast %scan3A_1082 : i32 to index
            %swap3A_1108 = arith.constant 0 : index
            %swap3A_1109 = tpu.vector_load %arg14[%swap3A_1107, %swap3A_1108] {strides = array<i32>} : memref<128x64xf32, #tpu.memory_space<vmem>>, vector<16xf32>,
            tpu.vector_store %arg14[%swap3A_1107, %swap3A_1108], %mul3A_1106 {strides = array<i32>} : memref<128x64xf32, #tpu.memory_space<vmem>>, vector<16xf32>,
            %mul3A_1110 = arith.mulf %gather3A, %add3A_1103 : vector<16xf32>
            %swap3A_1111 = arith.index_cast %scan3A_1082 : i32 to index
            %swap3A_1112 = arith.constant 0 : index
            %swap3A_1113 = tpu.vector_load %arg15[%swap3A_1111, %swap3A_1112] {strides = array<i32>} : memref<128x64xf32, #tpu.memory_space<vmem>>, vector<16xf32>,
            tpu.vector_store %arg15[%swap3A_1111, %swap3A_1112], %mul3A_1110 {strides = array<i32>} : memref<128x64xf32, #tpu.memory_space<vmem>>, vector<16xf32>,
            %get3A_1114 = arith.index_cast %scan3A_1082 : i32 to index
            %get3A_1115 = arith.constant 16 : index
            %get3A_1116 = tpu.vector_load %arg14[%get3A_1114, %get3A_1115] {strides = array<i32>} : memref<128x64xf32, #tpu.memory_space<vmem>>, vector<16xf32>,
            %get3A_1117 = arith.index_cast %scan3A_1082 : i32 to index
            %get3A_1118 = arith.constant 16 : index
            %get3A_1119 = tpu.vector_load %arg15[%get3A_1117, %get3A_1118] {strides = array<i32>} : memref<128x64xf32, #tpu.memory_space<vmem>>, vector<16xf32>,
            %add3A_1120 = arith.addf %get3A_1116, %get3A_1119 : vector<16xf32>
            %mul3A_1121 = arith.constant 0.526315808 : f32
            %mul3A_1122 = vector.broadcast %mul3A_1121 : f32 to vector<16xf32>
            %mul3A_1123 = arith.mulf %mul3A_1122, %gather3A : vector<16xf32>
            %mul3A_1124 = arith.mulf %mul3A_1123, %add3A_1120 : vector<16xf32>
            %get3A_1125 = arith.index_cast %scan3A_1082 : i32 to index
            %get3A_1126 = arith.constant 16 : index
            %get3A_1127 = tpu.vector_load %arg13[%get3A_1125, %get3A_1126] {strides = array<i32>} : memref<128x64xf32, #tpu.memory_space<vmem>>, vector<16xf32>,
            %mul3A_1128 = arith.constant 0.526315808 : f32
            %mul3A_1129 = vector.broadcast %mul3A_1128 : f32 to vector<16xf32>
            %mul3A_1130 = arith.mulf %mul3A_1129, %get3A_1127 : vector<16xf32>
            %add3A_1131 = arith.addf %mul3A_1124, %mul3A_1130 : vector<16xf32>
            %mul3A_1132 = arith.constant 1.000000e-01 : f32
            %mul3A_1133 = vector.broadcast %mul3A_1132 : f32 to vector<16xf32>
            %mul3A_1134 = arith.mulf %mul3A_1133, %add3A_1131 : vector<16xf32>
            %swap3A_1135 = arith.index_cast %scan3A_1082 : i32 to index
            %swap3A_1136 = arith.constant 16 : index
            %swap3A_1137 = tpu.vector_load %arg14[%swap3A_1135, %swap3A_1136] {strides = array<i32>} : memref<128x64xf32, #tpu.memory_space<vmem>>, vector<16xf32>,
            tpu.vector_store %arg14[%swap3A_1135, %swap3A_1136], %mul3A_1134 {strides = array<i32>} : memref<128x64xf32, #tpu.memory_space<vmem>>, vector<16xf32>,
            %mul3A_1138 = arith.mulf %gather3A, %add3A_1131 : vector<16xf32>
            %swap3A_1139 = arith.index_cast %scan3A_1082 : i32 to index
            %swap3A_1140 = arith.constant 16 : index
            %swap3A_1141 = tpu.vector_load %arg15[%swap3A_1139, %swap3A_1140] {strides = array<i32>} : memref<128x64xf32, #tpu.memory_space<vmem>>, vector<16xf32>,
            tpu.vector_store %arg15[%swap3A_1139, %swap3A_1140], %mul3A_1138 {strides = array<i32>} : memref<128x64xf32, #tpu.memory_space<vmem>>, vector<16xf32>,
            %get3A_1142 = arith.index_cast %scan3A_1082 : i32 to index
            %get3A_1143 = arith.constant 32 : index
            %get3A_1144 = tpu.vector_load %arg14[%get3A_1142, %get3A_1143] {strides = array<i32>} : memref<128x64xf32, #tpu.memory_space<vmem>>, vector<16xf32>,
            %get3A_1145 = arith.index_cast %scan3A_1082 : i32 to index
            %get3A_1146 = arith.constant 32 : index
            %get3A_1147 = tpu.vector_load %arg15[%get3A_1145, %get3A_1146] {strides = array<i32>} : memref<128x64xf32, #tpu.memory_space<vmem>>, vector<16xf32>,
            %add3A_1148 = arith.addf %get3A_1144, %get3A_1147 : vector<16xf32>
            %mul3A_1149 = arith.constant 0.526315808 : f32
            %mul3A_1150 = vector.broadcast %mul3A_1149 : f32 to vector<16xf32>
            %mul3A_1151 = arith.mulf %mul3A_1150, %gather3A : vector<16xf32>
            %mul3A_1152 = arith.mulf %mul3A_1151, %add3A_1148 : vector<16xf32>
            %get3A_1153 = arith.index_cast %scan3A_1082 : i32 to index
            %get3A_1154 = arith.constant 32 : index
            %get3A_1155 = tpu.vector_load %arg13[%get3A_1153, %get3A_1154] {strides = array<i32>} : memref<128x64xf32, #tpu.memory_space<vmem>>, vector<16xf32>,
            %mul3A_1156 = arith.constant 0.526315808 : f32
            %mul3A_1157 = vector.broadcast %mul3A_1156 : f32 to vector<16xf32>
            %mul3A_1158 = arith.mulf %mul3A_1157, %get3A_1155 : vector<16xf32>
            %add3A_1159 = arith.addf %mul3A_1152, %mul3A_1158 : vector<16xf32>
            %mul3A_1160 = arith.constant 1.000000e-01 : f32
            %mul3A_1161 = vector.broadcast %mul3A_1160 : f32 to vector<16xf32>
            %mul3A_1162 = arith.mulf %mul3A_1161, %add3A_1159 : vector<16xf32>
            %swap3A_1163 = arith.index_cast %scan3A_1082 : i32 to index
            %swap3A_1164 = arith.constant 32 : index
            %swap3A_1165 = tpu.vector_load %arg14[%swap3A_1163, %swap3A_1164] {strides = array<i32>} : memref<128x64xf32, #tpu.memory_space<vmem>>, vector<16xf32>,
            tpu.vector_store %arg14[%swap3A_1163, %swap3A_1164], %mul3A_1162 {strides = array<i32>} : memref<128x64xf32, #tpu.memory_space<vmem>>, vector<16xf32>,
            %mul3A_1166 = arith.mulf %gather3A, %add3A_1159 : vector<16xf32>
            %swap3A_1167 = arith.index_cast %scan3A_1082 : i32 to index
            %swap3A_1168 = arith.constant 32 : index
            %swap3A_1169 = tpu.vector_load %arg15[%swap3A_1167, %swap3A_1168] {strides = array<i32>} : memref<128x64xf32, #tpu.memory_space<vmem>>, vector<16xf32>,
            tpu.vector_store %arg15[%swap3A_1167, %swap3A_1168], %mul3A_1166 {strides = array<i32>} : memref<128x64xf32, #tpu.memory_space<vmem>>, vector<16xf32>,
            %get3A_1170 = arith.index_cast %scan3A_1082 : i32 to index
            %get3A_1171 = arith.constant 48 : index
            %get3A_1172 = tpu.vector_load %arg14[%get3A_1170, %get3A_1171] {strides = array<i32>} : memref<128x64xf32, #tpu.memory_space<vmem>>, vector<16xf32>,
            %get3A_1173 = arith.index_cast %scan3A_1082 : i32 to index
            %get3A_1174 = arith.constant 48 : index
            %get3A_1175 = tpu.vector_load %arg15[%get3A_1173, %get3A_1174] {strides = array<i32>} : memref<128x64xf32, #tpu.memory_space<vmem>>, vector<16xf32>,
            %add3A_1176 = arith.addf %get3A_1172, %get3A_1175 : vector<16xf32>
            %mul3A_1177 = arith.constant 0.526315808 : f32
            %mul3A_1178 = vector.broadcast %mul3A_1177 : f32 to vector<16xf32>
            %mul3A_1179 = arith.mulf %mul3A_1178, %gather3A : vector<16xf32>
            %mul3A_1180 = arith.mulf %mul3A_1179, %add3A_1176 : vector<16xf32>
            %get3A_1181 = arith.index_cast %scan3A_1082 : i32 to index
            %get3A_1182 = arith.constant 48 : index
            %get3A_1183 = tpu.vector_load %arg13[%get3A_1181, %get3A_1182] {strides = array<i32>} : memref<128x64xf32, #tpu.memory_space<vmem>>, vector<16xf32>,
            %mul3A_1184 = arith.constant 0.526315808 : f32
            %mul3A_1185 = vector.broadcast %mul3A_1184 : f32 to vector<16xf32>
            %mul3A_1186 = arith.mulf %mul3A_1185, %get3A_1183 : vector<16xf32>
            %add3A_1187 = arith.addf %mul3A_1180, %mul3A_1186 : vector<16xf32>
            %mul3A_1188 = arith.constant 1.000000e-01 : f32
            %mul3A_1189 = vector.broadcast %mul3A_1188 : f32 to vector<16xf32>
            %mul3A_1190 = arith.mulf %mul3A_1189, %add3A_1187 : vector<16xf32>
            %swap3A_1191 = arith.index_cast %scan3A_1082 : i32 to index
            %swap3A_1192 = arith.constant 48 : index
            %swap3A_1193 = tpu.vector_load %arg14[%swap3A_1191, %swap3A_1192] {strides = array<i32>} : memref<128x64xf32, #tpu.memory_space<vmem>>, vector<16xf32>,
            tpu.vector_store %arg14[%swap3A_1191, %swap3A_1192], %mul3A_1190 {strides = array<i32>} : memref<128x64xf32, #tpu.memory_space<vmem>>, vector<16xf32>,
            %mul3A_1194 = arith.mulf %gather3A, %add3A_1187 : vector<16xf32>
            %swap3A_1195 = arith.index_cast %scan3A_1082 : i32 to index
            %swap3A_1196 = arith.constant 48 : index
            %swap3A_1197 = tpu.vector_load %arg15[%swap3A_1195, %swap3A_1196] {strides = array<i32>} : memref<128x64xf32, #tpu.memory_space<vmem>>, vector<16xf32>,
            tpu.vector_store %arg15[%swap3A_1195, %swap3A_1196], %mul3A_1194 {strides = array<i32>} : memref<128x64xf32, #tpu.memory_space<vmem>>, vector<16xf32>,
            %scan3A_1198 = arith.constant 0 : i32
            scf.yield %scan3A_1198 : i32
          }
          %scan3A_1073 = arith.constant 128 : i32
          "tpu.region"() ({
            %run_scoped3A = tpu.sem_alloc : memref<!tpu.dma_semaphore, #tpu.memory_space<semaphore_mem>>
            %dma_start3A_1082 = arith.constant 0 : i32
            %dma_start3A_1083 = tpu.memref_slice %arg7[%add3A_1066, %dma_start3A_1082] : memref<20480x64xf32, #tpu.memory_space<hbm>> -> memref<128x64xf32, #tpu.memory_space<hbm>>
            %dma_start3A_1084 = arith.constant 0 : i32
            %dma_start3A_1085 = tpu.memref_slice %arg7[%add3A_1066, %dma_start3A_1084] : memref<20480x64xf32, #tpu.memory_space<hbm>> -> memref<128x64xf32, #tpu.memory_space<hbm>>
            tpu.enqueue_dma source(%arg14 : memref<128x64xf32, #tpu.memory_space<vmem>>) target(%dma_start3A_1085 : memref<128x64xf32, #tpu.memory_space<hbm>>) target_semaphore(%run_scoped3A : memref<!tpu.dma_semaphore, #tpu.memory_space<semaphore_mem>>)
            %dma_wait3A_1086 = arith.constant 0 : i32
            %dma_wait3A_1087 = tpu.memref_slice %arg7[%add3A_1066, %dma_wait3A_1086] : memref<20480x64xf32, #tpu.memory_space<hbm>> -> memref<128x64xf32, #tpu.memory_space<hbm>>
            %dma_wait3A_1088 = arith.constant 0 : i32
            %dma_wait3A_1089 = tpu.memref_slice %arg7[%add3A_1066, %dma_wait3A_1088] : memref<20480x64xf32, #tpu.memory_space<hbm>> -> memref<128x64xf32, #tpu.memory_space<hbm>>
            tpu.wait_dma2 semaphore(%run_scoped3A : memref<!tpu.dma_semaphore, #tpu.memory_space<semaphore_mem>>) src(%arg14 : memref<128x64xf32, #tpu.memory_space<vmem>>) dst(%dma_wait3A_1089 : memref<128x64xf32, #tpu.memory_space<hbm>>)
            tpu.yield
          }) : () -> ()
          "tpu.region"() ({
            %run_scoped3A = tpu.sem_alloc : memref<!tpu.dma_semaphore, #tpu.memory_space<semaphore_mem>>
            %dma_start3A_1082 = arith.constant 0 : i32
            %dma_start3A_1083 = tpu.memref_slice %arg9[%add3A_1064, %dma_start3A_1082] : memref<10240x64xf32, #tpu.memory_space<vmem_shared>> -> memref<128x64xf32, #tpu.memory_space<vmem_shared>>
            %dma_start3A_1084 = arith.constant 0 : i32
            %dma_start3A_1085 = tpu.memref_slice %arg9[%add3A_1064, %dma_start3A_1084] : memref<10240x64xf32, #tpu.memory_space<vmem_shared>> -> memref<128x64xf32, #tpu.memory_space<vmem_shared>>
            tpu.enqueue_dma source(%arg15 : memref<128x64xf32, #tpu.memory_space<vmem>>) target(%dma_start3A_1085 : memref<128x64xf32, #tpu.memory_space<vmem_shared>>) target_semaphore(%run_scoped3A : memref<!tpu.dma_semaphore, #tpu.memory_space<semaphore_mem>>)
            %dma_wait3A_1086 = arith.constant 0 : i32
            %dma_wait3A_1087 = tpu.memref_slice %arg9[%add3A_1064, %dma_wait3A_1086] : memref<10240x64xf32, #tpu.memory_space<vmem_shared>> -> memref<128x64xf32, #tpu.memory_space<vmem_shared>>
            %dma_wait3A_1088 = arith.constant 0 : i32
            %dma_wait3A_1089 = tpu.memref_slice %arg9[%add3A_1064, %dma_wait3A_1088] : memref<10240x64xf32, #tpu.memory_space<vmem_shared>> -> memref<128x64xf32, #tpu.memory_space<vmem_shared>>
            tpu.wait_dma2 semaphore(%run_scoped3A : memref<!tpu.dma_semaphore, #tpu.memory_space<semaphore_mem>>) src(%arg15 : memref<128x64xf32, #tpu.memory_space<vmem>>) dst(%dma_wait3A_1089 : memref<128x64xf32, #tpu.memory_space<vmem_shared>>)
            tpu.yield
          }) : () -> ()
          %scan3A_1074 = arith.constant 0 : i32
          %scan3A_1075 = arith.constant 0 : i32
          %scan3A_1076 = arith.constant 512 : i32
          %scan3A_1077 = arith.addi %scan3A_1075, %scan3A_1076 : i32
          %scan3A_1078 = arith.constant 1 : i32
          %scan3A_1079 = scf.for %scan3A_1082 = %scan3A_1075 to %scan3A_1077 step %scan3A_1078 iter_args(%scan3A_1083 = %scan3A_1074) -> (i32)  : i32 {
            %jit3A = arith.constant 4 : i32
            %div3A = arith.divsi %scan3A_1082, %jit3A : i32
            %sign3A = arith.constant 0 : i32
            %sign3A_1084 = arith.cmpi sgt, %scan3A_1082, %sign3A : i32
            %sign3A_1085 = arith.extui %sign3A_1084 : i1 to i32
            %sign3A_1086 = arith.constant 0 : i32
            %sign3A_1087 = arith.cmpi slt, %scan3A_1082, %sign3A_1086 : i32
            %sign3A_1088 = arith.extui %sign3A_1087 : i1 to i32
            %sign3A_1089 = arith.subi %sign3A_1085, %sign3A_1088 : i32
            %sign3A_1090 = arith.constant 0 : i32
            %sign3A_1091 = arith.cmpi sgt, %jit3A, %sign3A_1090 : i32
            %sign3A_1092 = arith.extui %sign3A_1091 : i1 to i32
            %sign3A_1093 = arith.constant 0 : i32
            %sign3A_1094 = arith.cmpi slt, %jit3A, %sign3A_1093 : i32
            %sign3A_1095 = arith.extui %sign3A_1094 : i1 to i32
            %sign3A_1096 = arith.subi %sign3A_1092, %sign3A_1095 : i32
            %ne3A = arith.cmpi ne, %sign3A_1089, %sign3A_1096 : i32
            %rem3A = arith.remsi %scan3A_1082, %jit3A : i32
            %ne3A_1097 = arith.constant 0 : i32
            %ne3A_1098 = arith.cmpi ne, %rem3A, %ne3A_1097 : i32
            %and3A_1099 = arith.andi %ne3A, %ne3A_1098 : i1
            %sub3A = arith.constant 1 : i32
            %sub3A_1100 = arith.subi %div3A, %sub3A : i32
            %select_n3A = arith.select %and3A_1099, %sub3A_1100, %div3A : i32
            %mul3A_1101 = arith.constant 4 : i32
            %mul3A_1102 = arith.muli %select_n3A, %mul3A_1101 : i32
            %sub3A_1103 = arith.subi %scan3A_1082, %mul3A_1102 : i32
            %mul3A_1104 = arith.constant 16 : i32
            %mul3A_1105 = arith.muli %sub3A_1103, %mul3A_1104 : i32
            %swap3A_1106 = arith.index_cast %select_n3A : i32 to index
            %swap3A_1107 = arith.index_cast %mul3A_1105 : i32 to index
            %swap3A_1108 = tpu.vector_load %arg13[%swap3A_1106, %swap3A_1107] {strides = array<i32>} : memref<128x64xf32, #tpu.memory_space<vmem>>, vector<16xf32>,
            tpu.vector_store %arg13[%swap3A_1106, %swap3A_1107], %broadcast_in_dim3A_3 {strides = array<i32>} : memref<128x64xf32, #tpu.memory_space<vmem>>, vector<16xf32>,
            %scan3A_1109 = arith.constant 0 : i32
            scf.yield %scan3A_1109 : i32
          }
          %scan3A_1080 = arith.constant 512 : i32
          "tpu.region"() ({
            %run_scoped3A = tpu.sem_alloc : memref<!tpu.dma_semaphore, #tpu.memory_space<semaphore_mem>>
            %dma_start3A_1082 = arith.constant 0 : i32
            %dma_start3A_1083 = tpu.memref_slice %arg8[%add3A_1064, %dma_start3A_1082] : memref<10240x64xf32, #tpu.memory_space<vmem_shared>> -> memref<128x64xf32, #tpu.memory_space<vmem_shared>>
            %dma_start3A_1084 = arith.constant 0 : i32
            %dma_start3A_1085 = tpu.memref_slice %arg8[%add3A_1064, %dma_start3A_1084] : memref<10240x64xf32, #tpu.memory_space<vmem_shared>> -> memref<128x64xf32, #tpu.memory_space<vmem_shared>>
            tpu.enqueue_dma source(%arg13 : memref<128x64xf32, #tpu.memory_space<vmem>>) target(%dma_start3A_1085 : memref<128x64xf32, #tpu.memory_space<vmem_shared>>) target_semaphore(%run_scoped3A : memref<!tpu.dma_semaphore, #tpu.memory_space<semaphore_mem>>)
            %dma_wait3A_1086 = arith.constant 0 : i32
            %dma_wait3A_1087 = tpu.memref_slice %arg8[%add3A_1064, %dma_wait3A_1086] : memref<10240x64xf32, #tpu.memory_space<vmem_shared>> -> memref<128x64xf32, #tpu.memory_space<vmem_shared>>
            %dma_wait3A_1088 = arith.constant 0 : i32
            %dma_wait3A_1089 = tpu.memref_slice %arg8[%add3A_1064, %dma_wait3A_1088] : memref<10240x64xf32, #tpu.memory_space<vmem_shared>> -> memref<128x64xf32, #tpu.memory_space<vmem_shared>>
            tpu.wait_dma2 semaphore(%run_scoped3A : memref<!tpu.dma_semaphore, #tpu.memory_space<semaphore_mem>>) src(%arg13 : memref<128x64xf32, #tpu.memory_space<vmem>>) dst(%dma_wait3A_1089 : memref<128x64xf32, #tpu.memory_space<vmem_shared>>)
            tpu.yield
          }) : () -> ()
          %scan3A_1081 = arith.constant 0 : i32
          scf.yield %scan3A_1081 : i32
        }
        %scan3A_1059 = arith.constant 5 : i32
      } else {
      }
      %gt3A = arith.constant 0 : i32
      %gt3A_1040 = arith.cmpi sgt, %scan3A_532, %gt3A : i32
      %lt3A = arith.constant 10 : i32
      %lt3A_1041 = arith.cmpi slt, %scan3A_532, %lt3A : i32
      %and3A_1042 = arith.andi %gt3A_1040, %lt3A_1041 : i1
      %convert_element_type3A_1043 = arith.extui %and3A_1042 : i1 to i32
      %cond3A_1044 = arith.constant 0 : i32
      %cond3A_1045 = arith.cmpi ne, %convert_element_type3A_1043, %cond3A_1044 : i32
      scf.if %cond3A_1045 {
        %scan3A_1053 = arith.constant 0 : i32
        %scan3A_1054 = arith.constant 0 : i32
        %scan3A_1055 = arith.constant 5 : i32
        %scan3A_1056 = arith.addi %scan3A_1054, %scan3A_1055 : i32
        %scan3A_1057 = arith.constant 1 : i32
        %scan3A_1058 = scf.for %scan3A_1060 = %scan3A_1054 to %scan3A_1056 step %scan3A_1057 iter_args(%scan3A_1061 = %scan3A_1053) -> (i32)  : i32 {
          %mul3A_1062 = arith.constant 128 : i32
          %mul3A_1063 = arith.muli %scan3A_1060, %mul3A_1062 : i32
          %add3A_1064 = arith.addi %mul3A_0, %mul3A_1063 : i32
          %add3A_1065 = arith.addi %mul3A_2, %mul3A_0 : i32
          %add3A_1066 = arith.addi %add3A_1065, %mul3A_1063 : i32
          "tpu.region"() ({
            %run_scoped3A = tpu.sem_alloc : memref<!tpu.dma_semaphore, #tpu.memory_space<semaphore_mem>>
            %dma_start3A_1082 = arith.constant 0 : i32
            %dma_start3A_1083 = tpu.memref_slice %arg8[%add3A_1064, %dma_start3A_1082] : memref<10240x64xf32, #tpu.memory_space<vmem_shared>> -> memref<128x64xf32, #tpu.memory_space<vmem_shared>>
            %dma_start3A_1084 = arith.constant 0 : i32
            %dma_start3A_1085 = tpu.memref_slice %arg8[%add3A_1064, %dma_start3A_1084] : memref<10240x64xf32, #tpu.memory_space<vmem_shared>> -> memref<128x64xf32, #tpu.memory_space<vmem_shared>>
            tpu.enqueue_dma source(%dma_start3A_1085 : memref<128x64xf32, #tpu.memory_space<vmem_shared>>) target(%arg14 : memref<128x64xf32, #tpu.memory_space<vmem>>) target_semaphore(%run_scoped3A : memref<!tpu.dma_semaphore, #tpu.memory_space<semaphore_mem>>)
            %dma_wait3A_1086 = arith.constant 0 : i32
            %dma_wait3A_1087 = tpu.memref_slice %arg8[%add3A_1064, %dma_wait3A_1086] : memref<10240x64xf32, #tpu.memory_space<vmem_shared>> -> memref<128x64xf32, #tpu.memory_space<vmem_shared>>
            %dma_wait3A_1088 = arith.constant 0 : i32
            %dma_wait3A_1089 = tpu.memref_slice %arg8[%add3A_1064, %dma_wait3A_1088] : memref<10240x64xf32, #tpu.memory_space<vmem_shared>> -> memref<128x64xf32, #tpu.memory_space<vmem_shared>>
            tpu.wait_dma2 semaphore(%run_scoped3A : memref<!tpu.dma_semaphore, #tpu.memory_space<semaphore_mem>>) src(%dma_wait3A_1089 : memref<128x64xf32, #tpu.memory_space<vmem_shared>>) dst(%arg14 : memref<128x64xf32, #tpu.memory_space<vmem>>)
            tpu.yield
          }) : () -> ()
          "tpu.region"() ({
            %run_scoped3A = tpu.sem_alloc : memref<!tpu.dma_semaphore, #tpu.memory_space<semaphore_mem>>
            %dma_start3A_1082 = arith.constant 0 : i32
            %dma_start3A_1083 = tpu.memref_slice %arg9[%add3A_1064, %dma_start3A_1082] : memref<10240x64xf32, #tpu.memory_space<vmem_shared>> -> memref<128x64xf32, #tpu.memory_space<vmem_shared>>
            %dma_start3A_1084 = arith.constant 0 : i32
            %dma_start3A_1085 = tpu.memref_slice %arg9[%add3A_1064, %dma_start3A_1084] : memref<10240x64xf32, #tpu.memory_space<vmem_shared>> -> memref<128x64xf32, #tpu.memory_space<vmem_shared>>
            tpu.enqueue_dma source(%dma_start3A_1085 : memref<128x64xf32, #tpu.memory_space<vmem_shared>>) target(%arg15 : memref<128x64xf32, #tpu.memory_space<vmem>>) target_semaphore(%run_scoped3A : memref<!tpu.dma_semaphore, #tpu.memory_space<semaphore_mem>>)
            %dma_wait3A_1086 = arith.constant 0 : i32
            %dma_wait3A_1087 = tpu.memref_slice %arg9[%add3A_1064, %dma_wait3A_1086] : memref<10240x64xf32, #tpu.memory_space<vmem_shared>> -> memref<128x64xf32, #tpu.memory_space<vmem_shared>>
            %dma_wait3A_1088 = arith.constant 0 : i32
            %dma_wait3A_1089 = tpu.memref_slice %arg9[%add3A_1064, %dma_wait3A_1088] : memref<10240x64xf32, #tpu.memory_space<vmem_shared>> -> memref<128x64xf32, #tpu.memory_space<vmem_shared>>
            tpu.wait_dma2 semaphore(%run_scoped3A : memref<!tpu.dma_semaphore, #tpu.memory_space<semaphore_mem>>) src(%dma_wait3A_1089 : memref<128x64xf32, #tpu.memory_space<vmem_shared>>) dst(%arg15 : memref<128x64xf32, #tpu.memory_space<vmem>>)
            tpu.yield
          }) : () -> ()
          "tpu.region"() ({
            %run_scoped3A = tpu.sem_alloc : memref<!tpu.dma_semaphore, #tpu.memory_space<semaphore_mem>>
            %dma_start3A_1082 = arith.constant 0 : i32
            %dma_start3A_1083 = tpu.memref_slice %arg7[%add3A_1066, %dma_start3A_1082] : memref<20480x64xf32, #tpu.memory_space<hbm>> -> memref<128x64xf32, #tpu.memory_space<hbm>>
            %dma_start3A_1084 = arith.constant 0 : i32
            %dma_start3A_1085 = tpu.memref_slice %arg7[%add3A_1066, %dma_start3A_1084] : memref<20480x64xf32, #tpu.memory_space<hbm>> -> memref<128x64xf32, #tpu.memory_space<hbm>>
            tpu.enqueue_dma source(%dma_start3A_1085 : memref<128x64xf32, #tpu.memory_space<hbm>>) target(%arg13 : memref<128x64xf32, #tpu.memory_space<vmem>>) target_semaphore(%run_scoped3A : memref<!tpu.dma_semaphore, #tpu.memory_space<semaphore_mem>>)
            %dma_wait3A_1086 = arith.constant 0 : i32
            %dma_wait3A_1087 = tpu.memref_slice %arg7[%add3A_1066, %dma_wait3A_1086] : memref<20480x64xf32, #tpu.memory_space<hbm>> -> memref<128x64xf32, #tpu.memory_space<hbm>>
            %dma_wait3A_1088 = arith.constant 0 : i32
            %dma_wait3A_1089 = tpu.memref_slice %arg7[%add3A_1066, %dma_wait3A_1088] : memref<20480x64xf32, #tpu.memory_space<hbm>> -> memref<128x64xf32, #tpu.memory_space<hbm>>
            tpu.wait_dma2 semaphore(%run_scoped3A : memref<!tpu.dma_semaphore, #tpu.memory_space<semaphore_mem>>) src(%dma_wait3A_1089 : memref<128x64xf32, #tpu.memory_space<hbm>>) dst(%arg13 : memref<128x64xf32, #tpu.memory_space<vmem>>)
            tpu.yield
          }) : () -> ()
          %scan3A_1067 = arith.constant 0 : i32
          %scan3A_1068 = arith.constant 0 : i32
          %scan3A_1069 = arith.constant 128 : i32
          %scan3A_1070 = arith.addi %scan3A_1068, %scan3A_1069 : i32
          %scan3A_1071 = arith.constant 1 : i32
          %scan3A_1072 = scf.for %scan3A_1082 = %scan3A_1068 to %scan3A_1070 step %scan3A_1071 iter_args(%scan3A_1083 = %scan3A_1067) -> (i32)  : i32 {
            %add3A_1084 = arith.addi %mul3A_1063, %scan3A_1082 : i32
            %broadcast_in_dim3A_1085 = vector.broadcast %add3A_1084 : i32 to vector<16xi32>
            %gather3A = tpu.vector_load_idx %arg12[%broadcast_in_dim3A_1085] : memref<640xf32, #tpu.memory_space<vmem>>[vector<16xi32>], vector<16xf32>,
            %get3A_1086 = arith.index_cast %scan3A_1082 : i32 to index
            %get3A_1087 = arith.constant 0 : index
            %get3A_1088 = tpu.vector_load %arg14[%get3A_1086, %get3A_1087] {strides = array<i32>} : memref<128x64xf32, #tpu.memory_space<vmem>>, vector<16xf32>,
            %get3A_1089 = arith.index_cast %scan3A_1082 : i32 to index
            %get3A_1090 = arith.constant 0 : index
            %get3A_1091 = tpu.vector_load %arg15[%get3A_1089, %get3A_1090] {strides = array<i32>} : memref<128x64xf32, #tpu.memory_space<vmem>>, vector<16xf32>,
            %add3A_1092 = arith.addf %get3A_1088, %get3A_1091 : vector<16xf32>
            %mul3A_1093 = arith.constant 0.894736826 : f32
            %mul3A_1094 = vector.broadcast %mul3A_1093 : f32 to vector<16xf32>
            %mul3A_1095 = arith.mulf %mul3A_1094, %gather3A : vector<16xf32>
            %mul3A_1096 = arith.mulf %mul3A_1095, %add3A_1092 : vector<16xf32>
            %get3A_1097 = arith.index_cast %scan3A_1082 : i32 to index
            %get3A_1098 = arith.constant 0 : index
            %get3A_1099 = tpu.vector_load %arg13[%get3A_1097, %get3A_1098] {strides = array<i32>} : memref<128x64xf32, #tpu.memory_space<vmem>>, vector<16xf32>,
            %add3A_1100 = arith.addf %mul3A_1096, %get3A_1099 : vector<16xf32>
            %mul3A_1101 = arith.mulf %gather3A, %add3A_1100 : vector<16xf32>
            %swap3A_1102 = arith.index_cast %scan3A_1082 : i32 to index
            %swap3A_1103 = arith.constant 0 : index
            %swap3A_1104 = tpu.vector_load %arg15[%swap3A_1102, %swap3A_1103] {strides = array<i32>} : memref<128x64xf32, #tpu.memory_space<vmem>>, vector<16xf32>,
            tpu.vector_store %arg15[%swap3A_1102, %swap3A_1103], %mul3A_1101 {strides = array<i32>} : memref<128x64xf32, #tpu.memory_space<vmem>>, vector<16xf32>,
            %get3A_1105 = arith.index_cast %scan3A_1082 : i32 to index
            %get3A_1106 = arith.constant 16 : index
            %get3A_1107 = tpu.vector_load %arg14[%get3A_1105, %get3A_1106] {strides = array<i32>} : memref<128x64xf32, #tpu.memory_space<vmem>>, vector<16xf32>,
            %get3A_1108 = arith.index_cast %scan3A_1082 : i32 to index
            %get3A_1109 = arith.constant 16 : index
            %get3A_1110 = tpu.vector_load %arg15[%get3A_1108, %get3A_1109] {strides = array<i32>} : memref<128x64xf32, #tpu.memory_space<vmem>>, vector<16xf32>,
            %add3A_1111 = arith.addf %get3A_1107, %get3A_1110 : vector<16xf32>
            %mul3A_1112 = arith.constant 0.894736826 : f32
            %mul3A_1113 = vector.broadcast %mul3A_1112 : f32 to vector<16xf32>
            %mul3A_1114 = arith.mulf %mul3A_1113, %gather3A : vector<16xf32>
            %mul3A_1115 = arith.mulf %mul3A_1114, %add3A_1111 : vector<16xf32>
            %get3A_1116 = arith.index_cast %scan3A_1082 : i32 to index
            %get3A_1117 = arith.constant 16 : index
            %get3A_1118 = tpu.vector_load %arg13[%get3A_1116, %get3A_1117] {strides = array<i32>} : memref<128x64xf32, #tpu.memory_space<vmem>>, vector<16xf32>,
            %add3A_1119 = arith.addf %mul3A_1115, %get3A_1118 : vector<16xf32>
            %mul3A_1120 = arith.mulf %gather3A, %add3A_1119 : vector<16xf32>
            %swap3A_1121 = arith.index_cast %scan3A_1082 : i32 to index
            %swap3A_1122 = arith.constant 16 : index
            %swap3A_1123 = tpu.vector_load %arg15[%swap3A_1121, %swap3A_1122] {strides = array<i32>} : memref<128x64xf32, #tpu.memory_space<vmem>>, vector<16xf32>,
            tpu.vector_store %arg15[%swap3A_1121, %swap3A_1122], %mul3A_1120 {strides = array<i32>} : memref<128x64xf32, #tpu.memory_space<vmem>>, vector<16xf32>,
            %get3A_1124 = arith.index_cast %scan3A_1082 : i32 to index
            %get3A_1125 = arith.constant 32 : index
            %get3A_1126 = tpu.vector_load %arg14[%get3A_1124, %get3A_1125] {strides = array<i32>} : memref<128x64xf32, #tpu.memory_space<vmem>>, vector<16xf32>,
            %get3A_1127 = arith.index_cast %scan3A_1082 : i32 to index
            %get3A_1128 = arith.constant 32 : index
            %get3A_1129 = tpu.vector_load %arg15[%get3A_1127, %get3A_1128] {strides = array<i32>} : memref<128x64xf32, #tpu.memory_space<vmem>>, vector<16xf32>,
            %add3A_1130 = arith.addf %get3A_1126, %get3A_1129 : vector<16xf32>
            %mul3A_1131 = arith.constant 0.894736826 : f32
            %mul3A_1132 = vector.broadcast %mul3A_1131 : f32 to vector<16xf32>
            %mul3A_1133 = arith.mulf %mul3A_1132, %gather3A : vector<16xf32>
            %mul3A_1134 = arith.mulf %mul3A_1133, %add3A_1130 : vector<16xf32>
            %get3A_1135 = arith.index_cast %scan3A_1082 : i32 to index
            %get3A_1136 = arith.constant 32 : index
            %get3A_1137 = tpu.vector_load %arg13[%get3A_1135, %get3A_1136] {strides = array<i32>} : memref<128x64xf32, #tpu.memory_space<vmem>>, vector<16xf32>,
            %add3A_1138 = arith.addf %mul3A_1134, %get3A_1137 : vector<16xf32>
            %mul3A_1139 = arith.mulf %gather3A, %add3A_1138 : vector<16xf32>
            %swap3A_1140 = arith.index_cast %scan3A_1082 : i32 to index
            %swap3A_1141 = arith.constant 32 : index
            %swap3A_1142 = tpu.vector_load %arg15[%swap3A_1140, %swap3A_1141] {strides = array<i32>} : memref<128x64xf32, #tpu.memory_space<vmem>>, vector<16xf32>,
            tpu.vector_store %arg15[%swap3A_1140, %swap3A_1141], %mul3A_1139 {strides = array<i32>} : memref<128x64xf32, #tpu.memory_space<vmem>>, vector<16xf32>,
            %get3A_1143 = arith.index_cast %scan3A_1082 : i32 to index
            %get3A_1144 = arith.constant 48 : index
            %get3A_1145 = tpu.vector_load %arg14[%get3A_1143, %get3A_1144] {strides = array<i32>} : memref<128x64xf32, #tpu.memory_space<vmem>>, vector<16xf32>,
            %get3A_1146 = arith.index_cast %scan3A_1082 : i32 to index
            %get3A_1147 = arith.constant 48 : index
            %get3A_1148 = tpu.vector_load %arg15[%get3A_1146, %get3A_1147] {strides = array<i32>} : memref<128x64xf32, #tpu.memory_space<vmem>>, vector<16xf32>,
            %add3A_1149 = arith.addf %get3A_1145, %get3A_1148 : vector<16xf32>
            %mul3A_1150 = arith.constant 0.894736826 : f32
            %mul3A_1151 = vector.broadcast %mul3A_1150 : f32 to vector<16xf32>
            %mul3A_1152 = arith.mulf %mul3A_1151, %gather3A : vector<16xf32>
            %mul3A_1153 = arith.mulf %mul3A_1152, %add3A_1149 : vector<16xf32>
            %get3A_1154 = arith.index_cast %scan3A_1082 : i32 to index
            %get3A_1155 = arith.constant 48 : index
            %get3A_1156 = tpu.vector_load %arg13[%get3A_1154, %get3A_1155] {strides = array<i32>} : memref<128x64xf32, #tpu.memory_space<vmem>>, vector<16xf32>,
            %add3A_1157 = arith.addf %mul3A_1153, %get3A_1156 : vector<16xf32>
            %mul3A_1158 = arith.mulf %gather3A, %add3A_1157 : vector<16xf32>
            %swap3A_1159 = arith.index_cast %scan3A_1082 : i32 to index
            %swap3A_1160 = arith.constant 48 : index
            %swap3A_1161 = tpu.vector_load %arg15[%swap3A_1159, %swap3A_1160] {strides = array<i32>} : memref<128x64xf32, #tpu.memory_space<vmem>>, vector<16xf32>,
            tpu.vector_store %arg15[%swap3A_1159, %swap3A_1160], %mul3A_1158 {strides = array<i32>} : memref<128x64xf32, #tpu.memory_space<vmem>>, vector<16xf32>,
            %scan3A_1162 = arith.constant 0 : i32
            scf.yield %scan3A_1162 : i32
          }
          %scan3A_1073 = arith.constant 128 : i32
          "tpu.region"() ({
            %run_scoped3A = tpu.sem_alloc : memref<!tpu.dma_semaphore, #tpu.memory_space<semaphore_mem>>
            %dma_start3A_1082 = arith.constant 0 : i32
            %dma_start3A_1083 = tpu.memref_slice %arg9[%add3A_1064, %dma_start3A_1082] : memref<10240x64xf32, #tpu.memory_space<vmem_shared>> -> memref<128x64xf32, #tpu.memory_space<vmem_shared>>
            %dma_start3A_1084 = arith.constant 0 : i32
            %dma_start3A_1085 = tpu.memref_slice %arg9[%add3A_1064, %dma_start3A_1084] : memref<10240x64xf32, #tpu.memory_space<vmem_shared>> -> memref<128x64xf32, #tpu.memory_space<vmem_shared>>
            tpu.enqueue_dma source(%arg15 : memref<128x64xf32, #tpu.memory_space<vmem>>) target(%dma_start3A_1085 : memref<128x64xf32, #tpu.memory_space<vmem_shared>>) target_semaphore(%run_scoped3A : memref<!tpu.dma_semaphore, #tpu.memory_space<semaphore_mem>>)
            %dma_wait3A_1086 = arith.constant 0 : i32
            %dma_wait3A_1087 = tpu.memref_slice %arg9[%add3A_1064, %dma_wait3A_1086] : memref<10240x64xf32, #tpu.memory_space<vmem_shared>> -> memref<128x64xf32, #tpu.memory_space<vmem_shared>>
            %dma_wait3A_1088 = arith.constant 0 : i32
            %dma_wait3A_1089 = tpu.memref_slice %arg9[%add3A_1064, %dma_wait3A_1088] : memref<10240x64xf32, #tpu.memory_space<vmem_shared>> -> memref<128x64xf32, #tpu.memory_space<vmem_shared>>
            tpu.wait_dma2 semaphore(%run_scoped3A : memref<!tpu.dma_semaphore, #tpu.memory_space<semaphore_mem>>) src(%arg15 : memref<128x64xf32, #tpu.memory_space<vmem>>) dst(%dma_wait3A_1089 : memref<128x64xf32, #tpu.memory_space<vmem_shared>>)
            tpu.yield
          }) : () -> ()
          %scan3A_1074 = arith.constant 0 : i32
          %scan3A_1075 = arith.constant 0 : i32
          %scan3A_1076 = arith.constant 512 : i32
          %scan3A_1077 = arith.addi %scan3A_1075, %scan3A_1076 : i32
          %scan3A_1078 = arith.constant 1 : i32
          %scan3A_1079 = scf.for %scan3A_1082 = %scan3A_1075 to %scan3A_1077 step %scan3A_1078 iter_args(%scan3A_1083 = %scan3A_1074) -> (i32)  : i32 {
            %jit3A = arith.constant 4 : i32
            %div3A = arith.divsi %scan3A_1082, %jit3A : i32
            %sign3A = arith.constant 0 : i32
            %sign3A_1084 = arith.cmpi sgt, %scan3A_1082, %sign3A : i32
            %sign3A_1085 = arith.extui %sign3A_1084 : i1 to i32
            %sign3A_1086 = arith.constant 0 : i32
            %sign3A_1087 = arith.cmpi slt, %scan3A_1082, %sign3A_1086 : i32
            %sign3A_1088 = arith.extui %sign3A_1087 : i1 to i32
            %sign3A_1089 = arith.subi %sign3A_1085, %sign3A_1088 : i32
            %sign3A_1090 = arith.constant 0 : i32
            %sign3A_1091 = arith.cmpi sgt, %jit3A, %sign3A_1090 : i32
            %sign3A_1092 = arith.extui %sign3A_1091 : i1 to i32
            %sign3A_1093 = arith.constant 0 : i32
            %sign3A_1094 = arith.cmpi slt, %jit3A, %sign3A_1093 : i32
            %sign3A_1095 = arith.extui %sign3A_1094 : i1 to i32
            %sign3A_1096 = arith.subi %sign3A_1092, %sign3A_1095 : i32
            %ne3A = arith.cmpi ne, %sign3A_1089, %sign3A_1096 : i32
            %rem3A = arith.remsi %scan3A_1082, %jit3A : i32
            %ne3A_1097 = arith.constant 0 : i32
            %ne3A_1098 = arith.cmpi ne, %rem3A, %ne3A_1097 : i32
            %and3A_1099 = arith.andi %ne3A, %ne3A_1098 : i1
            %sub3A = arith.constant 1 : i32
            %sub3A_1100 = arith.subi %div3A, %sub3A : i32
            %select_n3A = arith.select %and3A_1099, %sub3A_1100, %div3A : i32
            %mul3A_1101 = arith.constant 4 : i32
            %mul3A_1102 = arith.muli %select_n3A, %mul3A_1101 : i32
            %sub3A_1103 = arith.subi %scan3A_1082, %mul3A_1102 : i32
            %mul3A_1104 = arith.constant 16 : i32
            %mul3A_1105 = arith.muli %sub3A_1103, %mul3A_1104 : i32
            %swap3A_1106 = arith.index_cast %select_n3A : i32 to index
            %swap3A_1107 = arith.index_cast %mul3A_1105 : i32 to index
            %swap3A_1108 = tpu.vector_load %arg13[%swap3A_1106, %swap3A_1107] {strides = array<i32>} : memref<128x64xf32, #tpu.memory_space<vmem>>, vector<16xf32>,
            tpu.vector_store %arg13[%swap3A_1106, %swap3A_1107], %broadcast_in_dim3A_3 {strides = array<i32>} : memref<128x64xf32, #tpu.memory_space<vmem>>, vector<16xf32>,
            %scan3A_1109 = arith.constant 0 : i32
            scf.yield %scan3A_1109 : i32
          }
          %scan3A_1080 = arith.constant 512 : i32
          "tpu.region"() ({
            %run_scoped3A = tpu.sem_alloc : memref<!tpu.dma_semaphore, #tpu.memory_space<semaphore_mem>>
            %dma_start3A_1082 = arith.constant 0 : i32
            %dma_start3A_1083 = tpu.memref_slice %arg8[%add3A_1064, %dma_start3A_1082] : memref<10240x64xf32, #tpu.memory_space<vmem_shared>> -> memref<128x64xf32, #tpu.memory_space<vmem_shared>>
            %dma_start3A_1084 = arith.constant 0 : i32
            %dma_start3A_1085 = tpu.memref_slice %arg8[%add3A_1064, %dma_start3A_1084] : memref<10240x64xf32, #tpu.memory_space<vmem_shared>> -> memref<128x64xf32, #tpu.memory_space<vmem_shared>>
            tpu.enqueue_dma source(%arg13 : memref<128x64xf32, #tpu.memory_space<vmem>>) target(%dma_start3A_1085 : memref<128x64xf32, #tpu.memory_space<vmem_shared>>) target_semaphore(%run_scoped3A : memref<!tpu.dma_semaphore, #tpu.memory_space<semaphore_mem>>)
            %dma_wait3A_1086 = arith.constant 0 : i32
            %dma_wait3A_1087 = tpu.memref_slice %arg8[%add3A_1064, %dma_wait3A_1086] : memref<10240x64xf32, #tpu.memory_space<vmem_shared>> -> memref<128x64xf32, #tpu.memory_space<vmem_shared>>
            %dma_wait3A_1088 = arith.constant 0 : i32
            %dma_wait3A_1089 = tpu.memref_slice %arg8[%add3A_1064, %dma_wait3A_1088] : memref<10240x64xf32, #tpu.memory_space<vmem_shared>> -> memref<128x64xf32, #tpu.memory_space<vmem_shared>>
            tpu.wait_dma2 semaphore(%run_scoped3A : memref<!tpu.dma_semaphore, #tpu.memory_space<semaphore_mem>>) src(%arg13 : memref<128x64xf32, #tpu.memory_space<vmem>>) dst(%dma_wait3A_1089 : memref<128x64xf32, #tpu.memory_space<vmem_shared>>)
            tpu.yield
          }) : () -> ()
          %scan3A_1081 = arith.constant 0 : i32
          scf.yield %scan3A_1081 : i32
        }
        %scan3A_1059 = arith.constant 5 : i32
      } else {
      }
      %eq3A_1046 = arith.constant 10 : i32
      %eq3A_1047 = arith.cmpi eq, %scan3A_532, %eq3A_1046 : i32
      %convert_element_type3A_1048 = arith.extui %eq3A_1047 : i1 to i32
      %cond3A_1049 = arith.constant 0 : i32
      %cond3A_1050 = arith.cmpi ne, %convert_element_type3A_1048, %cond3A_1049 : i32
      scf.if %cond3A_1050 {
        %scan3A_1053 = arith.constant 0 : i32
        %scan3A_1054 = arith.constant 0 : i32
        %scan3A_1055 = arith.constant 5 : i32
        %scan3A_1056 = arith.addi %scan3A_1054, %scan3A_1055 : i32
        %scan3A_1057 = arith.constant 1 : i32
        %scan3A_1058 = scf.for %scan3A_1060 = %scan3A_1054 to %scan3A_1056 step %scan3A_1057 iter_args(%scan3A_1061 = %scan3A_1053) -> (i32)  : i32 {
          %mul3A_1062 = arith.constant 128 : i32
          %mul3A_1063 = arith.muli %scan3A_1060, %mul3A_1062 : i32
          %add3A_1064 = arith.addi %mul3A_0, %mul3A_1063 : i32
          %add3A_1065 = arith.addi %mul3A_2, %mul3A_0 : i32
          %add3A_1066 = arith.addi %add3A_1065, %mul3A_1063 : i32
          "tpu.region"() ({
            %run_scoped3A = tpu.sem_alloc : memref<!tpu.dma_semaphore, #tpu.memory_space<semaphore_mem>>
            %dma_start3A_1082 = arith.constant 0 : i32
            %dma_start3A_1083 = tpu.memref_slice %arg8[%add3A_1064, %dma_start3A_1082] : memref<10240x64xf32, #tpu.memory_space<vmem_shared>> -> memref<128x64xf32, #tpu.memory_space<vmem_shared>>
            %dma_start3A_1084 = arith.constant 0 : i32
            %dma_start3A_1085 = tpu.memref_slice %arg8[%add3A_1064, %dma_start3A_1084] : memref<10240x64xf32, #tpu.memory_space<vmem_shared>> -> memref<128x64xf32, #tpu.memory_space<vmem_shared>>
            tpu.enqueue_dma source(%dma_start3A_1085 : memref<128x64xf32, #tpu.memory_space<vmem_shared>>) target(%arg14 : memref<128x64xf32, #tpu.memory_space<vmem>>) target_semaphore(%run_scoped3A : memref<!tpu.dma_semaphore, #tpu.memory_space<semaphore_mem>>)
            %dma_wait3A_1086 = arith.constant 0 : i32
            %dma_wait3A_1087 = tpu.memref_slice %arg8[%add3A_1064, %dma_wait3A_1086] : memref<10240x64xf32, #tpu.memory_space<vmem_shared>> -> memref<128x64xf32, #tpu.memory_space<vmem_shared>>
            %dma_wait3A_1088 = arith.constant 0 : i32
            %dma_wait3A_1089 = tpu.memref_slice %arg8[%add3A_1064, %dma_wait3A_1088] : memref<10240x64xf32, #tpu.memory_space<vmem_shared>> -> memref<128x64xf32, #tpu.memory_space<vmem_shared>>
            tpu.wait_dma2 semaphore(%run_scoped3A : memref<!tpu.dma_semaphore, #tpu.memory_space<semaphore_mem>>) src(%dma_wait3A_1089 : memref<128x64xf32, #tpu.memory_space<vmem_shared>>) dst(%arg14 : memref<128x64xf32, #tpu.memory_space<vmem>>)
            tpu.yield
          }) : () -> ()
          "tpu.region"() ({
            %run_scoped3A = tpu.sem_alloc : memref<!tpu.dma_semaphore, #tpu.memory_space<semaphore_mem>>
            %dma_start3A_1082 = arith.constant 0 : i32
            %dma_start3A_1083 = tpu.memref_slice %arg9[%add3A_1064, %dma_start3A_1082] : memref<10240x64xf32, #tpu.memory_space<vmem_shared>> -> memref<128x64xf32, #tpu.memory_space<vmem_shared>>
            %dma_start3A_1084 = arith.constant 0 : i32
            %dma_start3A_1085 = tpu.memref_slice %arg9[%add3A_1064, %dma_start3A_1084] : memref<10240x64xf32, #tpu.memory_space<vmem_shared>> -> memref<128x64xf32, #tpu.memory_space<vmem_shared>>
            tpu.enqueue_dma source(%dma_start3A_1085 : memref<128x64xf32, #tpu.memory_space<vmem_shared>>) target(%arg15 : memref<128x64xf32, #tpu.memory_space<vmem>>) target_semaphore(%run_scoped3A : memref<!tpu.dma_semaphore, #tpu.memory_space<semaphore_mem>>)
            %dma_wait3A_1086 = arith.constant 0 : i32
            %dma_wait3A_1087 = tpu.memref_slice %arg9[%add3A_1064, %dma_wait3A_1086] : memref<10240x64xf32, #tpu.memory_space<vmem_shared>> -> memref<128x64xf32, #tpu.memory_space<vmem_shared>>
            %dma_wait3A_1088 = arith.constant 0 : i32
            %dma_wait3A_1089 = tpu.memref_slice %arg9[%add3A_1064, %dma_wait3A_1088] : memref<10240x64xf32, #tpu.memory_space<vmem_shared>> -> memref<128x64xf32, #tpu.memory_space<vmem_shared>>
            tpu.wait_dma2 semaphore(%run_scoped3A : memref<!tpu.dma_semaphore, #tpu.memory_space<semaphore_mem>>) src(%dma_wait3A_1089 : memref<128x64xf32, #tpu.memory_space<vmem_shared>>) dst(%arg15 : memref<128x64xf32, #tpu.memory_space<vmem>>)
            tpu.yield
          }) : () -> ()
          "tpu.region"() ({
            %run_scoped3A = tpu.sem_alloc : memref<!tpu.dma_semaphore, #tpu.memory_space<semaphore_mem>>
            %dma_start3A_1082 = arith.constant 0 : i32
            %dma_start3A_1083 = tpu.memref_slice %arg7[%add3A_1066, %dma_start3A_1082] : memref<20480x64xf32, #tpu.memory_space<hbm>> -> memref<128x64xf32, #tpu.memory_space<hbm>>
            %dma_start3A_1084 = arith.constant 0 : i32
            %dma_start3A_1085 = tpu.memref_slice %arg7[%add3A_1066, %dma_start3A_1084] : memref<20480x64xf32, #tpu.memory_space<hbm>> -> memref<128x64xf32, #tpu.memory_space<hbm>>
            tpu.enqueue_dma source(%dma_start3A_1085 : memref<128x64xf32, #tpu.memory_space<hbm>>) target(%arg13 : memref<128x64xf32, #tpu.memory_space<vmem>>) target_semaphore(%run_scoped3A : memref<!tpu.dma_semaphore, #tpu.memory_space<semaphore_mem>>)
            %dma_wait3A_1086 = arith.constant 0 : i32
            %dma_wait3A_1087 = tpu.memref_slice %arg7[%add3A_1066, %dma_wait3A_1086] : memref<20480x64xf32, #tpu.memory_space<hbm>> -> memref<128x64xf32, #tpu.memory_space<hbm>>
            %dma_wait3A_1088 = arith.constant 0 : i32
            %dma_wait3A_1089 = tpu.memref_slice %arg7[%add3A_1066, %dma_wait3A_1088] : memref<20480x64xf32, #tpu.memory_space<hbm>> -> memref<128x64xf32, #tpu.memory_space<hbm>>
            tpu.wait_dma2 semaphore(%run_scoped3A : memref<!tpu.dma_semaphore, #tpu.memory_space<semaphore_mem>>) src(%dma_wait3A_1089 : memref<128x64xf32, #tpu.memory_space<hbm>>) dst(%arg13 : memref<128x64xf32, #tpu.memory_space<vmem>>)
            tpu.yield
          }) : () -> ()
          %scan3A_1067 = arith.constant 0 : i32
          %scan3A_1068 = arith.constant 0 : i32
          %scan3A_1069 = arith.constant 128 : i32
          %scan3A_1070 = arith.addi %scan3A_1068, %scan3A_1069 : i32
          %scan3A_1071 = arith.constant 1 : i32
          %scan3A_1072 = scf.for %scan3A_1082 = %scan3A_1068 to %scan3A_1070 step %scan3A_1071 iter_args(%scan3A_1083 = %scan3A_1067) -> (i32)  : i32 {
            %add3A_1084 = arith.addi %mul3A_1063, %scan3A_1082 : i32
            %broadcast_in_dim3A_1085 = vector.broadcast %add3A_1084 : i32 to vector<16xi32>
            %gather3A = tpu.vector_load_idx %arg12[%broadcast_in_dim3A_1085] : memref<640xf32, #tpu.memory_space<vmem>>[vector<16xi32>], vector<16xf32>,
            %get3A_1086 = arith.index_cast %scan3A_1082 : i32 to index
            %get3A_1087 = arith.constant 0 : index
            %get3A_1088 = tpu.vector_load %arg14[%get3A_1086, %get3A_1087] {strides = array<i32>} : memref<128x64xf32, #tpu.memory_space<vmem>>, vector<16xf32>,
            %get3A_1089 = arith.index_cast %scan3A_1082 : i32 to index
            %get3A_1090 = arith.constant 0 : index
            %get3A_1091 = tpu.vector_load %arg15[%get3A_1089, %get3A_1090] {strides = array<i32>} : memref<128x64xf32, #tpu.memory_space<vmem>>, vector<16xf32>,
            %add3A_1092 = arith.addf %get3A_1088, %get3A_1091 : vector<16xf32>
            %mul3A_1093 = arith.constant 0.894736826 : f32
            %mul3A_1094 = vector.broadcast %mul3A_1093 : f32 to vector<16xf32>
            %mul3A_1095 = arith.mulf %mul3A_1094, %gather3A : vector<16xf32>
            %mul3A_1096 = arith.mulf %mul3A_1095, %add3A_1092 : vector<16xf32>
            %get3A_1097 = arith.index_cast %scan3A_1082 : i32 to index
            %get3A_1098 = arith.constant 0 : index
            %get3A_1099 = tpu.vector_load %arg13[%get3A_1097, %get3A_1098] {strides = array<i32>} : memref<128x64xf32, #tpu.memory_space<vmem>>, vector<16xf32>,
            %add3A_1100 = arith.addf %mul3A_1096, %get3A_1099 : vector<16xf32>
            %swap3A_1101 = arith.index_cast %scan3A_1082 : i32 to index
            %swap3A_1102 = arith.constant 0 : index
            %swap3A_1103 = tpu.vector_load %arg15[%swap3A_1101, %swap3A_1102] {strides = array<i32>} : memref<128x64xf32, #tpu.memory_space<vmem>>, vector<16xf32>,
            tpu.vector_store %arg15[%swap3A_1101, %swap3A_1102], %add3A_1100 {strides = array<i32>} : memref<128x64xf32, #tpu.memory_space<vmem>>, vector<16xf32>,
            %get3A_1104 = arith.index_cast %scan3A_1082 : i32 to index
            %get3A_1105 = arith.constant 16 : index
            %get3A_1106 = tpu.vector_load %arg14[%get3A_1104, %get3A_1105] {strides = array<i32>} : memref<128x64xf32, #tpu.memory_space<vmem>>, vector<16xf32>,
            %get3A_1107 = arith.index_cast %scan3A_1082 : i32 to index
            %get3A_1108 = arith.constant 16 : index
            %get3A_1109 = tpu.vector_load %arg15[%get3A_1107, %get3A_1108] {strides = array<i32>} : memref<128x64xf32, #tpu.memory_space<vmem>>, vector<16xf32>,
            %add3A_1110 = arith.addf %get3A_1106, %get3A_1109 : vector<16xf32>
            %mul3A_1111 = arith.constant 0.894736826 : f32
            %mul3A_1112 = vector.broadcast %mul3A_1111 : f32 to vector<16xf32>
            %mul3A_1113 = arith.mulf %mul3A_1112, %gather3A : vector<16xf32>
            %mul3A_1114 = arith.mulf %mul3A_1113, %add3A_1110 : vector<16xf32>
            %get3A_1115 = arith.index_cast %scan3A_1082 : i32 to index
            %get3A_1116 = arith.constant 16 : index
            %get3A_1117 = tpu.vector_load %arg13[%get3A_1115, %get3A_1116] {strides = array<i32>} : memref<128x64xf32, #tpu.memory_space<vmem>>, vector<16xf32>,
            %add3A_1118 = arith.addf %mul3A_1114, %get3A_1117 : vector<16xf32>
            %swap3A_1119 = arith.index_cast %scan3A_1082 : i32 to index
            %swap3A_1120 = arith.constant 16 : index
            %swap3A_1121 = tpu.vector_load %arg15[%swap3A_1119, %swap3A_1120] {strides = array<i32>} : memref<128x64xf32, #tpu.memory_space<vmem>>, vector<16xf32>,
            tpu.vector_store %arg15[%swap3A_1119, %swap3A_1120], %add3A_1118 {strides = array<i32>} : memref<128x64xf32, #tpu.memory_space<vmem>>, vector<16xf32>,
            %get3A_1122 = arith.index_cast %scan3A_1082 : i32 to index
            %get3A_1123 = arith.constant 32 : index
            %get3A_1124 = tpu.vector_load %arg14[%get3A_1122, %get3A_1123] {strides = array<i32>} : memref<128x64xf32, #tpu.memory_space<vmem>>, vector<16xf32>,
            %get3A_1125 = arith.index_cast %scan3A_1082 : i32 to index
            %get3A_1126 = arith.constant 32 : index
            %get3A_1127 = tpu.vector_load %arg15[%get3A_1125, %get3A_1126] {strides = array<i32>} : memref<128x64xf32, #tpu.memory_space<vmem>>, vector<16xf32>,
            %add3A_1128 = arith.addf %get3A_1124, %get3A_1127 : vector<16xf32>
            %mul3A_1129 = arith.constant 0.894736826 : f32
            %mul3A_1130 = vector.broadcast %mul3A_1129 : f32 to vector<16xf32>
            %mul3A_1131 = arith.mulf %mul3A_1130, %gather3A : vector<16xf32>
            %mul3A_1132 = arith.mulf %mul3A_1131, %add3A_1128 : vector<16xf32>
            %get3A_1133 = arith.index_cast %scan3A_1082 : i32 to index
            %get3A_1134 = arith.constant 32 : index
            %get3A_1135 = tpu.vector_load %arg13[%get3A_1133, %get3A_1134] {strides = array<i32>} : memref<128x64xf32, #tpu.memory_space<vmem>>, vector<16xf32>,
            %add3A_1136 = arith.addf %mul3A_1132, %get3A_1135 : vector<16xf32>
            %swap3A_1137 = arith.index_cast %scan3A_1082 : i32 to index
            %swap3A_1138 = arith.constant 32 : index
            %swap3A_1139 = tpu.vector_load %arg15[%swap3A_1137, %swap3A_1138] {strides = array<i32>} : memref<128x64xf32, #tpu.memory_space<vmem>>, vector<16xf32>,
            tpu.vector_store %arg15[%swap3A_1137, %swap3A_1138], %add3A_1136 {strides = array<i32>} : memref<128x64xf32, #tpu.memory_space<vmem>>, vector<16xf32>,
            %get3A_1140 = arith.index_cast %scan3A_1082 : i32 to index
            %get3A_1141 = arith.constant 48 : index
            %get3A_1142 = tpu.vector_load %arg14[%get3A_1140, %get3A_1141] {strides = array<i32>} : memref<128x64xf32, #tpu.memory_space<vmem>>, vector<16xf32>,
            %get3A_1143 = arith.index_cast %scan3A_1082 : i32 to index
            %get3A_1144 = arith.constant 48 : index
            %get3A_1145 = tpu.vector_load %arg15[%get3A_1143, %get3A_1144] {strides = array<i32>} : memref<128x64xf32, #tpu.memory_space<vmem>>, vector<16xf32>,
            %add3A_1146 = arith.addf %get3A_1142, %get3A_1145 : vector<16xf32>
            %mul3A_1147 = arith.constant 0.894736826 : f32
            %mul3A_1148 = vector.broadcast %mul3A_1147 : f32 to vector<16xf32>
            %mul3A_1149 = arith.mulf %mul3A_1148, %gather3A : vector<16xf32>
            %mul3A_1150 = arith.mulf %mul3A_1149, %add3A_1146 : vector<16xf32>
            %get3A_1151 = arith.index_cast %scan3A_1082 : i32 to index
            %get3A_1152 = arith.constant 48 : index
            %get3A_1153 = tpu.vector_load %arg13[%get3A_1151, %get3A_1152] {strides = array<i32>} : memref<128x64xf32, #tpu.memory_space<vmem>>, vector<16xf32>,
            %add3A_1154 = arith.addf %mul3A_1150, %get3A_1153 : vector<16xf32>
            %swap3A_1155 = arith.index_cast %scan3A_1082 : i32 to index
            %swap3A_1156 = arith.constant 48 : index
            %swap3A_1157 = tpu.vector_load %arg15[%swap3A_1155, %swap3A_1156] {strides = array<i32>} : memref<128x64xf32, #tpu.memory_space<vmem>>, vector<16xf32>,
            tpu.vector_store %arg15[%swap3A_1155, %swap3A_1156], %add3A_1154 {strides = array<i32>} : memref<128x64xf32, #tpu.memory_space<vmem>>, vector<16xf32>,
            %scan3A_1158 = arith.constant 0 : i32
            scf.yield %scan3A_1158 : i32
          }
          %scan3A_1073 = arith.constant 128 : i32
          "tpu.region"() ({
            %run_scoped3A = tpu.sem_alloc : memref<!tpu.dma_semaphore, #tpu.memory_space<semaphore_mem>>
            %dma_start3A_1082 = arith.constant 0 : i32
            %dma_start3A_1083 = tpu.memref_slice %arg6[%add3A_1066, %dma_start3A_1082] : memref<20480x64xf32, #tpu.memory_space<hbm>> -> memref<128x64xf32, #tpu.memory_space<hbm>>
            %dma_start3A_1084 = arith.constant 0 : i32
            %dma_start3A_1085 = tpu.memref_slice %arg6[%add3A_1066, %dma_start3A_1084] : memref<20480x64xf32, #tpu.memory_space<hbm>> -> memref<128x64xf32, #tpu.memory_space<hbm>>
            tpu.enqueue_dma source(%arg15 : memref<128x64xf32, #tpu.memory_space<vmem>>) target(%dma_start3A_1085 : memref<128x64xf32, #tpu.memory_space<hbm>>) target_semaphore(%run_scoped3A : memref<!tpu.dma_semaphore, #tpu.memory_space<semaphore_mem>>)
            %dma_wait3A_1086 = arith.constant 0 : i32
            %dma_wait3A_1087 = tpu.memref_slice %arg6[%add3A_1066, %dma_wait3A_1086] : memref<20480x64xf32, #tpu.memory_space<hbm>> -> memref<128x64xf32, #tpu.memory_space<hbm>>
            %dma_wait3A_1088 = arith.constant 0 : i32
            %dma_wait3A_1089 = tpu.memref_slice %arg6[%add3A_1066, %dma_wait3A_1088] : memref<20480x64xf32, #tpu.memory_space<hbm>> -> memref<128x64xf32, #tpu.memory_space<hbm>>
            tpu.wait_dma2 semaphore(%run_scoped3A : memref<!tpu.dma_semaphore, #tpu.memory_space<semaphore_mem>>) src(%arg15 : memref<128x64xf32, #tpu.memory_space<vmem>>) dst(%dma_wait3A_1089 : memref<128x64xf32, #tpu.memory_space<hbm>>)
            tpu.yield
          }) : () -> ()
          %scan3A_1074 = arith.constant 0 : i32
          %scan3A_1075 = arith.constant 0 : i32
          %scan3A_1076 = arith.constant 512 : i32
          %scan3A_1077 = arith.addi %scan3A_1075, %scan3A_1076 : i32
          %scan3A_1078 = arith.constant 1 : i32
          %scan3A_1079 = scf.for %scan3A_1082 = %scan3A_1075 to %scan3A_1077 step %scan3A_1078 iter_args(%scan3A_1083 = %scan3A_1074) -> (i32)  : i32 {
            %jit3A = arith.constant 4 : i32
            %div3A = arith.divsi %scan3A_1082, %jit3A : i32
            %sign3A = arith.constant 0 : i32
            %sign3A_1084 = arith.cmpi sgt, %scan3A_1082, %sign3A : i32
            %sign3A_1085 = arith.extui %sign3A_1084 : i1 to i32
            %sign3A_1086 = arith.constant 0 : i32
            %sign3A_1087 = arith.cmpi slt, %scan3A_1082, %sign3A_1086 : i32
            %sign3A_1088 = arith.extui %sign3A_1087 : i1 to i32
            %sign3A_1089 = arith.subi %sign3A_1085, %sign3A_1088 : i32
            %sign3A_1090 = arith.constant 0 : i32
            %sign3A_1091 = arith.cmpi sgt, %jit3A, %sign3A_1090 : i32
            %sign3A_1092 = arith.extui %sign3A_1091 : i1 to i32
            %sign3A_1093 = arith.constant 0 : i32
            %sign3A_1094 = arith.cmpi slt, %jit3A, %sign3A_1093 : i32
            %sign3A_1095 = arith.extui %sign3A_1094 : i1 to i32
            %sign3A_1096 = arith.subi %sign3A_1092, %sign3A_1095 : i32
            %ne3A = arith.cmpi ne, %sign3A_1089, %sign3A_1096 : i32
            %rem3A = arith.remsi %scan3A_1082, %jit3A : i32
            %ne3A_1097 = arith.constant 0 : i32
            %ne3A_1098 = arith.cmpi ne, %rem3A, %ne3A_1097 : i32
            %and3A_1099 = arith.andi %ne3A, %ne3A_1098 : i1
            %sub3A = arith.constant 1 : i32
            %sub3A_1100 = arith.subi %div3A, %sub3A : i32
            %select_n3A = arith.select %and3A_1099, %sub3A_1100, %div3A : i32
            %mul3A_1101 = arith.constant 4 : i32
            %mul3A_1102 = arith.muli %select_n3A, %mul3A_1101 : i32
            %sub3A_1103 = arith.subi %scan3A_1082, %mul3A_1102 : i32
            %mul3A_1104 = arith.constant 16 : i32
            %mul3A_1105 = arith.muli %sub3A_1103, %mul3A_1104 : i32
            %swap3A_1106 = arith.index_cast %select_n3A : i32 to index
            %swap3A_1107 = arith.index_cast %mul3A_1105 : i32 to index
            %swap3A_1108 = tpu.vector_load %arg13[%swap3A_1106, %swap3A_1107] {strides = array<i32>} : memref<128x64xf32, #tpu.memory_space<vmem>>, vector<16xf32>,
            tpu.vector_store %arg13[%swap3A_1106, %swap3A_1107], %broadcast_in_dim3A_3 {strides = array<i32>} : memref<128x64xf32, #tpu.memory_space<vmem>>, vector<16xf32>,
            %scan3A_1109 = arith.constant 0 : i32
            scf.yield %scan3A_1109 : i32
          }
          %scan3A_1080 = arith.constant 512 : i32
          "tpu.region"() ({
            %run_scoped3A = tpu.sem_alloc : memref<!tpu.dma_semaphore, #tpu.memory_space<semaphore_mem>>
            %dma_start3A_1082 = arith.constant 0 : i32
            %dma_start3A_1083 = tpu.memref_slice %arg8[%add3A_1064, %dma_start3A_1082] : memref<10240x64xf32, #tpu.memory_space<vmem_shared>> -> memref<128x64xf32, #tpu.memory_space<vmem_shared>>
            %dma_start3A_1084 = arith.constant 0 : i32
            %dma_start3A_1085 = tpu.memref_slice %arg8[%add3A_1064, %dma_start3A_1084] : memref<10240x64xf32, #tpu.memory_space<vmem_shared>> -> memref<128x64xf32, #tpu.memory_space<vmem_shared>>
            tpu.enqueue_dma source(%arg13 : memref<128x64xf32, #tpu.memory_space<vmem>>) target(%dma_start3A_1085 : memref<128x64xf32, #tpu.memory_space<vmem_shared>>) target_semaphore(%run_scoped3A : memref<!tpu.dma_semaphore, #tpu.memory_space<semaphore_mem>>)
            %dma_wait3A_1086 = arith.constant 0 : i32
            %dma_wait3A_1087 = tpu.memref_slice %arg8[%add3A_1064, %dma_wait3A_1086] : memref<10240x64xf32, #tpu.memory_space<vmem_shared>> -> memref<128x64xf32, #tpu.memory_space<vmem_shared>>
            %dma_wait3A_1088 = arith.constant 0 : i32
            %dma_wait3A_1089 = tpu.memref_slice %arg8[%add3A_1064, %dma_wait3A_1088] : memref<10240x64xf32, #tpu.memory_space<vmem_shared>> -> memref<128x64xf32, #tpu.memory_space<vmem_shared>>
            tpu.wait_dma2 semaphore(%run_scoped3A : memref<!tpu.dma_semaphore, #tpu.memory_space<semaphore_mem>>) src(%arg13 : memref<128x64xf32, #tpu.memory_space<vmem>>) dst(%dma_wait3A_1089 : memref<128x64xf32, #tpu.memory_space<vmem_shared>>)
            tpu.yield
          }) : () -> ()
          %scan3A_1081 = arith.constant 0 : i32
          scf.yield %scan3A_1081 : i32
        }
        %scan3A_1059 = arith.constant 5 : i32
      } else {
      }
      %barrier3A_1051 = arith.constant 0 : index
      tpu.barrier barrier_id(%barrier3A_1051)
      %scan3A_1052 = arith.constant 0 : i32
      scf.yield %scan3A_1052 : i32
    }
    %scan3A_513 = arith.constant 11 : i32
    "tpu.region"() ({
      %run_scoped3A = tpu.sem_alloc : memref<!tpu.dma_semaphore, #tpu.memory_space<semaphore_mem>>
      %dma_start3A_532 = arith.constant 0 : i32
      %dma_start3A_533 = tpu.memref_slice %arg4[%arg1, %dma_start3A_532] : memref<16x128xi32, #tpu.memory_space<hbm>> -> memref<1x128xi32, #tpu.memory_space<hbm>>
      %dma_start3A_534 = tpu.memref_squeeze %dma_start3A_533 : memref<1x128xi32, #tpu.memory_space<hbm>> -> memref<128xi32, #tpu.memory_space<hbm>>
      %dma_start3A_535 = arith.constant 0 : i32
      %dma_start3A_536 = tpu.memref_slice %arg4[%arg1, %dma_start3A_535] : memref<16x128xi32, #tpu.memory_space<hbm>> -> memref<1x128xi32, #tpu.memory_space<hbm>>
      %dma_start3A_537 = tpu.memref_squeeze %dma_start3A_536 : memref<1x128xi32, #tpu.memory_space<hbm>> -> memref<128xi32, #tpu.memory_space<hbm>>
      tpu.enqueue_dma source(%dma_start3A_537 : memref<128xi32, #tpu.memory_space<hbm>>) target(%arg24 : memref<128xi32, #tpu.memory_space<vmem>>) target_semaphore(%run_scoped3A : memref<!tpu.dma_semaphore, #tpu.memory_space<semaphore_mem>>)
      %dma_wait3A_538 = arith.constant 0 : i32
      %dma_wait3A_539 = tpu.memref_slice %arg4[%arg1, %dma_wait3A_538] : memref<16x128xi32, #tpu.memory_space<hbm>> -> memref<1x128xi32, #tpu.memory_space<hbm>>
      %dma_wait3A_540 = tpu.memref_squeeze %dma_wait3A_539 : memref<1x128xi32, #tpu.memory_space<hbm>> -> memref<128xi32, #tpu.memory_space<hbm>>
      %dma_wait3A_541 = arith.constant 0 : i32
      %dma_wait3A_542 = tpu.memref_slice %arg4[%arg1, %dma_wait3A_541] : memref<16x128xi32, #tpu.memory_space<hbm>> -> memref<1x128xi32, #tpu.memory_space<hbm>>
      %dma_wait3A_543 = tpu.memref_squeeze %dma_wait3A_542 : memref<1x128xi32, #tpu.memory_space<hbm>> -> memref<128xi32, #tpu.memory_space<hbm>>
      tpu.wait_dma2 semaphore(%run_scoped3A : memref<!tpu.dma_semaphore, #tpu.memory_space<semaphore_mem>>) src(%dma_wait3A_543 : memref<128xi32, #tpu.memory_space<hbm>>) dst(%arg24 : memref<128xi32, #tpu.memory_space<vmem>>)
      tpu.yield
    }) : () -> ()
    %broadcast_in_dim3A_514 = vector.broadcast %mul3A_2 : i32 to vector<16xi32>
    %scan3A_515 = arith.constant 0 : i32
    %scan3A_516 = arith.constant 0 : i32
    %scan3A_517 = arith.constant 8 : i32
    %scan3A_518 = arith.addi %scan3A_516, %scan3A_517 : i32
    %scan3A_519 = arith.constant 1 : i32
    %scan3A_520 = scf.for %scan3A_532 = %scan3A_516 to %scan3A_518 step %scan3A_519 iter_args(%scan3A_533 = %scan3A_515) -> (i32)  : i32 {
      %mul3A_534 = arith.constant 16 : i32
      %mul3A_535 = arith.muli %scan3A_532, %mul3A_534 : i32
      %get3A_536 = arith.index_cast %mul3A_535 : i32 to index
      %get3A_537 = tpu.vector_load %arg24[%get3A_536] {strides = array<i32>} : memref<128xi32, #tpu.memory_space<vmem>>, vector<16xi32>,
      %add3A_538 = arith.addi %get3A_537, %broadcast_in_dim3A_514 : vector<16xi32>
      %mul3A_539 = arith.constant 16 : i32
      %mul3A_540 = arith.muli %scan3A_532, %mul3A_539 : i32
      %swap3A_541 = arith.index_cast %mul3A_540 : i32 to index
      %swap3A_542 = tpu.vector_load %arg24[%swap3A_541] {strides = array<i32>} : memref<128xi32, #tpu.memory_space<vmem>>, vector<16xi32>,
      tpu.vector_store %arg24[%swap3A_541], %add3A_538 {strides = array<i32>} : memref<128xi32, #tpu.memory_space<vmem>>, vector<16xi32>,
      %scan3A_543 = arith.constant 0 : i32
      scf.yield %scan3A_543 : i32
    }
    %scan3A_521 = arith.constant 8 : i32
    %dma_start3A_522 = arith.constant 0 : i32
    %dma_start3A_523 = arith.constant 0 : i32
    %dma_start3A_524 = tpu.memref_slice %arg6[%dma_start3A_522, %dma_start3A_523] : memref<20480x64xf32, #tpu.memory_space<hbm>> -> memref<20480x64xf32, #tpu.memory_space<hbm>>
    tpu.enqueue_indirect_dma source(%dma_start3A_524 : memref<20480x64xf32, #tpu.memory_space<hbm>>) target(%arg13 : memref<128x64xf32, #tpu.memory_space<vmem>>) offsets(%arg24 : memref<128xi32, #tpu.memory_space<vmem>>) semaphore(%arg25 : memref<!tpu.dma_semaphore, #tpu.memory_space<semaphore_mem>>)
    %dma_wait3A_525 = arith.constant 0 : i32
    %dma_wait3A_526 = arith.constant 0 : i32
    %dma_wait3A_527 = tpu.memref_slice %arg6[%dma_wait3A_525, %dma_wait3A_526] : memref<20480x64xf32, #tpu.memory_space<hbm>> -> memref<20480x64xf32, #tpu.memory_space<hbm>>
    tpu.wait_indirect_dma semaphore(%arg25 : memref<!tpu.dma_semaphore, #tpu.memory_space<semaphore_mem>>) src(%dma_wait3A_527 : memref<20480x64xf32, #tpu.memory_space<hbm>>) dst(%arg13 : memref<128x64xf32, #tpu.memory_space<vmem>>)
    %mul3A_528 = arith.constant 2048 : i32
    %mul3A_529 = arith.muli %arg0, %mul3A_528 : i32
    %mul3A_530 = arith.constant 128 : i32
    %mul3A_531 = arith.muli %arg1, %mul3A_530 : i32
    %add3A = arith.addi %mul3A_529, %mul3A_531 : i32
    "tpu.region"() ({
      %run_scoped3A = tpu.sem_alloc : memref<!tpu.dma_semaphore, #tpu.memory_space<semaphore_mem>>
      %dma_start3A_532 = arith.constant 0 : i32
      %dma_start3A_533 = tpu.memref_slice %arg5[%add3A, %dma_start3A_532] : memref<4096x64xf32, #tpu.memory_space<hbm>> -> memref<128x64xf32, #tpu.memory_space<hbm>>
      %dma_start3A_534 = arith.constant 0 : i32
      %dma_start3A_535 = tpu.memref_slice %arg5[%add3A, %dma_start3A_534] : memref<4096x64xf32, #tpu.memory_space<hbm>> -> memref<128x64xf32, #tpu.memory_space<hbm>>
      tpu.enqueue_dma source(%arg13 : memref<128x64xf32, #tpu.memory_space<vmem>>) target(%dma_start3A_535 : memref<128x64xf32, #tpu.memory_space<hbm>>) target_semaphore(%run_scoped3A : memref<!tpu.dma_semaphore, #tpu.memory_space<semaphore_mem>>)
      %dma_wait3A_536 = arith.constant 0 : i32
      %dma_wait3A_537 = tpu.memref_slice %arg5[%add3A, %dma_wait3A_536] : memref<4096x64xf32, #tpu.memory_space<hbm>> -> memref<128x64xf32, #tpu.memory_space<hbm>>
      %dma_wait3A_538 = arith.constant 0 : i32
      %dma_wait3A_539 = tpu.memref_slice %arg5[%add3A, %dma_wait3A_538] : memref<4096x64xf32, #tpu.memory_space<hbm>> -> memref<128x64xf32, #tpu.memory_space<hbm>>
      tpu.wait_dma2 semaphore(%run_scoped3A : memref<!tpu.dma_semaphore, #tpu.memory_space<semaphore_mem>>) src(%arg13 : memref<128x64xf32, #tpu.memory_space<vmem>>) dst(%dma_wait3A_539 : memref<128x64xf32, #tpu.memory_space<hbm>>)
      tpu.yield
    }) : () -> ()
    return
  }
}

</mosaic_0001>

<sc_bundles>
// kernel: _lf_power.3.cloned.1.call-start
scs
__scs_entry_jumppad:
0x0: {  	(pc) =	sbr.rel $0x88, $3  }
0x1: {  	(tag) =	ssettag $0x0;
	lr =	simm.s32 $0x1  }
0x2: {  	[smem:$0x3F9E] =	sst lr;
	_ =	strace $0xD0000000  }
0x3: {  	_ = 	snop  }
0x4: {  	_ = 	snop  }
0x5: {  	_ = 	snop  }
0x6: {  	_ = 	snop  }
0x7: {  	_ = 	snop  }
__scs_overlays_trampoline_lowered:
0x8: {  	[smem:$0x3FAD] =	sst s0  }
0x9: {  	[smem:$0x3FAE] =	sst s1  }
0xa: {  	[smem:$0x3FAF] =	sst s2  }
0xb: {  	[smem:$0x3FB0] =	sst s3  }
0xc: {  	[smem:$0x3FB1] =	sst s4  }
0xd: {  	[smem:$0x3FB2] =	sst s5  }
0xe: {  	[smem:$0x3FB3] =	sst s6  }
0xf: {  	[smem:$0x3FB4] =	sst s7  }
0x10: {  	[smem:$0x3FB5] =	sst s8  }
0x11: {  	[smem:$0x3FB6] =	sst s9;
	s0 =	simm.s32 @!p0 $0x0  }
0x12: {  	s1 =	sld [smem:$0x3F9C];
	s0 =	simm.s32 @p0 $0x1  }
0x13: {  	[smem:$0x3FB7] =	sst s0;
	s0 =	simm.s32 @!p1 $0x0  }
0x14: {  	s2 =	sld [smem:$0x3F9B];
	s0 =	simm.s32 @p1 $0x1  }
0x15: {  	[smem:$0x3FB8] =	sst s0;
	s0 =	simm.s32 @!p2 $0x0  }
0x16: {  	s3 =	sld [smem:$0x3FDB];
	s0 =	simm.s32 @p2 $0x1  }
0x17: {  	s4 =	simm.s32 $0x1BF5;
	[smem:$0x3FBA] =	sst s0  }
0x18: {  	s0 =	sld [smem:$0x3F9D];
	_ =	swait.ge [sflag:s4], $0x0  }
0x19: {  	s7 =	sld [smem:$0x3F9E]  }
0x1a: {  	s8 =	sadd.s32 $0xFFFFE003, lr  }
0x1b: {  	s9 =	sadd.s32 $0xFFFFFEF7, lr;
	s5 =	simm.s32 $0xFFFFFFFF;
	p2 =	slt.u32 s8, $0xFFFFF086  }
0x1c: {  	p1 =	slt.u32 s9, $0xF7A;
	s5 =	simm.s32 @!p2 $0x0  }
0x1d: {  	s5 =	simm.s32 @p1 $0x1;
	p0 =	seq.s32 s7, s2  }
0x1e: {  	s7 =	smul.u32 @!p0 $0xF7A, s2;
	p2 =	seq.s32 @!p0 s5, $0x0  }
0x1f: {  	s9 =	smul.u32 $0xF7A, s1;
	s8 =	simm.s32 @!p0 $0x1BF5;
	p2 =	por !p2, p0  }
0x20: {  	[sflag:s8] =	ssyncset.s32 @!p0 $0xFFFFF086;
	s6 =	sadd.s32 @!p0 s3, s7;
	s7 =	simm.s32 @!p0 $0x108  }
0x21: {  	s3 =	sadd.s32 s3, s9;
	s6 =	sadd.s32 @!p0 $0x88, s6;
	s7 =	simm.s32 @p2 $0x1082  }
0x22: {  	[simem:s7], [sflag:s8] =	dma.local @!p0 [hbm:s6], $0xF7A  }
0x23: {  	s9 =	sor.u32 $0xD0000000, s2;
	s6 =	simm.s32 $0x108;
	_ =	swait.ge @!p0 [sflag:s8], $0x0  }
0x24: {  	s3 =	sadd.s32 $0x88, s3;
	s6 =	simm.s32 @!p1 $0x1082;
	[sflag:s4] =	ssyncset.s32 $0xFFFFF086  }
0x25: {  	[simem:s6], [sflag:s4] =	dma.local [hbm:s3], $0xF7A  }
0x26: {  	[smem:$0x3F9E] =	sst s1;
	(tag) =	ssettag s2;
	_ =	strace s9  }
0x27: {  	s1 =	sld [smem:$0x3FAE]  }
0x28: {  	s2 =	sld [smem:$0x3FAF]  }
0x29: {  	s4 =	sld [smem:$0x3FB1]  }
0x2a: {  	p0 =	seq.s32 s5, $0x0;
	s5 =	sld [smem:$0x3FB2]  }
0x2b: {  	s6 =	sld [smem:$0x3FB3]  }
0x2c: {  	s7 =	sld [smem:$0x3FB4]  }
0x2d: {  	s3 =	simm.s32 $0x108;
	s8 =	sld [smem:$0x3FB5]  }
0x2e: {  	s3 =	simm.s32 @!p0 $0x1082;
	s9 =	sld [smem:$0x3FB6]  }
0x2f: {  	lr =	sadd.s32 s0, s3;
	s0 =	sld [smem:$0x3FAD]  }
0x30: {  	s3 =	sld [smem:$0x3FB0]  }
0x31: {  	[smem:$0x3FB9] =	sst s10  }
0x32: {  	s10 =	sld [smem:$0x3FB7];
	_ =	sdelay $0x3  }
0x33: {  	p0 =	seq.s32 s10, $0x1;
	s10 =	sld [smem:$0x3FB9];
	_ =	sdelay $0x3  }
0x34: {  	[smem:$0x3FB9] =	sst s10  }
0x35: {  	s10 =	sld [smem:$0x3FB8];
	_ =	sdelay $0x3  }
0x36: {  	p1 =	seq.s32 s10, $0x1;
	s10 =	sld [smem:$0x3FB9];
	_ =	sdelay $0x3  }
0x37: {  	[smem:$0x3FB9] =	sst s10  }
0x38: {  	s10 =	sld [smem:$0x3FBA]  }
0x39: {  	_ = 	snop;
	(pc) =	sbr.ind lr, $3  }
0x3a: {  	_ = 	snop  }
0x3b: {  	_ = 	snop  }
0x3c: {  	p2 =	seq.s32 s10, $0x1;
	s10 =	sld [smem:$0x3FB9]  }
0x3d: {  	_ =	shalt  }
0x3e: {  	_ =	shalt  }
0x3f: {  	_ =	shalt  }
0x40: {  	_ =	shalt  }
0x41: {  	_ =	shalt  }
0x42: {  	_ =	shalt  }
0x43: {  	_ =	shalt  }
0x44: {  	_ =	shalt  }
0x45: {  	_ =	shalt  }
0x46: {  	_ =	shalt  }
0x47: {  	_ =	shalt  }
0x48: {  	_ =	shalt  }
0x49: {  	_ =	shalt  }
0x4a: {  	_ =	shalt  }
0x4b: {  	_ =	shalt  }
0x4c: {  	_ =	shalt  }
0x4d: {  	_ =	shalt  }
0x4e: {  	_ =	shalt  }
0x4f: {  	_ =	shalt  }
0x50: {  	_ =	shalt  }
0x51: {  	_ =	shalt  }
0x52: {  	_ =	shalt  }
0x53: {  	_ =	shalt  }
0x54: {  	_ =	shalt  }
0x55: {  	_ =	shalt  }
0x56: {  	_ =	shalt  }
0x57: {  	_ =	shalt  }
0x58: {  	_ =	shalt  }
0x59: {  	_ =	shalt  }
0x5a: {  	_ =	shalt  }
0x5b: {  	_ =	shalt  }
0x5c: {  	_ =	shalt  }
0x5d: {  	_ =	shalt  }
0x5e: {  	_ =	shalt  }
0x5f: {  	_ =	shalt  }
0x60: {  	_ =	shalt  }
0x61: {  	_ =	shalt  }
0x62: {  	_ =	shalt  }
0x63: {  	_ =	shalt  }
0x64: {  	_ =	shalt  }
0x65: {  	_ =	shalt  }
0x66: {  	_ =	shalt  }
0x67: {  	_ =	shalt  }
0x68: {  	_ =	shalt  }
0x69: {  	_ =	shalt  }
0x6a: {  	_ =	shalt  }
0x6b: {  	_ =	shalt  }
0x6c: {  	_ =	shalt  }
0x6d: {  	_ =	shalt  }
0x6e: {  	_ =	shalt  }
0x6f: {  	_ =	shalt  }
0x70: {  	_ =	shalt  }
0x71: {  	_ =	shalt  }
0x72: {  	_ =	shalt  }
0x73: {  	_ =	shalt  }
0x74: {  	_ =	shalt  }
0x75: {  	_ =	shalt  }
0x76: {  	_ =	shalt  }
0x77: {  	_ =	shalt  }
0x78: {  	_ =	shalt  }
0x79: {  	_ =	shalt  }
0x7a: {  	_ =	shalt  }
0x7b: {  	_ =	shalt  }
0x7c: {  	_ =	shalt  }
0x7d: {  	_ =	shalt  }
0x7e: {  	_ =	shalt  }
0x7f: {  	_ =	shalt  }
0x80: {  	_ =	shalt  }
0x81: {  	_ =	shalt  }
0x82: {  	_ =	shalt  }
0x83: {  	_ =	shalt  }
0x84: {  	_ =	shalt  }
0x85: {  	_ =	shalt  }
0x86: {  	_ =	shalt  }
0x87: {  	_ =	shalt  }
.Lfunc_end0:
.L_simem_size_0:
called_computation_lowered:
.L_overlay_start_0:
0x88: {  	s2 =	sld [smem:$0x3FD9]  }
0x89: {  	s3 =	sld [smem:$0x3FFE];
	_ =	sdelay $0x1  }
0x8a: {  	s1 =	srdreg.scid  }
0x8b: {  	s0 =	sand.u32 $0x1, s1  }
0x8c: {  	s17 =	sshll.u32 s0, $0xA;
	s2 =	sadd.s32 s3, s2  }
0x8d: {  	s3 =	sadd.s32 s2, s17  }
0x8e: {  	[smem:$0x3FC5] =	sst s3  }
0x8f: {  	_ = 	snop  }
0x90: {  	s3 =	sld [smem:$0x3FC8]  }
0x91: {  	s4 =	sld [smem:$0x3FC7]  }
0x92: {  	s5 =	sld [smem:$0x3FD0];
	(tm) =	ssettm $0x1  }
0x93: {  	s6 =	sld [smem:$0x3FFB];
	_ =	sdelay $0x3  }
0x94: {  	_ =	strace s6  }
0x95: {  	s6 =	sld [smem:$0x3FFC];
	_ =	sdelay $0x3  }
0x96: {  	_ =	strace s6  }
0x97: {  	s6 =	sld [smem:$0x3FFD];
	_ =	sdelay $0x3  }
0x98: {  	_ =	strace s6  }
0x99: {  	_ =	strace $0x8FFFFFFF  }
0x9a: {  	s18 =	sld [smem:$0x3FDB];
	_ =	sdelay $0x1  }
0x9b: {  	s7 =	simm.s32 $_scs_section_size  }
0x9c: {  	s8 =	simm.s32 $_size__tile_overlayer_lowered;
	s9 =	simm.s32 $_tile_overlayer_lowered  }
0x9d: {  	s21 =	simm.s32 $0x1BFF;
	s20 =	sshll.u32 s9, $0x1;
	s6 =	sadd.s32 s7, s18  }
0x9e: {  	s10 =	simm.s32 $0x0;
	s19 =	sshll.u32 s8, $0x1;
	s8 =	sadd.s32 s20, s6  }
0x9f: {  	[timem:s10], [sflag:s21] =	dma.local [hbm:s8], s19  }
0xa0: {  	_ =	swait.ge [sflag:s21], s19  }
0xa1: {  	s7 =	ssub.s32 $0x0, s19;
	[sflag:s21] =	ssyncset.done $0x0  }
0xa2: {  	[sflag:s21] =	ssyncadd.s32 s7;
	_ =	sdelay $0x1  }
0xa3: {  	s22 =	simm.s32 $0x1B8B  }
0xa4: {  	_ =	swait.ge [sflag:s22], $0x1  }
0xa5: {  	[sflag:s22] =	ssyncset.done $0x0  }
0xa6: {  	s24 =	simm.s32 $0x1B8E;
	s23 =	sld [smem:$0x3FFE];
	[sflag:s22] =	ssyncadd.s32 $0xFFFFFFFF  }
0xa7: {  	s25 =	simm.s32 $execute0_lowered;
	[smem:$0x3FD2] =	sst s24  }
0xa8: {  	s8 =	sshll.u32 s25, $0x1;
	_ =	strace $0x80000046;
	[dreg:$0x1] =	wrdreg $0xFFFFFFFF  }
0xa9: {  	s26 =	simm.s32 $_size_execute0_lowered;
	s6 =	sadd.s32 s6, s8;
	[dreg:$0x0] =	wrdreg $0x0  }
0xaa: {  	s8 =	sshll.u32 s26, $0x1;
	[dreg:$0x2] =	wrdreg s6  }
0xab: {  	[dreg:$0x3] =	wrdreg s8  }
0xac: {  	[dreg:$0x4] =	wrdreg $0xC0  }
0xad: {  	_ =	task [dreg:s10], $0x5FFFF  }
0xae: {  	[dreg:$0x1] =	wrdreg $0xFFFFFFFF  }
0xaf: {  	[dreg:$0x0] =	wrdreg $0x60  }
0xb0: {  	[dreg:$0x2] =	wrdreg s23  }
0xb1: {  	[dreg:$0x3] =	wrdreg s3  }
0xb2: {  	[dreg:$0x4] =	wrdreg s4  }
0xb3: {  	[dreg:$0x5] =	wrdreg s5  }
0xb4: {  	[dreg:$0x6] =	wrdreg $0x0  }
0xb5: {  	[dreg:$0x7] =	wrdreg $0x140000  }
0xb6: {  	s28 =	sadd.s32 $0x28800, s2;
	[dreg:$0x8] =	wrdreg $0xA0000  }
0xb7: {  	s2 =	sadd.s32 $0x800, s2;
	[dreg:$0x9] =	wrdreg s28  }
0xb8: {  	[dreg:$0xa] =	wrdreg s2  }
0xb9: {  	[dreg:$0xb] =	wrdreg $0x9  }
0xba: {  	_ =	task.clear_ibuf [dreg:s10], $0xCFFFF;
	_ =	strace $0x90000046  }
0xbb: {  	s29 =	simm.s32 $0x9;
	_ =	strace $0x80000048  }
0xbc: {  	_ =	swait.ge [sflag:s29], $0x1  }
0xbd: {  	[sflag:s29] =	ssyncadd.s32 $0xFFFFFFFF  }
0xbe: {  	_ =	strace $0x90000048  }
0xbf: {  	_ =	sfence  }
0xc0: {  	s30 =	sld [smem:$0x0];
	_ =	sdelay $0x2  }
0xc1: {  	s31 =	sshll.u32 s1, $0xD;
	s1 =	sshrl.u32 s1, $0x2  }
0xc2: {  	s3 =	sand.u32 $0x4000, s31;
	s1 =	sadd.s32 s1, s30  }
0xc3: {  	s0 =	sor.u32 s3, s0;
	s1 =	sshll.u32 s1, $0x11  }
0xc4: {  	s0 =	sor.u32 s1, s0  }
0xc5: {  	s0 =	sadd.s32 $0x8F2B, s0  }
0xc6: {  	[sflag:s0] =	ssyncadd.remote.s32 $0x1  }
0xc7: {  	_ =	sfence.sel $0xFFFF  }
0xc8: {  	[dreg:$0x0] =	wrdreg $0xFFFFFFFF;
	(pc) =	sbr.abs _section_cstart, $3  }
0xc9: {  	[dreg:$0x1] =	wrdreg $0xFFFFFFFF  }
0xca: {  	_ =	task.clear_ibuf [dreg:s10], $0x2FFFF;
	_ =	strace $0x9FFFFFFF  }
0xcb: {  	(tm) =	ssettm $0x7FFFFFFF  }
tec
execute0_lowered:
.L_overlay_start_1:
0x0: {  	(tag) =	ssettag $0x1  }
0x1: {  	s0 =	rddreg [dreg:$0x0]  }
0x2: {  	s4 =	rddreg [dreg:$0x1]  }
0x3: {  	s5 =	rddreg [dreg:$0x2]  }
0x4: {  	s6 =	rddreg [dreg:$0x3]  }
0x5: {  	s1 =	rddreg [dreg:$0x4]  }
0x6: {  	s2 =	rddreg [dreg:$0x5]  }
0x7: {  	s3 =	rddreg [dreg:$0x6];
	s11 =	simm.s32 $0x0;
	s7 =	srdreg.scid  }
0x8: {  	s10 =	stileid.u32;
	s30 =	simm.s32 $0x80;
	s31 =	simm.s32 $0x1F680  }
0x9: {  	s29 =	simm.s32 $0x1F780;
	[smem:$0x7FF] =	sst s11;
	s9 =	smul.u32 $0xA00, s10  }
0xa: {  	s7 =	sand.u32 $0x1, s7;
	s0 =	sadd.s32 $0x400, s0;
	s12 =	smul.u32 $0x280, s10  }
0xb: {  	s25 =	sshll.u32 s10, $0x4;
	s26 =	sshll.u32 s10, $0xA;
	s28 =	smul.u32 $0x28000, s10  }
0xc: {  	s10 =	simm.s32 $0x4;
	_ =	strace $0x80000047;
	s8 =	ssub.s32 $0x2, s7  }
0xd: {  	[dreg:$0xa] =	wrdreg s0;
	s6 =	sadd.s32 s6, s26;
	s24 =	sshrl.u32 s8, $0x1  }
0xe: {  	s4 =	sadd.s32 s4, s9;
	s15 =	sshrl.u32 s28, $0x2;
	s16 =	sadd.s32 $0x80, s12  }
0xf: {  	s18 =	sadd.s32 $0x100, s12;
	s21 =	sadd.s32 $0x180, s12;
	[dreg:$0xb] =	wrdreg s12  }
0x10: {  	s22 =	sadd.s32 $0x200, s12;
	s9 =	simm.s32 $0x1F800;
	s0 =	ssub.s32 s8, s24  }
0x11: {  	s8 =	smul.u32 $0x2800, s7;
	[dreg:$0xc] =	wrdreg s4;
	s24 =	sadd.s32 s12, s2  }
0x12: {  	s7 =	sshll.u32 s7, $0xE;
	s4 =	sadd.s32 s5, s25;
	s17 =	sshll.u32 s16, $0x6  }
0x13: {  	s19 =	sadd.s32 s16, s2;
	s20 =	sshll.u32 s18, $0x6;
	s5 =	sadd.s32 s18, s2  }
0x14: {  	s23 =	sshll.u32 s21, $0x6;
	s25 =	sshll.u32 s22, $0x6;
	[dreg:$0xf] =	wrdreg s4  }
0x15: {  	s28 =	sadd.s32 s22, s2;
	s16 =	simm.s32 $0x1D500;
	[dreg:$0x14] =	wrdreg s19  }
0x16: {  	s18 =	simm.s32 $0x1F580;
	s22 =	simm.s32 $0x2;
	[dreg:$0x16] =	wrdreg s5  }
0x17: {  	s14 =	sadd.s32 s7, s6;
	s0 =	smax.u32 s0, $0x1;
	[dreg:$0x1a] =	wrdreg s28  }
0x18: {  	s5 =	sadd.s32 s23, s1;
	s26 =	sadd.s32 s25, s1;
	[dreg:$0xd] =	wrdreg s24  }
0x19: {  	s25 =	simm.s32 $0x19500;
	s6 =	simm.s32 $0x1F700;
	[dreg:$0x10] =	wrdreg s14  }
0x1a: {  	s19 =	simm.s32 $0x1B500;
	s23 =	simm.s32 $0x3;
	[dreg:$0x11] =	wrdreg s0  }
0x1b: {  	s4 =	simm.s32 $0x0;
	s13 =	sadd.s32 s12, s8;
	[dreg:$0x17] =	wrdreg s5  }
0x1c: {  	s0 =	sadd.s32 s15, s1;
	[dreg:$0x19] =	wrdreg s26;
	s26 =	simm.s32 $0x7  }
.Ltmp0:
0x1d: {  	s14 =	simm.s32 $0x6;
	[dreg:$0xe] =	wrdreg s13;
	(pc) =	sbr.rel .LBB2_1-.Ltmp0, $4  }
0x1e: {  	s15 =	simm.s32 $0x19280;
	[dreg:$0x12] =	wrdreg s0;
	s0 =	sadd.s32 s17, s1  }
0x1f: {  	s13 =	simm.s32 $0x5;
	[dreg:$0x13] =	wrdreg s0;
	s0 =	sadd.s32 s20, s1  }
0x20: {  	s17 =	simm.s32 $0x1F500;
	[dreg:$0x15] =	wrdreg s0;
	s0 =	sadd.s32 s21, s2  }
0x21: {  	v1 =	vimm.f32 $0.0e+00;
	v2 =	vimm.f32 $1.000000000e+00;
	v0 =	vmov s8;
	s20 =	simm.s32 $0x1;
	s21 =	simm.s32 $0x1F600;
	[dreg:$0x18] =	wrdreg s0  }
.LBB2_34:
0x22: {  	s11 =	simm.s32 $0x0;
	s0 =	rddreg [dreg:$0xf];
	s2 =	simm.s32 $0x1F900  }
0x23: {  	[tilespmem:s2], [sflag:$0x7] =	stream.linear.gather [hbm4b:s0+s11], $0x80, $0x38;
	[tilespmem:$0x1F980] =	vst v63  }
0x24: {  	_ =	swait.ge [sflag:s26], $0x80  }
0x25: {  	[sflag:s26] =	ssyncset.done $0x0  }
0x26: {  	[sflag:s26] =	ssyncadd.s32 $0xFFFFFF80  }
0x27: {  	v3 =	vld [tilespmem:$0x1F900]  }
0x28: {  	v4 =	vld [tilespmem:$0x1F910]  }
0x29: {  	v5 =	vld [tilespmem:$0x1F920]  }
0x2a: {  	v6 =	vld [tilespmem:$0x1F930]  }
0x2b: {  	v7 =	vld [tilespmem:$0x1F940]  }
0x2c: {  	v8 =	vld [tilespmem:$0x1F950];
	v3 =	vadd.s32 v0, v3  }
0x2d: {  	v62 =	vld [tilespmem:$0x1F960];
	[tilespmem:$0x1F900] =	vst v3;
	v3 =	vadd.s32 v0, v4  }
0x2e: {  	v63 =	vld [tilespmem:$0x1F970];
	[tilespmem:$0x1F910] =	vst v3;
	v3 =	vadd.s32 v0, v5  }
0x2f: {  	[tilespmem:$0x1F920] =	vst v3;
	v3 =	vadd.s32 v0, v6  }
0x30: {  	[tilespmem:$0x1F930] =	vst v3;
	v3 =	vadd.s32 v0, v7  }
0x31: {  	[tilespmem:$0x1F940] =	vst v3;
	v3 =	vadd.s32 v0, v8  }
0x32: {  	[tilespmem:$0x1F950] =	vst v3;
	v3 =	vadd.s32 v0, v62  }
0x33: {  	[tilespmem:$0x1F960] =	vst v3;
	v3 =	vadd.s32 v0, v63  }
0x34: {  	s12 =	rddreg [dreg:$0x8];
	[tilespmem:$0x1F970] =	vst v3  }
0x35: {  	[tilespmem:s25], [sflag:$0x1] =	stream.indirect.gather [hbm4b:s12+s30], $0x40, s2, s30, $0xb8;
	[tilespmem:$0x1F980] =	vst v63  }
0x36: {  	_ =	swait.ge [sflag:s20], $0x2000  }
0x37: {  	[sflag:s20] =	ssyncset.done $0x0  }
0x38: {  	s24 =	rddreg [dreg:$0x10];
	[sflag:s20] =	ssyncadd.s32 $0xFFFFE000  }
0x39: {  	[hbm4b:s24+s11] =	stream.linear.scatter [tilespmem:s25], [sflag:$0x7], $0x2000, $0x38;
	[tilespmem:$0x1F980] =	vst v63  }
0x3a: {  	_ =	swait.ge [sflag:s26], $0x2000  }
0x3b: {  	s4 =	rddreg [dreg:$0x1b]  }
0x3c: {  	s28 =	rddreg [dreg:$0x11];
	s4 =	sadd.s32 $0x1, s4  }
0x3d: {  	p0 =	sne.s32 s4, s28  }
.Ltmp1:
0x3e: {  	_ = 	snop;
	(pc) =	sbr.rel @!p0 .LBB2_35-.Ltmp1, $4  }
0x3f: {  	_ = 	snop  }
0x40: {  	[sflag:s26] =	ssyncset.done $0x0  }
0x41: {  	s24 =	rddreg [dreg:$0xd];
	[sflag:s26] =	ssyncadd.s32 $0xFFFFE000  }
0x42: {  	s9 =	simm.s32 $0x1F800;
	s2 =	rddreg [dreg:$0x5]  }
.LBB2_1:
0x43: {  	[dreg:$0x1b] =	wrdreg s4;
	s4 =	simm.s32 $0x1;
	[tilespmem:s25+$0x0] =	vst v1;
	s5 =	simm.s32 $0x19500  }
.LBB2_2:
0x44: {  	p0 =	sne.s32 s4, $0x1FF  }
.Ltmp2:
0x45: {  	_ = 	snop;
	(pc) =	sbr.rel @p0 .LBB2_2-.Ltmp2, $3  }
0x46: {  	_ =	sdelay $0x1  }
0x47: {  	s4 =	sadd.s32 $0x1, s4;
	s5 =	sadd.s32 $0x10, s5  }
0x48: {  	[tilespmem:s5+$0x0] =	vst v1  }
0x49: {  	[tilespmem:$0x1F800] =	vst v2  }
0x4a: {  	[tilespmem:$0x1F880] =	vst v1  }
0x4b: {  	[tilespmem:$0x1F810] =	vst v2  }
0x4c: {  	[tilespmem:$0x1F890] =	vst v1  }
0x4d: {  	[tilespmem:$0x1F820] =	vst v2  }
0x4e: {  	[tilespmem:$0x1F8A0] =	vst v1  }
0x4f: {  	[tilespmem:$0x1F830] =	vst v2  }
0x50: {  	[tilespmem:$0x1F8B0] =	vst v1  }
0x51: {  	[tilespmem:$0x1F840] =	vst v2  }
0x52: {  	[tilespmem:$0x1F8C0] =	vst v1  }
0x53: {  	[tilespmem:$0x1F850] =	vst v2  }
0x54: {  	[tilespmem:$0x1F8D0] =	vst v1  }
0x55: {  	[tilespmem:$0x1F860] =	vst v2  }
0x56: {  	[tilespmem:$0x1F8E0] =	vst v1  }
0x57: {  	[tilespmem:$0x1F870] =	vst v2  }
0x58: {  	[tilespmem:$0x1F8F0] =	vst v1;
	s0 =	rddreg [dreg:$0x12]  }
0x59: {  	[spmem:s0] =	stream.linear.scatter [tilespmem:s25], [sflag:$0x7], $0x2000, $0x38;
	[tilespmem:$0x1F980] =	vst v63  }
0x5a: {  	_ =	swait.ge [sflag:s26], $0x2000  }
0x5b: {  	[sflag:s26] =	ssyncset.done $0x0  }
0x5c: {  	s4 =	simm.s32 $0x1F880;
	[sflag:s26] =	ssyncadd.s32 $0xFFFFE000  }
0x5d: {  	[spmem:s24] =	stream.linear.scatter [tilespmem:s4], [sflag:$0x7], $0x80, $0x38;
	[tilespmem:$0x1F980] =	vst v63  }
0x5e: {  	_ =	swait.ge [sflag:s26], $0x80  }
0x5f: {  	[sflag:s26] =	ssyncset.done $0x0  }
0x60: {  	s5 =	rddreg [dreg:$0x13];
	[sflag:s26] =	ssyncadd.s32 $0xFFFFFF80  }
0x61: {  	[spmem:s5] =	stream.linear.scatter [tilespmem:s25], [sflag:$0x7], $0x2000, $0x38;
	[tilespmem:$0x1F980] =	vst v63  }
0x62: {  	_ =	swait.ge [sflag:s26], $0x2000  }
0x63: {  	[sflag:s26] =	ssyncset.done $0x0  }
0x64: {  	s7 =	rddreg [dreg:$0x14];
	[sflag:s26] =	ssyncadd.s32 $0xFFFFE000  }
0x65: {  	[spmem:s7] =	stream.linear.scatter [tilespmem:s4], [sflag:$0x7], $0x80, $0x38;
	[tilespmem:$0x1F980] =	vst v63  }
0x66: {  	_ =	swait.ge [sflag:s26], $0x80  }
0x67: {  	[sflag:s26] =	ssyncset.done $0x0  }
0x68: {  	s8 =	rddreg [dreg:$0x15];
	[sflag:s26] =	ssyncadd.s32 $0xFFFFFF80  }
0x69: {  	[spmem:s8] =	stream.linear.scatter [tilespmem:s25], [sflag:$0x7], $0x2000, $0x38;
	[tilespmem:$0x1F980] =	vst v63  }
0x6a: {  	_ =	swait.ge [sflag:s26], $0x2000  }
0x6b: {  	[sflag:s26] =	ssyncset.done $0x0  }
0x6c: {  	s12 =	rddreg [dreg:$0x16];
	[sflag:s26] =	ssyncadd.s32 $0xFFFFE000  }
0x6d: {  	[spmem:s12] =	stream.linear.scatter [tilespmem:s4], [sflag:$0x7], $0x80, $0x38;
	[tilespmem:$0x1F980] =	vst v63  }
0x6e: {  	_ =	swait.ge [sflag:s26], $0x80  }
0x6f: {  	[sflag:s26] =	ssyncset.done $0x0  }
0x70: {  	s28 =	rddreg [dreg:$0x17];
	[sflag:s26] =	ssyncadd.s32 $0xFFFFFF80  }
0x71: {  	[spmem:s28] =	stream.linear.scatter [tilespmem:s25], [sflag:$0x7], $0x2000, $0x38;
	[tilespmem:$0x1F980] =	vst v63  }
0x72: {  	_ =	swait.ge [sflag:s26], $0x2000  }
0x73: {  	[sflag:s26] =	ssyncset.done $0x0  }
0x74: {  	s5 =	rddreg [dreg:$0x18];
	[sflag:s26] =	ssyncadd.s32 $0xFFFFE000  }
0x75: {  	[spmem:s5] =	stream.linear.scatter [tilespmem:s4], [sflag:$0x7], $0x80, $0x38;
	[tilespmem:$0x1F980] =	vst v63  }
0x76: {  	_ =	swait.ge [sflag:s26], $0x80  }
0x77: {  	[sflag:s26] =	ssyncset.done $0x0  }
0x78: {  	s7 =	rddreg [dreg:$0x19];
	[sflag:s26] =	ssyncadd.s32 $0xFFFFFF80  }
0x79: {  	[spmem:s7] =	stream.linear.scatter [tilespmem:s25], [sflag:$0x7], $0x2000, $0x38;
	[tilespmem:$0x1F980] =	vst v63  }
0x7a: {  	_ =	swait.ge [sflag:s26], $0x2000  }
0x7b: {  	[sflag:s26] =	ssyncset.done $0x0  }
0x7c: {  	s8 =	rddreg [dreg:$0x1a];
	[sflag:s26] =	ssyncadd.s32 $0xFFFFE000  }
0x7d: {  	[spmem:s8] =	stream.linear.scatter [tilespmem:s4], [sflag:$0x7], $0x80, $0x38;
	[tilespmem:$0x1F980] =	vst v63  }
0x7e: {  	_ =	swait.ge [sflag:s26], $0x80  }
0x7f: {  	[sflag:s26] =	ssyncset.done $0x0  }
0x80: {  	s28 =	simm.s32 $0x14280;
	s12 =	rddreg [dreg:$0xc];
	[sflag:s26] =	ssyncadd.s32 $0xFFFFFF80  }
0x81: {  	[tilespmem:s28], [sflag:$0x7] =	stream.linear.gather [hbm4b:s12+s11], $0x5000, $0x38;
	[tilespmem:$0x1F980] =	vst v63  }
0x82: {  	_ =	swait.ge [sflag:s26], $0x5000  }
0x83: {  	[sflag:s26] =	ssyncset.done $0x0  }
0x84: {  	[sflag:s26] =	ssyncadd.s32 $0xFFFFB000  }
0x85: {  	[bflag:$0x0] =	sbarrier.arrive $0xFFFF  }
0x86: {  	v3 =	vld [tilespmem:$0x14280];
	_ =	sdelay $0x1  }
0x87: {  	v4 =	vld [tilespmem:$0x14290];
	_ =	sdelay $0x1  }
0x88: {  	v5 =	vld [tilespmem:$0x142A0]  }
0x89: {  	v6 =	vand.u32 $0xFFFF, v3  }
0x8a: {  	v22 =	vld [tilespmem:$0x142B0];
	v3 =	vshra.s32 v3, $0x10;
	[tilespmem:$0x1F680] =	vst v6  }
0x8b: {  	[tilespmem:$0x1F500] =	vst v3;
	v3 =	vand.u32 $0xFFFF, v4  }
0x8c: {  	v23 =	vld [tilespmem:$0x142C0];
	[tilespmem:$0x1F690] =	vst v3;
	v3 =	vshra.s32 v4, $0x10  }
0x8d: {  	[tilespmem:$0x1F510] =	vst v3;
	v3 =	vand.u32 $0xFFFF, v5  }
0x8e: {  	v24 =	vld [tilespmem:$0x142D0];
	[tilespmem:$0x1F6A0] =	vst v3;
	v3 =	vshra.s32 v5, $0x10  }
0x8f: {  	[tilespmem:$0x1F520] =	vst v3;
	v3 =	vand.u32 $0xFFFF, v22  }
0x90: {  	v25 =	vld [tilespmem:$0x142E0];
	[tilespmem:$0x1F6B0] =	vst v3;
	v3 =	vshra.s32 v22, $0x10  }
0x91: {  	[tilespmem:$0x1F530] =	vst v3;
	v3 =	vand.u32 $0xFFFF, v23  }
0x92: {  	v26 =	vld [tilespmem:$0x142F0];
	[tilespmem:$0x1F6C0] =	vst v3;
	v3 =	vshra.s32 v23, $0x10  }
0x93: {  	[tilespmem:$0x1F540] =	vst v3;
	v3 =	vand.u32 $0xFFFF, v24  }
0x94: {  	[tilespmem:$0x1F6D0] =	vst v3;
	v3 =	vshra.s32 v24, $0x10  }
0x95: {  	[tilespmem:$0x1F550] =	vst v3;
	v3 =	vand.u32 $0xFFFF, v25  }
0x96: {  	[tilespmem:$0x1F6E0] =	vst v3;
	v3 =	vshra.s32 v25, $0x10  }
0x97: {  	[tilespmem:$0x1F560] =	vst v3;
	v3 =	vand.u32 $0xFFFF, v26  }
0x98: {  	[tilespmem:$0x1F6F0] =	vst v3;
	v3 =	vshra.s32 v26, $0x10  }
0x99: {  	[tilespmem:$0x1F570] =	vst v3  }
0x9a: {  	[spmem:s2] =	stream.indirect.scatter.add.f32 [tilespmem:s9], [sflag:$0x4], $0x1, s31, s30, $0xb8;
	[tilespmem:$0x1F980] =	vst v63  }
0x9b: {  	v3 =	vld [tilespmem:$0x14300];
	_ =	sdelay $0x1  }
0x9c: {  	v27 =	vld [tilespmem:$0x14310];
	_ =	sdelay $0x1  }
0x9d: {  	v28 =	vld [tilespmem:$0x14320]  }
0x9e: {  	v29 =	vand.u32 $0xFFFF, v3  }
0x9f: {  	v30 =	vld [tilespmem:$0x14330];
	v3 =	vshra.s32 v3, $0x10;
	[tilespmem:$0x1F700] =	vst v29  }
0xa0: {  	[tilespmem:$0x1F580] =	vst v3;
	v3 =	vand.u32 $0xFFFF, v27  }
0xa1: {  	v31 =	vld [tilespmem:$0x14340];
	[tilespmem:$0x1F710] =	vst v3;
	v3 =	vshra.s32 v27, $0x10  }
0xa2: {  	[tilespmem:$0x1F590] =	vst v3;
	v3 =	vand.u32 $0xFFFF, v28  }
0xa3: {  	v32 =	vld [tilespmem:$0x14350];
	[tilespmem:$0x1F720] =	vst v3;
	v3 =	vshra.s32 v28, $0x10  }
0xa4: {  	[tilespmem:$0x1F5A0] =	vst v3;
	v3 =	vand.u32 $0xFFFF, v30  }
0xa5: {  	v33 =	vld [tilespmem:$0x14360];
	[tilespmem:$0x1F730] =	vst v3;
	v3 =	vshra.s32 v30, $0x10  }
0xa6: {  	[tilespmem:$0x1F5B0] =	vst v3;
	v3 =	vand.u32 $0xFFFF, v31  }
0xa7: {  	v34 =	vld [tilespmem:$0x14370];
	[tilespmem:$0x1F740] =	vst v3;
	v3 =	vshra.s32 v31, $0x10  }
0xa8: {  	[tilespmem:$0x1F5C0] =	vst v3;
	v3 =	vand.u32 $0xFFFF, v32  }
0xa9: {  	[tilespmem:$0x1F750] =	vst v3;
	v3 =	vshra.s32 v32, $0x10  }
0xaa: {  	[tilespmem:$0x1F5D0] =	vst v3;
	v3 =	vand.u32 $0xFFFF, v33  }
0xab: {  	[tilespmem:$0x1F760] =	vst v3;
	v3 =	vshra.s32 v33, $0x10  }
0xac: {  	[tilespmem:$0x1F5E0] =	vst v3;
	v3 =	vand.u32 $0xFFFF, v34  }
0xad: {  	[tilespmem:$0x1F770] =	vst v3;
	v3 =	vshra.s32 v34, $0x10  }
0xae: {  	[tilespmem:$0x1F5F0] =	vst v3  }
0xaf: {  	[spmem:s2] =	stream.indirect.scatter.add.f32 [tilespmem:s9], [sflag:$0x5], $0x1, s6, s30, $0xb8;
	[tilespmem:$0x1F980] =	vst v63  }
0xb0: {  	v3 =	vld [tilespmem:$0x14380];
	_ =	sdelay $0x1  }
0xb1: {  	v35 =	vld [tilespmem:$0x14390];
	_ =	sdelay $0x1  }
0xb2: {  	v36 =	vld [tilespmem:$0x143A0]  }
0xb3: {  	v37 =	vand.u32 $0xFFFF, v3  }
0xb4: {  	v38 =	vld [tilespmem:$0x143B0];
	v3 =	vshra.s32 v3, $0x10;
	[tilespmem:$0x1F780] =	vst v37  }
0xb5: {  	[tilespmem:$0x1F600] =	vst v3;
	v3 =	vand.u32 $0xFFFF, v35  }
0xb6: {  	v39 =	vld [tilespmem:$0x143C0];
	[tilespmem:$0x1F790] =	vst v3;
	v3 =	vshra.s32 v35, $0x10  }
0xb7: {  	[tilespmem:$0x1F610] =	vst v3;
	v3 =	vand.u32 $0xFFFF, v36  }
0xb8: {  	v40 =	vld [tilespmem:$0x143D0];
	[tilespmem:$0x1F7A0] =	vst v3;
	v3 =	vshra.s32 v36, $0x10  }
0xb9: {  	[tilespmem:$0x1F620] =	vst v3;
	v3 =	vand.u32 $0xFFFF, v38  }
0xba: {  	v41 =	vld [tilespmem:$0x143E0];
	[tilespmem:$0x1F7B0] =	vst v3;
	v3 =	vshra.s32 v38, $0x10  }
0xbb: {  	[tilespmem:$0x1F630] =	vst v3;
	v3 =	vand.u32 $0xFFFF, v39  }
0xbc: {  	v42 =	vld [tilespmem:$0x143F0];
	[tilespmem:$0x1F7C0] =	vst v3;
	v3 =	vshra.s32 v39, $0x10  }
0xbd: {  	[tilespmem:$0x1F640] =	vst v3;
	v3 =	vand.u32 $0xFFFF, v40  }
0xbe: {  	[tilespmem:$0x1F7D0] =	vst v3;
	v3 =	vshra.s32 v40, $0x10  }
0xbf: {  	[tilespmem:$0x1F650] =	vst v3;
	v3 =	vand.u32 $0xFFFF, v41  }
0xc0: {  	[tilespmem:$0x1F7E0] =	vst v3;
	v3 =	vshra.s32 v41, $0x10  }
0xc1: {  	[tilespmem:$0x1F660] =	vst v3;
	v3 =	vand.u32 $0xFFFF, v42  }
0xc2: {  	[tilespmem:$0x1F7F0] =	vst v3;
	v3 =	vshra.s32 v42, $0x10  }
0xc3: {  	[tilespmem:$0x1F670] =	vst v3  }
0xc4: {  	[spmem:s2] =	stream.indirect.scatter.add.f32 [tilespmem:s9], [sflag:$0x6], $0x1, s29, s30, $0xb8;
	[tilespmem:$0x1F980] =	vst v63  }
0xc5: {  	_ =	swait.ge [sflag:s10], $0x80  }
0xc6: {  	[sflag:s10] =	ssyncset.done $0x0  }
0xc7: {  	s7 =	simm.s32 $0x2F0;
	[sflag:s10] =	ssyncadd.s32 $0xFFFFFF80  }
0xc8: {  	v3 =	vld [tilespmem:s7+$0x14110];
	_ =	sdelay $0x4  }
0xc9: {  	v43 =	vand.u32 $0xFFFF, v3  }
0xca: {  	v3 =	vshra.s32 v3, $0x10;
	[tilespmem:$0x1F680] =	vst v43  }
0xcb: {  	[tilespmem:$0x1F500] =	vst v3  }
0xcc: {  	v3 =	vld [tilespmem:s7+$0x14120];
	_ =	sdelay $0x4  }
0xcd: {  	v44 =	vand.u32 $0xFFFF, v3  }
0xce: {  	v3 =	vshra.s32 v3, $0x10;
	[tilespmem:$0x1F690] =	vst v44  }
0xcf: {  	[tilespmem:$0x1F510] =	vst v3  }
0xd0: {  	v3 =	vld [tilespmem:s7+$0x14130];
	_ =	sdelay $0x4  }
0xd1: {  	v45 =	vand.u32 $0xFFFF, v3  }
0xd2: {  	v3 =	vshra.s32 v3, $0x10;
	[tilespmem:$0x1F6A0] =	vst v45  }
0xd3: {  	[tilespmem:$0x1F520] =	vst v3  }
0xd4: {  	v3 =	vld [tilespmem:s7+$0x14140];
	_ =	sdelay $0x4  }
0xd5: {  	v46 =	vand.u32 $0xFFFF, v3  }
0xd6: {  	v3 =	vshra.s32 v3, $0x10;
	[tilespmem:$0x1F6B0] =	vst v46  }
0xd7: {  	[tilespmem:$0x1F530] =	vst v3  }
0xd8: {  	v3 =	vld [tilespmem:s7+$0x14150];
	_ =	sdelay $0x4  }
0xd9: {  	v47 =	vand.u32 $0xFFFF, v3  }
0xda: {  	v3 =	vshra.s32 v3, $0x10;
	[tilespmem:$0x1F6C0] =	vst v47  }
0xdb: {  	[tilespmem:$0x1F540] =	vst v3  }
0xdc: {  	v3 =	vld [tilespmem:s7+$0x14160];
	_ =	sdelay $0x4  }
0xdd: {  	v48 =	vand.u32 $0xFFFF, v3  }
0xde: {  	v3 =	vshra.s32 v3, $0x10;
	[tilespmem:$0x1F6D0] =	vst v48  }
0xdf: {  	[tilespmem:$0x1F550] =	vst v3  }
0xe0: {  	v3 =	vld [tilespmem:s7+$0x14170];
	_ =	sdelay $0x4  }
0xe1: {  	v49 =	vand.u32 $0xFFFF, v3  }
0xe2: {  	v3 =	vshra.s32 v3, $0x10;
	[tilespmem:$0x1F6E0] =	vst v49  }
0xe3: {  	[tilespmem:$0x1F560] =	vst v3  }
0xe4: {  	v3 =	vld [tilespmem:s7+$0x14180];
	_ =	sdelay $0x4  }
0xe5: {  	v50 =	vand.u32 $0xFFFF, v3  }
0xe6: {  	v3 =	vshra.s32 v3, $0x10;
	[tilespmem:$0x1F6F0] =	vst v50  }
0xe7: {  	[tilespmem:$0x1F570] =	vst v3  }
0xe8: {  	[spmem:s2] =	stream.indirect.scatter.add.f32 [tilespmem:s9], [sflag:$0x4], $0x1, s31, s30, $0xb8;
	[tilespmem:$0x1F980] =	vst v63  }
0xe9: {  	_ =	swait.ge [sflag:s13], $0x80  }
0xea: {  	[sflag:s13] =	ssyncset.done $0x0  }
0xeb: {  	[sflag:s13] =	ssyncadd.s32 $0xFFFFFF80  }
0xec: {  	v3 =	vld [tilespmem:s7+$0x14190];
	_ =	sdelay $0x4  }
0xed: {  	v51 =	vand.u32 $0xFFFF, v3  }
0xee: {  	v3 =	vshra.s32 v3, $0x10;
	[tilespmem:$0x1F700] =	vst v51  }
0xef: {  	[tilespmem:$0x1F580] =	vst v3  }
0xf0: {  	v3 =	vld [tilespmem:s7+$0x141A0];
	_ =	sdelay $0x4  }
0xf1: {  	v52 =	vand.u32 $0xFFFF, v3  }
0xf2: {  	v3 =	vshra.s32 v3, $0x10;
	[tilespmem:$0x1F710] =	vst v52  }
0xf3: {  	[tilespmem:$0x1F590] =	vst v3  }
0xf4: {  	v3 =	vld [tilespmem:s7+$0x141B0];
	_ =	sdelay $0x4  }
0xf5: {  	v53 =	vand.u32 $0xFFFF, v3  }
0xf6: {  	v3 =	vshra.s32 v3, $0x10;
	[tilespmem:$0x1F720] =	vst v53  }
0xf7: {  	[tilespmem:$0x1F5A0] =	vst v3  }
0xf8: {  	v3 =	vld [tilespmem:s7+$0x141C0];
	_ =	sdelay $0x4  }
0xf9: {  	v54 =	vand.u32 $0xFFFF, v3  }
0xfa: {  	v3 =	vshra.s32 v3, $0x10;
	[tilespmem:$0x1F730] =	vst v54  }
0xfb: {  	[tilespmem:$0x1F5B0] =	vst v3  }
0xfc: {  	v3 =	vld [tilespmem:s7+$0x141D0];
	_ =	sdelay $0x4  }
0xfd: {  	v55 =	vand.u32 $0xFFFF, v3  }
0xfe: {  	v3 =	vshra.s32 v3, $0x10;
	[tilespmem:$0x1F740] =	vst v55  }
0xff: {  	[tilespmem:$0x1F5C0] =	vst v3  }
0x100: {  	v3 =	vld [tilespmem:s7+$0x141E0];
	_ =	sdelay $0x4  }
0x101: {  	v56 =	vand.u32 $0xFFFF, v3  }
0x102: {  	v3 =	vshra.s32 v3, $0x10;
	[tilespmem:$0x1F750] =	vst v56  }
0x103: {  	[tilespmem:$0x1F5D0] =	vst v3  }
0x104: {  	v3 =	vld [tilespmem:s7+$0x141F0];
	_ =	sdelay $0x4  }
0x105: {  	v57 =	vand.u32 $0xFFFF, v3  }
0x106: {  	v3 =	vshra.s32 v3, $0x10;
	[tilespmem:$0x1F760] =	vst v57  }
0x107: {  	[tilespmem:$0x1F5E0] =	vst v3  }
0x108: {  	v3 =	vld [tilespmem:s7+$0x14200];
	_ =	sdelay $0x4  }
0x109: {  	v58 =	vand.u32 $0xFFFF, v3  }
0x10a: {  	v3 =	vshra.s32 v3, $0x10;
	[tilespmem:$0x1F770] =	vst v58  }
0x10b: {  	[tilespmem:$0x1F5F0] =	vst v3  }
0x10c: {  	[spmem:s2] =	stream.indirect.scatter.add.f32 [tilespmem:s9], [sflag:$0x5], $0x1, s6, s30, $0xb8;
	[tilespmem:$0x1F980] =	vst v63  }
0x10d: {  	_ =	swait.ge [sflag:s14], $0x80  }
0x10e: {  	[sflag:s14] =	ssyncset.done $0x0  }
0x10f: {  	[sflag:s14] =	ssyncadd.s32 $0xFFFFFF80  }
0x110: {  	v3 =	vld [tilespmem:s7+$0x14210];
	_ =	sdelay $0x4  }
0x111: {  	v59 =	vand.u32 $0xFFFF, v3  }
0x112: {  	v3 =	vshra.s32 v3, $0x10;
	[tilespmem:$0x1F780] =	vst v59  }
0x113: {  	[tilespmem:$0x1F600] =	vst v3  }
0x114: {  	v3 =	vld [tilespmem:s7+$0x14220];
	_ =	sdelay $0x4  }
0x115: {  	v60 =	vand.u32 $0xFFFF, v3  }
0x116: {  	v3 =	vshra.s32 v3, $0x10;
	[tilespmem:$0x1F790] =	vst v60  }
0x117: {  	[tilespmem:$0x1F610] =	vst v3  }
0x118: {  	v3 =	vld [tilespmem:s7+$0x14230];
	_ =	sdelay $0x4  }
0x119: {  	v61 =	vand.u32 $0xFFFF, v3  }
0x11a: {  	v3 =	vshra.s32 v3, $0x10;
	[tilespmem:$0x1F7A0] =	vst v61  }
0x11b: {  	[tilespmem:$0x1F620] =	vst v3  }
0x11c: {  	v3 =	vld [tilespmem:s7+$0x14240];
	_ =	sdelay $0x4  }
0x11d: {  	v62 =	vand.u32 $0xFFFF, v3  }
0x11e: {  	v3 =	vshra.s32 v3, $0x10;
	[tilespmem:$0x1F7B0] =	vst v62  }
0x11f: {  	[tilespmem:$0x1F630] =	vst v3  }
0x120: {  	v3 =	vld [tilespmem:s7+$0x14250];
	_ =	sdelay $0x4  }
0x121: {  	v63 =	vand.u32 $0xFFFF, v3  }
0x122: {  	v3 =	vshra.s32 v3, $0x10;
	[tilespmem:$0x1F7C0] =	vst v63  }
0x123: {  	s11 =	simm.s32 $0x11C0;
	[tilespmem:$0x1F640] =	vst v3  }
.LBB2_4:
0x124: {  	p0 =	sne.s32 s11, $0x13DC0;
	v3 =	vld [tilespmem:s7+$0x14260];
	s4 =	smov.u32 s11;
	s11 =	sadd.s32 $0x600, s11  }
0x125: {  	_ =	sdelay $0x3  }
0x126: {  	v4 =	vand.u32 $0xFFFF, v3;
	v3 =	vshra.s32 v3, $0x10  }
0x127: {  	[tilespmem:$0x1F7D0] =	vst v4  }
0x128: {  	[tilespmem:$0x1F650] =	vst v3  }
0x129: {  	v3 =	vld [tilespmem:s7+$0x14270];
	_ =	sdelay $0x4  }
0x12a: {  	v4 =	vand.u32 $0xFFFF, v3;
	v3 =	vshra.s32 v3, $0x10  }
0x12b: {  	[tilespmem:$0x1F7E0] =	vst v4  }
0x12c: {  	[tilespmem:$0x1F660] =	vst v3  }
0x12d: {  	v3 =	vld [tilespmem:s7+$0x14280];
	_ =	sdelay $0x4  }
0x12e: {  	v4 =	vand.u32 $0xFFFF, v3;
	v3 =	vshra.s32 v3, $0x10  }
0x12f: {  	[tilespmem:$0x1F7F0] =	vst v4  }
0x130: {  	[tilespmem:$0x1F670] =	vst v3  }
0x131: {  	[spmem:s2] =	stream.indirect.scatter.add.f32 [tilespmem:s9], [sflag:$0x6], $0x1, s29, s30, $0xb8;
	[tilespmem:$0x1F980] =	vst v63  }
0x132: {  	_ =	swait.ge [sflag:s10], $0x80  }
0x133: {  	[sflag:s10] =	ssyncset.done $0x0  }
0x134: {  	s7 =	sshra.s32 s4, $0x2;
	[sflag:s10] =	ssyncadd.s32 $0xFFFFFF80  }
0x135: {  	v3 =	vld [tilespmem:s7+$0x14110];
	_ =	sdelay $0x4  }
0x136: {  	v4 =	vand.u32 $0xFFFF, v3;
	v3 =	vshra.s32 v3, $0x10  }
0x137: {  	[tilespmem:$0x1F680] =	vst v4  }
0x138: {  	[tilespmem:$0x1F500] =	vst v3  }
0x139: {  	v3 =	vld [tilespmem:s7+$0x14120];
	_ =	sdelay $0x4  }
0x13a: {  	v4 =	vand.u32 $0xFFFF, v3;
	v3 =	vshra.s32 v3, $0x10  }
0x13b: {  	[tilespmem:$0x1F690] =	vst v4  }
0x13c: {  	[tilespmem:$0x1F510] =	vst v3  }
0x13d: {  	v3 =	vld [tilespmem:s7+$0x14130];
	_ =	sdelay $0x4  }
0x13e: {  	v4 =	vand.u32 $0xFFFF, v3;
	v3 =	vshra.s32 v3, $0x10  }
0x13f: {  	[tilespmem:$0x1F6A0] =	vst v4  }
0x140: {  	[tilespmem:$0x1F520] =	vst v3  }
0x141: {  	v3 =	vld [tilespmem:s7+$0x14140];
	_ =	sdelay $0x4  }
0x142: {  	v4 =	vand.u32 $0xFFFF, v3;
	v3 =	vshra.s32 v3, $0x10  }
0x143: {  	[tilespmem:$0x1F6B0] =	vst v4  }
0x144: {  	[tilespmem:$0x1F530] =	vst v3  }
0x145: {  	v3 =	vld [tilespmem:s7+$0x14150];
	_ =	sdelay $0x4  }
0x146: {  	v4 =	vand.u32 $0xFFFF, v3;
	v3 =	vshra.s32 v3, $0x10  }
0x147: {  	[tilespmem:$0x1F6C0] =	vst v4  }
0x148: {  	[tilespmem:$0x1F540] =	vst v3  }
0x149: {  	v3 =	vld [tilespmem:s7+$0x14160];
	_ =	sdelay $0x4  }
0x14a: {  	v4 =	vand.u32 $0xFFFF, v3;
	v3 =	vshra.s32 v3, $0x10  }
0x14b: {  	[tilespmem:$0x1F6D0] =	vst v4  }
0x14c: {  	[tilespmem:$0x1F550] =	vst v3  }
0x14d: {  	v3 =	vld [tilespmem:s7+$0x14170];
	_ =	sdelay $0x4  }
0x14e: {  	v4 =	vand.u32 $0xFFFF, v3;
	v3 =	vshra.s32 v3, $0x10  }
0x14f: {  	[tilespmem:$0x1F6E0] =	vst v4  }
0x150: {  	[tilespmem:$0x1F560] =	vst v3  }
0x151: {  	v3 =	vld [tilespmem:s7+$0x14180];
	_ =	sdelay $0x4  }
0x152: {  	v4 =	vand.u32 $0xFFFF, v3;
	v3 =	vshra.s32 v3, $0x10  }
0x153: {  	[tilespmem:$0x1F6F0] =	vst v4  }
0x154: {  	[tilespmem:$0x1F570] =	vst v3  }
0x155: {  	[spmem:s2] =	stream.indirect.scatter.add.f32 [tilespmem:s9], [sflag:$0x4], $0x1, s31, s30, $0xb8;
	[tilespmem:$0x1F980] =	vst v63  }
0x156: {  	_ =	swait.ge [sflag:s13], $0x80  }
0x157: {  	[sflag:s13] =	ssyncset.done $0x0  }
0x158: {  	[sflag:s13] =	ssyncadd.s32 $0xFFFFFF80  }
0x159: {  	v3 =	vld [tilespmem:s7+$0x14190];
	_ =	sdelay $0x4  }
0x15a: {  	v4 =	vand.u32 $0xFFFF, v3;
	v3 =	vshra.s32 v3, $0x10  }
0x15b: {  	[tilespmem:$0x1F700] =	vst v4  }
0x15c: {  	[tilespmem:$0x1F580] =	vst v3  }
0x15d: {  	v3 =	vld [tilespmem:s7+$0x141A0];
	_ =	sdelay $0x4  }
0x15e: {  	v4 =	vand.u32 $0xFFFF, v3;
	v3 =	vshra.s32 v3, $0x10  }
0x15f: {  	[tilespmem:$0x1F710] =	vst v4  }
0x160: {  	[tilespmem:$0x1F590] =	vst v3  }
0x161: {  	v3 =	vld [tilespmem:s7+$0x141B0];
	_ =	sdelay $0x4  }
0x162: {  	v4 =	vand.u32 $0xFFFF, v3;
	v3 =	vshra.s32 v3, $0x10  }
0x163: {  	[tilespmem:$0x1F720] =	vst v4  }
0x164: {  	[tilespmem:$0x1F5A0] =	vst v3  }
0x165: {  	v3 =	vld [tilespmem:s7+$0x141C0];
	_ =	sdelay $0x4  }
0x166: {  	v4 =	vand.u32 $0xFFFF, v3;
	v3 =	vshra.s32 v3, $0x10  }
0x167: {  	[tilespmem:$0x1F730] =	vst v4  }
0x168: {  	[tilespmem:$0x1F5B0] =	vst v3  }
0x169: {  	v3 =	vld [tilespmem:s7+$0x141D0];
	_ =	sdelay $0x4  }
0x16a: {  	v4 =	vand.u32 $0xFFFF, v3;
	v3 =	vshra.s32 v3, $0x10  }
0x16b: {  	[tilespmem:$0x1F740] =	vst v4  }
0x16c: {  	[tilespmem:$0x1F5C0] =	vst v3  }
0x16d: {  	v3 =	vld [tilespmem:s7+$0x141E0];
	_ =	sdelay $0x4  }
0x16e: {  	v4 =	vand.u32 $0xFFFF, v3;
	v3 =	vshra.s32 v3, $0x10  }
0x16f: {  	[tilespmem:$0x1F750] =	vst v4  }
0x170: {  	[tilespmem:$0x1F5D0] =	vst v3  }
0x171: {  	v3 =	vld [tilespmem:s7+$0x141F0];
	_ =	sdelay $0x4  }
0x172: {  	v4 =	vand.u32 $0xFFFF, v3;
	v3 =	vshra.s32 v3, $0x10  }
0x173: {  	[tilespmem:$0x1F760] =	vst v4  }
0x174: {  	[tilespmem:$0x1F5E0] =	vst v3  }
0x175: {  	v3 =	vld [tilespmem:s7+$0x14200];
	_ =	sdelay $0x4  }
0x176: {  	v4 =	vand.u32 $0xFFFF, v3;
	v3 =	vshra.s32 v3, $0x10  }
0x177: {  	[tilespmem:$0x1F770] =	vst v4  }
0x178: {  	[tilespmem:$0x1F5F0] =	vst v3  }
0x179: {  	[spmem:s2] =	stream.indirect.scatter.add.f32 [tilespmem:s9], [sflag:$0x5], $0x1, s6, s30, $0xb8;
	[tilespmem:$0x1F980] =	vst v63  }
0x17a: {  	_ =	swait.ge [sflag:s14], $0x80  }
0x17b: {  	[sflag:s14] =	ssyncset.done $0x0  }
0x17c: {  	[sflag:s14] =	ssyncadd.s32 $0xFFFFFF80  }
0x17d: {  	v3 =	vld [tilespmem:s7+$0x14210];
	_ =	sdelay $0x4  }
0x17e: {  	v4 =	vand.u32 $0xFFFF, v3;
	v3 =	vshra.s32 v3, $0x10  }
0x17f: {  	[tilespmem:$0x1F780] =	vst v4  }
0x180: {  	[tilespmem:$0x1F600] =	vst v3  }
0x181: {  	v3 =	vld [tilespmem:s7+$0x14220];
	_ =	sdelay $0x4  }
0x182: {  	v4 =	vand.u32 $0xFFFF, v3;
	v3 =	vshra.s32 v3, $0x10  }
0x183: {  	[tilespmem:$0x1F790] =	vst v4  }
0x184: {  	[tilespmem:$0x1F610] =	vst v3  }
0x185: {  	v3 =	vld [tilespmem:s7+$0x14230];
	_ =	sdelay $0x4  }
0x186: {  	v4 =	vand.u32 $0xFFFF, v3;
	v3 =	vshra.s32 v3, $0x10  }
0x187: {  	[tilespmem:$0x1F7A0] =	vst v4  }
0x188: {  	[tilespmem:$0x1F620] =	vst v3  }
0x189: {  	v3 =	vld [tilespmem:s7+$0x14240];
	_ =	sdelay $0x4  }
0x18a: {  	v4 =	vand.u32 $0xFFFF, v3;
	v3 =	vshra.s32 v3, $0x10  }
0x18b: {  	[tilespmem:$0x1F7B0] =	vst v4  }
0x18c: {  	[tilespmem:$0x1F630] =	vst v3  }
0x18d: {  	v3 =	vld [tilespmem:s7+$0x14250];
	_ =	sdelay $0x2  }
.Ltmp3:
0x18e: {  	(pc) =	sbr.rel @p0 .LBB2_4-.Ltmp3, $4  }
0x18f: {  	_ = 	snop  }
0x190: {  	v4 =	vand.u32 $0xFFFF, v3;
	v3 =	vshra.s32 v3, $0x10  }
0x191: {  	[tilespmem:$0x1F7C0] =	vst v4  }
0x192: {  	[tilespmem:$0x1F640] =	vst v3  }
0x193: {  	v3 =	vld [tilespmem:s7+$0x14260];
	_ =	sdelay $0x4  }
0x194: {  	v4 =	vand.u32 $0xFFFF, v3  }
0x195: {  	v3 =	vshra.s32 v3, $0x10;
	[tilespmem:$0x1F7D0] =	vst v4  }
0x196: {  	[tilespmem:$0x1F650] =	vst v3  }
0x197: {  	v3 =	vld [tilespmem:s7+$0x14270];
	_ =	sdelay $0x4  }
0x198: {  	v56 =	vand.u32 $0xFFFF, v3  }
0x199: {  	v3 =	vshra.s32 v3, $0x10;
	[tilespmem:$0x1F7E0] =	vst v56  }
0x19a: {  	[tilespmem:$0x1F660] =	vst v3  }
0x19b: {  	v3 =	vld [tilespmem:s7+$0x14280];
	_ =	sdelay $0x4  }
0x19c: {  	v57 =	vand.u32 $0xFFFF, v3  }
0x19d: {  	v3 =	vshra.s32 v3, $0x10;
	[tilespmem:$0x1F7F0] =	vst v57  }
0x19e: {  	[tilespmem:$0x1F670] =	vst v3  }
0x19f: {  	[spmem:s2] =	stream.indirect.scatter.add.f32 [tilespmem:s9], [sflag:$0x6], $0x1, s29, s30, $0xb8;
	[tilespmem:$0x1F980] =	vst v63  }
0x1a0: {  	_ =	swait.ge [sflag:s10], $0x80  }
0x1a1: {  	[sflag:s10] =	ssyncset.done $0x0  }
0x1a2: {  	[sflag:s10] =	ssyncadd.s32 $0xFFFFFF80  }
0x1a3: {  	v3 =	vld [tilespmem:$0x19200];
	_ =	sdelay $0x1  }
0x1a4: {  	v58 =	vld [tilespmem:$0x19210];
	_ =	sdelay $0x1  }
0x1a5: {  	v5 =	vld [tilespmem:$0x19220]  }
0x1a6: {  	v6 =	vand.u32 $0xFFFF, v3  }
0x1a7: {  	v59 =	vld [tilespmem:$0x19230];
	v3 =	vshra.s32 v3, $0x10;
	[tilespmem:$0x1F680] =	vst v6  }
0x1a8: {  	[tilespmem:$0x1F500] =	vst v3;
	v3 =	vand.u32 $0xFFFF, v58  }
0x1a9: {  	v60 =	vld [tilespmem:$0x19240];
	[tilespmem:$0x1F690] =	vst v3;
	v3 =	vshra.s32 v58, $0x10  }
0x1aa: {  	[tilespmem:$0x1F510] =	vst v3;
	v3 =	vand.u32 $0xFFFF, v5  }
0x1ab: {  	v61 =	vld [tilespmem:$0x19250];
	[tilespmem:$0x1F6A0] =	vst v3;
	v3 =	vshra.s32 v5, $0x10  }
0x1ac: {  	[tilespmem:$0x1F520] =	vst v3;
	v3 =	vand.u32 $0xFFFF, v59  }
0x1ad: {  	v62 =	vld [tilespmem:$0x19260];
	[tilespmem:$0x1F6B0] =	vst v3;
	v3 =	vshra.s32 v59, $0x10  }
0x1ae: {  	[tilespmem:$0x1F530] =	vst v3;
	v3 =	vand.u32 $0xFFFF, v60  }
0x1af: {  	v63 =	vld [tilespmem:$0x19270];
	[tilespmem:$0x1F6C0] =	vst v3;
	v3 =	vshra.s32 v60, $0x10  }
0x1b0: {  	[tilespmem:$0x1F540] =	vst v3;
	v3 =	vand.u32 $0xFFFF, v61  }
0x1b1: {  	[tilespmem:$0x1F6D0] =	vst v3;
	v3 =	vshra.s32 v61, $0x10  }
0x1b2: {  	[tilespmem:$0x1F550] =	vst v3;
	v3 =	vand.u32 $0xFFFF, v62  }
0x1b3: {  	[tilespmem:$0x1F6E0] =	vst v3;
	v3 =	vshra.s32 v62, $0x10  }
0x1b4: {  	[tilespmem:$0x1F560] =	vst v3;
	v3 =	vand.u32 $0xFFFF, v63  }
0x1b5: {  	[tilespmem:$0x1F6F0] =	vst v3;
	v3 =	vshra.s32 v63, $0x10  }
0x1b6: {  	[tilespmem:$0x1F570] =	vst v3  }
0x1b7: {  	[spmem:s2] =	stream.indirect.scatter.add.f32 [tilespmem:s9], [sflag:$0x4], $0x1, s31, s30, $0xb8;
	[tilespmem:$0x1F980] =	vst v63  }
0x1b8: {  	_ =	swait.ge [sflag:s13], $0x80  }
0x1b9: {  	[sflag:s13] =	ssyncset.done $0x0  }
0x1ba: {  	[sflag:s13] =	ssyncadd.s32 $0xFFFFFF80  }
0x1bb: {  	_ =	swait.ge [sflag:s14], $0x80  }
0x1bc: {  	[sflag:s14] =	ssyncset.done $0x0  }
0x1bd: {  	[sflag:s14] =	ssyncadd.s32 $0xFFFFFF80  }
0x1be: {  	_ =	swait.ge [sflag:s10], $0x80  }
0x1bf: {  	[sflag:s10] =	ssyncset.done $0x0  }
0x1c0: {  	[sflag:s10] =	ssyncadd.s32 $0xFFFFFF80  }
0x1c1: {  	[bflag:$0x0] =	sbarrier.arrive $0xFFFF  }
0x1c2: {  	[tilespmem:s15], [sflag:$0x7] =	stream.linear.gather [spmem:s24], $0x280, $0x38;
	[tilespmem:$0x1F980] =	vst v63  }
0x1c3: {  	_ =	swait.ge [sflag:s26], $0x280  }
0x1c4: {  	s5 =	simm.s32 $0x0;
	[sflag:s26] =	ssyncset.done $0x0  }
0x1c5: {  	s4 =	simm.s32 $0x0;
	s7 =	simm.s32 $0x40;
	[sflag:s26] =	ssyncadd.s32 $0xFFFFFD80  }
.LBB2_6:
0x1c6: {  	p0 =	sne.s32 s7, $0x9C0;
	v3 =	vld [tilespmem:s4+$0x19280];
	_ =	sdelay $0x4  }
0x1c7: {  	v3 =	vadd.f32 $1.000000000e+00, v3;
	_ =	sdelay $0x1  }
0x1c8: {  	v4 =	vshra.s32 v3, $0x1;
	v3 =	vmul.f32 $5.000000000e-01, v3  }
0x1c9: {  	v4 =	vsub.s32 $0x5F3759DF, v4  }
0x1ca: {  	v5 =	vmul.f32 v4, v3;
	_ =	sdelay $0x1  }
0x1cb: {  	v5 =	vmul.f32 v4, v5;
	_ =	sdelay $0x1  }
0x1cc: {  	v5 =	vsub.f32 $1.500000000e+00, v5;
	_ =	sdelay $0x1  }
0x1cd: {  	v4 =	vmul.f32 v4, v5;
	_ =	sdelay $0x1  }
0x1ce: {  	v5 =	vmul.f32 v4, v3;
	_ =	sdelay $0x1  }
0x1cf: {  	v5 =	vmul.f32 v5, v4;
	_ =	sdelay $0x1  }
0x1d0: {  	v5 =	vsub.f32 $1.500000000e+00, v5;
	_ =	sdelay $0x1  }
0x1d1: {  	v4 =	vmul.f32 v5, v4;
	_ =	sdelay $0x1  }
0x1d2: {  	v3 =	vmul.f32 v4, v3;
	_ =	sdelay $0x1  }
0x1d3: {  	v3 =	vmul.f32 v3, v4;
	_ =	sdelay $0x1  }
.Ltmp4:
0x1d4: {  	v3 =	vsub.f32 $1.500000000e+00, v3;
	(pc) =	sbr.rel @p0 .LBB2_6-.Ltmp4, $3  }
0x1d5: {  	_ = 	snop  }
0x1d6: {  	v3 =	vmul.f32 v3, v4;
	_ =	sdelay $0x1  }
0x1d7: {  	[tilespmem:s4+$0x19280] =	vst v3;
	s4 =	sshra.s32 s7, $0x2;
	s7 =	sadd.s32 $0x40, s7  }
0x1d8: {  	v3 =	vld [tilespmem:s4+$0x19280];
	_ =	sdelay $0x4  }
0x1d9: {  	v3 =	vadd.f32 $1.000000000e+00, v3;
	_ =	sdelay $0x1  }
0x1da: {  	v4 =	vshra.s32 v3, $0x1;
	v3 =	vmul.f32 $5.000000000e-01, v3  }
0x1db: {  	v4 =	vsub.s32 $0x5F3759DF, v4  }
0x1dc: {  	v5 =	vmul.f32 v4, v3;
	_ =	sdelay $0x1  }
0x1dd: {  	v5 =	vmul.f32 v4, v5;
	_ =	sdelay $0x1  }
0x1de: {  	v5 =	vsub.f32 $1.500000000e+00, v5;
	_ =	sdelay $0x1  }
0x1df: {  	v4 =	vmul.f32 v4, v5;
	_ =	sdelay $0x1  }
0x1e0: {  	v5 =	vmul.f32 v4, v3;
	_ =	sdelay $0x1  }
0x1e1: {  	v5 =	vmul.f32 v5, v4;
	_ =	sdelay $0x1  }
0x1e2: {  	v5 =	vsub.f32 $1.500000000e+00, v5;
	_ =	sdelay $0x1  }
0x1e3: {  	v4 =	vmul.f32 v5, v4;
	_ =	sdelay $0x1  }
0x1e4: {  	v3 =	vmul.f32 v4, v3;
	_ =	sdelay $0x1  }
0x1e5: {  	v3 =	vmul.f32 v3, v4;
	_ =	sdelay $0x1  }
0x1e6: {  	v3 =	vsub.f32 $1.500000000e+00, v3;
	_ =	sdelay $0x1  }
0x1e7: {  	v3 =	vmul.f32 v3, v4;
	_ =	sdelay $0x1  }
0x1e8: {  	s7 =	simm.s32 $0x0;
	[tilespmem:s4+$0x19280] =	vst v3  }
.LBB2_8:
0x1e9: {  	s4 =	sshll.u32 s7, $0x7;
	s0 =	rddreg [dreg:$0xe]  }
0x1ea: {  	s8 =	sadd.s32 s4, s0  }
0x1eb: {  	s28 =	rddreg [dreg:$0xa];
	s8 =	sshll.u32 s8, $0x3  }
0x1ec: {  	s9 =	simm.s32 $0x0;
	s8 =	sadd.s32 s28, s8  }
0x1ed: {  	[tilespmem:s25], [sflag:$0x7] =	stream.linear.gather [hbm4b:s8+s9], $0x2000, $0x38;
	[tilespmem:$0x1F980] =	vst v63  }
0x1ee: {  	v3 =	vmov s5;
	_ =	swait.ge [sflag:s26], $0x2000  }
0x1ef: {  	[sflag:s26] =	ssyncset.done $0x0  }
0x1f0: {  	s8 =	simm.s32 $0x0;
	[sflag:s26] =	ssyncadd.s32 $0xFFFFE000  }
0x1f1: {  	v4 =	vld [tilespmem:s8+$0x19500]  }
0x1f2: {  	v5 =	vld [tilespmem:s8+$0x19510]  }
0x1f3: {  	v8 =	vld.idx.msk [tilespmem:v3+s15+$0x0], $0xffff  }
0x1f4: {  	v7 =	vld [tilespmem:s8+$0x19520]  }
0x1f5: {  	v9 =	vld [tilespmem:s8+$0x19530];
	_ =	sdelay $0x3  }
0x1f6: {  	s9 =	sadd.s32 $0x1, s5;
	v6 =	vmul.f32 v4, v8;
	v4 =	vmul.f32 v5, v8  }
0x1f7: {  	s11 =	simm.s32 $0x100;
	s12 =	simm.s32 $0x200;
	v3 =	vmov s9;
	v7 =	vmul.f32 v7, v8;
	v5 =	vmul.f32 v9, v8  }
.LBB2_9:
0x1f8: {  	p0 =	sne.s32 s12, $0x7F00;
	[tilespmem:s8+$0x1D500] =	vst v6  }
0x1f9: {  	s24 =	sshra.s32 s11, $0x2;
	s11 =	smov.u32 s12;
	[tilespmem:s8+$0x1D510] =	vst v4  }
0x1fa: {  	v4 =	vld [tilespmem:s24+$0x19500];
	[tilespmem:s8+$0x1D520] =	vst v7  }
0x1fb: {  	v7 =	vld [tilespmem:s24+$0x19510];
	[tilespmem:s8+$0x1D530] =	vst v5;
	s8 =	smov.u32 s24  }
0x1fc: {  	v5 =	vld.idx.msk [tilespmem:v3+s15+$0x0], $0xffff  }
0x1fd: {  	v8 =	vld [tilespmem:s8+$0x19520]  }
0x1fe: {  	v9 =	vld [tilespmem:s8+$0x19530]  }
.Ltmp5:
0x1ff: {  	(pc) =	sbr.rel @p0 .LBB2_9-.Ltmp5, $3  }
0x200: {  	_ =	sdelay $0x1  }
0x201: {  	s9 =	sadd.s32 $0x1, s9;
	v6 =	vmul.f32 v4, v5;
	v4 =	vmul.f32 v7, v5  }
0x202: {  	s12 =	sadd.s32 $0x100, s12;
	v3 =	vmov s9;
	v7 =	vmul.f32 v8, v5;
	v5 =	vmul.f32 v9, v5  }
0x203: {  	[tilespmem:s8+$0x1D500] =	vst v6  }
0x204: {  	s9 =	sshra.s32 s11, $0x2;
	[tilespmem:s8+$0x1D510] =	vst v4  }
0x205: {  	v4 =	vld [tilespmem:s9+$0x19500];
	[tilespmem:s8+$0x1D520] =	vst v7  }
0x206: {  	v6 =	vld [tilespmem:s9+$0x19510];
	[tilespmem:s8+$0x1D530] =	vst v5  }
0x207: {  	v3 =	vld.idx.msk [tilespmem:v3+s15+$0x0], $0xffff;
	_ =	sdelay $0x1  }
0x208: {  	v5 =	vld [tilespmem:s9+$0x19520]  }
0x209: {  	v7 =	vld [tilespmem:s9+$0x19530];
	_ =	sdelay $0x1  }
0x20a: {  	v4 =	vmul.f32 v4, v3  }
0x20b: {  	s0 =	rddreg [dreg:$0xb];
	v6 =	vmul.f32 v6, v3  }
0x20c: {  	s4 =	sadd.s32 s0, s4;
	v5 =	vmul.f32 v5, v3;
	[tilespmem:s9+$0x1D500] =	vst v4  }
0x20d: {  	s7 =	sadd.s32 $0x1, s7;
	s4 =	sshll.u32 s4, $0x6;
	v3 =	vmul.f32 v7, v3;
	[tilespmem:s9+$0x1D510] =	vst v6  }
0x20e: {  	p0 =	sne.s32 s7, $0x5;
	s4 =	sand.u32 $0x3FFFFFC0, s4;
	[tilespmem:s9+$0x1D520] =	vst v5  }
.Ltmp6:
0x20f: {  	s4 =	sadd.s32 s4, s3;
	[tilespmem:s9+$0x1D530] =	vst v3;
	(pc) =	sbr.rel @p0 .LBB2_8-.Ltmp6, $4  }
0x210: {  	[spmem:s4] =	stream.linear.scatter [tilespmem:s16], [sflag:$0x7], $0x2000, $0x38;
	[tilespmem:$0x1F980] =	vst v63  }
0x211: {  	_ =	swait.ge [sflag:s26], $0x2000  }
0x212: {  	[sflag:s26] =	ssyncset.done $0x0  }
0x213: {  	s5 =	sadd.s32 $0x80, s5;
	[sflag:s26] =	ssyncadd.s32 $0xFFFFE000  }
.Ltmp7:
0x214: {  	(pc) =	sbr.rel .LBB2_12-.Ltmp7, $3  }
0x215: {  	_ =	sdelay $0x1  }
0x216: {  	[bflag:$0x0] =	sbarrier.arrive $0xFFFF;
	s0 =	simm.s32 $0x0  }
0x217: {  	s2 =	simm.s32 $0x0;
	[dreg:$0x1c] =	wrdreg s0  }
.LBB2_33:
0x218: {  	s2 =	rddreg [dreg:$0x1d]  }
0x219: {  	s2 =	sadd.s32 $0x1, s2  }
0x21a: {  	p0 =	sne.s32 s2, $0xB  }
.Ltmp8:
0x21b: {  	_ = 	snop;
	(pc) =	sbr.rel @!p0 .LBB2_34-.Ltmp8, $4  }
0x21c: {  	[bflag:$0x0] =	sbarrier.arrive $0xFFFF  }
0x21d: {  	s0 =	rddreg [dreg:$0x1c]  }
0x21e: {  	s0 =	sadd.s32 $0x80, s0  }
0x21f: {  	[dreg:$0x1c] =	wrdreg s0  }
.LBB2_12:
0x220: {  	v3 =	vld [tilespmem:$0x14280];
	_ =	sdelay $0x1  }
0x221: {  	v4 =	vld [tilespmem:$0x14290];
	_ =	sdelay $0x1  }
0x222: {  	v5 =	vld [tilespmem:$0x142A0]  }
0x223: {  	v6 =	vand.u32 $0xFFFF, v3  }
0x224: {  	v14 =	vld [tilespmem:$0x142B0];
	v3 =	vshra.s32 v3, $0x10;
	[tilespmem:$0x1F680] =	vst v6  }
0x225: {  	[tilespmem:$0x1F500] =	vst v3;
	v3 =	vand.u32 $0xFFFF, v4  }
0x226: {  	v15 =	vld [tilespmem:$0x142C0];
	[tilespmem:$0x1F690] =	vst v3;
	v3 =	vshra.s32 v4, $0x10  }
0x227: {  	[tilespmem:$0x1F510] =	vst v3;
	v3 =	vand.u32 $0xFFFF, v5  }
0x228: {  	v16 =	vld [tilespmem:$0x142D0];
	[tilespmem:$0x1F6A0] =	vst v3;
	v3 =	vshra.s32 v5, $0x10  }
0x229: {  	[tilespmem:$0x1F520] =	vst v3;
	v3 =	vand.u32 $0xFFFF, v14  }
0x22a: {  	v17 =	vld [tilespmem:$0x142E0];
	[tilespmem:$0x1F6B0] =	vst v3;
	v3 =	vshra.s32 v14, $0x10  }
0x22b: {  	[tilespmem:$0x1F530] =	vst v3;
	v3 =	vand.u32 $0xFFFF, v15  }
0x22c: {  	v18 =	vld [tilespmem:$0x142F0];
	[tilespmem:$0x1F6C0] =	vst v3;
	v3 =	vshra.s32 v15, $0x10  }
0x22d: {  	[tilespmem:$0x1F540] =	vst v3;
	v3 =	vand.u32 $0xFFFF, v16  }
0x22e: {  	[tilespmem:$0x1F6D0] =	vst v3;
	v3 =	vshra.s32 v16, $0x10  }
0x22f: {  	[tilespmem:$0x1F550] =	vst v3;
	v3 =	vand.u32 $0xFFFF, v17  }
0x230: {  	[tilespmem:$0x1F6E0] =	vst v3;
	v3 =	vshra.s32 v17, $0x10  }
0x231: {  	[tilespmem:$0x1F560] =	vst v3;
	v3 =	vand.u32 $0xFFFF, v18  }
0x232: {  	[tilespmem:$0x1F6F0] =	vst v3;
	v3 =	vshra.s32 v18, $0x10  }
0x233: {  	[tilespmem:$0x1F570] =	vst v3  }
0x234: {  	[tilespmem:s25], [sflag:$0x1] =	stream.indirect.gather [spmem:s3], $0x40, s17, s30, $0xb8;
	[tilespmem:$0x1F980] =	vst v63  }
0x235: {  	v3 =	vld [tilespmem:$0x14300];
	_ =	sdelay $0x1  }
0x236: {  	v19 =	vld [tilespmem:$0x14310];
	_ =	sdelay $0x1  }
0x237: {  	v20 =	vld [tilespmem:$0x14320]  }
0x238: {  	v21 =	vand.u32 $0xFFFF, v3  }
0x239: {  	v22 =	vld [tilespmem:$0x14330];
	v3 =	vshra.s32 v3, $0x10;
	[tilespmem:$0x1F700] =	vst v21  }
0x23a: {  	[tilespmem:$0x1F580] =	vst v3;
	v3 =	vand.u32 $0xFFFF, v19  }
0x23b: {  	v23 =	vld [tilespmem:$0x14340];
	[tilespmem:$0x1F710] =	vst v3;
	v3 =	vshra.s32 v19, $0x10  }
0x23c: {  	[tilespmem:$0x1F590] =	vst v3;
	v3 =	vand.u32 $0xFFFF, v20  }
0x23d: {  	v24 =	vld [tilespmem:$0x14350];
	[tilespmem:$0x1F720] =	vst v3;
	v3 =	vshra.s32 v20, $0x10  }
0x23e: {  	[tilespmem:$0x1F5A0] =	vst v3;
	v3 =	vand.u32 $0xFFFF, v22  }
0x23f: {  	v25 =	vld [tilespmem:$0x14360];
	[tilespmem:$0x1F730] =	vst v3;
	v3 =	vshra.s32 v22, $0x10  }
0x240: {  	[tilespmem:$0x1F5B0] =	vst v3;
	v3 =	vand.u32 $0xFFFF, v23  }
0x241: {  	v26 =	vld [tilespmem:$0x14370];
	[tilespmem:$0x1F740] =	vst v3;
	v3 =	vshra.s32 v23, $0x10  }
0x242: {  	[tilespmem:$0x1F5C0] =	vst v3;
	v3 =	vand.u32 $0xFFFF, v24  }
0x243: {  	[tilespmem:$0x1F750] =	vst v3;
	v3 =	vshra.s32 v24, $0x10  }
0x244: {  	[tilespmem:$0x1F5D0] =	vst v3;
	v3 =	vand.u32 $0xFFFF, v25  }
0x245: {  	[tilespmem:$0x1F760] =	vst v3;
	v3 =	vshra.s32 v25, $0x10  }
0x246: {  	[tilespmem:$0x1F5E0] =	vst v3;
	v3 =	vand.u32 $0xFFFF, v26  }
0x247: {  	[tilespmem:$0x1F770] =	vst v3;
	v3 =	vshra.s32 v26, $0x10  }
0x248: {  	[tilespmem:$0x1F5F0] =	vst v3  }
0x249: {  	[tilespmem:s19], [sflag:$0x2] =	stream.indirect.gather [spmem:s3], $0x40, s18, s30, $0xb8;
	[tilespmem:$0x1F980] =	vst v63  }
0x24a: {  	_ =	swait.ge [sflag:s20], $0x2000  }
0x24b: {  	[sflag:s20] =	ssyncset.done $0x0  }
0x24c: {  	[sflag:s20] =	ssyncadd.s32 $0xFFFFE000  }
0x24d: {  	[spmem:s1] =	stream.indirect.scatter.add.f32 [tilespmem:s25], [sflag:$0x4], $0x40, s31, s30, $0xb8;
	[tilespmem:$0x1F980] =	vst v63  }
0x24e: {  	v3 =	vld [tilespmem:$0x14380];
	_ =	sdelay $0x1  }
0x24f: {  	v27 =	vld [tilespmem:$0x14390];
	_ =	sdelay $0x1  }
0x250: {  	v28 =	vld [tilespmem:$0x143A0]  }
0x251: {  	v29 =	vand.u32 $0xFFFF, v3  }
0x252: {  	v30 =	vld [tilespmem:$0x143B0];
	v3 =	vshra.s32 v3, $0x10;
	[tilespmem:$0x1F780] =	vst v29  }
0x253: {  	[tilespmem:$0x1F600] =	vst v3;
	v3 =	vand.u32 $0xFFFF, v27  }
0x254: {  	v31 =	vld [tilespmem:$0x143C0];
	[tilespmem:$0x1F790] =	vst v3;
	v3 =	vshra.s32 v27, $0x10  }
0x255: {  	[tilespmem:$0x1F610] =	vst v3;
	v3 =	vand.u32 $0xFFFF, v28  }
0x256: {  	v32 =	vld [tilespmem:$0x143D0];
	[tilespmem:$0x1F7A0] =	vst v3;
	v3 =	vshra.s32 v28, $0x10  }
0x257: {  	[tilespmem:$0x1F620] =	vst v3;
	v3 =	vand.u32 $0xFFFF, v30  }
0x258: {  	v33 =	vld [tilespmem:$0x143E0];
	[tilespmem:$0x1F7B0] =	vst v3;
	v3 =	vshra.s32 v30, $0x10  }
0x259: {  	[tilespmem:$0x1F630] =	vst v3;
	v3 =	vand.u32 $0xFFFF, v31  }
0x25a: {  	v34 =	vld [tilespmem:$0x143F0];
	[tilespmem:$0x1F7C0] =	vst v3;
	v3 =	vshra.s32 v31, $0x10  }
0x25b: {  	[tilespmem:$0x1F640] =	vst v3;
	v3 =	vand.u32 $0xFFFF, v32  }
0x25c: {  	[tilespmem:$0x1F7D0] =	vst v3;
	v3 =	vshra.s32 v32, $0x10  }
0x25d: {  	[tilespmem:$0x1F650] =	vst v3;
	v3 =	vand.u32 $0xFFFF, v33  }
0x25e: {  	[tilespmem:$0x1F7E0] =	vst v3;
	v3 =	vshra.s32 v33, $0x10  }
0x25f: {  	[tilespmem:$0x1F660] =	vst v3;
	v3 =	vand.u32 $0xFFFF, v34  }
0x260: {  	[tilespmem:$0x1F7F0] =	vst v3;
	v3 =	vshra.s32 v34, $0x10  }
0x261: {  	[tilespmem:$0x1F670] =	vst v3  }
0x262: {  	[tilespmem:s16], [sflag:$0x3] =	stream.indirect.gather [spmem:s3], $0x40, s21, s30, $0xb8;
	[tilespmem:$0x1F980] =	vst v63  }
0x263: {  	_ =	swait.ge [sflag:s22], $0x2000  }
0x264: {  	[sflag:s22] =	ssyncset.done $0x0  }
0x265: {  	[sflag:s22] =	ssyncadd.s32 $0xFFFFE000  }
0x266: {  	[spmem:s1] =	stream.indirect.scatter.add.f32 [tilespmem:s19], [sflag:$0x5], $0x40, s6, s30, $0xb8;
	[tilespmem:$0x1F980] =	vst v63  }
0x267: {  	_ =	swait.ge [sflag:s10], $0x2000  }
0x268: {  	[sflag:s10] =	ssyncset.done $0x0  }
0x269: {  	[sflag:s10] =	ssyncadd.s32 $0xFFFFE000  }
0x26a: {  	v3 =	vld [tilespmem:$0x14400];
	_ =	sdelay $0x1  }
0x26b: {  	v35 =	vld [tilespmem:$0x14410];
	_ =	sdelay $0x1  }
0x26c: {  	v36 =	vld [tilespmem:$0x14420]  }
0x26d: {  	v37 =	vand.u32 $0xFFFF, v3  }
0x26e: {  	v38 =	vld [tilespmem:$0x14430];
	v3 =	vshra.s32 v3, $0x10;
	[tilespmem:$0x1F680] =	vst v37  }
0x26f: {  	[tilespmem:$0x1F500] =	vst v3;
	v3 =	vand.u32 $0xFFFF, v35  }
0x270: {  	v39 =	vld [tilespmem:$0x14440];
	[tilespmem:$0x1F690] =	vst v3;
	v3 =	vshra.s32 v35, $0x10  }
0x271: {  	[tilespmem:$0x1F510] =	vst v3;
	v3 =	vand.u32 $0xFFFF, v36  }
0x272: {  	v40 =	vld [tilespmem:$0x14450];
	[tilespmem:$0x1F6A0] =	vst v3;
	v3 =	vshra.s32 v36, $0x10  }
0x273: {  	[tilespmem:$0x1F520] =	vst v3;
	v3 =	vand.u32 $0xFFFF, v38  }
0x274: {  	v41 =	vld [tilespmem:$0x14460];
	[tilespmem:$0x1F6B0] =	vst v3;
	v3 =	vshra.s32 v38, $0x10  }
0x275: {  	[tilespmem:$0x1F530] =	vst v3;
	v3 =	vand.u32 $0xFFFF, v39  }
0x276: {  	v42 =	vld [tilespmem:$0x14470];
	[tilespmem:$0x1F6C0] =	vst v3;
	v3 =	vshra.s32 v39, $0x10  }
0x277: {  	[tilespmem:$0x1F540] =	vst v3;
	v3 =	vand.u32 $0xFFFF, v40  }
0x278: {  	[tilespmem:$0x1F6D0] =	vst v3;
	v3 =	vshra.s32 v40, $0x10  }
0x279: {  	[tilespmem:$0x1F550] =	vst v3;
	v3 =	vand.u32 $0xFFFF, v41  }
0x27a: {  	[tilespmem:$0x1F6E0] =	vst v3;
	v3 =	vshra.s32 v41, $0x10  }
0x27b: {  	[tilespmem:$0x1F560] =	vst v3;
	v3 =	vand.u32 $0xFFFF, v42  }
0x27c: {  	[tilespmem:$0x1F6F0] =	vst v3;
	v3 =	vshra.s32 v42, $0x10  }
0x27d: {  	[tilespmem:$0x1F570] =	vst v3  }
0x27e: {  	[tilespmem:s25], [sflag:$0x1] =	stream.indirect.gather [spmem:s3], $0x40, s17, s30, $0xb8;
	[tilespmem:$0x1F980] =	vst v63  }
0x27f: {  	_ =	swait.ge [sflag:s23], $0x2000  }
0x280: {  	[sflag:s23] =	ssyncset.done $0x0  }
0x281: {  	[sflag:s23] =	ssyncadd.s32 $0xFFFFE000  }
0x282: {  	[spmem:s1] =	stream.indirect.scatter.add.f32 [tilespmem:s16], [sflag:$0x6], $0x40, s29, s30, $0xb8;
	[tilespmem:$0x1F980] =	vst v63  }
0x283: {  	_ =	swait.ge [sflag:s13], $0x2000  }
0x284: {  	[sflag:s13] =	ssyncset.done $0x0  }
0x285: {  	s28 =	simm.s32 $0x370;
	[sflag:s13] =	ssyncadd.s32 $0xFFFFE000  }
0x286: {  	v3 =	vld [tilespmem:s28+$0x14110];
	_ =	sdelay $0x4  }
0x287: {  	v43 =	vand.u32 $0xFFFF, v3  }
0x288: {  	v3 =	vshra.s32 v3, $0x10;
	[tilespmem:$0x1F700] =	vst v43  }
0x289: {  	[tilespmem:$0x1F580] =	vst v3  }
0x28a: {  	v3 =	vld [tilespmem:s28+$0x14120];
	_ =	sdelay $0x4  }
0x28b: {  	v44 =	vand.u32 $0xFFFF, v3  }
0x28c: {  	v3 =	vshra.s32 v3, $0x10;
	[tilespmem:$0x1F710] =	vst v44  }
0x28d: {  	[tilespmem:$0x1F590] =	vst v3  }
0x28e: {  	v3 =	vld [tilespmem:s28+$0x14130];
	_ =	sdelay $0x4  }
0x28f: {  	v45 =	vand.u32 $0xFFFF, v3  }
0x290: {  	v3 =	vshra.s32 v3, $0x10;
	[tilespmem:$0x1F720] =	vst v45  }
0x291: {  	[tilespmem:$0x1F5A0] =	vst v3  }
0x292: {  	v3 =	vld [tilespmem:s28+$0x14140];
	_ =	sdelay $0x4  }
0x293: {  	v46 =	vand.u32 $0xFFFF, v3  }
0x294: {  	v3 =	vshra.s32 v3, $0x10;
	[tilespmem:$0x1F730] =	vst v46  }
0x295: {  	[tilespmem:$0x1F5B0] =	vst v3  }
0x296: {  	v3 =	vld [tilespmem:s28+$0x14150];
	_ =	sdelay $0x4  }
0x297: {  	v47 =	vand.u32 $0xFFFF, v3  }
0x298: {  	v3 =	vshra.s32 v3, $0x10;
	[tilespmem:$0x1F740] =	vst v47  }
0x299: {  	[tilespmem:$0x1F5C0] =	vst v3  }
0x29a: {  	v3 =	vld [tilespmem:s28+$0x14160];
	_ =	sdelay $0x4  }
0x29b: {  	v48 =	vand.u32 $0xFFFF, v3  }
0x29c: {  	v3 =	vshra.s32 v3, $0x10;
	[tilespmem:$0x1F750] =	vst v48  }
0x29d: {  	[tilespmem:$0x1F5D0] =	vst v3  }
0x29e: {  	v3 =	vld [tilespmem:s28+$0x14170];
	_ =	sdelay $0x4  }
0x29f: {  	v49 =	vand.u32 $0xFFFF, v3  }
0x2a0: {  	v3 =	vshra.s32 v3, $0x10;
	[tilespmem:$0x1F760] =	vst v49  }
0x2a1: {  	[tilespmem:$0x1F5E0] =	vst v3  }
0x2a2: {  	v3 =	vld [tilespmem:s28+$0x14180];
	_ =	sdelay $0x4  }
0x2a3: {  	v50 =	vand.u32 $0xFFFF, v3  }
0x2a4: {  	v3 =	vshra.s32 v3, $0x10;
	[tilespmem:$0x1F770] =	vst v50  }
0x2a5: {  	[tilespmem:$0x1F5F0] =	vst v3  }
0x2a6: {  	[tilespmem:s19], [sflag:$0x2] =	stream.indirect.gather [spmem:s3], $0x40, s18, s30, $0xb8;
	[tilespmem:$0x1F980] =	vst v63  }
0x2a7: {  	_ =	swait.ge [sflag:s20], $0x2000  }
0x2a8: {  	[sflag:s20] =	ssyncset.done $0x0  }
0x2a9: {  	[sflag:s20] =	ssyncadd.s32 $0xFFFFE000  }
0x2aa: {  	[spmem:s1] =	stream.indirect.scatter.add.f32 [tilespmem:s25], [sflag:$0x4], $0x40, s31, s30, $0xb8;
	[tilespmem:$0x1F980] =	vst v63  }
0x2ab: {  	_ =	swait.ge [sflag:s14], $0x2000  }
0x2ac: {  	[sflag:s14] =	ssyncset.done $0x0  }
0x2ad: {  	[sflag:s14] =	ssyncadd.s32 $0xFFFFE000  }
0x2ae: {  	v3 =	vld [tilespmem:s28+$0x14190];
	_ =	sdelay $0x4  }
0x2af: {  	v51 =	vand.u32 $0xFFFF, v3  }
0x2b0: {  	v3 =	vshra.s32 v3, $0x10;
	[tilespmem:$0x1F780] =	vst v51  }
0x2b1: {  	[tilespmem:$0x1F600] =	vst v3  }
0x2b2: {  	v3 =	vld [tilespmem:s28+$0x141A0];
	_ =	sdelay $0x4  }
0x2b3: {  	v52 =	vand.u32 $0xFFFF, v3  }
0x2b4: {  	v3 =	vshra.s32 v3, $0x10;
	[tilespmem:$0x1F790] =	vst v52  }
0x2b5: {  	[tilespmem:$0x1F610] =	vst v3  }
0x2b6: {  	v3 =	vld [tilespmem:s28+$0x141B0];
	_ =	sdelay $0x4  }
0x2b7: {  	v53 =	vand.u32 $0xFFFF, v3  }
0x2b8: {  	v3 =	vshra.s32 v3, $0x10;
	[tilespmem:$0x1F7A0] =	vst v53  }
0x2b9: {  	[tilespmem:$0x1F620] =	vst v3  }
0x2ba: {  	v3 =	vld [tilespmem:s28+$0x141C0];
	_ =	sdelay $0x4  }
0x2bb: {  	v54 =	vand.u32 $0xFFFF, v3  }
0x2bc: {  	v3 =	vshra.s32 v3, $0x10;
	[tilespmem:$0x1F7B0] =	vst v54  }
0x2bd: {  	[tilespmem:$0x1F630] =	vst v3  }
0x2be: {  	v3 =	vld [tilespmem:s28+$0x141D0];
	_ =	sdelay $0x4  }
0x2bf: {  	v55 =	vand.u32 $0xFFFF, v3  }
0x2c0: {  	v3 =	vshra.s32 v3, $0x10;
	[tilespmem:$0x1F7C0] =	vst v55  }
0x2c1: {  	[tilespmem:$0x1F640] =	vst v3  }
0x2c2: {  	v3 =	vld [tilespmem:s28+$0x141E0];
	_ =	sdelay $0x4  }
0x2c3: {  	v56 =	vand.u32 $0xFFFF, v3  }
0x2c4: {  	v3 =	vshra.s32 v3, $0x10;
	[tilespmem:$0x1F7D0] =	vst v56  }
0x2c5: {  	[tilespmem:$0x1F650] =	vst v3  }
0x2c6: {  	v3 =	vld [tilespmem:s28+$0x141F0];
	_ =	sdelay $0x4  }
0x2c7: {  	v57 =	vand.u32 $0xFFFF, v3  }
0x2c8: {  	v3 =	vshra.s32 v3, $0x10;
	[tilespmem:$0x1F7E0] =	vst v57  }
0x2c9: {  	[tilespmem:$0x1F660] =	vst v3  }
0x2ca: {  	v3 =	vld [tilespmem:s28+$0x14200];
	_ =	sdelay $0x4  }
0x2cb: {  	v58 =	vand.u32 $0xFFFF, v3  }
0x2cc: {  	v3 =	vshra.s32 v3, $0x10;
	[tilespmem:$0x1F7F0] =	vst v58  }
0x2cd: {  	[tilespmem:$0x1F670] =	vst v3  }
0x2ce: {  	[tilespmem:s16], [sflag:$0x3] =	stream.indirect.gather [spmem:s3], $0x40, s21, s30, $0xb8;
	[tilespmem:$0x1F980] =	vst v63  }
0x2cf: {  	_ =	swait.ge [sflag:s22], $0x2000  }
0x2d0: {  	[sflag:s22] =	ssyncset.done $0x0  }
0x2d1: {  	[sflag:s22] =	ssyncadd.s32 $0xFFFFE000  }
0x2d2: {  	[spmem:s1] =	stream.indirect.scatter.add.f32 [tilespmem:s19], [sflag:$0x5], $0x40, s6, s30, $0xb8;
	[tilespmem:$0x1F980] =	vst v63  }
0x2d3: {  	_ =	swait.ge [sflag:s10], $0x2000  }
0x2d4: {  	[sflag:s10] =	ssyncset.done $0x0  }
0x2d5: {  	[sflag:s10] =	ssyncadd.s32 $0xFFFFE000  }
0x2d6: {  	v3 =	vld [tilespmem:s28+$0x14210];
	_ =	sdelay $0x4  }
0x2d7: {  	v59 =	vand.u32 $0xFFFF, v3  }
0x2d8: {  	v3 =	vshra.s32 v3, $0x10;
	[tilespmem:$0x1F680] =	vst v59  }
0x2d9: {  	[tilespmem:$0x1F500] =	vst v3  }
0x2da: {  	v3 =	vld [tilespmem:s28+$0x14220];
	_ =	sdelay $0x4  }
0x2db: {  	v60 =	vand.u32 $0xFFFF, v3  }
0x2dc: {  	v3 =	vshra.s32 v3, $0x10;
	[tilespmem:$0x1F690] =	vst v60  }
0x2dd: {  	[tilespmem:$0x1F510] =	vst v3  }
0x2de: {  	v3 =	vld [tilespmem:s28+$0x14230];
	_ =	sdelay $0x4  }
0x2df: {  	v61 =	vand.u32 $0xFFFF, v3  }
0x2e0: {  	v3 =	vshra.s32 v3, $0x10;
	[tilespmem:$0x1F6A0] =	vst v61  }
0x2e1: {  	[tilespmem:$0x1F520] =	vst v3  }
0x2e2: {  	v3 =	vld [tilespmem:s28+$0x14240];
	_ =	sdelay $0x4  }
0x2e3: {  	v62 =	vand.u32 $0xFFFF, v3  }
0x2e4: {  	v3 =	vshra.s32 v3, $0x10;
	[tilespmem:$0x1F6B0] =	vst v62  }
0x2e5: {  	[tilespmem:$0x1F530] =	vst v3  }
0x2e6: {  	v3 =	vld [tilespmem:s28+$0x14250];
	_ =	sdelay $0x4  }
0x2e7: {  	v63 =	vand.u32 $0xFFFF, v3  }
0x2e8: {  	v3 =	vshra.s32 v3, $0x10;
	[tilespmem:$0x1F6C0] =	vst v63  }
0x2e9: {  	s24 =	simm.s32 $0x13C0;
	[tilespmem:$0x1F540] =	vst v3  }
.LBB2_13:
0x2ea: {  	p0 =	sne.s32 s24, $0x13FC0;
	v3 =	vld [tilespmem:s28+$0x14260];
	s4 =	smov.u32 s24;
	s24 =	sadd.s32 $0x600, s24  }
0x2eb: {  	_ =	sdelay $0x3  }
0x2ec: {  	v4 =	vand.u32 $0xFFFF, v3;
	v3 =	vshra.s32 v3, $0x10  }
0x2ed: {  	[tilespmem:$0x1F6D0] =	vst v4  }
0x2ee: {  	[tilespmem:$0x1F550] =	vst v3  }
0x2ef: {  	v3 =	vld [tilespmem:s28+$0x14270];
	_ =	sdelay $0x4  }
0x2f0: {  	v4 =	vand.u32 $0xFFFF, v3;
	v3 =	vshra.s32 v3, $0x10  }
0x2f1: {  	[tilespmem:$0x1F6E0] =	vst v4  }
0x2f2: {  	[tilespmem:$0x1F560] =	vst v3  }
0x2f3: {  	v3 =	vld [tilespmem:s28+$0x14280];
	_ =	sdelay $0x4  }
0x2f4: {  	v4 =	vand.u32 $0xFFFF, v3;
	v3 =	vshra.s32 v3, $0x10  }
0x2f5: {  	[tilespmem:$0x1F6F0] =	vst v4  }
0x2f6: {  	[tilespmem:$0x1F570] =	vst v3  }
0x2f7: {  	[tilespmem:s25], [sflag:$0x1] =	stream.indirect.gather [spmem:s3], $0x40, s17, s30, $0xb8;
	[tilespmem:$0x1F980] =	vst v63  }
0x2f8: {  	_ =	swait.ge [sflag:s23], $0x2000  }
0x2f9: {  	[sflag:s23] =	ssyncset.done $0x0  }
0x2fa: {  	[sflag:s23] =	ssyncadd.s32 $0xFFFFE000  }
0x2fb: {  	[spmem:s1] =	stream.indirect.scatter.add.f32 [tilespmem:s16], [sflag:$0x6], $0x40, s29, s30, $0xb8;
	[tilespmem:$0x1F980] =	vst v63  }
0x2fc: {  	_ =	swait.ge [sflag:s13], $0x2000  }
0x2fd: {  	[sflag:s13] =	ssyncset.done $0x0  }
0x2fe: {  	s28 =	sshra.s32 s4, $0x2;
	[sflag:s13] =	ssyncadd.s32 $0xFFFFE000  }
0x2ff: {  	v3 =	vld [tilespmem:s28+$0x14110];
	_ =	sdelay $0x4  }
0x300: {  	v4 =	vand.u32 $0xFFFF, v3;
	v3 =	vshra.s32 v3, $0x10  }
0x301: {  	[tilespmem:$0x1F700] =	vst v4  }
0x302: {  	[tilespmem:$0x1F580] =	vst v3  }
0x303: {  	v3 =	vld [tilespmem:s28+$0x14120];
	_ =	sdelay $0x4  }
0x304: {  	v4 =	vand.u32 $0xFFFF, v3;
	v3 =	vshra.s32 v3, $0x10  }
0x305: {  	[tilespmem:$0x1F710] =	vst v4  }
0x306: {  	[tilespmem:$0x1F590] =	vst v3  }
0x307: {  	v3 =	vld [tilespmem:s28+$0x14130];
	_ =	sdelay $0x4  }
0x308: {  	v4 =	vand.u32 $0xFFFF, v3;
	v3 =	vshra.s32 v3, $0x10  }
0x309: {  	[tilespmem:$0x1F720] =	vst v4  }
0x30a: {  	[tilespmem:$0x1F5A0] =	vst v3  }
0x30b: {  	v3 =	vld [tilespmem:s28+$0x14140];
	_ =	sdelay $0x4  }
0x30c: {  	v4 =	vand.u32 $0xFFFF, v3;
	v3 =	vshra.s32 v3, $0x10  }
0x30d: {  	[tilespmem:$0x1F730] =	vst v4  }
0x30e: {  	[tilespmem:$0x1F5B0] =	vst v3  }
0x30f: {  	v3 =	vld [tilespmem:s28+$0x14150];
	_ =	sdelay $0x4  }
0x310: {  	v4 =	vand.u32 $0xFFFF, v3;
	v3 =	vshra.s32 v3, $0x10  }
0x311: {  	[tilespmem:$0x1F740] =	vst v4  }
0x312: {  	[tilespmem:$0x1F5C0] =	vst v3  }
0x313: {  	v3 =	vld [tilespmem:s28+$0x14160];
	_ =	sdelay $0x4  }
0x314: {  	v4 =	vand.u32 $0xFFFF, v3;
	v3 =	vshra.s32 v3, $0x10  }
0x315: {  	[tilespmem:$0x1F750] =	vst v4  }
0x316: {  	[tilespmem:$0x1F5D0] =	vst v3  }
0x317: {  	v3 =	vld [tilespmem:s28+$0x14170];
	_ =	sdelay $0x4  }
0x318: {  	v4 =	vand.u32 $0xFFFF, v3;
	v3 =	vshra.s32 v3, $0x10  }
0x319: {  	[tilespmem:$0x1F760] =	vst v4  }
0x31a: {  	[tilespmem:$0x1F5E0] =	vst v3  }
0x31b: {  	v3 =	vld [tilespmem:s28+$0x14180];
	_ =	sdelay $0x4  }
0x31c: {  	v4 =	vand.u32 $0xFFFF, v3;
	v3 =	vshra.s32 v3, $0x10  }
0x31d: {  	[tilespmem:$0x1F770] =	vst v4  }
0x31e: {  	[tilespmem:$0x1F5F0] =	vst v3  }
0x31f: {  	[tilespmem:s19], [sflag:$0x2] =	stream.indirect.gather [spmem:s3], $0x40, s18, s30, $0xb8;
	[tilespmem:$0x1F980] =	vst v63  }
0x320: {  	_ =	swait.ge [sflag:s20], $0x2000  }
0x321: {  	[sflag:s20] =	ssyncset.done $0x0  }
0x322: {  	[sflag:s20] =	ssyncadd.s32 $0xFFFFE000  }
0x323: {  	[spmem:s1] =	stream.indirect.scatter.add.f32 [tilespmem:s25], [sflag:$0x4], $0x40, s31, s30, $0xb8;
	[tilespmem:$0x1F980] =	vst v63  }
0x324: {  	_ =	swait.ge [sflag:s14], $0x2000  }
0x325: {  	[sflag:s14] =	ssyncset.done $0x0  }
0x326: {  	[sflag:s14] =	ssyncadd.s32 $0xFFFFE000  }
0x327: {  	v3 =	vld [tilespmem:s28+$0x14190];
	_ =	sdelay $0x4  }
0x328: {  	v4 =	vand.u32 $0xFFFF, v3;
	v3 =	vshra.s32 v3, $0x10  }
0x329: {  	[tilespmem:$0x1F780] =	vst v4  }
0x32a: {  	[tilespmem:$0x1F600] =	vst v3  }
0x32b: {  	v3 =	vld [tilespmem:s28+$0x141A0];
	_ =	sdelay $0x4  }
0x32c: {  	v4 =	vand.u32 $0xFFFF, v3;
	v3 =	vshra.s32 v3, $0x10  }
0x32d: {  	[tilespmem:$0x1F790] =	vst v4  }
0x32e: {  	[tilespmem:$0x1F610] =	vst v3  }
0x32f: {  	v3 =	vld [tilespmem:s28+$0x141B0];
	_ =	sdelay $0x4  }
0x330: {  	v4 =	vand.u32 $0xFFFF, v3;
	v3 =	vshra.s32 v3, $0x10  }
0x331: {  	[tilespmem:$0x1F7A0] =	vst v4  }
0x332: {  	[tilespmem:$0x1F620] =	vst v3  }
0x333: {  	v3 =	vld [tilespmem:s28+$0x141C0];
	_ =	sdelay $0x4  }
0x334: {  	v4 =	vand.u32 $0xFFFF, v3;
	v3 =	vshra.s32 v3, $0x10  }
0x335: {  	[tilespmem:$0x1F7B0] =	vst v4  }
0x336: {  	[tilespmem:$0x1F630] =	vst v3  }
0x337: {  	v3 =	vld [tilespmem:s28+$0x141D0];
	_ =	sdelay $0x4  }
0x338: {  	v4 =	vand.u32 $0xFFFF, v3;
	v3 =	vshra.s32 v3, $0x10  }
0x339: {  	[tilespmem:$0x1F7C0] =	vst v4  }
0x33a: {  	[tilespmem:$0x1F640] =	vst v3  }
0x33b: {  	v3 =	vld [tilespmem:s28+$0x141E0];
	_ =	sdelay $0x4  }
0x33c: {  	v4 =	vand.u32 $0xFFFF, v3;
	v3 =	vshra.s32 v3, $0x10  }
0x33d: {  	[tilespmem:$0x1F7D0] =	vst v4  }
0x33e: {  	[tilespmem:$0x1F650] =	vst v3  }
0x33f: {  	v3 =	vld [tilespmem:s28+$0x141F0];
	_ =	sdelay $0x4  }
0x340: {  	v4 =	vand.u32 $0xFFFF, v3;
	v3 =	vshra.s32 v3, $0x10  }
0x341: {  	[tilespmem:$0x1F7E0] =	vst v4  }
0x342: {  	[tilespmem:$0x1F660] =	vst v3  }
0x343: {  	v3 =	vld [tilespmem:s28+$0x14200];
	_ =	sdelay $0x4  }
0x344: {  	v4 =	vand.u32 $0xFFFF, v3;
	v3 =	vshra.s32 v3, $0x10  }
0x345: {  	[tilespmem:$0x1F7F0] =	vst v4  }
0x346: {  	[tilespmem:$0x1F670] =	vst v3  }
0x347: {  	[tilespmem:s16], [sflag:$0x3] =	stream.indirect.gather [spmem:s3], $0x40, s21, s30, $0xb8;
	[tilespmem:$0x1F980] =	vst v63  }
0x348: {  	_ =	swait.ge [sflag:s22], $0x2000  }
0x349: {  	[sflag:s22] =	ssyncset.done $0x0  }
0x34a: {  	[sflag:s22] =	ssyncadd.s32 $0xFFFFE000  }
0x34b: {  	[spmem:s1] =	stream.indirect.scatter.add.f32 [tilespmem:s19], [sflag:$0x5], $0x40, s6, s30, $0xb8;
	[tilespmem:$0x1F980] =	vst v63  }
0x34c: {  	_ =	swait.ge [sflag:s10], $0x2000  }
0x34d: {  	[sflag:s10] =	ssyncset.done $0x0  }
0x34e: {  	[sflag:s10] =	ssyncadd.s32 $0xFFFFE000  }
0x34f: {  	v3 =	vld [tilespmem:s28+$0x14210];
	_ =	sdelay $0x4  }
0x350: {  	v4 =	vand.u32 $0xFFFF, v3;
	v3 =	vshra.s32 v3, $0x10  }
0x351: {  	[tilespmem:$0x1F680] =	vst v4  }
0x352: {  	[tilespmem:$0x1F500] =	vst v3  }
0x353: {  	v3 =	vld [tilespmem:s28+$0x14220];
	_ =	sdelay $0x4  }
0x354: {  	v4 =	vand.u32 $0xFFFF, v3;
	v3 =	vshra.s32 v3, $0x10  }
0x355: {  	[tilespmem:$0x1F690] =	vst v4  }
0x356: {  	[tilespmem:$0x1F510] =	vst v3  }
0x357: {  	v3 =	vld [tilespmem:s28+$0x14230];
	_ =	sdelay $0x4  }
0x358: {  	v4 =	vand.u32 $0xFFFF, v3;
	v3 =	vshra.s32 v3, $0x10  }
0x359: {  	[tilespmem:$0x1F6A0] =	vst v4  }
0x35a: {  	[tilespmem:$0x1F520] =	vst v3  }
0x35b: {  	v3 =	vld [tilespmem:s28+$0x14240];
	_ =	sdelay $0x4  }
0x35c: {  	v4 =	vand.u32 $0xFFFF, v3;
	v3 =	vshra.s32 v3, $0x10  }
0x35d: {  	[tilespmem:$0x1F6B0] =	vst v4  }
0x35e: {  	[tilespmem:$0x1F530] =	vst v3  }
0x35f: {  	v3 =	vld [tilespmem:s28+$0x14250];
	_ =	sdelay $0x2  }
.Ltmp9:
0x360: {  	(pc) =	sbr.rel @p0 .LBB2_13-.Ltmp9, $4  }
0x361: {  	_ = 	snop  }
0x362: {  	v4 =	vand.u32 $0xFFFF, v3;
	v3 =	vshra.s32 v3, $0x10  }
0x363: {  	[tilespmem:$0x1F6C0] =	vst v4  }
0x364: {  	[tilespmem:$0x1F540] =	vst v3  }
0x365: {  	v3 =	vld [tilespmem:s28+$0x14260];
	_ =	sdelay $0x4  }
0x366: {  	v4 =	vand.u32 $0xFFFF, v3  }
0x367: {  	v3 =	vshra.s32 v3, $0x10;
	[tilespmem:$0x1F6D0] =	vst v4  }
0x368: {  	[tilespmem:$0x1F550] =	vst v3  }
0x369: {  	v3 =	vld [tilespmem:s28+$0x14270];
	_ =	sdelay $0x4  }
0x36a: {  	v62 =	vand.u32 $0xFFFF, v3  }
0x36b: {  	v3 =	vshra.s32 v3, $0x10;
	[tilespmem:$0x1F6E0] =	vst v62  }
0x36c: {  	[tilespmem:$0x1F560] =	vst v3  }
0x36d: {  	v3 =	vld [tilespmem:s28+$0x14280];
	_ =	sdelay $0x4  }
0x36e: {  	v63 =	vand.u32 $0xFFFF, v3  }
0x36f: {  	v3 =	vshra.s32 v3, $0x10;
	[tilespmem:$0x1F6F0] =	vst v63  }
0x370: {  	[tilespmem:$0x1F570] =	vst v3  }
0x371: {  	[tilespmem:s25], [sflag:$0x1] =	stream.indirect.gather [spmem:s3], $0x40, s17, s30, $0xb8;
	[tilespmem:$0x1F980] =	vst v63  }
0x372: {  	_ =	swait.ge [sflag:s23], $0x2000  }
0x373: {  	[sflag:s23] =	ssyncset.done $0x0  }
0x374: {  	[sflag:s23] =	ssyncadd.s32 $0xFFFFE000  }
0x375: {  	[spmem:s1] =	stream.indirect.scatter.add.f32 [tilespmem:s16], [sflag:$0x6], $0x40, s29, s30, $0xb8;
	[tilespmem:$0x1F980] =	vst v63  }
0x376: {  	_ =	swait.ge [sflag:s13], $0x2000  }
0x377: {  	[sflag:s13] =	ssyncset.done $0x0  }
0x378: {  	[sflag:s13] =	ssyncadd.s32 $0xFFFFE000  }
0x379: {  	_ =	swait.ge [sflag:s20], $0x2000  }
0x37a: {  	[sflag:s20] =	ssyncset.done $0x0  }
0x37b: {  	[sflag:s20] =	ssyncadd.s32 $0xFFFFE000  }
0x37c: {  	[spmem:s1] =	stream.indirect.scatter.add.f32 [tilespmem:s25], [sflag:$0x4], $0x40, s31, s30, $0xb8;
	[tilespmem:$0x1F980] =	vst v63  }
0x37d: {  	_ =	swait.ge [sflag:s14], $0x2000  }
0x37e: {  	[sflag:s14] =	ssyncset.done $0x0  }
0x37f: {  	p0 =	seq.s32 s2, $0xA;
	[sflag:s14] =	ssyncadd.s32 $0xFFFFE000  }
.Ltmp10:
0x380: {  	_ =	swait.ge [sflag:s10], $0x2000;
	(pc) =	sbr.rel @p0 .LBB2_27-.Ltmp10, $3  }
0x381: {  	[sflag:s10] =	ssyncset.done $0x0  }
0x382: {  	[dreg:$0x1d] =	wrdreg s2;
	[sflag:s10] =	ssyncadd.s32 $0xFFFFE000  }
0x383: {  	[bflag:$0x0] =	sbarrier.arrive $0xFFFF;
	_ =	sdelay $0x1  }
0x384: {  	s11 =	rddreg [dreg:$0x1d]  }
0x385: {  	p0 =	sne.s32 s11, $0x0  }
.Ltmp11:
0x386: {  	_ = 	snop;
	(pc) =	sbr.rel @p0 .LBB2_21-.Ltmp11, $3  }
0x387: {  	_ =	sdelay $0x1  }
0x388: {  	s24 =	simm.s32 $0x0  }
0x389: {  	s9 =	rddreg [dreg:$0x1c];
	s28 =	simm.s32 $0x0;
	s8 =	simm.s32 $0x0  }
.LBB2_16:
0x38a: {  	s4 =	sshll.u32 s11, $0x7;
	s0 =	rddreg [dreg:$0xb]  }
0x38b: {  	s5 =	sadd.s32 s0, s4  }
0x38c: {  	s5 =	sshll.u32 s5, $0x6  }
0x38d: {  	s8 =	sadd.s32 s5, s1  }
0x38e: {  	[tilespmem:s19], [sflag:$0x7] =	stream.linear.gather [spmem:s8], $0x2000, $0x38;
	[tilespmem:$0x1F980] =	vst v63  }
0x38f: {  	_ =	swait.ge [sflag:s26], $0x2000  }
0x390: {  	[sflag:s26] =	ssyncset.done $0x0  }
0x391: {  	s24 =	sadd.s32 s5, s3;
	[sflag:s26] =	ssyncadd.s32 $0xFFFFE000  }
0x392: {  	[tilespmem:s16], [sflag:$0x7] =	stream.linear.gather [spmem:s24], $0x2000, $0x38;
	[tilespmem:$0x1F980] =	vst v63  }
0x393: {  	_ =	swait.ge [sflag:s26], $0x2000  }
0x394: {  	s5 =	rddreg [dreg:$0xe]  }
0x395: {  	s4 =	sadd.s32 s4, s5  }
0x396: {  	[sflag:s26] =	ssyncset.done $0x0;
	s7 =	rddreg [dreg:$0xa];
	s28 =	sshll.u32 s4, $0x3  }
0x397: {  	s12 =	simm.s32 $0x0;
	[sflag:s26] =	ssyncadd.s32 $0xFFFFE000;
	s4 =	sadd.s32 s7, s28  }
0x398: {  	[tilespmem:s25], [sflag:$0x7] =	stream.linear.gather [hbm4b:s4+s12], $0x2000, $0x38;
	[tilespmem:$0x1F980] =	vst v63  }
0x399: {  	_ =	swait.ge [sflag:s26], $0x2000  }
0x39a: {  	[sflag:s26] =	ssyncset.done $0x0  }
0x39b: {  	s5 =	simm.s32 $0x0;
	[sflag:s26] =	ssyncadd.s32 $0xFFFFE000  }
0x39c: {  	v4 =	vld [tilespmem:s5+$0x19520]  }
0x39d: {  	v5 =	vld [tilespmem:s5+$0x19530]  }
0x39e: {  	v7 =	vld [tilespmem:s5+$0x19510]  }
0x39f: {  	v6 =	vld [tilespmem:s5+$0x19500]  }
0x3a0: {  	v10 =	vld [tilespmem:s5+$0x1B520]  }
0x3a1: {  	v3 =	vmov s9;
	v11 =	vld [tilespmem:s5+$0x1D520]  }
0x3a2: {  	v14 =	vld [tilespmem:s5+$0x1D500]  }
0x3a3: {  	v15 =	vld [tilespmem:s5+$0x1B500]  }
0x3a4: {  	v8 =	vld [tilespmem:s5+$0x1B530]  }
0x3a5: {  	v9 =	vld [tilespmem:s5+$0x1D510]  }
0x3a6: {  	v3 =	vld.idx.msk [tilespmem:v3+s15+$0x0], $0xffff  }
0x3a7: {  	v12 =	vld [tilespmem:s5+$0x1D530]  }
0x3a8: {  	v13 =	vld [tilespmem:s5+$0x1B510]  }
0x3a9: {  	s7 =	smov.u32 s9;
	s4 =	simm.s32 $0x100;
	v11 =	vadd.f32 v11, v10;
	v10 =	vadd.f32 v14, v15  }
.LBB2_17:
0x3aa: {  	p0 =	sne.s32 s4, $0x7F00  }
0x3ab: {  	v7 =	vmul.f32 $5.263158080e-01, v7;
	s7 =	sadd.s32 $0x1, s7;
	s12 =	smov.u32 s4;
	s4 =	sadd.s32 $0x100, s4  }
0x3ac: {  	v14 =	vmul.f32 $5.263158080e-01, v3;
	v6 =	vmul.f32 $5.263158080e-01, v6;
	v8 =	vadd.f32 v12, v8  }
0x3ad: {  	v4 =	vmul.f32 $5.263158080e-01, v4;
	v5 =	vmul.f32 $5.263158080e-01, v5;
	v9 =	vadd.f32 v9, v13  }
0x3ae: {  	v12 =	vmov s7;
	v11 =	vmul.f32 v11, v14;
	v8 =	vmul.f32 v8, v14  }
0x3af: {  	v10 =	vmul.f32 v10, v14;
	v9 =	vmul.f32 v9, v14  }
0x3b0: {  	s12 =	sshra.s32 s12, $0x2;
	v11 =	vadd.f32 v4, v11;
	v8 =	vadd.f32 v5, v8  }
0x3b1: {  	v10 =	vadd.f32 v6, v10;
	v4 =	vld [tilespmem:s12+$0x19520];
	v9 =	vadd.f32 v7, v9  }
0x3b2: {  	v13 =	vmul.f32 $1.000000010e-01, v11;
	v5 =	vld [tilespmem:s12+$0x19530];
	v14 =	vmul.f32 $1.000000010e-01, v8  }
0x3b3: {  	v11 =	vmul.f32 v11, v3;
	v7 =	vld [tilespmem:s12+$0x19510];
	v15 =	vmul.f32 v9, v3  }
0x3b4: {  	v16 =	vmul.f32 $1.000000010e-01, v9;
	v9 =	vmul.f32 v8, v3;
	v6 =	vld [tilespmem:s12+$0x19500];
	[tilespmem:s5+$0x1B530] =	vst v14  }
0x3b5: {  	v3 =	vmul.f32 v10, v3;
	v14 =	vmul.f32 $1.000000010e-01, v10;
	v8 =	vld [tilespmem:s12+$0x1B530];
	[tilespmem:s5+$0x1B520] =	vst v13  }
0x3b6: {  	v10 =	vld [tilespmem:s12+$0x1B520];
	[tilespmem:s5+$0x1D520] =	vst v11  }
0x3b7: {  	v11 =	vld [tilespmem:s12+$0x1D520];
	[tilespmem:s5+$0x1D510] =	vst v15  }
0x3b8: {  	[tilespmem:s5+$0x1D530] =	vst v9  }
0x3b9: {  	v9 =	vld [tilespmem:s12+$0x1D510];
	[tilespmem:s5+$0x1D500] =	vst v3  }
0x3ba: {  	v15 =	vld [tilespmem:s12+$0x1D500];
	[tilespmem:s5+$0x1B500] =	vst v14  }
0x3bb: {  	v14 =	vld [tilespmem:s12+$0x1B500];
	[tilespmem:s5+$0x1B510] =	vst v16;
	s5 =	smov.u32 s12  }
.Ltmp12:
0x3bc: {  	v3 =	vld.idx.msk [tilespmem:v12+s15+$0x0], $0xffff;
	v11 =	vadd.f32 v11, v10;
	(pc) =	sbr.rel @p0 .LBB2_17-.Ltmp12, $3  }
0x3bd: {  	v12 =	vld [tilespmem:s5+$0x1D530]  }
0x3be: {  	v13 =	vld [tilespmem:s5+$0x1B510];
	_ =	sdelay $0x1  }
0x3bf: {  	v10 =	vadd.f32 v15, v14  }
0x3c0: {  	v14 =	vmul.f32 $5.263158080e-01, v3;
	_ =	sdelay $0x1  }
0x3c1: {  	v4 =	vmul.f32 $5.263158080e-01, v4;
	v11 =	vmul.f32 v11, v14  }
0x3c2: {  	v8 =	vadd.f32 v12, v8  }
0x3c3: {  	v6 =	vmul.f32 $5.263158080e-01, v6;
	v10 =	vmul.f32 v10, v14;
	v4 =	vadd.f32 v4, v11  }
0x3c4: {  	v5 =	vmul.f32 $5.263158080e-01, v5;
	v9 =	vadd.f32 v9, v13;
	v8 =	vmul.f32 v8, v14  }
0x3c5: {  	v7 =	vmul.f32 $5.263158080e-01, v7;
	v6 =	vadd.f32 v6, v10;
	v60 =	vmul.f32 $1.000000010e-01, v4  }
0x3c6: {  	v58 =	vmul.f32 v9, v14;
	v5 =	vadd.f32 v5, v8;
	v4 =	vmul.f32 v4, v3  }
0x3c7: {  	v62 =	vmul.f32 $1.000000010e-01, v6;
	[tilespmem:s5+$0x1B520] =	vst v60  }
0x3c8: {  	v7 =	vadd.f32 v7, v58;
	v59 =	vmul.f32 $1.000000010e-01, v5;
	[tilespmem:s5+$0x1D520] =	vst v4  }
0x3c9: {  	v5 =	vmul.f32 v5, v3;
	[tilespmem:s5+$0x1B500] =	vst v62  }
0x3ca: {  	v61 =	vmul.f32 v7, v3;
	[tilespmem:s5+$0x1B530] =	vst v59  }
0x3cb: {  	v3 =	vmul.f32 v6, v3;
	[tilespmem:s5+$0x1D530] =	vst v5  }
0x3cc: {  	v63 =	vmul.f32 $1.000000010e-01, v7;
	[tilespmem:s5+$0x1D510] =	vst v61  }
0x3cd: {  	s0 =	rddreg [dreg:$0x7];
	[tilespmem:s5+$0x1D500] =	vst v3  }
0x3ce: {  	s4 =	sadd.s32 s28, s0;
	s28 =	simm.s32 $0x0;
	[tilespmem:s5+$0x1B510] =	vst v63  }
0x3cf: {  	[hbm4b:s4+s28] =	stream.linear.scatter [tilespmem:s19], [sflag:$0x7], $0x2000, $0x38;
	[tilespmem:$0x1F980] =	vst v63  }
0x3d0: {  	_ =	swait.ge [sflag:s26], $0x2000  }
0x3d1: {  	[sflag:s26] =	ssyncset.done $0x0  }
0x3d2: {  	[sflag:s26] =	ssyncadd.s32 $0xFFFFE000  }
0x3d3: {  	[spmem:s24] =	stream.linear.scatter [tilespmem:s16], [sflag:$0x7], $0x2000, $0x38;
	[tilespmem:$0x1F980] =	vst v63  }
0x3d4: {  	_ =	swait.ge [sflag:s26], $0x2000  }
0x3d5: {  	[sflag:s26] =	ssyncset.done $0x0  }
0x3d6: {  	s4 =	simm.s32 $0x19500;
	[sflag:s26] =	ssyncadd.s32 $0xFFFFE000  }
0x3d7: {  	s5 =	simm.s32 $0x1;
	[tilespmem:s4+$0x0] =	vst v1  }
.LBB2_19:
0x3d8: {  	p0 =	sne.s32 s5, $0x1FF  }
.Ltmp13:
0x3d9: {  	_ = 	snop;
	(pc) =	sbr.rel @p0 .LBB2_19-.Ltmp13, $3  }
0x3da: {  	_ =	sdelay $0x1  }
0x3db: {  	s5 =	sadd.s32 $0x1, s5;
	s4 =	sadd.s32 $0x10, s4  }
0x3dc: {  	[tilespmem:s4+$0x0] =	vst v1  }
0x3dd: {  	[spmem:s8] =	stream.linear.scatter [tilespmem:s25], [sflag:$0x7], $0x2000, $0x38;
	[tilespmem:$0x1F980] =	vst v63  }
0x3de: {  	s11 =	sadd.s32 $0x1, s11  }
0x3df: {  	p0 =	seq.s32 s11, $0x5  }
.Ltmp14:
0x3e0: {  	_ = 	snop;
	(pc) =	sbr.rel @!p0 .LBB2_16-.Ltmp14, $4  }
.Ltmp15:
0x3e1: {  	_ = 	snop;
	(pc) =	sbr.rel @p0 .LBB2_33-.Ltmp15, $4  }
0x3e2: {  	_ =	swait.ge [sflag:s26], $0x2000  }
0x3e3: {  	[sflag:s26] =	ssyncset.done $0x0  }
0x3e4: {  	s9 =	sadd.s32 $0x80, s9;
	[sflag:s26] =	ssyncadd.s32 $0xFFFFE000  }
0x3e5: {  	_ = 	snop  }
.LBB2_21:
0x3e6: {  	s4 =	sshll.u32 s8, $0x7;
	s0 =	rddreg [dreg:$0xb]  }
0x3e7: {  	s5 =	sadd.s32 s0, s4  }
0x3e8: {  	s5 =	sshll.u32 s5, $0x6  }
0x3e9: {  	s7 =	sadd.s32 s5, s1  }
0x3ea: {  	[tilespmem:s19], [sflag:$0x7] =	stream.linear.gather [spmem:s7], $0x2000, $0x38;
	[tilespmem:$0x1F980] =	vst v63  }
0x3eb: {  	_ =	swait.ge [sflag:s26], $0x2000  }
0x3ec: {  	[sflag:s26] =	ssyncset.done $0x0  }
0x3ed: {  	s11 =	sadd.s32 s5, s3;
	[sflag:s26] =	ssyncadd.s32 $0xFFFFE000  }
0x3ee: {  	[tilespmem:s16], [sflag:$0x7] =	stream.linear.gather [spmem:s11], $0x2000, $0x38;
	[tilespmem:$0x1F980] =	vst v63  }
0x3ef: {  	_ =	swait.ge [sflag:s26], $0x2000  }
0x3f0: {  	s9 =	rddreg [dreg:$0xe];
	[sflag:s26] =	ssyncset.done $0x0  }
0x3f1: {  	s4 =	sadd.s32 s4, s9;
	[sflag:s26] =	ssyncadd.s32 $0xFFFFE000  }
0x3f2: {  	s4 =	sshll.u32 s4, $0x3;
	s12 =	rddreg [dreg:$0x7]  }
0x3f3: {  	s4 =	sadd.s32 s4, s12  }
0x3f4: {  	[tilespmem:s25], [sflag:$0x7] =	stream.linear.gather [hbm4b:s4+s24], $0x2000, $0x38;
	[tilespmem:$0x1F980] =	vst v63  }
0x3f5: {  	_ =	swait.ge [sflag:s26], $0x2000  }
0x3f6: {  	[sflag:s26] =	ssyncset.done $0x0  }
0x3f7: {  	s5 =	simm.s32 $0x0;
	[sflag:s26] =	ssyncadd.s32 $0xFFFFE000  }
0x3f8: {  	v4 =	vld [tilespmem:s5+$0x1B520]  }
0x3f9: {  	v3 =	vmov s28;
	v5 =	vld [tilespmem:s5+$0x1B510]  }
0x3fa: {  	v6 =	vld [tilespmem:s5+$0x1B500]  }
0x3fb: {  	v7 =	vld [tilespmem:s5+$0x1D500]  }
0x3fc: {  	v8 =	vld [tilespmem:s5+$0x1B530]  }
0x3fd: {  	v9 =	vld [tilespmem:s5+$0x1D510]  }
0x3fe: {  	v3 =	vld.idx.msk [tilespmem:v3+s15+$0x0], $0xffff  }
0x3ff: {  	v11 =	vld [tilespmem:s5+$0x1D530]  }
0x400: {  	v10 =	vld [tilespmem:s5+$0x1D520];
	_ =	sdelay $0x1  }
0x401: {  	v6 =	vadd.f32 v7, v6;
	v7 =	vadd.f32 v9, v5;
	v5 =	vld [tilespmem:s5+$0x19530]  }
0x402: {  	v13 =	vmul.f32 $8.947368260e-01, v3;
	v9 =	vld [tilespmem:s5+$0x19500]  }
0x403: {  	v14 =	vadd.f32 v11, v8;
	v8 =	vld [tilespmem:s5+$0x19520]  }
0x404: {  	v10 =	vadd.f32 v10, v4;
	v11 =	vmul.f32 v6, v13;
	v6 =	vld [tilespmem:s5+$0x19510]  }
0x405: {  	s4 =	sadd.s32 $0x1, s28;
	v7 =	vmul.f32 v7, v13  }
0x406: {  	s9 =	simm.s32 $0x100;
	s12 =	simm.s32 $0x200;
	v4 =	vmov s4;
	v12 =	vmul.f32 v10, v13;
	v10 =	vmul.f32 v14, v13  }
.LBB2_22:
0x407: {  	p0 =	sne.s32 s12, $0x7F00;
	v9 =	vadd.f32 v11, v9;
	s2 =	smov.u32 s12;
	s12 =	sadd.s32 $0x100, s12  }
0x408: {  	s0 =	sshra.s32 s9, $0x2;
	v8 =	vadd.f32 v12, v8;
	v5 =	vadd.f32 v10, v5;
	s9 =	smov.u32 s2  }
0x409: {  	v10 =	vld [tilespmem:s0+$0x1B520];
	v9 =	vmul.f32 v9, v3;
	v6 =	vadd.f32 v7, v6  }
0x40a: {  	v7 =	vld [tilespmem:s0+$0x1B510];
	v8 =	vmul.f32 v8, v3;
	v5 =	vmul.f32 v5, v3  }
0x40b: {  	v11 =	vld [tilespmem:s0+$0x1B500];
	[tilespmem:s5+$0x1D500] =	vst v9;
	v3 =	vmul.f32 v6, v3  }
0x40c: {  	v6 =	vld [tilespmem:s0+$0x1D500];
	[tilespmem:s5+$0x1D520] =	vst v8  }
0x40d: {  	v12 =	vld [tilespmem:s0+$0x1B530];
	[tilespmem:s5+$0x1D510] =	vst v3  }
0x40e: {  	v8 =	vld [tilespmem:s0+$0x1D510];
	[tilespmem:s5+$0x1D530] =	vst v5;
	s5 =	smov.u32 s0  }
0x40f: {  	v3 =	vld.idx.msk [tilespmem:v4+s15+$0x0], $0xffff  }
0x410: {  	v4 =	vld [tilespmem:s5+$0x1D520]  }
0x411: {  	v11 =	vadd.f32 v6, v11;
	v13 =	vld [tilespmem:s5+$0x1D530];
	_ =	sdelay $0x1  }
0x412: {  	v7 =	vadd.f32 v8, v7;
	v5 =	vld [tilespmem:s5+$0x19530]  }
.Ltmp16:
0x413: {  	v9 =	vld [tilespmem:s5+$0x19500];
	(pc) =	sbr.rel @p0 .LBB2_22-.Ltmp16, $4  }
0x414: {  	v14 =	vmul.f32 $8.947368260e-01, v3;
	v10 =	vadd.f32 v4, v10;
	v8 =	vld [tilespmem:s5+$0x19520]  }
0x415: {  	v6 =	vld [tilespmem:s5+$0x19510];
	v13 =	vadd.f32 v13, v12  }
0x416: {  	s4 =	sadd.s32 $0x1, s4;
	v11 =	vmul.f32 v11, v14;
	v7 =	vmul.f32 v7, v14  }
0x417: {  	v4 =	vmov s4;
	v12 =	vmul.f32 v10, v14;
	v10 =	vmul.f32 v13, v14  }
0x418: {  	v9 =	vadd.f32 v11, v9  }
0x419: {  	s0 =	sshra.s32 s9, $0x2;
	v8 =	vadd.f32 v12, v8  }
0x41a: {  	v53 =	vld [tilespmem:s0+$0x1B520];
	v9 =	vmul.f32 v9, v3;
	v6 =	vadd.f32 v7, v6  }
0x41b: {  	v54 =	vld [tilespmem:s0+$0x1B510];
	v5 =	vadd.f32 v10, v5;
	v55 =	vmul.f32 v8, v3  }
0x41c: {  	v13 =	vld [tilespmem:s0+$0x1B500];
	[tilespmem:s5+$0x1D500] =	vst v9;
	v6 =	vmul.f32 v6, v3  }
0x41d: {  	v3 =	vmul.f32 v5, v3;
	v56 =	vld [tilespmem:s0+$0x1D500];
	[tilespmem:s5+$0x1D520] =	vst v55  }
0x41e: {  	v7 =	vld [tilespmem:s0+$0x1B530];
	[tilespmem:s5+$0x1D510] =	vst v6  }
0x41f: {  	v57 =	vld [tilespmem:s0+$0x1D510];
	[tilespmem:s5+$0x1D530] =	vst v3  }
0x420: {  	v3 =	vld.idx.msk [tilespmem:v4+s15+$0x0], $0xffff  }
0x421: {  	v58 =	vld [tilespmem:s0+$0x1D520];
	_ =	sdelay $0x1  }
0x422: {  	v6 =	vld [tilespmem:s0+$0x1D530]  }
0x423: {  	v9 =	vld [tilespmem:s0+$0x19500]  }
0x424: {  	v60 =	vld [tilespmem:s0+$0x19520];
	v8 =	vadd.f32 v56, v13;
	v59 =	vmul.f32 $8.947368260e-01, v3  }
0x425: {  	v61 =	vld [tilespmem:s0+$0x19510];
	v4 =	vadd.f32 v58, v53  }
0x426: {  	v62 =	vld [tilespmem:s0+$0x19530];
	v5 =	vadd.f32 v57, v54;
	v8 =	vmul.f32 v8, v59  }
0x427: {  	v6 =	vadd.f32 v6, v7;
	v4 =	vmul.f32 v4, v59  }
0x428: {  	v5 =	vmul.f32 v5, v59;
	v63 =	vadd.f32 v8, v9  }
0x429: {  	v6 =	vmul.f32 v6, v59;
	v4 =	vadd.f32 v4, v60  }
0x42a: {  	v5 =	vadd.f32 v5, v61;
	v7 =	vmul.f32 v63, v3  }
0x42b: {  	v6 =	vadd.f32 v6, v62;
	v4 =	vmul.f32 v4, v3  }
0x42c: {  	v5 =	vmul.f32 v5, v3;
	[tilespmem:s0+$0x1D500] =	vst v7  }
0x42d: {  	v3 =	vmul.f32 v6, v3;
	[tilespmem:s0+$0x1D520] =	vst v4  }
0x42e: {  	[tilespmem:s0+$0x1D510] =	vst v5  }
0x42f: {  	[tilespmem:s0+$0x1D530] =	vst v3  }
0x430: {  	[spmem:s11] =	stream.linear.scatter [tilespmem:s16], [sflag:$0x7], $0x2000, $0x38;
	[tilespmem:$0x1F980] =	vst v63  }
0x431: {  	_ =	swait.ge [sflag:s26], $0x2000  }
0x432: {  	[sflag:s26] =	ssyncset.done $0x0  }
0x433: {  	s4 =	simm.s32 $0x19500;
	[sflag:s26] =	ssyncadd.s32 $0xFFFFE000  }
0x434: {  	s5 =	simm.s32 $0x1;
	[tilespmem:s4+$0x0] =	vst v1  }
.LBB2_24:
0x435: {  	p0 =	sne.s32 s5, $0x1FF  }
.Ltmp17:
0x436: {  	_ = 	snop;
	(pc) =	sbr.rel @p0 .LBB2_24-.Ltmp17, $3  }
0x437: {  	_ =	sdelay $0x1  }
0x438: {  	s5 =	sadd.s32 $0x1, s5;
	s4 =	sadd.s32 $0x10, s4  }
0x439: {  	[tilespmem:s4+$0x0] =	vst v1  }
0x43a: {  	s8 =	sadd.s32 $0x1, s8  }
0x43b: {  	p0 =	sne.s32 s8, $0x5  }
.Ltmp18:
0x43c: {  	_ = 	snop;
	(pc) =	sbr.rel @p0 .LBB2_21-.Ltmp18, $4  }
0x43d: {  	[spmem:s7] =	stream.linear.scatter [tilespmem:s25], [sflag:$0x7], $0x2000, $0x38;
	[tilespmem:$0x1F980] =	vst v63  }
0x43e: {  	_ =	swait.ge [sflag:s26], $0x2000  }
0x43f: {  	[sflag:s26] =	ssyncset.done $0x0  }
0x440: {  	s28 =	sadd.s32 $0x80, s28;
	[sflag:s26] =	ssyncadd.s32 $0xFFFFE000  }
0x441: {  	s0 =	rddreg [dreg:$0x1d]  }
0x442: {  	p0 =	sne.s32 s0, $0xA  }
.Ltmp19:
0x443: {  	_ = 	snop;
	(pc) =	sbr.rel @p0 .LBB2_33-.Ltmp19, $1  }
0x444: {  	_ =	sdelay $0x3  }
.LBB2_27:
0x445: {  	s7 =	simm.s32 $0x0;
	s8 =	simm.s32 $0x0;
	s11 =	simm.s32 $0x0  }
.LBB2_28:
0x446: {  	s0 =	sshll.u32 s11, $0x7;
	s2 =	rddreg [dreg:$0xb]  }
0x447: {  	s2 =	sadd.s32 s2, s0  }
0x448: {  	s2 =	sshll.u32 s2, $0x6  }
0x449: {  	s24 =	sadd.s32 s2, s1  }
0x44a: {  	[tilespmem:s19], [sflag:$0x7] =	stream.linear.gather [spmem:s24], $0x2000, $0x38;
	[tilespmem:$0x1F980] =	vst v63  }
0x44b: {  	_ =	swait.ge [sflag:s26], $0x2000  }
0x44c: {  	[sflag:s26] =	ssyncset.done $0x0  }
0x44d: {  	s2 =	sadd.s32 s2, s3;
	[sflag:s26] =	ssyncadd.s32 $0xFFFFE000  }
0x44e: {  	[tilespmem:s16], [sflag:$0x7] =	stream.linear.gather [spmem:s2], $0x2000, $0x38;
	[tilespmem:$0x1F980] =	vst v63  }
0x44f: {  	_ =	swait.ge [sflag:s26], $0x2000  }
0x450: {  	s9 =	rddreg [dreg:$0xe];
	[sflag:s26] =	ssyncset.done $0x0  }
0x451: {  	s0 =	sadd.s32 s0, s9;
	[sflag:s26] =	ssyncadd.s32 $0xFFFFE000  }
0x452: {  	s28 =	sshll.u32 s0, $0x3;
	s12 =	rddreg [dreg:$0x7]  }
0x453: {  	s0 =	sadd.s32 s28, s12  }
0x454: {  	[tilespmem:s25], [sflag:$0x7] =	stream.linear.gather [hbm4b:s0+s7], $0x2000, $0x38;
	[tilespmem:$0x1F980] =	vst v63  }
0x455: {  	_ =	swait.ge [sflag:s26], $0x2000  }
0x456: {  	[sflag:s26] =	ssyncset.done $0x0  }
0x457: {  	s5 =	simm.s32 $0x0;
	[sflag:s26] =	ssyncadd.s32 $0xFFFFE000  }
0x458: {  	v3 =	vld [tilespmem:s5+$0x1B510]  }
0x459: {  	v4 =	vmov s8;
	v7 =	vld [tilespmem:s5+$0x1B520]  }
0x45a: {  	v5 =	vld [tilespmem:s5+$0x1B500]  }
0x45b: {  	v8 =	vld [tilespmem:s5+$0x1D500]  }
0x45c: {  	v12 =	vld [tilespmem:s5+$0x1B530]  }
0x45d: {  	v9 =	vld [tilespmem:s5+$0x1D510]  }
0x45e: {  	v13 =	vld.idx.msk [tilespmem:v4+s15+$0x0], $0xffff  }
0x45f: {  	v14 =	vld [tilespmem:s5+$0x1D520]  }
0x460: {  	v15 =	vld [tilespmem:s5+$0x1D530];
	_ =	sdelay $0x1  }
0x461: {  	v6 =	vld [tilespmem:s5+$0x19500]  }
0x462: {  	v4 =	vld [tilespmem:s5+$0x19510]  }
0x463: {  	s4 =	sadd.s32 $0x1, s8;
	v10 =	vadd.f32 v9, v3;
	v11 =	vadd.f32 v8, v5;
	v5 =	vmul.f32 $8.947368260e-01, v13;
	v8 =	vld [tilespmem:s5+$0x19530]  }
0x464: {  	s9 =	simm.s32 $0x100;
	s12 =	simm.s32 $0x200;
	v9 =	vadd.f32 v14, v7;
	v3 =	vmov s4;
	v7 =	vld [tilespmem:s5+$0x19520];
	v12 =	vadd.f32 v15, v12  }
.LBB2_29:
0x465: {  	p0 =	sne.s32 s12, $0x7F00;
	v11 =	vmul.f32 v11, v5;
	v10 =	vmul.f32 v10, v5;
	s0 =	smov.u32 s12;
	s12 =	sadd.s32 $0x100, s12  }
0x466: {  	s2 =	sshra.s32 s9, $0x2;
	v12 =	vmul.f32 v12, v5;
	s9 =	smov.u32 s0  }
0x467: {  	v5 =	vmul.f32 v9, v5;
	v13 =	vld [tilespmem:s2+$0x1B510];
	v6 =	vadd.f32 v11, v6;
	v4 =	vadd.f32 v10, v4  }
0x468: {  	v9 =	vld [tilespmem:s2+$0x1B520];
	v8 =	vadd.f32 v12, v8  }
0x469: {  	v11 =	vld [tilespmem:s2+$0x1B500];
	[tilespmem:s5+$0x1D500] =	vst v6;
	v5 =	vadd.f32 v5, v7  }
0x46a: {  	v7 =	vld [tilespmem:s2+$0x1D500];
	[tilespmem:s5+$0x1D530] =	vst v8  }
0x46b: {  	v12 =	vld [tilespmem:s2+$0x1B530];
	[tilespmem:s5+$0x1D510] =	vst v4  }
0x46c: {  	v4 =	vld [tilespmem:s2+$0x1D510];
	[tilespmem:s5+$0x1D520] =	vst v5;
	s5 =	smov.u32 s2  }
0x46d: {  	v3 =	vld.idx.msk [tilespmem:v3+s15+$0x0], $0xffff  }
0x46e: {  	v8 =	vld [tilespmem:s5+$0x1D520]  }
0x46f: {  	v14 =	vld [tilespmem:s5+$0x1D530]  }
.Ltmp20:
0x470: {  	(pc) =	sbr.rel @p0 .LBB2_29-.Ltmp20, $4  }
0x471: {  	v6 =	vld [tilespmem:s5+$0x19500];
	v10 =	vadd.f32 v4, v13  }
0x472: {  	v11 =	vadd.f32 v7, v11;
	v4 =	vld [tilespmem:s5+$0x19510]  }
0x473: {  	s4 =	sadd.s32 $0x1, s4;
	v5 =	vmul.f32 $8.947368260e-01, v3;
	v9 =	vadd.f32 v8, v9;
	v8 =	vld [tilespmem:s5+$0x19530]  }
0x474: {  	v3 =	vmov s4;
	v7 =	vld [tilespmem:s5+$0x19520];
	v12 =	vadd.f32 v14, v12  }
0x475: {  	v11 =	vmul.f32 v11, v5  }
0x476: {  	s0 =	sshra.s32 s9, $0x2;
	v12 =	vmul.f32 v12, v5  }
0x477: {  	v10 =	vmul.f32 v10, v5;
	v13 =	vld [tilespmem:s0+$0x1B510];
	v6 =	vadd.f32 v11, v6  }
0x478: {  	v58 =	vmul.f32 v9, v5;
	v57 =	vld [tilespmem:s0+$0x1B520];
	v8 =	vadd.f32 v12, v8  }
0x479: {  	v14 =	vld [tilespmem:s0+$0x1B500];
	v4 =	vadd.f32 v10, v4;
	[tilespmem:s5+$0x1D500] =	vst v6  }
0x47a: {  	v5 =	vadd.f32 v58, v7;
	v6 =	vld [tilespmem:s0+$0x1D500];
	[tilespmem:s5+$0x1D530] =	vst v8  }
0x47b: {  	v8 =	vld [tilespmem:s0+$0x1B530];
	[tilespmem:s5+$0x1D510] =	vst v4  }
0x47c: {  	v4 =	vld [tilespmem:s0+$0x1D510];
	[tilespmem:s5+$0x1D520] =	vst v5  }
0x47d: {  	v3 =	vld.idx.msk [tilespmem:v3+s15+$0x0], $0xffff  }
0x47e: {  	v5 =	vld [tilespmem:s0+$0x1D530];
	_ =	sdelay $0x1  }
0x47f: {  	v59 =	vld [tilespmem:s0+$0x1D520]  }
0x480: {  	v60 =	vld [tilespmem:s0+$0x19500]  }
0x481: {  	v61 =	vld [tilespmem:s0+$0x19530];
	v6 =	vadd.f32 v6, v14;
	v3 =	vmul.f32 $8.947368260e-01, v3  }
0x482: {  	v62 =	vld [tilespmem:s0+$0x19510];
	v5 =	vadd.f32 v5, v8  }
0x483: {  	v63 =	vld [tilespmem:s0+$0x19520];
	v4 =	vadd.f32 v4, v13;
	v6 =	vmul.f32 v6, v3  }
0x484: {  	v7 =	vadd.f32 v59, v57;
	v5 =	vmul.f32 v5, v3  }
0x485: {  	v4 =	vmul.f32 v4, v3;
	v6 =	vadd.f32 v6, v60  }
0x486: {  	v3 =	vmul.f32 v7, v3;
	v5 =	vadd.f32 v5, v61  }
0x487: {  	v4 =	vadd.f32 v4, v62;
	[tilespmem:s0+$0x1D500] =	vst v6  }
0x488: {  	v3 =	vadd.f32 v3, v63;
	[tilespmem:s0+$0x1D530] =	vst v5  }
0x489: {  	s12 =	rddreg [dreg:$0x8];
	[tilespmem:s0+$0x1D510] =	vst v4  }
0x48a: {  	s2 =	simm.s32 $0x0;
	[tilespmem:s0+$0x1D520] =	vst v3;
	s0 =	sadd.s32 s28, s12  }
0x48b: {  	[hbm4b:s0+s2] =	stream.linear.scatter [tilespmem:s16], [sflag:$0x7], $0x2000, $0x38;
	[tilespmem:$0x1F980] =	vst v63  }
0x48c: {  	_ =	swait.ge [sflag:s26], $0x2000  }
0x48d: {  	[sflag:s26] =	ssyncset.done $0x0  }
0x48e: {  	s4 =	simm.s32 $0x19500;
	[sflag:s26] =	ssyncadd.s32 $0xFFFFE000  }
0x48f: {  	s5 =	simm.s32 $0x1;
	[tilespmem:s4+$0x0] =	vst v1  }
.LBB2_31:
0x490: {  	p0 =	sne.s32 s5, $0x1FF  }
.Ltmp21:
0x491: {  	_ = 	snop;
	(pc) =	sbr.rel @p0 .LBB2_31-.Ltmp21, $3  }
0x492: {  	_ =	sdelay $0x1  }
0x493: {  	s5 =	sadd.s32 $0x1, s5;
	s4 =	sadd.s32 $0x10, s4  }
0x494: {  	[tilespmem:s4+$0x0] =	vst v1  }
0x495: {  	[spmem:s24] =	stream.linear.scatter [tilespmem:s25], [sflag:$0x7], $0x2000, $0x38;
	[tilespmem:$0x1F980] =	vst v63  }
0x496: {  	s11 =	sadd.s32 $0x1, s11  }
0x497: {  	p0 =	sne.s32 s11, $0x5  }
.Ltmp22:
0x498: {  	_ = 	snop;
	(pc) =	sbr.rel @p0 .LBB2_28-.Ltmp22, $4  }
.Ltmp23:
0x499: {  	_ = 	snop;
	(pc) =	sbr.rel @!p0 .LBB2_33-.Ltmp23, $4  }
0x49a: {  	_ =	swait.ge [sflag:s26], $0x2000  }
0x49b: {  	[sflag:s26] =	ssyncset.done $0x0  }
0x49c: {  	s8 =	sadd.s32 $0x80, s8;
	[sflag:s26] =	ssyncadd.s32 $0xFFFFE000  }
0x49d: {  	_ = 	snop  }
.LBB2_35:
0x49e: {  	_ =	sfence.sel $0x180000  }
0x49f: {  	[bflag:$0x0] =	sbarrier.arrive $0xFFFF  }
0x4a0: {  	_ =	strace $0x90000047  }
0x4a1: {  	s0 =	stileid.u32;
	[bflag:$0x2] =	sbarrier.arrive $0xFFFF  }
0x4a2: {  	p0 =	sne.s32 s0, $0x0;
	s0 =	rddreg [dreg:$0x9]  }
0x4a3: {  	s0 =	sadd.s32 @!p0 $0x100000, s0  }
0x4a4: {  	[sflag:s0] =	ssyncadd.tile.s32 @!p0 $0x1;
	_ =	shalt  }
.Lfunc_end2:
_tile_overlayer_lowered:
.L_overlay_start_2:
0x4a5: {  	(tag) =	ssettag $0x2  }
0x4a6: {  	s0 =	rddreg [dreg:$0x0];
	s2 =	stileid.u32  }
0x4a7: {  	s1 =	rddreg [dreg:$0x1];
	p0 =	sne.s32 s2, $0x0  }
0x4a8: {  	s3 =	rddreg [dreg:$0x2];
	[bflag:$0x3] =	sbarrier.arrive $0xFFFF;
	s2 =	simm.s32 @!p0 $0x1C07  }
0x4a9: {  	[timem:s3], [sflag:s2] =	dma.local @!p0 [hbm:s0], s1  }
0x4aa: {  	s0 =	simm.s32 @!p0 $0x7  }
0x4ab: {  	_ =	swait.ge @!p0 [sflag:s0], s1  }
0x4ac: {  	s1 =	ssub.s32 @!p0 $0x0, s1;
	[sflag:s0] =	ssyncset.done @!p0 $0x0  }
0x4ad: {  	[sflag:s0] =	ssyncadd.s32 @!p0 s1  }
0x4ae: {  	[bflag:$0x3] =	sbarrier.arrive $0xFFFF  }
0x4af: {  	_ =	shalt  }

</sc_bundles>
